<compile_context>
chip_gen: v7x
topology: tpu7x:2x2x1
jax: 0.10.2.dev20260603
libtpu: 0.0.44.dev20260713+nightly
codegen_flags: <defaults>
</compile_context>

<pallas_src>
import functools

import jax
import jax.numpy as jnp
from jax import lax
from jax.experimental import pallas as pl
from jax.experimental.pallas import tpu as pltpu
from jax.experimental.pallas import tpu_sc as plsc

INVALID_TOK = -1
LANES = 16
NUM_WORKERS = 32
BIG_I32 = 2**31 - 1

SC_V = 43520
SC_PER_W = SC_V // NUM_WORKERS
SC_CHUNK = 80
SC_N_CHUNK = SC_PER_W // SC_CHUNK
TC_BLOCK = 2824



def _sc_body(tc_v, n_rows, lt_hbm, out_val_hbm, out_idx_hbm,
             buf, acc_val, acc_idx, sem0, sem1):
    w = lax.axis_index("s") * 2 + lax.axis_index("c")
    vbase = tc_v + w * SC_PER_W
    lane = lax.iota(jnp.int32, LANES)
    del lane

    for j in range(n_rows // LANES):
        acc_val[pl.ds(j * LANES, LANES)] = jnp.full((LANES,), -jnp.inf,
                                                    jnp.float32)
        acc_idx[pl.ds(j * LANES, LANES)] = jnp.zeros((LANES,), jnp.int32)

    def start_copy(c, par):
        return pltpu.async_copy(
            lt_hbm.at[pl.ds(vbase + c * SC_CHUNK, SC_CHUNK), pl.ds(0, n_rows)],
            buf.at[par], sem0 if par == 0 else sem1)

    cp = start_copy(0, 0)
    for c in range(SC_N_CHUNK):
        nxt = None
        if c + 1 < SC_N_CHUNK:
            nxt = start_copy(c + 1, (c + 1) % 2)
        cp.wait()
        par = c % 2
        cbase = vbase + c * SC_CHUNK

        def jbody(j2, _, par=par, cbase=cbase):
            o = j2 * (2 * LANES)
            av0 = acc_val[pl.ds(o, LANES)]
            ai0 = acc_idx[pl.ds(o, LANES)]
            av1 = acc_val[pl.ds(o + LANES, LANES)]
            ai1 = acc_idx[pl.ds(o + LANES, LANES)]

            @plsc.parallel_loop(0, SC_CHUNK, unroll=2,
                                carry=(av0, ai0, av1, ai1))
            def carry(v, cr, par=par, o=o, cbase=cbase):
                av0, ai0, av1, ai1 = cr
                bi = jnp.full((LANES,), cbase + v, jnp.int32)
                x0 = buf[par, v, pl.ds(o, LANES)]
                x1 = buf[par, v, pl.ds(o + LANES, LANES)]
                g0 = x0 > av0
                g1 = x1 > av1
                return (jnp.where(g0, x0, av0), jnp.where(g0, bi, ai0),
                        jnp.where(g1, x1, av1), jnp.where(g1, bi, ai1))

            av0, ai0, av1, ai1 = carry
            acc_val[pl.ds(o, LANES)] = av0
            acc_idx[pl.ds(o, LANES)] = ai0
            acc_val[pl.ds(o + LANES, LANES)] = av1
            acc_idx[pl.ds(o + LANES, LANES)] = ai1
            return _

        lax.fori_loop(0, n_rows // (2 * LANES), jbody, jnp.int32(0))
        cp = nxt

    pltpu.sync_copy(acc_val, out_val_hbm.at[pl.ds(w * n_rows, n_rows)])
    pltpu.sync_copy(acc_idx, out_idx_hbm.at[pl.ds(w * n_rows, n_rows)])



def _tc_partial_body(n_blocks, x_ref, val_ref, idx_ref, acc_val, acc_idx):
    v = pl.program_id(0)
    x = x_ref[...]
    iota0 = lax.broadcasted_iota(jnp.int32, x.shape, 0)
    mx = jnp.max(x, axis=0)
    eq = x == mx[None, :]
    li = jnp.min(jnp.where(eq, iota0, BIG_I32), axis=0) + v * TC_BLOCK

    @pl.when(v == 0)
    def _():
        acc_val[0, :] = mx
        acc_idx[0, :] = li

    @pl.when(v > 0)
    def _():
        av = acc_val[0, :]
        gt = mx > av
        acc_val[0, :] = jnp.where(gt, mx, av)
        acc_idx[0, :] = jnp.where(gt, li, acc_idx[0, :])

    @pl.when(v == n_blocks - 1)
    def _():
        val_ref[...] = acc_val[0, :]
        idx_ref[...] = acc_idx[0, :]


def _combine_body(n_rows, spec_len, tcv_ref, tci_ref, scv_ref, sci_ref,
                  spec_ref, out_ref):
    bv = tcv_ref[...]
    bi = tci_ref[...]
    for s in range(NUM_WORKERS):
        v = scv_ref[pl.ds(s * n_rows, n_rows)]
        i = sci_ref[pl.ds(s * n_rows, n_rows)]
        gt = v > bv
        bv = jnp.where(gt, v, bv)
        bi = jnp.where(gt, i, bi)

    pos = lax.broadcasted_iota(jnp.int32, (n_rows,), 0)
    j = pos & (spec_len)
    mm = ((bi != spec_ref[...]) & (j != spec_len)).astype(jnp.int32)
    s = mm
    s = s | (jnp.roll(s, 1) * (j >= 1).astype(jnp.int32))
    s = s | (jnp.roll(s, 2) * (j >= 2).astype(jnp.int32))
    s = s | (jnp.roll(s, 4) * (j >= 4).astype(jnp.int32))
    e = jnp.roll(s, 1) * (j >= 1).astype(jnp.int32)
    out_ref[...] = jnp.where(e > 0, INVALID_TOK, bi)



def kernel(logits, spec_token_ids):
    batch, spec_len = spec_token_ids.shape
    sample_len = spec_len + 1
    n_rows, vocab = logits.shape
    tc_v = vocab - SC_V
    n_blocks = tc_v // TC_BLOCK
    assert n_blocks * TC_BLOCK == tc_v

    lt = logits.T

    spec_pad = jnp.concatenate(
        [spec_token_ids.astype(jnp.int32),
         jnp.full((batch, 1), -2, jnp.int32)], axis=1).reshape(-1)

    mesh = plsc.VectorSubcoreMesh(core_axis_name="c", subcore_axis_name="s")
    sc_run = pl.kernel(
        functools.partial(_sc_body, tc_v, n_rows),
        mesh=mesh,
        compiler_params=pltpu.CompilerParams(needs_layout_passes=False,
                                             skip_device_barrier=True),
        out_type=(jax.ShapeDtypeStruct((NUM_WORKERS * n_rows,), jnp.float32),
                  jax.ShapeDtypeStruct((NUM_WORKERS * n_rows,), jnp.int32)),
        scratch_types=[
            pltpu.VMEM((2, SC_CHUNK, n_rows), jnp.float32),
            pltpu.VMEM((n_rows,), jnp.float32),
            pltpu.VMEM((n_rows,), jnp.int32),
            pltpu.SemaphoreType.DMA,
            pltpu.SemaphoreType.DMA,
        ],
    )
    sc_val, sc_idx = sc_run(lt)

    tc_val, tc_idx = pl.pallas_call(
        functools.partial(_tc_partial_body, n_blocks),
        grid=(n_blocks,),
        in_specs=[pl.BlockSpec((TC_BLOCK, n_rows), lambda v: (v, 0))],
        out_specs=[pl.BlockSpec((n_rows,), lambda v: (0,)),
                   pl.BlockSpec((n_rows,), lambda v: (0,))],
        out_shape=[jax.ShapeDtypeStruct((n_rows,), jnp.float32),
                   jax.ShapeDtypeStruct((n_rows,), jnp.int32)],
        scratch_shapes=[pltpu.VMEM((1, n_rows), jnp.float32),
                        pltpu.VMEM((1, n_rows), jnp.int32)],
        compiler_params=pltpu.CompilerParams(
            dimension_semantics=("arbitrary",)),
    )(lt)

    out = pl.pallas_call(
        functools.partial(_combine_body, n_rows, spec_len),
        out_shape=jax.ShapeDtypeStruct((n_rows,), jnp.int32),
    )(tc_val, tc_idx, sc_val, sc_idx, spec_pad)
    return out.reshape(batch, sample_len)

# --- scband reference (transcript-rebuilt; emitter-appended) ---
"""Pipeline reference for scband-rejection-sampler-21818433864040 (READ-ONLY COPY).

The authoritative reference and input builder live on the scoring server;
editing this copy changes nothing except your own understanding.
"""

import jax, jax.numpy as jnp
import numpy as np

INVALID_TOKEN_ID = -1


def setup_inputs(seed: int = 0) -> dict:
    key = jax.random.key(seed)
    k1, k2 = jax.random.split(key)
    batch, spec_len, vocab = 64, 7, 100000
    logits = jax.random.normal(k1, (batch * (spec_len + 1), vocab), dtype=jnp.float32)
    spec_token_ids = jax.random.randint(k2, (batch, spec_len), 0, vocab, dtype=jnp.int32)
    return {"logits": logits, "spec_token_ids": spec_token_ids}


def reference(logits, spec_token_ids):
    # forward_native of RejectionSampler (greedy rejection sampling)
    batch, spec_len = spec_token_ids.shape
    sample_len = spec_len + 1
    # output_token_ids = logits.argmax(-1), split into per-request rows (uniform lens -> reshape)
    output_token_ids = jnp.argmax(logits, axis=-1).astype(jnp.int32).reshape(batch, sample_len)
    # accept_mask = (output[:, :-1] == spec).cumprod(dim=1)
    accept_mask = jnp.cumprod((output_token_ids[:, :-1] == spec_token_ids).astype(jnp.int32), axis=1)
    valid_mask = output_token_ids != INVALID_TOKEN_ID
    generate_mask = jnp.concatenate(
        [accept_mask, jnp.zeros((batch, 1), dtype=jnp.int32)], axis=1
    ).astype(bool) & valid_mask
    zeros_mask = generate_mask == 0
    first_zero_idx = jnp.argmax(zeros_mask.astype(jnp.float32), axis=1)
    rows_with_zero = jnp.any(zeros_mask, axis=1)
    rows = jnp.arange(batch)
    cur = generate_mask[rows, first_zero_idx]
    generate_mask = generate_mask.at[rows, first_zero_idx].set(
        jnp.where(rows_with_zero, True, cur)
    )
    out_tokens = jnp.where(generate_mask, output_token_ids, INVALID_TOKEN_ID)
    return out_tokens

if __name__ == "__main__":
    import jax
    _d = setup_inputs()
    print(jax.jit(kernel)(*tuple(_d.values())))

</pallas_src>

<mosaic_0001>
#map = affine_map<(d0, d1) -> (0, 0)>
#map1 = affine_map<(d0, d1) -> (0)>
module attributes {stable_mosaic.version = 14 : i64} {
  func.func @_sc_body(%arg0: i32, %arg1: i32, %arg2: memref<100000x512xf32, #tpu.memory_space<hbm>>, %arg3: memref<16384xf32, #tpu.memory_space<hbm>>, %arg4: memref<16384xi32, #tpu.memory_space<hbm>>, %arg5: memref<2x80x512xf32, #tpu.memory_space<vmem>>, %arg6: memref<512xf32, #tpu.memory_space<vmem>>, %arg7: memref<512xi32, #tpu.memory_space<vmem>>, %arg8: memref<!tpu.dma_semaphore, #tpu.memory_space<semaphore_mem>>, %arg9: memref<!tpu.dma_semaphore, #tpu.memory_space<semaphore_mem>>) attributes {dimension_semantics = [#tpu.dimension_semantics<core_parallel>, #tpu.dimension_semantics<subcore_parallel>], iteration_bounds = array<i64: 2, 16>, scalar_prefetch = 0 : i64, scratch_operands = 5 : i64, tpu.core_type = #tpu.core_type<sc_vector_subcore>, window_params = [{transform_indices = #map}, {transform_indices = #map1}, {transform_indices = #map1}]} {
    %mul3A = arith.constant 2 : i32
    %mul3A_0 = arith.muli %arg1, %mul3A : i32
    %add3A = arith.addi %mul3A_0, %arg0 : i32
    %mul3A_1 = arith.constant 1360 : i32
    %mul3A_2 = arith.muli %add3A, %mul3A_1 : i32
    %add3A_3 = arith.constant 56480 : i32
    %add3A_4 = arith.addi %add3A_3, %mul3A_2 : i32
    %iota3A = tpu.iota {dimensions = array<i32: 0>} : vector<16xi32>
    %broadcast_in_dim3A = arith.constant 0xFF800000 : f32
    %broadcast_in_dim3A_5 = vector.broadcast %broadcast_in_dim3A : f32 to vector<16xf32>
    %swap3A = arith.constant 0 : index
    %swap3A_6 = tpu.vector_load %arg6[%swap3A] {strides = array<i32>} : memref<512xf32, #tpu.memory_space<vmem>>, vector<16xf32>,
    tpu.vector_store %arg6[%swap3A], %broadcast_in_dim3A_5 {strides = array<i32>} : memref<512xf32, #tpu.memory_space<vmem>>, vector<16xf32>,
    %broadcast_in_dim3A_7 = arith.constant 0 : i32
    %broadcast_in_dim3A_8 = vector.broadcast %broadcast_in_dim3A_7 : i32 to vector<16xi32>
    %swap3A_9 = arith.constant 0 : index
    %swap3A_10 = tpu.vector_load %arg7[%swap3A_9] {strides = array<i32>} : memref<512xi32, #tpu.memory_space<vmem>>, vector<16xi32>,
    tpu.vector_store %arg7[%swap3A_9], %broadcast_in_dim3A_8 {strides = array<i32>} : memref<512xi32, #tpu.memory_space<vmem>>, vector<16xi32>,
    %broadcast_in_dim3A_11 = arith.constant 0xFF800000 : f32
    %broadcast_in_dim3A_12 = vector.broadcast %broadcast_in_dim3A_11 : f32 to vector<16xf32>
    %swap3A_13 = arith.constant 16 : index
    %swap3A_14 = tpu.vector_load %arg6[%swap3A_13] {strides = array<i32>} : memref<512xf32, #tpu.memory_space<vmem>>, vector<16xf32>,
    tpu.vector_store %arg6[%swap3A_13], %broadcast_in_dim3A_12 {strides = array<i32>} : memref<512xf32, #tpu.memory_space<vmem>>, vector<16xf32>,
    %broadcast_in_dim3A_15 = arith.constant 0 : i32
    %broadcast_in_dim3A_16 = vector.broadcast %broadcast_in_dim3A_15 : i32 to vector<16xi32>
    %swap3A_17 = arith.constant 16 : index
    %swap3A_18 = tpu.vector_load %arg7[%swap3A_17] {strides = array<i32>} : memref<512xi32, #tpu.memory_space<vmem>>, vector<16xi32>,
    tpu.vector_store %arg7[%swap3A_17], %broadcast_in_dim3A_16 {strides = array<i32>} : memref<512xi32, #tpu.memory_space<vmem>>, vector<16xi32>,
    %broadcast_in_dim3A_19 = arith.constant 0xFF800000 : f32
    %broadcast_in_dim3A_20 = vector.broadcast %broadcast_in_dim3A_19 : f32 to vector<16xf32>
    %swap3A_21 = arith.constant 32 : index
    %swap3A_22 = tpu.vector_load %arg6[%swap3A_21] {strides = array<i32>} : memref<512xf32, #tpu.memory_space<vmem>>, vector<16xf32>,
    tpu.vector_store %arg6[%swap3A_21], %broadcast_in_dim3A_20 {strides = array<i32>} : memref<512xf32, #tpu.memory_space<vmem>>, vector<16xf32>,
    %broadcast_in_dim3A_23 = arith.constant 0 : i32
    %broadcast_in_dim3A_24 = vector.broadcast %broadcast_in_dim3A_23 : i32 to vector<16xi32>
    %swap3A_25 = arith.constant 32 : index
    %swap3A_26 = tpu.vector_load %arg7[%swap3A_25] {strides = array<i32>} : memref<512xi32, #tpu.memory_space<vmem>>, vector<16xi32>,
    tpu.vector_store %arg7[%swap3A_25], %broadcast_in_dim3A_24 {strides = array<i32>} : memref<512xi32, #tpu.memory_space<vmem>>, vector<16xi32>,
    %broadcast_in_dim3A_27 = arith.constant 0xFF800000 : f32
    %broadcast_in_dim3A_28 = vector.broadcast %broadcast_in_dim3A_27 : f32 to vector<16xf32>
    %swap3A_29 = arith.constant 48 : index
    %swap3A_30 = tpu.vector_load %arg6[%swap3A_29] {strides = array<i32>} : memref<512xf32, #tpu.memory_space<vmem>>, vector<16xf32>,
    tpu.vector_store %arg6[%swap3A_29], %broadcast_in_dim3A_28 {strides = array<i32>} : memref<512xf32, #tpu.memory_space<vmem>>, vector<16xf32>,
    %broadcast_in_dim3A_31 = arith.constant 0 : i32
    %broadcast_in_dim3A_32 = vector.broadcast %broadcast_in_dim3A_31 : i32 to vector<16xi32>
    %swap3A_33 = arith.constant 48 : index
    %swap3A_34 = tpu.vector_load %arg7[%swap3A_33] {strides = array<i32>} : memref<512xi32, #tpu.memory_space<vmem>>, vector<16xi32>,
    tpu.vector_store %arg7[%swap3A_33], %broadcast_in_dim3A_32 {strides = array<i32>} : memref<512xi32, #tpu.memory_space<vmem>>, vector<16xi32>,
    %broadcast_in_dim3A_35 = arith.constant 0xFF800000 : f32
    %broadcast_in_dim3A_36 = vector.broadcast %broadcast_in_dim3A_35 : f32 to vector<16xf32>
    %swap3A_37 = arith.constant 64 : index
    %swap3A_38 = tpu.vector_load %arg6[%swap3A_37] {strides = array<i32>} : memref<512xf32, #tpu.memory_space<vmem>>, vector<16xf32>,
    tpu.vector_store %arg6[%swap3A_37], %broadcast_in_dim3A_36 {strides = array<i32>} : memref<512xf32, #tpu.memory_space<vmem>>, vector<16xf32>,
    %broadcast_in_dim3A_39 = arith.constant 0 : i32
    %broadcast_in_dim3A_40 = vector.broadcast %broadcast_in_dim3A_39 : i32 to vector<16xi32>
    %swap3A_41 = arith.constant 64 : index
    %swap3A_42 = tpu.vector_load %arg7[%swap3A_41] {strides = array<i32>} : memref<512xi32, #tpu.memory_space<vmem>>, vector<16xi32>,
    tpu.vector_store %arg7[%swap3A_41], %broadcast_in_dim3A_40 {strides = array<i32>} : memref<512xi32, #tpu.memory_space<vmem>>, vector<16xi32>,
    %broadcast_in_dim3A_43 = arith.constant 0xFF800000 : f32
    %broadcast_in_dim3A_44 = vector.broadcast %broadcast_in_dim3A_43 : f32 to vector<16xf32>
    %swap3A_45 = arith.constant 80 : index
    %swap3A_46 = tpu.vector_load %arg6[%swap3A_45] {strides = array<i32>} : memref<512xf32, #tpu.memory_space<vmem>>, vector<16xf32>,
    tpu.vector_store %arg6[%swap3A_45], %broadcast_in_dim3A_44 {strides = array<i32>} : memref<512xf32, #tpu.memory_space<vmem>>, vector<16xf32>,
    %broadcast_in_dim3A_47 = arith.constant 0 : i32
    %broadcast_in_dim3A_48 = vector.broadcast %broadcast_in_dim3A_47 : i32 to vector<16xi32>
    %swap3A_49 = arith.constant 80 : index
    %swap3A_50 = tpu.vector_load %arg7[%swap3A_49] {strides = array<i32>} : memref<512xi32, #tpu.memory_space<vmem>>, vector<16xi32>,
    tpu.vector_store %arg7[%swap3A_49], %broadcast_in_dim3A_48 {strides = array<i32>} : memref<512xi32, #tpu.memory_space<vmem>>, vector<16xi32>,
    %broadcast_in_dim3A_51 = arith.constant 0xFF800000 : f32
    %broadcast_in_dim3A_52 = vector.broadcast %broadcast_in_dim3A_51 : f32 to vector<16xf32>
    %swap3A_53 = arith.constant 96 : index
    %swap3A_54 = tpu.vector_load %arg6[%swap3A_53] {strides = array<i32>} : memref<512xf32, #tpu.memory_space<vmem>>, vector<16xf32>,
    tpu.vector_store %arg6[%swap3A_53], %broadcast_in_dim3A_52 {strides = array<i32>} : memref<512xf32, #tpu.memory_space<vmem>>, vector<16xf32>,
    %broadcast_in_dim3A_55 = arith.constant 0 : i32
    %broadcast_in_dim3A_56 = vector.broadcast %broadcast_in_dim3A_55 : i32 to vector<16xi32>
    %swap3A_57 = arith.constant 96 : index
    %swap3A_58 = tpu.vector_load %arg7[%swap3A_57] {strides = array<i32>} : memref<512xi32, #tpu.memory_space<vmem>>, vector<16xi32>,
    tpu.vector_store %arg7[%swap3A_57], %broadcast_in_dim3A_56 {strides = array<i32>} : memref<512xi32, #tpu.memory_space<vmem>>, vector<16xi32>,
    %broadcast_in_dim3A_59 = arith.constant 0xFF800000 : f32
    %broadcast_in_dim3A_60 = vector.broadcast %broadcast_in_dim3A_59 : f32 to vector<16xf32>
    %swap3A_61 = arith.constant 112 : index
    %swap3A_62 = tpu.vector_load %arg6[%swap3A_61] {strides = array<i32>} : memref<512xf32, #tpu.memory_space<vmem>>, vector<16xf32>,
    tpu.vector_store %arg6[%swap3A_61], %broadcast_in_dim3A_60 {strides = array<i32>} : memref<512xf32, #tpu.memory_space<vmem>>, vector<16xf32>,
    %broadcast_in_dim3A_63 = arith.constant 0 : i32
    %broadcast_in_dim3A_64 = vector.broadcast %broadcast_in_dim3A_63 : i32 to vector<16xi32>
    %swap3A_65 = arith.constant 112 : index
    %swap3A_66 = tpu.vector_load %arg7[%swap3A_65] {strides = array<i32>} : memref<512xi32, #tpu.memory_space<vmem>>, vector<16xi32>,
    tpu.vector_store %arg7[%swap3A_65], %broadcast_in_dim3A_64 {strides = array<i32>} : memref<512xi32, #tpu.memory_space<vmem>>, vector<16xi32>,
    %broadcast_in_dim3A_67 = arith.constant 0xFF800000 : f32
    %broadcast_in_dim3A_68 = vector.broadcast %broadcast_in_dim3A_67 : f32 to vector<16xf32>
    %swap3A_69 = arith.constant 128 : index
    %swap3A_70 = tpu.vector_load %arg6[%swap3A_69] {strides = array<i32>} : memref<512xf32, #tpu.memory_space<vmem>>, vector<16xf32>,
    tpu.vector_store %arg6[%swap3A_69], %broadcast_in_dim3A_68 {strides = array<i32>} : memref<512xf32, #tpu.memory_space<vmem>>, vector<16xf32>,
    %broadcast_in_dim3A_71 = arith.constant 0 : i32
    %broadcast_in_dim3A_72 = vector.broadcast %broadcast_in_dim3A_71 : i32 to vector<16xi32>
    %swap3A_73 = arith.constant 128 : index
    %swap3A_74 = tpu.vector_load %arg7[%swap3A_73] {strides = array<i32>} : memref<512xi32, #tpu.memory_space<vmem>>, vector<16xi32>,
    tpu.vector_store %arg7[%swap3A_73], %broadcast_in_dim3A_72 {strides = array<i32>} : memref<512xi32, #tpu.memory_space<vmem>>, vector<16xi32>,
    %broadcast_in_dim3A_75 = arith.constant 0xFF800000 : f32
    %broadcast_in_dim3A_76 = vector.broadcast %broadcast_in_dim3A_75 : f32 to vector<16xf32>
    %swap3A_77 = arith.constant 144 : index
    %swap3A_78 = tpu.vector_load %arg6[%swap3A_77] {strides = array<i32>} : memref<512xf32, #tpu.memory_space<vmem>>, vector<16xf32>,
    tpu.vector_store %arg6[%swap3A_77], %broadcast_in_dim3A_76 {strides = array<i32>} : memref<512xf32, #tpu.memory_space<vmem>>, vector<16xf32>,
    %broadcast_in_dim3A_79 = arith.constant 0 : i32
    %broadcast_in_dim3A_80 = vector.broadcast %broadcast_in_dim3A_79 : i32 to vector<16xi32>
    %swap3A_81 = arith.constant 144 : index
    %swap3A_82 = tpu.vector_load %arg7[%swap3A_81] {strides = array<i32>} : memref<512xi32, #tpu.memory_space<vmem>>, vector<16xi32>,
    tpu.vector_store %arg7[%swap3A_81], %broadcast_in_dim3A_80 {strides = array<i32>} : memref<512xi32, #tpu.memory_space<vmem>>, vector<16xi32>,
    %broadcast_in_dim3A_83 = arith.constant 0xFF800000 : f32
    %broadcast_in_dim3A_84 = vector.broadcast %broadcast_in_dim3A_83 : f32 to vector<16xf32>
    %swap3A_85 = arith.constant 160 : index
    %swap3A_86 = tpu.vector_load %arg6[%swap3A_85] {strides = array<i32>} : memref<512xf32, #tpu.memory_space<vmem>>, vector<16xf32>,
    tpu.vector_store %arg6[%swap3A_85], %broadcast_in_dim3A_84 {strides = array<i32>} : memref<512xf32, #tpu.memory_space<vmem>>, vector<16xf32>,
    %broadcast_in_dim3A_87 = arith.constant 0 : i32
    %broadcast_in_dim3A_88 = vector.broadcast %broadcast_in_dim3A_87 : i32 to vector<16xi32>
    %swap3A_89 = arith.constant 160 : index
    %swap3A_90 = tpu.vector_load %arg7[%swap3A_89] {strides = array<i32>} : memref<512xi32, #tpu.memory_space<vmem>>, vector<16xi32>,
    tpu.vector_store %arg7[%swap3A_89], %broadcast_in_dim3A_88 {strides = array<i32>} : memref<512xi32, #tpu.memory_space<vmem>>, vector<16xi32>,
    %broadcast_in_dim3A_91 = arith.constant 0xFF800000 : f32
    %broadcast_in_dim3A_92 = vector.broadcast %broadcast_in_dim3A_91 : f32 to vector<16xf32>
    %swap3A_93 = arith.constant 176 : index
    %swap3A_94 = tpu.vector_load %arg6[%swap3A_93] {strides = array<i32>} : memref<512xf32, #tpu.memory_space<vmem>>, vector<16xf32>,
    tpu.vector_store %arg6[%swap3A_93], %broadcast_in_dim3A_92 {strides = array<i32>} : memref<512xf32, #tpu.memory_space<vmem>>, vector<16xf32>,
    %broadcast_in_dim3A_95 = arith.constant 0 : i32
    %broadcast_in_dim3A_96 = vector.broadcast %broadcast_in_dim3A_95 : i32 to vector<16xi32>
    %swap3A_97 = arith.constant 176 : index
    %swap3A_98 = tpu.vector_load %arg7[%swap3A_97] {strides = array<i32>} : memref<512xi32, #tpu.memory_space<vmem>>, vector<16xi32>,
    tpu.vector_store %arg7[%swap3A_97], %broadcast_in_dim3A_96 {strides = array<i32>} : memref<512xi32, #tpu.memory_space<vmem>>, vector<16xi32>,
    %broadcast_in_dim3A_99 = arith.constant 0xFF800000 : f32
    %broadcast_in_dim3A_100 = vector.broadcast %broadcast_in_dim3A_99 : f32 to vector<16xf32>
    %swap3A_101 = arith.constant 192 : index
    %swap3A_102 = tpu.vector_load %arg6[%swap3A_101] {strides = array<i32>} : memref<512xf32, #tpu.memory_space<vmem>>, vector<16xf32>,
    tpu.vector_store %arg6[%swap3A_101], %broadcast_in_dim3A_100 {strides = array<i32>} : memref<512xf32, #tpu.memory_space<vmem>>, vector<16xf32>,
    %broadcast_in_dim3A_103 = arith.constant 0 : i32
    %broadcast_in_dim3A_104 = vector.broadcast %broadcast_in_dim3A_103 : i32 to vector<16xi32>
    %swap3A_105 = arith.constant 192 : index
    %swap3A_106 = tpu.vector_load %arg7[%swap3A_105] {strides = array<i32>} : memref<512xi32, #tpu.memory_space<vmem>>, vector<16xi32>,
    tpu.vector_store %arg7[%swap3A_105], %broadcast_in_dim3A_104 {strides = array<i32>} : memref<512xi32, #tpu.memory_space<vmem>>, vector<16xi32>,
    %broadcast_in_dim3A_107 = arith.constant 0xFF800000 : f32
    %broadcast_in_dim3A_108 = vector.broadcast %broadcast_in_dim3A_107 : f32 to vector<16xf32>
    %swap3A_109 = arith.constant 208 : index
    %swap3A_110 = tpu.vector_load %arg6[%swap3A_109] {strides = array<i32>} : memref<512xf32, #tpu.memory_space<vmem>>, vector<16xf32>,
    tpu.vector_store %arg6[%swap3A_109], %broadcast_in_dim3A_108 {strides = array<i32>} : memref<512xf32, #tpu.memory_space<vmem>>, vector<16xf32>,
    %broadcast_in_dim3A_111 = arith.constant 0 : i32
    %broadcast_in_dim3A_112 = vector.broadcast %broadcast_in_dim3A_111 : i32 to vector<16xi32>
    %swap3A_113 = arith.constant 208 : index
    %swap3A_114 = tpu.vector_load %arg7[%swap3A_113] {strides = array<i32>} : memref<512xi32, #tpu.memory_space<vmem>>, vector<16xi32>,
    tpu.vector_store %arg7[%swap3A_113], %broadcast_in_dim3A_112 {strides = array<i32>} : memref<512xi32, #tpu.memory_space<vmem>>, vector<16xi32>,
    %broadcast_in_dim3A_115 = arith.constant 0xFF800000 : f32
    %broadcast_in_dim3A_116 = vector.broadcast %broadcast_in_dim3A_115 : f32 to vector<16xf32>
    %swap3A_117 = arith.constant 224 : index
    %swap3A_118 = tpu.vector_load %arg6[%swap3A_117] {strides = array<i32>} : memref<512xf32, #tpu.memory_space<vmem>>, vector<16xf32>,
    tpu.vector_store %arg6[%swap3A_117], %broadcast_in_dim3A_116 {strides = array<i32>} : memref<512xf32, #tpu.memory_space<vmem>>, vector<16xf32>,
    %broadcast_in_dim3A_119 = arith.constant 0 : i32
    %broadcast_in_dim3A_120 = vector.broadcast %broadcast_in_dim3A_119 : i32 to vector<16xi32>
    %swap3A_121 = arith.constant 224 : index
    %swap3A_122 = tpu.vector_load %arg7[%swap3A_121] {strides = array<i32>} : memref<512xi32, #tpu.memory_space<vmem>>, vector<16xi32>,
    tpu.vector_store %arg7[%swap3A_121], %broadcast_in_dim3A_120 {strides = array<i32>} : memref<512xi32, #tpu.memory_space<vmem>>, vector<16xi32>,
    %broadcast_in_dim3A_123 = arith.constant 0xFF800000 : f32
    %broadcast_in_dim3A_124 = vector.broadcast %broadcast_in_dim3A_123 : f32 to vector<16xf32>
    %swap3A_125 = arith.constant 240 : index
    %swap3A_126 = tpu.vector_load %arg6[%swap3A_125] {strides = array<i32>} : memref<512xf32, #tpu.memory_space<vmem>>, vector<16xf32>,
    tpu.vector_store %arg6[%swap3A_125], %broadcast_in_dim3A_124 {strides = array<i32>} : memref<512xf32, #tpu.memory_space<vmem>>, vector<16xf32>,
    %broadcast_in_dim3A_127 = arith.constant 0 : i32
    %broadcast_in_dim3A_128 = vector.broadcast %broadcast_in_dim3A_127 : i32 to vector<16xi32>
    %swap3A_129 = arith.constant 240 : index
    %swap3A_130 = tpu.vector_load %arg7[%swap3A_129] {strides = array<i32>} : memref<512xi32, #tpu.memory_space<vmem>>, vector<16xi32>,
    tpu.vector_store %arg7[%swap3A_129], %broadcast_in_dim3A_128 {strides = array<i32>} : memref<512xi32, #tpu.memory_space<vmem>>, vector<16xi32>,
    %broadcast_in_dim3A_131 = arith.constant 0xFF800000 : f32
    %broadcast_in_dim3A_132 = vector.broadcast %broadcast_in_dim3A_131 : f32 to vector<16xf32>
    %swap3A_133 = arith.constant 256 : index
    %swap3A_134 = tpu.vector_load %arg6[%swap3A_133] {strides = array<i32>} : memref<512xf32, #tpu.memory_space<vmem>>, vector<16xf32>,
    tpu.vector_store %arg6[%swap3A_133], %broadcast_in_dim3A_132 {strides = array<i32>} : memref<512xf32, #tpu.memory_space<vmem>>, vector<16xf32>,
    %broadcast_in_dim3A_135 = arith.constant 0 : i32
    %broadcast_in_dim3A_136 = vector.broadcast %broadcast_in_dim3A_135 : i32 to vector<16xi32>
    %swap3A_137 = arith.constant 256 : index
    %swap3A_138 = tpu.vector_load %arg7[%swap3A_137] {strides = array<i32>} : memref<512xi32, #tpu.memory_space<vmem>>, vector<16xi32>,
    tpu.vector_store %arg7[%swap3A_137], %broadcast_in_dim3A_136 {strides = array<i32>} : memref<512xi32, #tpu.memory_space<vmem>>, vector<16xi32>,
    %broadcast_in_dim3A_139 = arith.constant 0xFF800000 : f32
    %broadcast_in_dim3A_140 = vector.broadcast %broadcast_in_dim3A_139 : f32 to vector<16xf32>
    %swap3A_141 = arith.constant 272 : index
    %swap3A_142 = tpu.vector_load %arg6[%swap3A_141] {strides = array<i32>} : memref<512xf32, #tpu.memory_space<vmem>>, vector<16xf32>,
    tpu.vector_store %arg6[%swap3A_141], %broadcast_in_dim3A_140 {strides = array<i32>} : memref<512xf32, #tpu.memory_space<vmem>>, vector<16xf32>,
    %broadcast_in_dim3A_143 = arith.constant 0 : i32
    %broadcast_in_dim3A_144 = vector.broadcast %broadcast_in_dim3A_143 : i32 to vector<16xi32>
    %swap3A_145 = arith.constant 272 : index
    %swap3A_146 = tpu.vector_load %arg7[%swap3A_145] {strides = array<i32>} : memref<512xi32, #tpu.memory_space<vmem>>, vector<16xi32>,
    tpu.vector_store %arg7[%swap3A_145], %broadcast_in_dim3A_144 {strides = array<i32>} : memref<512xi32, #tpu.memory_space<vmem>>, vector<16xi32>,
    %broadcast_in_dim3A_147 = arith.constant 0xFF800000 : f32
    %broadcast_in_dim3A_148 = vector.broadcast %broadcast_in_dim3A_147 : f32 to vector<16xf32>
    %swap3A_149 = arith.constant 288 : index
    %swap3A_150 = tpu.vector_load %arg6[%swap3A_149] {strides = array<i32>} : memref<512xf32, #tpu.memory_space<vmem>>, vector<16xf32>,
    tpu.vector_store %arg6[%swap3A_149], %broadcast_in_dim3A_148 {strides = array<i32>} : memref<512xf32, #tpu.memory_space<vmem>>, vector<16xf32>,
    %broadcast_in_dim3A_151 = arith.constant 0 : i32
    %broadcast_in_dim3A_152 = vector.broadcast %broadcast_in_dim3A_151 : i32 to vector<16xi32>
    %swap3A_153 = arith.constant 288 : index
    %swap3A_154 = tpu.vector_load %arg7[%swap3A_153] {strides = array<i32>} : memref<512xi32, #tpu.memory_space<vmem>>, vector<16xi32>,
    tpu.vector_store %arg7[%swap3A_153], %broadcast_in_dim3A_152 {strides = array<i32>} : memref<512xi32, #tpu.memory_space<vmem>>, vector<16xi32>,
    %broadcast_in_dim3A_155 = arith.constant 0xFF800000 : f32
    %broadcast_in_dim3A_156 = vector.broadcast %broadcast_in_dim3A_155 : f32 to vector<16xf32>
    %swap3A_157 = arith.constant 304 : index
    %swap3A_158 = tpu.vector_load %arg6[%swap3A_157] {strides = array<i32>} : memref<512xf32, #tpu.memory_space<vmem>>, vector<16xf32>,
    tpu.vector_store %arg6[%swap3A_157], %broadcast_in_dim3A_156 {strides = array<i32>} : memref<512xf32, #tpu.memory_space<vmem>>, vector<16xf32>,
    %broadcast_in_dim3A_159 = arith.constant 0 : i32
    %broadcast_in_dim3A_160 = vector.broadcast %broadcast_in_dim3A_159 : i32 to vector<16xi32>
    %swap3A_161 = arith.constant 304 : index
    %swap3A_162 = tpu.vector_load %arg7[%swap3A_161] {strides = array<i32>} : memref<512xi32, #tpu.memory_space<vmem>>, vector<16xi32>,
    tpu.vector_store %arg7[%swap3A_161], %broadcast_in_dim3A_160 {strides = array<i32>} : memref<512xi32, #tpu.memory_space<vmem>>, vector<16xi32>,
    %broadcast_in_dim3A_163 = arith.constant 0xFF800000 : f32
    %broadcast_in_dim3A_164 = vector.broadcast %broadcast_in_dim3A_163 : f32 to vector<16xf32>
    %swap3A_165 = arith.constant 320 : index
    %swap3A_166 = tpu.vector_load %arg6[%swap3A_165] {strides = array<i32>} : memref<512xf32, #tpu.memory_space<vmem>>, vector<16xf32>,
    tpu.vector_store %arg6[%swap3A_165], %broadcast_in_dim3A_164 {strides = array<i32>} : memref<512xf32, #tpu.memory_space<vmem>>, vector<16xf32>,
    %broadcast_in_dim3A_167 = arith.constant 0 : i32
    %broadcast_in_dim3A_168 = vector.broadcast %broadcast_in_dim3A_167 : i32 to vector<16xi32>
    %swap3A_169 = arith.constant 320 : index
    %swap3A_170 = tpu.vector_load %arg7[%swap3A_169] {strides = array<i32>} : memref<512xi32, #tpu.memory_space<vmem>>, vector<16xi32>,
    tpu.vector_store %arg7[%swap3A_169], %broadcast_in_dim3A_168 {strides = array<i32>} : memref<512xi32, #tpu.memory_space<vmem>>, vector<16xi32>,
    %broadcast_in_dim3A_171 = arith.constant 0xFF800000 : f32
    %broadcast_in_dim3A_172 = vector.broadcast %broadcast_in_dim3A_171 : f32 to vector<16xf32>
    %swap3A_173 = arith.constant 336 : index
    %swap3A_174 = tpu.vector_load %arg6[%swap3A_173] {strides = array<i32>} : memref<512xf32, #tpu.memory_space<vmem>>, vector<16xf32>,
    tpu.vector_store %arg6[%swap3A_173], %broadcast_in_dim3A_172 {strides = array<i32>} : memref<512xf32, #tpu.memory_space<vmem>>, vector<16xf32>,
    %broadcast_in_dim3A_175 = arith.constant 0 : i32
    %broadcast_in_dim3A_176 = vector.broadcast %broadcast_in_dim3A_175 : i32 to vector<16xi32>
    %swap3A_177 = arith.constant 336 : index
    %swap3A_178 = tpu.vector_load %arg7[%swap3A_177] {strides = array<i32>} : memref<512xi32, #tpu.memory_space<vmem>>, vector<16xi32>,
    tpu.vector_store %arg7[%swap3A_177], %broadcast_in_dim3A_176 {strides = array<i32>} : memref<512xi32, #tpu.memory_space<vmem>>, vector<16xi32>,
    %broadcast_in_dim3A_179 = arith.constant 0xFF800000 : f32
    %broadcast_in_dim3A_180 = vector.broadcast %broadcast_in_dim3A_179 : f32 to vector<16xf32>
    %swap3A_181 = arith.constant 352 : index
    %swap3A_182 = tpu.vector_load %arg6[%swap3A_181] {strides = array<i32>} : memref<512xf32, #tpu.memory_space<vmem>>, vector<16xf32>,
    tpu.vector_store %arg6[%swap3A_181], %broadcast_in_dim3A_180 {strides = array<i32>} : memref<512xf32, #tpu.memory_space<vmem>>, vector<16xf32>,
    %broadcast_in_dim3A_183 = arith.constant 0 : i32
    %broadcast_in_dim3A_184 = vector.broadcast %broadcast_in_dim3A_183 : i32 to vector<16xi32>
    %swap3A_185 = arith.constant 352 : index
    %swap3A_186 = tpu.vector_load %arg7[%swap3A_185] {strides = array<i32>} : memref<512xi32, #tpu.memory_space<vmem>>, vector<16xi32>,
    tpu.vector_store %arg7[%swap3A_185], %broadcast_in_dim3A_184 {strides = array<i32>} : memref<512xi32, #tpu.memory_space<vmem>>, vector<16xi32>,
    %broadcast_in_dim3A_187 = arith.constant 0xFF800000 : f32
    %broadcast_in_dim3A_188 = vector.broadcast %broadcast_in_dim3A_187 : f32 to vector<16xf32>
    %swap3A_189 = arith.constant 368 : index
    %swap3A_190 = tpu.vector_load %arg6[%swap3A_189] {strides = array<i32>} : memref<512xf32, #tpu.memory_space<vmem>>, vector<16xf32>,
    tpu.vector_store %arg6[%swap3A_189], %broadcast_in_dim3A_188 {strides = array<i32>} : memref<512xf32, #tpu.memory_space<vmem>>, vector<16xf32>,
    %broadcast_in_dim3A_191 = arith.constant 0 : i32
    %broadcast_in_dim3A_192 = vector.broadcast %broadcast_in_dim3A_191 : i32 to vector<16xi32>
    %swap3A_193 = arith.constant 368 : index
    %swap3A_194 = tpu.vector_load %arg7[%swap3A_193] {strides = array<i32>} : memref<512xi32, #tpu.memory_space<vmem>>, vector<16xi32>,
    tpu.vector_store %arg7[%swap3A_193], %broadcast_in_dim3A_192 {strides = array<i32>} : memref<512xi32, #tpu.memory_space<vmem>>, vector<16xi32>,
    %broadcast_in_dim3A_195 = arith.constant 0xFF800000 : f32
    %broadcast_in_dim3A_196 = vector.broadcast %broadcast_in_dim3A_195 : f32 to vector<16xf32>
    %swap3A_197 = arith.constant 384 : index
    %swap3A_198 = tpu.vector_load %arg6[%swap3A_197] {strides = array<i32>} : memref<512xf32, #tpu.memory_space<vmem>>, vector<16xf32>,
    tpu.vector_store %arg6[%swap3A_197], %broadcast_in_dim3A_196 {strides = array<i32>} : memref<512xf32, #tpu.memory_space<vmem>>, vector<16xf32>,
    %broadcast_in_dim3A_199 = arith.constant 0 : i32
    %broadcast_in_dim3A_200 = vector.broadcast %broadcast_in_dim3A_199 : i32 to vector<16xi32>
    %swap3A_201 = arith.constant 384 : index
    %swap3A_202 = tpu.vector_load %arg7[%swap3A_201] {strides = array<i32>} : memref<512xi32, #tpu.memory_space<vmem>>, vector<16xi32>,
    tpu.vector_store %arg7[%swap3A_201], %broadcast_in_dim3A_200 {strides = array<i32>} : memref<512xi32, #tpu.memory_space<vmem>>, vector<16xi32>,
    %broadcast_in_dim3A_203 = arith.constant 0xFF800000 : f32
    %broadcast_in_dim3A_204 = vector.broadcast %broadcast_in_dim3A_203 : f32 to vector<16xf32>
    %swap3A_205 = arith.constant 400 : index
    %swap3A_206 = tpu.vector_load %arg6[%swap3A_205] {strides = array<i32>} : memref<512xf32, #tpu.memory_space<vmem>>, vector<16xf32>,
    tpu.vector_store %arg6[%swap3A_205], %broadcast_in_dim3A_204 {strides = array<i32>} : memref<512xf32, #tpu.memory_space<vmem>>, vector<16xf32>,
    %broadcast_in_dim3A_207 = arith.constant 0 : i32
    %broadcast_in_dim3A_208 = vector.broadcast %broadcast_in_dim3A_207 : i32 to vector<16xi32>
    %swap3A_209 = arith.constant 400 : index
    %swap3A_210 = tpu.vector_load %arg7[%swap3A_209] {strides = array<i32>} : memref<512xi32, #tpu.memory_space<vmem>>, vector<16xi32>,
    tpu.vector_store %arg7[%swap3A_209], %broadcast_in_dim3A_208 {strides = array<i32>} : memref<512xi32, #tpu.memory_space<vmem>>, vector<16xi32>,
    %broadcast_in_dim3A_211 = arith.constant 0xFF800000 : f32
    %broadcast_in_dim3A_212 = vector.broadcast %broadcast_in_dim3A_211 : f32 to vector<16xf32>
    %swap3A_213 = arith.constant 416 : index
    %swap3A_214 = tpu.vector_load %arg6[%swap3A_213] {strides = array<i32>} : memref<512xf32, #tpu.memory_space<vmem>>, vector<16xf32>,
    tpu.vector_store %arg6[%swap3A_213], %broadcast_in_dim3A_212 {strides = array<i32>} : memref<512xf32, #tpu.memory_space<vmem>>, vector<16xf32>,
    %broadcast_in_dim3A_215 = arith.constant 0 : i32
    %broadcast_in_dim3A_216 = vector.broadcast %broadcast_in_dim3A_215 : i32 to vector<16xi32>
    %swap3A_217 = arith.constant 416 : index
    %swap3A_218 = tpu.vector_load %arg7[%swap3A_217] {strides = array<i32>} : memref<512xi32, #tpu.memory_space<vmem>>, vector<16xi32>,
    tpu.vector_store %arg7[%swap3A_217], %broadcast_in_dim3A_216 {strides = array<i32>} : memref<512xi32, #tpu.memory_space<vmem>>, vector<16xi32>,
    %broadcast_in_dim3A_219 = arith.constant 0xFF800000 : f32
    %broadcast_in_dim3A_220 = vector.broadcast %broadcast_in_dim3A_219 : f32 to vector<16xf32>
    %swap3A_221 = arith.constant 432 : index
    %swap3A_222 = tpu.vector_load %arg6[%swap3A_221] {strides = array<i32>} : memref<512xf32, #tpu.memory_space<vmem>>, vector<16xf32>,
    tpu.vector_store %arg6[%swap3A_221], %broadcast_in_dim3A_220 {strides = array<i32>} : memref<512xf32, #tpu.memory_space<vmem>>, vector<16xf32>,
    %broadcast_in_dim3A_223 = arith.constant 0 : i32
    %broadcast_in_dim3A_224 = vector.broadcast %broadcast_in_dim3A_223 : i32 to vector<16xi32>
    %swap3A_225 = arith.constant 432 : index
    %swap3A_226 = tpu.vector_load %arg7[%swap3A_225] {strides = array<i32>} : memref<512xi32, #tpu.memory_space<vmem>>, vector<16xi32>,
    tpu.vector_store %arg7[%swap3A_225], %broadcast_in_dim3A_224 {strides = array<i32>} : memref<512xi32, #tpu.memory_space<vmem>>, vector<16xi32>,
    %broadcast_in_dim3A_227 = arith.constant 0xFF800000 : f32
    %broadcast_in_dim3A_228 = vector.broadcast %broadcast_in_dim3A_227 : f32 to vector<16xf32>
    %swap3A_229 = arith.constant 448 : index
    %swap3A_230 = tpu.vector_load %arg6[%swap3A_229] {strides = array<i32>} : memref<512xf32, #tpu.memory_space<vmem>>, vector<16xf32>,
    tpu.vector_store %arg6[%swap3A_229], %broadcast_in_dim3A_228 {strides = array<i32>} : memref<512xf32, #tpu.memory_space<vmem>>, vector<16xf32>,
    %broadcast_in_dim3A_231 = arith.constant 0 : i32
    %broadcast_in_dim3A_232 = vector.broadcast %broadcast_in_dim3A_231 : i32 to vector<16xi32>
    %swap3A_233 = arith.constant 448 : index
    %swap3A_234 = tpu.vector_load %arg7[%swap3A_233] {strides = array<i32>} : memref<512xi32, #tpu.memory_space<vmem>>, vector<16xi32>,
    tpu.vector_store %arg7[%swap3A_233], %broadcast_in_dim3A_232 {strides = array<i32>} : memref<512xi32, #tpu.memory_space<vmem>>, vector<16xi32>,
    %broadcast_in_dim3A_235 = arith.constant 0xFF800000 : f32
    %broadcast_in_dim3A_236 = vector.broadcast %broadcast_in_dim3A_235 : f32 to vector<16xf32>
    %swap3A_237 = arith.constant 464 : index
    %swap3A_238 = tpu.vector_load %arg6[%swap3A_237] {strides = array<i32>} : memref<512xf32, #tpu.memory_space<vmem>>, vector<16xf32>,
    tpu.vector_store %arg6[%swap3A_237], %broadcast_in_dim3A_236 {strides = array<i32>} : memref<512xf32, #tpu.memory_space<vmem>>, vector<16xf32>,
    %broadcast_in_dim3A_239 = arith.constant 0 : i32
    %broadcast_in_dim3A_240 = vector.broadcast %broadcast_in_dim3A_239 : i32 to vector<16xi32>
    %swap3A_241 = arith.constant 464 : index
    %swap3A_242 = tpu.vector_load %arg7[%swap3A_241] {strides = array<i32>} : memref<512xi32, #tpu.memory_space<vmem>>, vector<16xi32>,
    tpu.vector_store %arg7[%swap3A_241], %broadcast_in_dim3A_240 {strides = array<i32>} : memref<512xi32, #tpu.memory_space<vmem>>, vector<16xi32>,
    %broadcast_in_dim3A_243 = arith.constant 0xFF800000 : f32
    %broadcast_in_dim3A_244 = vector.broadcast %broadcast_in_dim3A_243 : f32 to vector<16xf32>
    %swap3A_245 = arith.constant 480 : index
    %swap3A_246 = tpu.vector_load %arg6[%swap3A_245] {strides = array<i32>} : memref<512xf32, #tpu.memory_space<vmem>>, vector<16xf32>,
    tpu.vector_store %arg6[%swap3A_245], %broadcast_in_dim3A_244 {strides = array<i32>} : memref<512xf32, #tpu.memory_space<vmem>>, vector<16xf32>,
    %broadcast_in_dim3A_247 = arith.constant 0 : i32
    %broadcast_in_dim3A_248 = vector.broadcast %broadcast_in_dim3A_247 : i32 to vector<16xi32>
    %swap3A_249 = arith.constant 480 : index
    %swap3A_250 = tpu.vector_load %arg7[%swap3A_249] {strides = array<i32>} : memref<512xi32, #tpu.memory_space<vmem>>, vector<16xi32>,
    tpu.vector_store %arg7[%swap3A_249], %broadcast_in_dim3A_248 {strides = array<i32>} : memref<512xi32, #tpu.memory_space<vmem>>, vector<16xi32>,
    %broadcast_in_dim3A_251 = arith.constant 0xFF800000 : f32
    %broadcast_in_dim3A_252 = vector.broadcast %broadcast_in_dim3A_251 : f32 to vector<16xf32>
    %swap3A_253 = arith.constant 496 : index
    %swap3A_254 = tpu.vector_load %arg6[%swap3A_253] {strides = array<i32>} : memref<512xf32, #tpu.memory_space<vmem>>, vector<16xf32>,
    tpu.vector_store %arg6[%swap3A_253], %broadcast_in_dim3A_252 {strides = array<i32>} : memref<512xf32, #tpu.memory_space<vmem>>, vector<16xf32>,
    %broadcast_in_dim3A_255 = arith.constant 0 : i32
    %broadcast_in_dim3A_256 = vector.broadcast %broadcast_in_dim3A_255 : i32 to vector<16xi32>
    %swap3A_257 = arith.constant 496 : index
    %swap3A_258 = tpu.vector_load %arg7[%swap3A_257] {strides = array<i32>} : memref<512xi32, #tpu.memory_space<vmem>>, vector<16xi32>,
    tpu.vector_store %arg7[%swap3A_257], %broadcast_in_dim3A_256 {strides = array<i32>} : memref<512xi32, #tpu.memory_space<vmem>>, vector<16xi32>,
    %add3A_259 = arith.constant 0 : i32
    %add3A_260 = arith.addi %add3A_4, %add3A_259 : i32
    %dma_start3A = arith.constant 0 : i32
    %dma_start3A_261 = arith.constant 0 : i32
    %dma_start3A_262 = arith.constant 0 : i32
    %dma_start3A_263 = tpu.memref_slice %arg5[%dma_start3A, %dma_start3A_261, %dma_start3A_262] : memref<2x80x512xf32, #tpu.memory_space<vmem>> -> memref<1x80x512xf32, #tpu.memory_space<vmem>>
    %dma_start3A_264 = tpu.memref_squeeze %dma_start3A_263 : memref<1x80x512xf32, #tpu.memory_space<vmem>> -> memref<80x512xf32, #tpu.memory_space<vmem>>
    %dma_start3A_265 = arith.constant 0 : i32
    %dma_start3A_266 = tpu.memref_slice %arg2[%add3A_260, %dma_start3A_265] : memref<100000x512xf32, #tpu.memory_space<hbm>> -> memref<80x512xf32, #tpu.memory_space<hbm>>
    %dma_start3A_267 = arith.constant 0 : i32
    %dma_start3A_268 = arith.constant 0 : i32
    %dma_start3A_269 = tpu.memref_slice %arg5[%dma_start3A, %dma_start3A_267, %dma_start3A_268] : memref<2x80x512xf32, #tpu.memory_space<vmem>> -> memref<1x80x512xf32, #tpu.memory_space<vmem>>
    %dma_start3A_270 = tpu.memref_squeeze %dma_start3A_269 : memref<1x80x512xf32, #tpu.memory_space<vmem>> -> memref<80x512xf32, #tpu.memory_space<vmem>>
    %dma_start3A_271 = arith.constant 0 : i32
    %dma_start3A_272 = tpu.memref_slice %arg2[%add3A_260, %dma_start3A_271] : memref<100000x512xf32, #tpu.memory_space<hbm>> -> memref<80x512xf32, #tpu.memory_space<hbm>>
    tpu.enqueue_dma source(%dma_start3A_272 : memref<80x512xf32, #tpu.memory_space<hbm>>) target(%dma_start3A_270 : memref<80x512xf32, #tpu.memory_space<vmem>>) target_semaphore(%arg8 : memref<!tpu.dma_semaphore, #tpu.memory_space<semaphore_mem>>)
    %add3A_273 = arith.constant 80 : i32
    %add3A_274 = arith.addi %add3A_4, %add3A_273 : i32
    %dma_start3A_275 = arith.constant 1 : i32
    %dma_start3A_276 = arith.constant 0 : i32
    %dma_start3A_277 = arith.constant 0 : i32
    %dma_start3A_278 = tpu.memref_slice %arg5[%dma_start3A_275, %dma_start3A_276, %dma_start3A_277] : memref<2x80x512xf32, #tpu.memory_space<vmem>> -> memref<1x80x512xf32, #tpu.memory_space<vmem>>
    %dma_start3A_279 = tpu.memref_squeeze %dma_start3A_278 : memref<1x80x512xf32, #tpu.memory_space<vmem>> -> memref<80x512xf32, #tpu.memory_space<vmem>>
    %dma_start3A_280 = arith.constant 0 : i32
    %dma_start3A_281 = tpu.memref_slice %arg2[%add3A_274, %dma_start3A_280] : memref<100000x512xf32, #tpu.memory_space<hbm>> -> memref<80x512xf32, #tpu.memory_space<hbm>>
    %dma_start3A_282 = arith.constant 0 : i32
    %dma_start3A_283 = arith.constant 0 : i32
    %dma_start3A_284 = tpu.memref_slice %arg5[%dma_start3A_275, %dma_start3A_282, %dma_start3A_283] : memref<2x80x512xf32, #tpu.memory_space<vmem>> -> memref<1x80x512xf32, #tpu.memory_space<vmem>>
    %dma_start3A_285 = tpu.memref_squeeze %dma_start3A_284 : memref<1x80x512xf32, #tpu.memory_space<vmem>> -> memref<80x512xf32, #tpu.memory_space<vmem>>
    %dma_start3A_286 = arith.constant 0 : i32
    %dma_start3A_287 = tpu.memref_slice %arg2[%add3A_274, %dma_start3A_286] : memref<100000x512xf32, #tpu.memory_space<hbm>> -> memref<80x512xf32, #tpu.memory_space<hbm>>
    tpu.enqueue_dma source(%dma_start3A_287 : memref<80x512xf32, #tpu.memory_space<hbm>>) target(%dma_start3A_285 : memref<80x512xf32, #tpu.memory_space<vmem>>) target_semaphore(%arg9 : memref<!tpu.dma_semaphore, #tpu.memory_space<semaphore_mem>>)
    %dma_wait3A = arith.constant 0 : i32
    %dma_wait3A_288 = arith.constant 0 : i32
    %dma_wait3A_289 = arith.constant 0 : i32
    %dma_wait3A_290 = tpu.memref_slice %arg5[%dma_wait3A, %dma_wait3A_288, %dma_wait3A_289] : memref<2x80x512xf32, #tpu.memory_space<vmem>> -> memref<1x80x512xf32, #tpu.memory_space<vmem>>
    %dma_wait3A_291 = tpu.memref_squeeze %dma_wait3A_290 : memref<1x80x512xf32, #tpu.memory_space<vmem>> -> memref<80x512xf32, #tpu.memory_space<vmem>>
    %dma_wait3A_292 = arith.constant 0 : i32
    %dma_wait3A_293 = tpu.memref_slice %arg2[%add3A_260, %dma_wait3A_292] : memref<100000x512xf32, #tpu.memory_space<hbm>> -> memref<80x512xf32, #tpu.memory_space<hbm>>
    %dma_wait3A_294 = arith.constant 0 : i32
    %dma_wait3A_295 = arith.constant 0 : i32
    %dma_wait3A_296 = tpu.memref_slice %arg5[%dma_wait3A, %dma_wait3A_294, %dma_wait3A_295] : memref<2x80x512xf32, #tpu.memory_space<vmem>> -> memref<1x80x512xf32, #tpu.memory_space<vmem>>
    %dma_wait3A_297 = tpu.memref_squeeze %dma_wait3A_296 : memref<1x80x512xf32, #tpu.memory_space<vmem>> -> memref<80x512xf32, #tpu.memory_space<vmem>>
    %dma_wait3A_298 = arith.constant 0 : i32
    %dma_wait3A_299 = tpu.memref_slice %arg2[%add3A_260, %dma_wait3A_298] : memref<100000x512xf32, #tpu.memory_space<hbm>> -> memref<80x512xf32, #tpu.memory_space<hbm>>
    tpu.wait_dma2 semaphore(%arg8 : memref<!tpu.dma_semaphore, #tpu.memory_space<semaphore_mem>>) src(%dma_wait3A_299 : memref<80x512xf32, #tpu.memory_space<hbm>>) dst(%dma_wait3A_297 : memref<80x512xf32, #tpu.memory_space<vmem>>)
    %add3A_300 = arith.constant 0 : i32
    %add3A_301 = arith.addi %add3A_4, %add3A_300 : i32
    %scan3A = arith.constant 0 : i32
    %scan3A_302 = arith.constant 0 : i32
    %scan3A_303 = arith.constant 16 : i32
    %scan3A_304 = arith.addi %scan3A_302, %scan3A_303 : i32
    %scan3A_305 = arith.constant 1 : i32
    scf.for %scan3A_872 = %scan3A_302 to %scan3A_304 step %scan3A_305  : i32 {
      %mul3A_873 = arith.constant 32 : i32
      %mul3A_874 = arith.muli %scan3A_872, %mul3A_873 : i32
      %get3A = arith.index_cast %mul3A_874 : i32 to index
      %get3A_875 = tpu.vector_load %arg6[%get3A] {strides = array<i32>} : memref<512xf32, #tpu.memory_space<vmem>>, vector<16xf32>,
      %get3A_876 = arith.index_cast %mul3A_874 : i32 to index
      %get3A_877 = tpu.vector_load %arg7[%get3A_876] {strides = array<i32>} : memref<512xi32, #tpu.memory_space<vmem>>, vector<16xi32>,
      %add3A_878 = arith.constant 16 : i32
      %add3A_879 = arith.addi %mul3A_874, %add3A_878 : i32
      %get3A_880 = arith.index_cast %add3A_879 : i32 to index
      %get3A_881 = tpu.vector_load %arg6[%get3A_880] {strides = array<i32>} : memref<512xf32, #tpu.memory_space<vmem>>, vector<16xf32>,
      %add3A_882 = arith.constant 16 : i32
      %add3A_883 = arith.addi %mul3A_874, %add3A_882 : i32
      %get3A_884 = arith.index_cast %add3A_883 : i32 to index
      %get3A_885 = tpu.vector_load %arg7[%get3A_884] {strides = array<i32>} : memref<512xi32, #tpu.memory_space<vmem>>, vector<16xi32>,
      %parallel_loop3A = arith.constant 0 : i32
      %parallel_loop3A_886 = arith.constant 80 : i32
      %parallel_loop3A_887 = arith.constant 1 : i32
      %parallel_loop3A_888:4 = scf.for %parallel_loop3A_901 = %parallel_loop3A to %parallel_loop3A_886 step %parallel_loop3A_887 iter_args(%parallel_loop3A_902 = %get3A_875, %parallel_loop3A_903 = %get3A_877, %parallel_loop3A_904 = %get3A_881, %parallel_loop3A_905 = %get3A_885) -> (vector<16xf32>, vector<16xi32>, vector<16xf32>, vector<16xi32>)  : i32 {
        %parallel_loop3A_906 = arith.addi %add3A_301, %parallel_loop3A_901 : i32
        %parallel_loop3A_907 = vector.broadcast %parallel_loop3A_906 : i32 to vector<16xi32>
        %parallel_loop3A_908 = arith.constant 0 : i32
        %parallel_loop3A_909 = arith.index_cast %parallel_loop3A_908 : i32 to index
        %parallel_loop3A_910 = arith.index_cast %parallel_loop3A_901 : i32 to index
        %parallel_loop3A_911 = arith.index_cast %mul3A_874 : i32 to index
        %parallel_loop3A_912 = tpu.vector_load %arg5[%parallel_loop3A_909, %parallel_loop3A_910, %parallel_loop3A_911] {strides = array<i32>} : memref<2x80x512xf32, #tpu.memory_space<vmem>>, vector<16xf32>,
        %parallel_loop3A_913 = arith.constant 16 : i32
        %parallel_loop3A_914 = arith.addi %mul3A_874, %parallel_loop3A_913 : i32
        %parallel_loop3A_915 = arith.constant 0 : i32
        %parallel_loop3A_916 = arith.index_cast %parallel_loop3A_915 : i32 to index
        %parallel_loop3A_917 = arith.index_cast %parallel_loop3A_901 : i32 to index
        %parallel_loop3A_918 = arith.index_cast %parallel_loop3A_914 : i32 to index
        %parallel_loop3A_919 = tpu.vector_load %arg5[%parallel_loop3A_916, %parallel_loop3A_917, %parallel_loop3A_918] {strides = array<i32>} : memref<2x80x512xf32, #tpu.memory_space<vmem>>, vector<16xf32>,
        %parallel_loop3A_920 = arith.cmpf ogt, %parallel_loop3A_912, %parallel_loop3A_902 : vector<16xf32>
        %parallel_loop3A_921 = arith.cmpf ogt, %parallel_loop3A_919, %parallel_loop3A_904 : vector<16xf32>
        %parallel_loop3A_922 = arith.select %parallel_loop3A_920, %parallel_loop3A_912, %parallel_loop3A_902 : vector<16xi1>, vector<16xf32>
        %parallel_loop3A_923 = arith.select %parallel_loop3A_920, %parallel_loop3A_907, %parallel_loop3A_903 : vector<16xi1>, vector<16xi32>
        %parallel_loop3A_924 = arith.select %parallel_loop3A_921, %parallel_loop3A_919, %parallel_loop3A_904 : vector<16xi1>, vector<16xf32>
        %parallel_loop3A_925 = arith.select %parallel_loop3A_921, %parallel_loop3A_907, %parallel_loop3A_905 : vector<16xi1>, vector<16xi32>
        scf.yield %parallel_loop3A_922, %parallel_loop3A_923, %parallel_loop3A_924, %parallel_loop3A_925 : vector<16xf32>, vector<16xi32>, vector<16xf32>, vector<16xi32>
      } {sc.loop_unroll_factor = 2 : i64, sc.parallel_access}
      %swap3A_889 = arith.index_cast %mul3A_874 : i32 to index
      %swap3A_890 = tpu.vector_load %arg6[%swap3A_889] {strides = array<i32>} : memref<512xf32, #tpu.memory_space<vmem>>, vector<16xf32>,
      tpu.vector_store %arg6[%swap3A_889], %parallel_loop3A_888#0 {strides = array<i32>} : memref<512xf32, #tpu.memory_space<vmem>>, vector<16xf32>,
      %swap3A_891 = arith.index_cast %mul3A_874 : i32 to index
      %swap3A_892 = tpu.vector_load %arg7[%swap3A_891] {strides = array<i32>} : memref<512xi32, #tpu.memory_space<vmem>>, vector<16xi32>,
      tpu.vector_store %arg7[%swap3A_891], %parallel_loop3A_888#1 {strides = array<i32>} : memref<512xi32, #tpu.memory_space<vmem>>, vector<16xi32>,
      %add3A_893 = arith.constant 16 : i32
      %add3A_894 = arith.addi %mul3A_874, %add3A_893 : i32
      %swap3A_895 = arith.index_cast %add3A_894 : i32 to index
      %swap3A_896 = tpu.vector_load %arg6[%swap3A_895] {strides = array<i32>} : memref<512xf32, #tpu.memory_space<vmem>>, vector<16xf32>,
      tpu.vector_store %arg6[%swap3A_895], %parallel_loop3A_888#2 {strides = array<i32>} : memref<512xf32, #tpu.memory_space<vmem>>, vector<16xf32>,
      %add3A_897 = arith.constant 16 : i32
      %add3A_898 = arith.addi %mul3A_874, %add3A_897 : i32
      %swap3A_899 = arith.index_cast %add3A_898 : i32 to index
      %swap3A_900 = tpu.vector_load %arg7[%swap3A_899] {strides = array<i32>} : memref<512xi32, #tpu.memory_space<vmem>>, vector<16xi32>,
      tpu.vector_store %arg7[%swap3A_899], %parallel_loop3A_888#3 {strides = array<i32>} : memref<512xi32, #tpu.memory_space<vmem>>, vector<16xi32>,
    }
    %scan3A_306 = arith.constant 16 : i32
    %add3A_307 = arith.constant 160 : i32
    %add3A_308 = arith.addi %add3A_4, %add3A_307 : i32
    %dma_start3A_309 = arith.constant 0 : i32
    %dma_start3A_310 = arith.constant 0 : i32
    %dma_start3A_311 = arith.constant 0 : i32
    %dma_start3A_312 = tpu.memref_slice %arg5[%dma_start3A_309, %dma_start3A_310, %dma_start3A_311] : memref<2x80x512xf32, #tpu.memory_space<vmem>> -> memref<1x80x512xf32, #tpu.memory_space<vmem>>
    %dma_start3A_313 = tpu.memref_squeeze %dma_start3A_312 : memref<1x80x512xf32, #tpu.memory_space<vmem>> -> memref<80x512xf32, #tpu.memory_space<vmem>>
    %dma_start3A_314 = arith.constant 0 : i32
    %dma_start3A_315 = tpu.memref_slice %arg2[%add3A_308, %dma_start3A_314] : memref<100000x512xf32, #tpu.memory_space<hbm>> -> memref<80x512xf32, #tpu.memory_space<hbm>>
    %dma_start3A_316 = arith.constant 0 : i32
    %dma_start3A_317 = arith.constant 0 : i32
    %dma_start3A_318 = tpu.memref_slice %arg5[%dma_start3A_309, %dma_start3A_316, %dma_start3A_317] : memref<2x80x512xf32, #tpu.memory_space<vmem>> -> memref<1x80x512xf32, #tpu.memory_space<vmem>>
    %dma_start3A_319 = tpu.memref_squeeze %dma_start3A_318 : memref<1x80x512xf32, #tpu.memory_space<vmem>> -> memref<80x512xf32, #tpu.memory_space<vmem>>
    %dma_start3A_320 = arith.constant 0 : i32
    %dma_start3A_321 = tpu.memref_slice %arg2[%add3A_308, %dma_start3A_320] : memref<100000x512xf32, #tpu.memory_space<hbm>> -> memref<80x512xf32, #tpu.memory_space<hbm>>
    tpu.enqueue_dma source(%dma_start3A_321 : memref<80x512xf32, #tpu.memory_space<hbm>>) target(%dma_start3A_319 : memref<80x512xf32, #tpu.memory_space<vmem>>) target_semaphore(%arg8 : memref<!tpu.dma_semaphore, #tpu.memory_space<semaphore_mem>>)
    %dma_wait3A_322 = arith.constant 1 : i32
    %dma_wait3A_323 = arith.constant 0 : i32
    %dma_wait3A_324 = arith.constant 0 : i32
    %dma_wait3A_325 = tpu.memref_slice %arg5[%dma_wait3A_322, %dma_wait3A_323, %dma_wait3A_324] : memref<2x80x512xf32, #tpu.memory_space<vmem>> -> memref<1x80x512xf32, #tpu.memory_space<vmem>>
    %dma_wait3A_326 = tpu.memref_squeeze %dma_wait3A_325 : memref<1x80x512xf32, #tpu.memory_space<vmem>> -> memref<80x512xf32, #tpu.memory_space<vmem>>
    %dma_wait3A_327 = arith.constant 0 : i32
    %dma_wait3A_328 = tpu.memref_slice %arg2[%add3A_274, %dma_wait3A_327] : memref<100000x512xf32, #tpu.memory_space<hbm>> -> memref<80x512xf32, #tpu.memory_space<hbm>>
    %dma_wait3A_329 = arith.constant 0 : i32
    %dma_wait3A_330 = arith.constant 0 : i32
    %dma_wait3A_331 = tpu.memref_slice %arg5[%dma_wait3A_322, %dma_wait3A_329, %dma_wait3A_330] : memref<2x80x512xf32, #tpu.memory_space<vmem>> -> memref<1x80x512xf32, #tpu.memory_space<vmem>>
    %dma_wait3A_332 = tpu.memref_squeeze %dma_wait3A_331 : memref<1x80x512xf32, #tpu.memory_space<vmem>> -> memref<80x512xf32, #tpu.memory_space<vmem>>
    %dma_wait3A_333 = arith.constant 0 : i32
    %dma_wait3A_334 = tpu.memref_slice %arg2[%add3A_274, %dma_wait3A_333] : memref<100000x512xf32, #tpu.memory_space<hbm>> -> memref<80x512xf32, #tpu.memory_space<hbm>>
    tpu.wait_dma2 semaphore(%arg9 : memref<!tpu.dma_semaphore, #tpu.memory_space<semaphore_mem>>) src(%dma_wait3A_334 : memref<80x512xf32, #tpu.memory_space<hbm>>) dst(%dma_wait3A_332 : memref<80x512xf32, #tpu.memory_space<vmem>>)
    %add3A_335 = arith.constant 80 : i32
    %add3A_336 = arith.addi %add3A_4, %add3A_335 : i32
    %scan3A_337 = arith.constant 0 : i32
    %scan3A_338 = arith.constant 0 : i32
    %scan3A_339 = arith.constant 16 : i32
    %scan3A_340 = arith.addi %scan3A_338, %scan3A_339 : i32
    %scan3A_341 = arith.constant 1 : i32
    scf.for %scan3A_872 = %scan3A_338 to %scan3A_340 step %scan3A_341  : i32 {
      %mul3A_873 = arith.constant 32 : i32
      %mul3A_874 = arith.muli %scan3A_872, %mul3A_873 : i32
      %get3A = arith.index_cast %mul3A_874 : i32 to index
      %get3A_875 = tpu.vector_load %arg6[%get3A] {strides = array<i32>} : memref<512xf32, #tpu.memory_space<vmem>>, vector<16xf32>,
      %get3A_876 = arith.index_cast %mul3A_874 : i32 to index
      %get3A_877 = tpu.vector_load %arg7[%get3A_876] {strides = array<i32>} : memref<512xi32, #tpu.memory_space<vmem>>, vector<16xi32>,
      %add3A_878 = arith.constant 16 : i32
      %add3A_879 = arith.addi %mul3A_874, %add3A_878 : i32
      %get3A_880 = arith.index_cast %add3A_879 : i32 to index
      %get3A_881 = tpu.vector_load %arg6[%get3A_880] {strides = array<i32>} : memref<512xf32, #tpu.memory_space<vmem>>, vector<16xf32>,
      %add3A_882 = arith.constant 16 : i32
      %add3A_883 = arith.addi %mul3A_874, %add3A_882 : i32
      %get3A_884 = arith.index_cast %add3A_883 : i32 to index
      %get3A_885 = tpu.vector_load %arg7[%get3A_884] {strides = array<i32>} : memref<512xi32, #tpu.memory_space<vmem>>, vector<16xi32>,
      %parallel_loop3A = arith.constant 0 : i32
      %parallel_loop3A_886 = arith.constant 80 : i32
      %parallel_loop3A_887 = arith.constant 1 : i32
      %parallel_loop3A_888:4 = scf.for %parallel_loop3A_901 = %parallel_loop3A to %parallel_loop3A_886 step %parallel_loop3A_887 iter_args(%parallel_loop3A_902 = %get3A_875, %parallel_loop3A_903 = %get3A_877, %parallel_loop3A_904 = %get3A_881, %parallel_loop3A_905 = %get3A_885) -> (vector<16xf32>, vector<16xi32>, vector<16xf32>, vector<16xi32>)  : i32 {
        %parallel_loop3A_906 = arith.addi %add3A_336, %parallel_loop3A_901 : i32
        %parallel_loop3A_907 = vector.broadcast %parallel_loop3A_906 : i32 to vector<16xi32>
        %parallel_loop3A_908 = arith.constant 1 : i32
        %parallel_loop3A_909 = arith.index_cast %parallel_loop3A_908 : i32 to index
        %parallel_loop3A_910 = arith.index_cast %parallel_loop3A_901 : i32 to index
        %parallel_loop3A_911 = arith.index_cast %mul3A_874 : i32 to index
        %parallel_loop3A_912 = tpu.vector_load %arg5[%parallel_loop3A_909, %parallel_loop3A_910, %parallel_loop3A_911] {strides = array<i32>} : memref<2x80x512xf32, #tpu.memory_space<vmem>>, vector<16xf32>,
        %parallel_loop3A_913 = arith.constant 16 : i32
        %parallel_loop3A_914 = arith.addi %mul3A_874, %parallel_loop3A_913 : i32
        %parallel_loop3A_915 = arith.constant 1 : i32
        %parallel_loop3A_916 = arith.index_cast %parallel_loop3A_915 : i32 to index
        %parallel_loop3A_917 = arith.index_cast %parallel_loop3A_901 : i32 to index
        %parallel_loop3A_918 = arith.index_cast %parallel_loop3A_914 : i32 to index
        %parallel_loop3A_919 = tpu.vector_load %arg5[%parallel_loop3A_916, %parallel_loop3A_917, %parallel_loop3A_918] {strides = array<i32>} : memref<2x80x512xf32, #tpu.memory_space<vmem>>, vector<16xf32>,
        %parallel_loop3A_920 = arith.cmpf ogt, %parallel_loop3A_912, %parallel_loop3A_902 : vector<16xf32>
        %parallel_loop3A_921 = arith.cmpf ogt, %parallel_loop3A_919, %parallel_loop3A_904 : vector<16xf32>
        %parallel_loop3A_922 = arith.select %parallel_loop3A_920, %parallel_loop3A_912, %parallel_loop3A_902 : vector<16xi1>, vector<16xf32>
        %parallel_loop3A_923 = arith.select %parallel_loop3A_920, %parallel_loop3A_907, %parallel_loop3A_903 : vector<16xi1>, vector<16xi32>
        %parallel_loop3A_924 = arith.select %parallel_loop3A_921, %parallel_loop3A_919, %parallel_loop3A_904 : vector<16xi1>, vector<16xf32>
        %parallel_loop3A_925 = arith.select %parallel_loop3A_921, %parallel_loop3A_907, %parallel_loop3A_905 : vector<16xi1>, vector<16xi32>
        scf.yield %parallel_loop3A_922, %parallel_loop3A_923, %parallel_loop3A_924, %parallel_loop3A_925 : vector<16xf32>, vector<16xi32>, vector<16xf32>, vector<16xi32>
      } {sc.loop_unroll_factor = 2 : i64, sc.parallel_access}
      %swap3A_889 = arith.index_cast %mul3A_874 : i32 to index
      %swap3A_890 = tpu.vector_load %arg6[%swap3A_889] {strides = array<i32>} : memref<512xf32, #tpu.memory_space<vmem>>, vector<16xf32>,
      tpu.vector_store %arg6[%swap3A_889], %parallel_loop3A_888#0 {strides = array<i32>} : memref<512xf32, #tpu.memory_space<vmem>>, vector<16xf32>,
      %swap3A_891 = arith.index_cast %mul3A_874 : i32 to index
      %swap3A_892 = tpu.vector_load %arg7[%swap3A_891] {strides = array<i32>} : memref<512xi32, #tpu.memory_space<vmem>>, vector<16xi32>,
      tpu.vector_store %arg7[%swap3A_891], %parallel_loop3A_888#1 {strides = array<i32>} : memref<512xi32, #tpu.memory_space<vmem>>, vector<16xi32>,
      %add3A_893 = arith.constant 16 : i32
      %add3A_894 = arith.addi %mul3A_874, %add3A_893 : i32
      %swap3A_895 = arith.index_cast %add3A_894 : i32 to index
      %swap3A_896 = tpu.vector_load %arg6[%swap3A_895] {strides = array<i32>} : memref<512xf32, #tpu.memory_space<vmem>>, vector<16xf32>,
      tpu.vector_store %arg6[%swap3A_895], %parallel_loop3A_888#2 {strides = array<i32>} : memref<512xf32, #tpu.memory_space<vmem>>, vector<16xf32>,
      %add3A_897 = arith.constant 16 : i32
      %add3A_898 = arith.addi %mul3A_874, %add3A_897 : i32
      %swap3A_899 = arith.index_cast %add3A_898 : i32 to index
      %swap3A_900 = tpu.vector_load %arg7[%swap3A_899] {strides = array<i32>} : memref<512xi32, #tpu.memory_space<vmem>>, vector<16xi32>,
      tpu.vector_store %arg7[%swap3A_899], %parallel_loop3A_888#3 {strides = array<i32>} : memref<512xi32, #tpu.memory_space<vmem>>, vector<16xi32>,
    }
    %scan3A_342 = arith.constant 16 : i32
    %add3A_343 = arith.constant 240 : i32
    %add3A_344 = arith.addi %add3A_4, %add3A_343 : i32
    %dma_start3A_345 = arith.constant 1 : i32
    %dma_start3A_346 = arith.constant 0 : i32
    %dma_start3A_347 = arith.constant 0 : i32
    %dma_start3A_348 = tpu.memref_slice %arg5[%dma_start3A_345, %dma_start3A_346, %dma_start3A_347] : memref<2x80x512xf32, #tpu.memory_space<vmem>> -> memref<1x80x512xf32, #tpu.memory_space<vmem>>
    %dma_start3A_349 = tpu.memref_squeeze %dma_start3A_348 : memref<1x80x512xf32, #tpu.memory_space<vmem>> -> memref<80x512xf32, #tpu.memory_space<vmem>>
    %dma_start3A_350 = arith.constant 0 : i32
    %dma_start3A_351 = tpu.memref_slice %arg2[%add3A_344, %dma_start3A_350] : memref<100000x512xf32, #tpu.memory_space<hbm>> -> memref<80x512xf32, #tpu.memory_space<hbm>>
    %dma_start3A_352 = arith.constant 0 : i32
    %dma_start3A_353 = arith.constant 0 : i32
    %dma_start3A_354 = tpu.memref_slice %arg5[%dma_start3A_345, %dma_start3A_352, %dma_start3A_353] : memref<2x80x512xf32, #tpu.memory_space<vmem>> -> memref<1x80x512xf32, #tpu.memory_space<vmem>>
    %dma_start3A_355 = tpu.memref_squeeze %dma_start3A_354 : memref<1x80x512xf32, #tpu.memory_space<vmem>> -> memref<80x512xf32, #tpu.memory_space<vmem>>
    %dma_start3A_356 = arith.constant 0 : i32
    %dma_start3A_357 = tpu.memref_slice %arg2[%add3A_344, %dma_start3A_356] : memref<100000x512xf32, #tpu.memory_space<hbm>> -> memref<80x512xf32, #tpu.memory_space<hbm>>
    tpu.enqueue_dma source(%dma_start3A_357 : memref<80x512xf32, #tpu.memory_space<hbm>>) target(%dma_start3A_355 : memref<80x512xf32, #tpu.memory_space<vmem>>) target_semaphore(%arg9 : memref<!tpu.dma_semaphore, #tpu.memory_space<semaphore_mem>>)
    %dma_wait3A_358 = arith.constant 0 : i32
    %dma_wait3A_359 = arith.constant 0 : i32
    %dma_wait3A_360 = arith.constant 0 : i32
    %dma_wait3A_361 = tpu.memref_slice %arg5[%dma_wait3A_358, %dma_wait3A_359, %dma_wait3A_360] : memref<2x80x512xf32, #tpu.memory_space<vmem>> -> memref<1x80x512xf32, #tpu.memory_space<vmem>>
    %dma_wait3A_362 = tpu.memref_squeeze %dma_wait3A_361 : memref<1x80x512xf32, #tpu.memory_space<vmem>> -> memref<80x512xf32, #tpu.memory_space<vmem>>
    %dma_wait3A_363 = arith.constant 0 : i32
    %dma_wait3A_364 = tpu.memref_slice %arg2[%add3A_308, %dma_wait3A_363] : memref<100000x512xf32, #tpu.memory_space<hbm>> -> memref<80x512xf32, #tpu.memory_space<hbm>>
    %dma_wait3A_365 = arith.constant 0 : i32
    %dma_wait3A_366 = arith.constant 0 : i32
    %dma_wait3A_367 = tpu.memref_slice %arg5[%dma_wait3A_358, %dma_wait3A_365, %dma_wait3A_366] : memref<2x80x512xf32, #tpu.memory_space<vmem>> -> memref<1x80x512xf32, #tpu.memory_space<vmem>>
    %dma_wait3A_368 = tpu.memref_squeeze %dma_wait3A_367 : memref<1x80x512xf32, #tpu.memory_space<vmem>> -> memref<80x512xf32, #tpu.memory_space<vmem>>
    %dma_wait3A_369 = arith.constant 0 : i32
    %dma_wait3A_370 = tpu.memref_slice %arg2[%add3A_308, %dma_wait3A_369] : memref<100000x512xf32, #tpu.memory_space<hbm>> -> memref<80x512xf32, #tpu.memory_space<hbm>>
    tpu.wait_dma2 semaphore(%arg8 : memref<!tpu.dma_semaphore, #tpu.memory_space<semaphore_mem>>) src(%dma_wait3A_370 : memref<80x512xf32, #tpu.memory_space<hbm>>) dst(%dma_wait3A_368 : memref<80x512xf32, #tpu.memory_space<vmem>>)
    %add3A_371 = arith.constant 160 : i32
    %add3A_372 = arith.addi %add3A_4, %add3A_371 : i32
    %scan3A_373 = arith.constant 0 : i32
    %scan3A_374 = arith.constant 0 : i32
    %scan3A_375 = arith.constant 16 : i32
    %scan3A_376 = arith.addi %scan3A_374, %scan3A_375 : i32
    %scan3A_377 = arith.constant 1 : i32
    scf.for %scan3A_872 = %scan3A_374 to %scan3A_376 step %scan3A_377  : i32 {
      %mul3A_873 = arith.constant 32 : i32
      %mul3A_874 = arith.muli %scan3A_872, %mul3A_873 : i32
      %get3A = arith.index_cast %mul3A_874 : i32 to index
      %get3A_875 = tpu.vector_load %arg6[%get3A] {strides = array<i32>} : memref<512xf32, #tpu.memory_space<vmem>>, vector<16xf32>,
      %get3A_876 = arith.index_cast %mul3A_874 : i32 to index
      %get3A_877 = tpu.vector_load %arg7[%get3A_876] {strides = array<i32>} : memref<512xi32, #tpu.memory_space<vmem>>, vector<16xi32>,
      %add3A_878 = arith.constant 16 : i32
      %add3A_879 = arith.addi %mul3A_874, %add3A_878 : i32
      %get3A_880 = arith.index_cast %add3A_879 : i32 to index
      %get3A_881 = tpu.vector_load %arg6[%get3A_880] {strides = array<i32>} : memref<512xf32, #tpu.memory_space<vmem>>, vector<16xf32>,
      %add3A_882 = arith.constant 16 : i32
      %add3A_883 = arith.addi %mul3A_874, %add3A_882 : i32
      %get3A_884 = arith.index_cast %add3A_883 : i32 to index
      %get3A_885 = tpu.vector_load %arg7[%get3A_884] {strides = array<i32>} : memref<512xi32, #tpu.memory_space<vmem>>, vector<16xi32>,
      %parallel_loop3A = arith.constant 0 : i32
      %parallel_loop3A_886 = arith.constant 80 : i32
      %parallel_loop3A_887 = arith.constant 1 : i32
      %parallel_loop3A_888:4 = scf.for %parallel_loop3A_901 = %parallel_loop3A to %parallel_loop3A_886 step %parallel_loop3A_887 iter_args(%parallel_loop3A_902 = %get3A_875, %parallel_loop3A_903 = %get3A_877, %parallel_loop3A_904 = %get3A_881, %parallel_loop3A_905 = %get3A_885) -> (vector<16xf32>, vector<16xi32>, vector<16xf32>, vector<16xi32>)  : i32 {
        %parallel_loop3A_906 = arith.addi %add3A_372, %parallel_loop3A_901 : i32
        %parallel_loop3A_907 = vector.broadcast %parallel_loop3A_906 : i32 to vector<16xi32>
        %parallel_loop3A_908 = arith.constant 0 : i32
        %parallel_loop3A_909 = arith.index_cast %parallel_loop3A_908 : i32 to index
        %parallel_loop3A_910 = arith.index_cast %parallel_loop3A_901 : i32 to index
        %parallel_loop3A_911 = arith.index_cast %mul3A_874 : i32 to index
        %parallel_loop3A_912 = tpu.vector_load %arg5[%parallel_loop3A_909, %parallel_loop3A_910, %parallel_loop3A_911] {strides = array<i32>} : memref<2x80x512xf32, #tpu.memory_space<vmem>>, vector<16xf32>,
        %parallel_loop3A_913 = arith.constant 16 : i32
        %parallel_loop3A_914 = arith.addi %mul3A_874, %parallel_loop3A_913 : i32
        %parallel_loop3A_915 = arith.constant 0 : i32
        %parallel_loop3A_916 = arith.index_cast %parallel_loop3A_915 : i32 to index
        %parallel_loop3A_917 = arith.index_cast %parallel_loop3A_901 : i32 to index
        %parallel_loop3A_918 = arith.index_cast %parallel_loop3A_914 : i32 to index
        %parallel_loop3A_919 = tpu.vector_load %arg5[%parallel_loop3A_916, %parallel_loop3A_917, %parallel_loop3A_918] {strides = array<i32>} : memref<2x80x512xf32, #tpu.memory_space<vmem>>, vector<16xf32>,
        %parallel_loop3A_920 = arith.cmpf ogt, %parallel_loop3A_912, %parallel_loop3A_902 : vector<16xf32>
        %parallel_loop3A_921 = arith.cmpf ogt, %parallel_loop3A_919, %parallel_loop3A_904 : vector<16xf32>
        %parallel_loop3A_922 = arith.select %parallel_loop3A_920, %parallel_loop3A_912, %parallel_loop3A_902 : vector<16xi1>, vector<16xf32>
        %parallel_loop3A_923 = arith.select %parallel_loop3A_920, %parallel_loop3A_907, %parallel_loop3A_903 : vector<16xi1>, vector<16xi32>
        %parallel_loop3A_924 = arith.select %parallel_loop3A_921, %parallel_loop3A_919, %parallel_loop3A_904 : vector<16xi1>, vector<16xf32>
        %parallel_loop3A_925 = arith.select %parallel_loop3A_921, %parallel_loop3A_907, %parallel_loop3A_905 : vector<16xi1>, vector<16xi32>
        scf.yield %parallel_loop3A_922, %parallel_loop3A_923, %parallel_loop3A_924, %parallel_loop3A_925 : vector<16xf32>, vector<16xi32>, vector<16xf32>, vector<16xi32>
      } {sc.loop_unroll_factor = 2 : i64, sc.parallel_access}
      %swap3A_889 = arith.index_cast %mul3A_874 : i32 to index
      %swap3A_890 = tpu.vector_load %arg6[%swap3A_889] {strides = array<i32>} : memref<512xf32, #tpu.memory_space<vmem>>, vector<16xf32>,
      tpu.vector_store %arg6[%swap3A_889], %parallel_loop3A_888#0 {strides = array<i32>} : memref<512xf32, #tpu.memory_space<vmem>>, vector<16xf32>,
      %swap3A_891 = arith.index_cast %mul3A_874 : i32 to index
      %swap3A_892 = tpu.vector_load %arg7[%swap3A_891] {strides = array<i32>} : memref<512xi32, #tpu.memory_space<vmem>>, vector<16xi32>,
      tpu.vector_store %arg7[%swap3A_891], %parallel_loop3A_888#1 {strides = array<i32>} : memref<512xi32, #tpu.memory_space<vmem>>, vector<16xi32>,
      %add3A_893 = arith.constant 16 : i32
      %add3A_894 = arith.addi %mul3A_874, %add3A_893 : i32
      %swap3A_895 = arith.index_cast %add3A_894 : i32 to index
      %swap3A_896 = tpu.vector_load %arg6[%swap3A_895] {strides = array<i32>} : memref<512xf32, #tpu.memory_space<vmem>>, vector<16xf32>,
      tpu.vector_store %arg6[%swap3A_895], %parallel_loop3A_888#2 {strides = array<i32>} : memref<512xf32, #tpu.memory_space<vmem>>, vector<16xf32>,
      %add3A_897 = arith.constant 16 : i32
      %add3A_898 = arith.addi %mul3A_874, %add3A_897 : i32
      %swap3A_899 = arith.index_cast %add3A_898 : i32 to index
      %swap3A_900 = tpu.vector_load %arg7[%swap3A_899] {strides = array<i32>} : memref<512xi32, #tpu.memory_space<vmem>>, vector<16xi32>,
      tpu.vector_store %arg7[%swap3A_899], %parallel_loop3A_888#3 {strides = array<i32>} : memref<512xi32, #tpu.memory_space<vmem>>, vector<16xi32>,
    }
    %scan3A_378 = arith.constant 16 : i32
    %add3A_379 = arith.constant 320 : i32
    %add3A_380 = arith.addi %add3A_4, %add3A_379 : i32
    %dma_start3A_381 = arith.constant 0 : i32
    %dma_start3A_382 = arith.constant 0 : i32
    %dma_start3A_383 = arith.constant 0 : i32
    %dma_start3A_384 = tpu.memref_slice %arg5[%dma_start3A_381, %dma_start3A_382, %dma_start3A_383] : memref<2x80x512xf32, #tpu.memory_space<vmem>> -> memref<1x80x512xf32, #tpu.memory_space<vmem>>
    %dma_start3A_385 = tpu.memref_squeeze %dma_start3A_384 : memref<1x80x512xf32, #tpu.memory_space<vmem>> -> memref<80x512xf32, #tpu.memory_space<vmem>>
    %dma_start3A_386 = arith.constant 0 : i32
    %dma_start3A_387 = tpu.memref_slice %arg2[%add3A_380, %dma_start3A_386] : memref<100000x512xf32, #tpu.memory_space<hbm>> -> memref<80x512xf32, #tpu.memory_space<hbm>>
    %dma_start3A_388 = arith.constant 0 : i32
    %dma_start3A_389 = arith.constant 0 : i32
    %dma_start3A_390 = tpu.memref_slice %arg5[%dma_start3A_381, %dma_start3A_388, %dma_start3A_389] : memref<2x80x512xf32, #tpu.memory_space<vmem>> -> memref<1x80x512xf32, #tpu.memory_space<vmem>>
    %dma_start3A_391 = tpu.memref_squeeze %dma_start3A_390 : memref<1x80x512xf32, #tpu.memory_space<vmem>> -> memref<80x512xf32, #tpu.memory_space<vmem>>
    %dma_start3A_392 = arith.constant 0 : i32
    %dma_start3A_393 = tpu.memref_slice %arg2[%add3A_380, %dma_start3A_392] : memref<100000x512xf32, #tpu.memory_space<hbm>> -> memref<80x512xf32, #tpu.memory_space<hbm>>
    tpu.enqueue_dma source(%dma_start3A_393 : memref<80x512xf32, #tpu.memory_space<hbm>>) target(%dma_start3A_391 : memref<80x512xf32, #tpu.memory_space<vmem>>) target_semaphore(%arg8 : memref<!tpu.dma_semaphore, #tpu.memory_space<semaphore_mem>>)
    %dma_wait3A_394 = arith.constant 1 : i32
    %dma_wait3A_395 = arith.constant 0 : i32
    %dma_wait3A_396 = arith.constant 0 : i32
    %dma_wait3A_397 = tpu.memref_slice %arg5[%dma_wait3A_394, %dma_wait3A_395, %dma_wait3A_396] : memref<2x80x512xf32, #tpu.memory_space<vmem>> -> memref<1x80x512xf32, #tpu.memory_space<vmem>>
    %dma_wait3A_398 = tpu.memref_squeeze %dma_wait3A_397 : memref<1x80x512xf32, #tpu.memory_space<vmem>> -> memref<80x512xf32, #tpu.memory_space<vmem>>
    %dma_wait3A_399 = arith.constant 0 : i32
    %dma_wait3A_400 = tpu.memref_slice %arg2[%add3A_344, %dma_wait3A_399] : memref<100000x512xf32, #tpu.memory_space<hbm>> -> memref<80x512xf32, #tpu.memory_space<hbm>>
    %dma_wait3A_401 = arith.constant 0 : i32
    %dma_wait3A_402 = arith.constant 0 : i32
    %dma_wait3A_403 = tpu.memref_slice %arg5[%dma_wait3A_394, %dma_wait3A_401, %dma_wait3A_402] : memref<2x80x512xf32, #tpu.memory_space<vmem>> -> memref<1x80x512xf32, #tpu.memory_space<vmem>>
    %dma_wait3A_404 = tpu.memref_squeeze %dma_wait3A_403 : memref<1x80x512xf32, #tpu.memory_space<vmem>> -> memref<80x512xf32, #tpu.memory_space<vmem>>
    %dma_wait3A_405 = arith.constant 0 : i32
    %dma_wait3A_406 = tpu.memref_slice %arg2[%add3A_344, %dma_wait3A_405] : memref<100000x512xf32, #tpu.memory_space<hbm>> -> memref<80x512xf32, #tpu.memory_space<hbm>>
    tpu.wait_dma2 semaphore(%arg9 : memref<!tpu.dma_semaphore, #tpu.memory_space<semaphore_mem>>) src(%dma_wait3A_406 : memref<80x512xf32, #tpu.memory_space<hbm>>) dst(%dma_wait3A_404 : memref<80x512xf32, #tpu.memory_space<vmem>>)
    %add3A_407 = arith.constant 240 : i32
    %add3A_408 = arith.addi %add3A_4, %add3A_407 : i32
    %scan3A_409 = arith.constant 0 : i32
    %scan3A_410 = arith.constant 0 : i32
    %scan3A_411 = arith.constant 16 : i32
    %scan3A_412 = arith.addi %scan3A_410, %scan3A_411 : i32
    %scan3A_413 = arith.constant 1 : i32
    scf.for %scan3A_872 = %scan3A_410 to %scan3A_412 step %scan3A_413  : i32 {
      %mul3A_873 = arith.constant 32 : i32
      %mul3A_874 = arith.muli %scan3A_872, %mul3A_873 : i32
      %get3A = arith.index_cast %mul3A_874 : i32 to index
      %get3A_875 = tpu.vector_load %arg6[%get3A] {strides = array<i32>} : memref<512xf32, #tpu.memory_space<vmem>>, vector<16xf32>,
      %get3A_876 = arith.index_cast %mul3A_874 : i32 to index
      %get3A_877 = tpu.vector_load %arg7[%get3A_876] {strides = array<i32>} : memref<512xi32, #tpu.memory_space<vmem>>, vector<16xi32>,
      %add3A_878 = arith.constant 16 : i32
      %add3A_879 = arith.addi %mul3A_874, %add3A_878 : i32
      %get3A_880 = arith.index_cast %add3A_879 : i32 to index
      %get3A_881 = tpu.vector_load %arg6[%get3A_880] {strides = array<i32>} : memref<512xf32, #tpu.memory_space<vmem>>, vector<16xf32>,
      %add3A_882 = arith.constant 16 : i32
      %add3A_883 = arith.addi %mul3A_874, %add3A_882 : i32
      %get3A_884 = arith.index_cast %add3A_883 : i32 to index
      %get3A_885 = tpu.vector_load %arg7[%get3A_884] {strides = array<i32>} : memref<512xi32, #tpu.memory_space<vmem>>, vector<16xi32>,
      %parallel_loop3A = arith.constant 0 : i32
      %parallel_loop3A_886 = arith.constant 80 : i32
      %parallel_loop3A_887 = arith.constant 1 : i32
      %parallel_loop3A_888:4 = scf.for %parallel_loop3A_901 = %parallel_loop3A to %parallel_loop3A_886 step %parallel_loop3A_887 iter_args(%parallel_loop3A_902 = %get3A_875, %parallel_loop3A_903 = %get3A_877, %parallel_loop3A_904 = %get3A_881, %parallel_loop3A_905 = %get3A_885) -> (vector<16xf32>, vector<16xi32>, vector<16xf32>, vector<16xi32>)  : i32 {
        %parallel_loop3A_906 = arith.addi %add3A_408, %parallel_loop3A_901 : i32
        %parallel_loop3A_907 = vector.broadcast %parallel_loop3A_906 : i32 to vector<16xi32>
        %parallel_loop3A_908 = arith.constant 1 : i32
        %parallel_loop3A_909 = arith.index_cast %parallel_loop3A_908 : i32 to index
        %parallel_loop3A_910 = arith.index_cast %parallel_loop3A_901 : i32 to index
        %parallel_loop3A_911 = arith.index_cast %mul3A_874 : i32 to index
        %parallel_loop3A_912 = tpu.vector_load %arg5[%parallel_loop3A_909, %parallel_loop3A_910, %parallel_loop3A_911] {strides = array<i32>} : memref<2x80x512xf32, #tpu.memory_space<vmem>>, vector<16xf32>,
        %parallel_loop3A_913 = arith.constant 16 : i32
        %parallel_loop3A_914 = arith.addi %mul3A_874, %parallel_loop3A_913 : i32
        %parallel_loop3A_915 = arith.constant 1 : i32
        %parallel_loop3A_916 = arith.index_cast %parallel_loop3A_915 : i32 to index
        %parallel_loop3A_917 = arith.index_cast %parallel_loop3A_901 : i32 to index
        %parallel_loop3A_918 = arith.index_cast %parallel_loop3A_914 : i32 to index
        %parallel_loop3A_919 = tpu.vector_load %arg5[%parallel_loop3A_916, %parallel_loop3A_917, %parallel_loop3A_918] {strides = array<i32>} : memref<2x80x512xf32, #tpu.memory_space<vmem>>, vector<16xf32>,
        %parallel_loop3A_920 = arith.cmpf ogt, %parallel_loop3A_912, %parallel_loop3A_902 : vector<16xf32>
        %parallel_loop3A_921 = arith.cmpf ogt, %parallel_loop3A_919, %parallel_loop3A_904 : vector<16xf32>
        %parallel_loop3A_922 = arith.select %parallel_loop3A_920, %parallel_loop3A_912, %parallel_loop3A_902 : vector<16xi1>, vector<16xf32>
        %parallel_loop3A_923 = arith.select %parallel_loop3A_920, %parallel_loop3A_907, %parallel_loop3A_903 : vector<16xi1>, vector<16xi32>
        %parallel_loop3A_924 = arith.select %parallel_loop3A_921, %parallel_loop3A_919, %parallel_loop3A_904 : vector<16xi1>, vector<16xf32>
        %parallel_loop3A_925 = arith.select %parallel_loop3A_921, %parallel_loop3A_907, %parallel_loop3A_905 : vector<16xi1>, vector<16xi32>
        scf.yield %parallel_loop3A_922, %parallel_loop3A_923, %parallel_loop3A_924, %parallel_loop3A_925 : vector<16xf32>, vector<16xi32>, vector<16xf32>, vector<16xi32>
      } {sc.loop_unroll_factor = 2 : i64, sc.parallel_access}
      %swap3A_889 = arith.index_cast %mul3A_874 : i32 to index
      %swap3A_890 = tpu.vector_load %arg6[%swap3A_889] {strides = array<i32>} : memref<512xf32, #tpu.memory_space<vmem>>, vector<16xf32>,
      tpu.vector_store %arg6[%swap3A_889], %parallel_loop3A_888#0 {strides = array<i32>} : memref<512xf32, #tpu.memory_space<vmem>>, vector<16xf32>,
      %swap3A_891 = arith.index_cast %mul3A_874 : i32 to index
      %swap3A_892 = tpu.vector_load %arg7[%swap3A_891] {strides = array<i32>} : memref<512xi32, #tpu.memory_space<vmem>>, vector<16xi32>,
      tpu.vector_store %arg7[%swap3A_891], %parallel_loop3A_888#1 {strides = array<i32>} : memref<512xi32, #tpu.memory_space<vmem>>, vector<16xi32>,
      %add3A_893 = arith.constant 16 : i32
      %add3A_894 = arith.addi %mul3A_874, %add3A_893 : i32
      %swap3A_895 = arith.index_cast %add3A_894 : i32 to index
      %swap3A_896 = tpu.vector_load %arg6[%swap3A_895] {strides = array<i32>} : memref<512xf32, #tpu.memory_space<vmem>>, vector<16xf32>,
      tpu.vector_store %arg6[%swap3A_895], %parallel_loop3A_888#2 {strides = array<i32>} : memref<512xf32, #tpu.memory_space<vmem>>, vector<16xf32>,
      %add3A_897 = arith.constant 16 : i32
      %add3A_898 = arith.addi %mul3A_874, %add3A_897 : i32
      %swap3A_899 = arith.index_cast %add3A_898 : i32 to index
      %swap3A_900 = tpu.vector_load %arg7[%swap3A_899] {strides = array<i32>} : memref<512xi32, #tpu.memory_space<vmem>>, vector<16xi32>,
      tpu.vector_store %arg7[%swap3A_899], %parallel_loop3A_888#3 {strides = array<i32>} : memref<512xi32, #tpu.memory_space<vmem>>, vector<16xi32>,
    }
    %scan3A_414 = arith.constant 16 : i32
    %add3A_415 = arith.constant 400 : i32
    %add3A_416 = arith.addi %add3A_4, %add3A_415 : i32
    %dma_start3A_417 = arith.constant 1 : i32
    %dma_start3A_418 = arith.constant 0 : i32
    %dma_start3A_419 = arith.constant 0 : i32
    %dma_start3A_420 = tpu.memref_slice %arg5[%dma_start3A_417, %dma_start3A_418, %dma_start3A_419] : memref<2x80x512xf32, #tpu.memory_space<vmem>> -> memref<1x80x512xf32, #tpu.memory_space<vmem>>
    %dma_start3A_421 = tpu.memref_squeeze %dma_start3A_420 : memref<1x80x512xf32, #tpu.memory_space<vmem>> -> memref<80x512xf32, #tpu.memory_space<vmem>>
    %dma_start3A_422 = arith.constant 0 : i32
    %dma_start3A_423 = tpu.memref_slice %arg2[%add3A_416, %dma_start3A_422] : memref<100000x512xf32, #tpu.memory_space<hbm>> -> memref<80x512xf32, #tpu.memory_space<hbm>>
    %dma_start3A_424 = arith.constant 0 : i32
    %dma_start3A_425 = arith.constant 0 : i32
    %dma_start3A_426 = tpu.memref_slice %arg5[%dma_start3A_417, %dma_start3A_424, %dma_start3A_425] : memref<2x80x512xf32, #tpu.memory_space<vmem>> -> memref<1x80x512xf32, #tpu.memory_space<vmem>>
    %dma_start3A_427 = tpu.memref_squeeze %dma_start3A_426 : memref<1x80x512xf32, #tpu.memory_space<vmem>> -> memref<80x512xf32, #tpu.memory_space<vmem>>
    %dma_start3A_428 = arith.constant 0 : i32
    %dma_start3A_429 = tpu.memref_slice %arg2[%add3A_416, %dma_start3A_428] : memref<100000x512xf32, #tpu.memory_space<hbm>> -> memref<80x512xf32, #tpu.memory_space<hbm>>
    tpu.enqueue_dma source(%dma_start3A_429 : memref<80x512xf32, #tpu.memory_space<hbm>>) target(%dma_start3A_427 : memref<80x512xf32, #tpu.memory_space<vmem>>) target_semaphore(%arg9 : memref<!tpu.dma_semaphore, #tpu.memory_space<semaphore_mem>>)
    %dma_wait3A_430 = arith.constant 0 : i32
    %dma_wait3A_431 = arith.constant 0 : i32
    %dma_wait3A_432 = arith.constant 0 : i32
    %dma_wait3A_433 = tpu.memref_slice %arg5[%dma_wait3A_430, %dma_wait3A_431, %dma_wait3A_432] : memref<2x80x512xf32, #tpu.memory_space<vmem>> -> memref<1x80x512xf32, #tpu.memory_space<vmem>>
    %dma_wait3A_434 = tpu.memref_squeeze %dma_wait3A_433 : memref<1x80x512xf32, #tpu.memory_space<vmem>> -> memref<80x512xf32, #tpu.memory_space<vmem>>
    %dma_wait3A_435 = arith.constant 0 : i32
    %dma_wait3A_436 = tpu.memref_slice %arg2[%add3A_380, %dma_wait3A_435] : memref<100000x512xf32, #tpu.memory_space<hbm>> -> memref<80x512xf32, #tpu.memory_space<hbm>>
    %dma_wait3A_437 = arith.constant 0 : i32
    %dma_wait3A_438 = arith.constant 0 : i32
    %dma_wait3A_439 = tpu.memref_slice %arg5[%dma_wait3A_430, %dma_wait3A_437, %dma_wait3A_438] : memref<2x80x512xf32, #tpu.memory_space<vmem>> -> memref<1x80x512xf32, #tpu.memory_space<vmem>>
    %dma_wait3A_440 = tpu.memref_squeeze %dma_wait3A_439 : memref<1x80x512xf32, #tpu.memory_space<vmem>> -> memref<80x512xf32, #tpu.memory_space<vmem>>
    %dma_wait3A_441 = arith.constant 0 : i32
    %dma_wait3A_442 = tpu.memref_slice %arg2[%add3A_380, %dma_wait3A_441] : memref<100000x512xf32, #tpu.memory_space<hbm>> -> memref<80x512xf32, #tpu.memory_space<hbm>>
    tpu.wait_dma2 semaphore(%arg8 : memref<!tpu.dma_semaphore, #tpu.memory_space<semaphore_mem>>) src(%dma_wait3A_442 : memref<80x512xf32, #tpu.memory_space<hbm>>) dst(%dma_wait3A_440 : memref<80x512xf32, #tpu.memory_space<vmem>>)
    %add3A_443 = arith.constant 320 : i32
    %add3A_444 = arith.addi %add3A_4, %add3A_443 : i32
    %scan3A_445 = arith.constant 0 : i32
    %scan3A_446 = arith.constant 0 : i32
    %scan3A_447 = arith.constant 16 : i32
    %scan3A_448 = arith.addi %scan3A_446, %scan3A_447 : i32
    %scan3A_449 = arith.constant 1 : i32
    scf.for %scan3A_872 = %scan3A_446 to %scan3A_448 step %scan3A_449  : i32 {
      %mul3A_873 = arith.constant 32 : i32
      %mul3A_874 = arith.muli %scan3A_872, %mul3A_873 : i32
      %get3A = arith.index_cast %mul3A_874 : i32 to index
      %get3A_875 = tpu.vector_load %arg6[%get3A] {strides = array<i32>} : memref<512xf32, #tpu.memory_space<vmem>>, vector<16xf32>,
      %get3A_876 = arith.index_cast %mul3A_874 : i32 to index
      %get3A_877 = tpu.vector_load %arg7[%get3A_876] {strides = array<i32>} : memref<512xi32, #tpu.memory_space<vmem>>, vector<16xi32>,
      %add3A_878 = arith.constant 16 : i32
      %add3A_879 = arith.addi %mul3A_874, %add3A_878 : i32
      %get3A_880 = arith.index_cast %add3A_879 : i32 to index
      %get3A_881 = tpu.vector_load %arg6[%get3A_880] {strides = array<i32>} : memref<512xf32, #tpu.memory_space<vmem>>, vector<16xf32>,
      %add3A_882 = arith.constant 16 : i32
      %add3A_883 = arith.addi %mul3A_874, %add3A_882 : i32
      %get3A_884 = arith.index_cast %add3A_883 : i32 to index
      %get3A_885 = tpu.vector_load %arg7[%get3A_884] {strides = array<i32>} : memref<512xi32, #tpu.memory_space<vmem>>, vector<16xi32>,
      %parallel_loop3A = arith.constant 0 : i32
      %parallel_loop3A_886 = arith.constant 80 : i32
      %parallel_loop3A_887 = arith.constant 1 : i32
      %parallel_loop3A_888:4 = scf.for %parallel_loop3A_901 = %parallel_loop3A to %parallel_loop3A_886 step %parallel_loop3A_887 iter_args(%parallel_loop3A_902 = %get3A_875, %parallel_loop3A_903 = %get3A_877, %parallel_loop3A_904 = %get3A_881, %parallel_loop3A_905 = %get3A_885) -> (vector<16xf32>, vector<16xi32>, vector<16xf32>, vector<16xi32>)  : i32 {
        %parallel_loop3A_906 = arith.addi %add3A_444, %parallel_loop3A_901 : i32
        %parallel_loop3A_907 = vector.broadcast %parallel_loop3A_906 : i32 to vector<16xi32>
        %parallel_loop3A_908 = arith.constant 0 : i32
        %parallel_loop3A_909 = arith.index_cast %parallel_loop3A_908 : i32 to index
        %parallel_loop3A_910 = arith.index_cast %parallel_loop3A_901 : i32 to index
        %parallel_loop3A_911 = arith.index_cast %mul3A_874 : i32 to index
        %parallel_loop3A_912 = tpu.vector_load %arg5[%parallel_loop3A_909, %parallel_loop3A_910, %parallel_loop3A_911] {strides = array<i32>} : memref<2x80x512xf32, #tpu.memory_space<vmem>>, vector<16xf32>,
        %parallel_loop3A_913 = arith.constant 16 : i32
        %parallel_loop3A_914 = arith.addi %mul3A_874, %parallel_loop3A_913 : i32
        %parallel_loop3A_915 = arith.constant 0 : i32
        %parallel_loop3A_916 = arith.index_cast %parallel_loop3A_915 : i32 to index
        %parallel_loop3A_917 = arith.index_cast %parallel_loop3A_901 : i32 to index
        %parallel_loop3A_918 = arith.index_cast %parallel_loop3A_914 : i32 to index
        %parallel_loop3A_919 = tpu.vector_load %arg5[%parallel_loop3A_916, %parallel_loop3A_917, %parallel_loop3A_918] {strides = array<i32>} : memref<2x80x512xf32, #tpu.memory_space<vmem>>, vector<16xf32>,
        %parallel_loop3A_920 = arith.cmpf ogt, %parallel_loop3A_912, %parallel_loop3A_902 : vector<16xf32>
        %parallel_loop3A_921 = arith.cmpf ogt, %parallel_loop3A_919, %parallel_loop3A_904 : vector<16xf32>
        %parallel_loop3A_922 = arith.select %parallel_loop3A_920, %parallel_loop3A_912, %parallel_loop3A_902 : vector<16xi1>, vector<16xf32>
        %parallel_loop3A_923 = arith.select %parallel_loop3A_920, %parallel_loop3A_907, %parallel_loop3A_903 : vector<16xi1>, vector<16xi32>
        %parallel_loop3A_924 = arith.select %parallel_loop3A_921, %parallel_loop3A_919, %parallel_loop3A_904 : vector<16xi1>, vector<16xf32>
        %parallel_loop3A_925 = arith.select %parallel_loop3A_921, %parallel_loop3A_907, %parallel_loop3A_905 : vector<16xi1>, vector<16xi32>
        scf.yield %parallel_loop3A_922, %parallel_loop3A_923, %parallel_loop3A_924, %parallel_loop3A_925 : vector<16xf32>, vector<16xi32>, vector<16xf32>, vector<16xi32>
      } {sc.loop_unroll_factor = 2 : i64, sc.parallel_access}
      %swap3A_889 = arith.index_cast %mul3A_874 : i32 to index
      %swap3A_890 = tpu.vector_load %arg6[%swap3A_889] {strides = array<i32>} : memref<512xf32, #tpu.memory_space<vmem>>, vector<16xf32>,
      tpu.vector_store %arg6[%swap3A_889], %parallel_loop3A_888#0 {strides = array<i32>} : memref<512xf32, #tpu.memory_space<vmem>>, vector<16xf32>,
      %swap3A_891 = arith.index_cast %mul3A_874 : i32 to index
      %swap3A_892 = tpu.vector_load %arg7[%swap3A_891] {strides = array<i32>} : memref<512xi32, #tpu.memory_space<vmem>>, vector<16xi32>,
      tpu.vector_store %arg7[%swap3A_891], %parallel_loop3A_888#1 {strides = array<i32>} : memref<512xi32, #tpu.memory_space<vmem>>, vector<16xi32>,
      %add3A_893 = arith.constant 16 : i32
      %add3A_894 = arith.addi %mul3A_874, %add3A_893 : i32
      %swap3A_895 = arith.index_cast %add3A_894 : i32 to index
      %swap3A_896 = tpu.vector_load %arg6[%swap3A_895] {strides = array<i32>} : memref<512xf32, #tpu.memory_space<vmem>>, vector<16xf32>,
      tpu.vector_store %arg6[%swap3A_895], %parallel_loop3A_888#2 {strides = array<i32>} : memref<512xf32, #tpu.memory_space<vmem>>, vector<16xf32>,
      %add3A_897 = arith.constant 16 : i32
      %add3A_898 = arith.addi %mul3A_874, %add3A_897 : i32
      %swap3A_899 = arith.index_cast %add3A_898 : i32 to index
      %swap3A_900 = tpu.vector_load %arg7[%swap3A_899] {strides = array<i32>} : memref<512xi32, #tpu.memory_space<vmem>>, vector<16xi32>,
      tpu.vector_store %arg7[%swap3A_899], %parallel_loop3A_888#3 {strides = array<i32>} : memref<512xi32, #tpu.memory_space<vmem>>, vector<16xi32>,
    }
    %scan3A_450 = arith.constant 16 : i32
    %add3A_451 = arith.constant 480 : i32
    %add3A_452 = arith.addi %add3A_4, %add3A_451 : i32
    %dma_start3A_453 = arith.constant 0 : i32
    %dma_start3A_454 = arith.constant 0 : i32
    %dma_start3A_455 = arith.constant 0 : i32
    %dma_start3A_456 = tpu.memref_slice %arg5[%dma_start3A_453, %dma_start3A_454, %dma_start3A_455] : memref<2x80x512xf32, #tpu.memory_space<vmem>> -> memref<1x80x512xf32, #tpu.memory_space<vmem>>
    %dma_start3A_457 = tpu.memref_squeeze %dma_start3A_456 : memref<1x80x512xf32, #tpu.memory_space<vmem>> -> memref<80x512xf32, #tpu.memory_space<vmem>>
    %dma_start3A_458 = arith.constant 0 : i32
    %dma_start3A_459 = tpu.memref_slice %arg2[%add3A_452, %dma_start3A_458] : memref<100000x512xf32, #tpu.memory_space<hbm>> -> memref<80x512xf32, #tpu.memory_space<hbm>>
    %dma_start3A_460 = arith.constant 0 : i32
    %dma_start3A_461 = arith.constant 0 : i32
    %dma_start3A_462 = tpu.memref_slice %arg5[%dma_start3A_453, %dma_start3A_460, %dma_start3A_461] : memref<2x80x512xf32, #tpu.memory_space<vmem>> -> memref<1x80x512xf32, #tpu.memory_space<vmem>>
    %dma_start3A_463 = tpu.memref_squeeze %dma_start3A_462 : memref<1x80x512xf32, #tpu.memory_space<vmem>> -> memref<80x512xf32, #tpu.memory_space<vmem>>
    %dma_start3A_464 = arith.constant 0 : i32
    %dma_start3A_465 = tpu.memref_slice %arg2[%add3A_452, %dma_start3A_464] : memref<100000x512xf32, #tpu.memory_space<hbm>> -> memref<80x512xf32, #tpu.memory_space<hbm>>
    tpu.enqueue_dma source(%dma_start3A_465 : memref<80x512xf32, #tpu.memory_space<hbm>>) target(%dma_start3A_463 : memref<80x512xf32, #tpu.memory_space<vmem>>) target_semaphore(%arg8 : memref<!tpu.dma_semaphore, #tpu.memory_space<semaphore_mem>>)
    %dma_wait3A_466 = arith.constant 1 : i32
    %dma_wait3A_467 = arith.constant 0 : i32
    %dma_wait3A_468 = arith.constant 0 : i32
    %dma_wait3A_469 = tpu.memref_slice %arg5[%dma_wait3A_466, %dma_wait3A_467, %dma_wait3A_468] : memref<2x80x512xf32, #tpu.memory_space<vmem>> -> memref<1x80x512xf32, #tpu.memory_space<vmem>>
    %dma_wait3A_470 = tpu.memref_squeeze %dma_wait3A_469 : memref<1x80x512xf32, #tpu.memory_space<vmem>> -> memref<80x512xf32, #tpu.memory_space<vmem>>
    %dma_wait3A_471 = arith.constant 0 : i32
    %dma_wait3A_472 = tpu.memref_slice %arg2[%add3A_416, %dma_wait3A_471] : memref<100000x512xf32, #tpu.memory_space<hbm>> -> memref<80x512xf32, #tpu.memory_space<hbm>>
    %dma_wait3A_473 = arith.constant 0 : i32
    %dma_wait3A_474 = arith.constant 0 : i32
    %dma_wait3A_475 = tpu.memref_slice %arg5[%dma_wait3A_466, %dma_wait3A_473, %dma_wait3A_474] : memref<2x80x512xf32, #tpu.memory_space<vmem>> -> memref<1x80x512xf32, #tpu.memory_space<vmem>>
    %dma_wait3A_476 = tpu.memref_squeeze %dma_wait3A_475 : memref<1x80x512xf32, #tpu.memory_space<vmem>> -> memref<80x512xf32, #tpu.memory_space<vmem>>
    %dma_wait3A_477 = arith.constant 0 : i32
    %dma_wait3A_478 = tpu.memref_slice %arg2[%add3A_416, %dma_wait3A_477] : memref<100000x512xf32, #tpu.memory_space<hbm>> -> memref<80x512xf32, #tpu.memory_space<hbm>>
    tpu.wait_dma2 semaphore(%arg9 : memref<!tpu.dma_semaphore, #tpu.memory_space<semaphore_mem>>) src(%dma_wait3A_478 : memref<80x512xf32, #tpu.memory_space<hbm>>) dst(%dma_wait3A_476 : memref<80x512xf32, #tpu.memory_space<vmem>>)
    %add3A_479 = arith.constant 400 : i32
    %add3A_480 = arith.addi %add3A_4, %add3A_479 : i32
    %scan3A_481 = arith.constant 0 : i32
    %scan3A_482 = arith.constant 0 : i32
    %scan3A_483 = arith.constant 16 : i32
    %scan3A_484 = arith.addi %scan3A_482, %scan3A_483 : i32
    %scan3A_485 = arith.constant 1 : i32
    scf.for %scan3A_872 = %scan3A_482 to %scan3A_484 step %scan3A_485  : i32 {
      %mul3A_873 = arith.constant 32 : i32
      %mul3A_874 = arith.muli %scan3A_872, %mul3A_873 : i32
      %get3A = arith.index_cast %mul3A_874 : i32 to index
      %get3A_875 = tpu.vector_load %arg6[%get3A] {strides = array<i32>} : memref<512xf32, #tpu.memory_space<vmem>>, vector<16xf32>,
      %get3A_876 = arith.index_cast %mul3A_874 : i32 to index
      %get3A_877 = tpu.vector_load %arg7[%get3A_876] {strides = array<i32>} : memref<512xi32, #tpu.memory_space<vmem>>, vector<16xi32>,
      %add3A_878 = arith.constant 16 : i32
      %add3A_879 = arith.addi %mul3A_874, %add3A_878 : i32
      %get3A_880 = arith.index_cast %add3A_879 : i32 to index
      %get3A_881 = tpu.vector_load %arg6[%get3A_880] {strides = array<i32>} : memref<512xf32, #tpu.memory_space<vmem>>, vector<16xf32>,
      %add3A_882 = arith.constant 16 : i32
      %add3A_883 = arith.addi %mul3A_874, %add3A_882 : i32
      %get3A_884 = arith.index_cast %add3A_883 : i32 to index
      %get3A_885 = tpu.vector_load %arg7[%get3A_884] {strides = array<i32>} : memref<512xi32, #tpu.memory_space<vmem>>, vector<16xi32>,
      %parallel_loop3A = arith.constant 0 : i32
      %parallel_loop3A_886 = arith.constant 80 : i32
      %parallel_loop3A_887 = arith.constant 1 : i32
      %parallel_loop3A_888:4 = scf.for %parallel_loop3A_901 = %parallel_loop3A to %parallel_loop3A_886 step %parallel_loop3A_887 iter_args(%parallel_loop3A_902 = %get3A_875, %parallel_loop3A_903 = %get3A_877, %parallel_loop3A_904 = %get3A_881, %parallel_loop3A_905 = %get3A_885) -> (vector<16xf32>, vector<16xi32>, vector<16xf32>, vector<16xi32>)  : i32 {
        %parallel_loop3A_906 = arith.addi %add3A_480, %parallel_loop3A_901 : i32
        %parallel_loop3A_907 = vector.broadcast %parallel_loop3A_906 : i32 to vector<16xi32>
        %parallel_loop3A_908 = arith.constant 1 : i32
        %parallel_loop3A_909 = arith.index_cast %parallel_loop3A_908 : i32 to index
        %parallel_loop3A_910 = arith.index_cast %parallel_loop3A_901 : i32 to index
        %parallel_loop3A_911 = arith.index_cast %mul3A_874 : i32 to index
        %parallel_loop3A_912 = tpu.vector_load %arg5[%parallel_loop3A_909, %parallel_loop3A_910, %parallel_loop3A_911] {strides = array<i32>} : memref<2x80x512xf32, #tpu.memory_space<vmem>>, vector<16xf32>,
        %parallel_loop3A_913 = arith.constant 16 : i32
        %parallel_loop3A_914 = arith.addi %mul3A_874, %parallel_loop3A_913 : i32
        %parallel_loop3A_915 = arith.constant 1 : i32
        %parallel_loop3A_916 = arith.index_cast %parallel_loop3A_915 : i32 to index
        %parallel_loop3A_917 = arith.index_cast %parallel_loop3A_901 : i32 to index
        %parallel_loop3A_918 = arith.index_cast %parallel_loop3A_914 : i32 to index
        %parallel_loop3A_919 = tpu.vector_load %arg5[%parallel_loop3A_916, %parallel_loop3A_917, %parallel_loop3A_918] {strides = array<i32>} : memref<2x80x512xf32, #tpu.memory_space<vmem>>, vector<16xf32>,
        %parallel_loop3A_920 = arith.cmpf ogt, %parallel_loop3A_912, %parallel_loop3A_902 : vector<16xf32>
        %parallel_loop3A_921 = arith.cmpf ogt, %parallel_loop3A_919, %parallel_loop3A_904 : vector<16xf32>
        %parallel_loop3A_922 = arith.select %parallel_loop3A_920, %parallel_loop3A_912, %parallel_loop3A_902 : vector<16xi1>, vector<16xf32>
        %parallel_loop3A_923 = arith.select %parallel_loop3A_920, %parallel_loop3A_907, %parallel_loop3A_903 : vector<16xi1>, vector<16xi32>
        %parallel_loop3A_924 = arith.select %parallel_loop3A_921, %parallel_loop3A_919, %parallel_loop3A_904 : vector<16xi1>, vector<16xf32>
        %parallel_loop3A_925 = arith.select %parallel_loop3A_921, %parallel_loop3A_907, %parallel_loop3A_905 : vector<16xi1>, vector<16xi32>
        scf.yield %parallel_loop3A_922, %parallel_loop3A_923, %parallel_loop3A_924, %parallel_loop3A_925 : vector<16xf32>, vector<16xi32>, vector<16xf32>, vector<16xi32>
      } {sc.loop_unroll_factor = 2 : i64, sc.parallel_access}
      %swap3A_889 = arith.index_cast %mul3A_874 : i32 to index
      %swap3A_890 = tpu.vector_load %arg6[%swap3A_889] {strides = array<i32>} : memref<512xf32, #tpu.memory_space<vmem>>, vector<16xf32>,
      tpu.vector_store %arg6[%swap3A_889], %parallel_loop3A_888#0 {strides = array<i32>} : memref<512xf32, #tpu.memory_space<vmem>>, vector<16xf32>,
      %swap3A_891 = arith.index_cast %mul3A_874 : i32 to index
      %swap3A_892 = tpu.vector_load %arg7[%swap3A_891] {strides = array<i32>} : memref<512xi32, #tpu.memory_space<vmem>>, vector<16xi32>,
      tpu.vector_store %arg7[%swap3A_891], %parallel_loop3A_888#1 {strides = array<i32>} : memref<512xi32, #tpu.memory_space<vmem>>, vector<16xi32>,
      %add3A_893 = arith.constant 16 : i32
      %add3A_894 = arith.addi %mul3A_874, %add3A_893 : i32
      %swap3A_895 = arith.index_cast %add3A_894 : i32 to index
      %swap3A_896 = tpu.vector_load %arg6[%swap3A_895] {strides = array<i32>} : memref<512xf32, #tpu.memory_space<vmem>>, vector<16xf32>,
      tpu.vector_store %arg6[%swap3A_895], %parallel_loop3A_888#2 {strides = array<i32>} : memref<512xf32, #tpu.memory_space<vmem>>, vector<16xf32>,
      %add3A_897 = arith.constant 16 : i32
      %add3A_898 = arith.addi %mul3A_874, %add3A_897 : i32
      %swap3A_899 = arith.index_cast %add3A_898 : i32 to index
      %swap3A_900 = tpu.vector_load %arg7[%swap3A_899] {strides = array<i32>} : memref<512xi32, #tpu.memory_space<vmem>>, vector<16xi32>,
      tpu.vector_store %arg7[%swap3A_899], %parallel_loop3A_888#3 {strides = array<i32>} : memref<512xi32, #tpu.memory_space<vmem>>, vector<16xi32>,
    }
    %scan3A_486 = arith.constant 16 : i32
    %add3A_487 = arith.constant 560 : i32
    %add3A_488 = arith.addi %add3A_4, %add3A_487 : i32
    %dma_start3A_489 = arith.constant 1 : i32
    %dma_start3A_490 = arith.constant 0 : i32
    %dma_start3A_491 = arith.constant 0 : i32
    %dma_start3A_492 = tpu.memref_slice %arg5[%dma_start3A_489, %dma_start3A_490, %dma_start3A_491] : memref<2x80x512xf32, #tpu.memory_space<vmem>> -> memref<1x80x512xf32, #tpu.memory_space<vmem>>
    %dma_start3A_493 = tpu.memref_squeeze %dma_start3A_492 : memref<1x80x512xf32, #tpu.memory_space<vmem>> -> memref<80x512xf32, #tpu.memory_space<vmem>>
    %dma_start3A_494 = arith.constant 0 : i32
    %dma_start3A_495 = tpu.memref_slice %arg2[%add3A_488, %dma_start3A_494] : memref<100000x512xf32, #tpu.memory_space<hbm>> -> memref<80x512xf32, #tpu.memory_space<hbm>>
    %dma_start3A_496 = arith.constant 0 : i32
    %dma_start3A_497 = arith.constant 0 : i32
    %dma_start3A_498 = tpu.memref_slice %arg5[%dma_start3A_489, %dma_start3A_496, %dma_start3A_497] : memref<2x80x512xf32, #tpu.memory_space<vmem>> -> memref<1x80x512xf32, #tpu.memory_space<vmem>>
    %dma_start3A_499 = tpu.memref_squeeze %dma_start3A_498 : memref<1x80x512xf32, #tpu.memory_space<vmem>> -> memref<80x512xf32, #tpu.memory_space<vmem>>
    %dma_start3A_500 = arith.constant 0 : i32
    %dma_start3A_501 = tpu.memref_slice %arg2[%add3A_488, %dma_start3A_500] : memref<100000x512xf32, #tpu.memory_space<hbm>> -> memref<80x512xf32, #tpu.memory_space<hbm>>
    tpu.enqueue_dma source(%dma_start3A_501 : memref<80x512xf32, #tpu.memory_space<hbm>>) target(%dma_start3A_499 : memref<80x512xf32, #tpu.memory_space<vmem>>) target_semaphore(%arg9 : memref<!tpu.dma_semaphore, #tpu.memory_space<semaphore_mem>>)
    %dma_wait3A_502 = arith.constant 0 : i32
    %dma_wait3A_503 = arith.constant 0 : i32
    %dma_wait3A_504 = arith.constant 0 : i32
    %dma_wait3A_505 = tpu.memref_slice %arg5[%dma_wait3A_502, %dma_wait3A_503, %dma_wait3A_504] : memref<2x80x512xf32, #tpu.memory_space<vmem>> -> memref<1x80x512xf32, #tpu.memory_space<vmem>>
    %dma_wait3A_506 = tpu.memref_squeeze %dma_wait3A_505 : memref<1x80x512xf32, #tpu.memory_space<vmem>> -> memref<80x512xf32, #tpu.memory_space<vmem>>
    %dma_wait3A_507 = arith.constant 0 : i32
    %dma_wait3A_508 = tpu.memref_slice %arg2[%add3A_452, %dma_wait3A_507] : memref<100000x512xf32, #tpu.memory_space<hbm>> -> memref<80x512xf32, #tpu.memory_space<hbm>>
    %dma_wait3A_509 = arith.constant 0 : i32
    %dma_wait3A_510 = arith.constant 0 : i32
    %dma_wait3A_511 = tpu.memref_slice %arg5[%dma_wait3A_502, %dma_wait3A_509, %dma_wait3A_510] : memref<2x80x512xf32, #tpu.memory_space<vmem>> -> memref<1x80x512xf32, #tpu.memory_space<vmem>>
    %dma_wait3A_512 = tpu.memref_squeeze %dma_wait3A_511 : memref<1x80x512xf32, #tpu.memory_space<vmem>> -> memref<80x512xf32, #tpu.memory_space<vmem>>
    %dma_wait3A_513 = arith.constant 0 : i32
    %dma_wait3A_514 = tpu.memref_slice %arg2[%add3A_452, %dma_wait3A_513] : memref<100000x512xf32, #tpu.memory_space<hbm>> -> memref<80x512xf32, #tpu.memory_space<hbm>>
    tpu.wait_dma2 semaphore(%arg8 : memref<!tpu.dma_semaphore, #tpu.memory_space<semaphore_mem>>) src(%dma_wait3A_514 : memref<80x512xf32, #tpu.memory_space<hbm>>) dst(%dma_wait3A_512 : memref<80x512xf32, #tpu.memory_space<vmem>>)
    %add3A_515 = arith.constant 480 : i32
    %add3A_516 = arith.addi %add3A_4, %add3A_515 : i32
    %scan3A_517 = arith.constant 0 : i32
    %scan3A_518 = arith.constant 0 : i32
    %scan3A_519 = arith.constant 16 : i32
    %scan3A_520 = arith.addi %scan3A_518, %scan3A_519 : i32
    %scan3A_521 = arith.constant 1 : i32
    scf.for %scan3A_872 = %scan3A_518 to %scan3A_520 step %scan3A_521  : i32 {
      %mul3A_873 = arith.constant 32 : i32
      %mul3A_874 = arith.muli %scan3A_872, %mul3A_873 : i32
      %get3A = arith.index_cast %mul3A_874 : i32 to index
      %get3A_875 = tpu.vector_load %arg6[%get3A] {strides = array<i32>} : memref<512xf32, #tpu.memory_space<vmem>>, vector<16xf32>,
      %get3A_876 = arith.index_cast %mul3A_874 : i32 to index
      %get3A_877 = tpu.vector_load %arg7[%get3A_876] {strides = array<i32>} : memref<512xi32, #tpu.memory_space<vmem>>, vector<16xi32>,
      %add3A_878 = arith.constant 16 : i32
      %add3A_879 = arith.addi %mul3A_874, %add3A_878 : i32
      %get3A_880 = arith.index_cast %add3A_879 : i32 to index
      %get3A_881 = tpu.vector_load %arg6[%get3A_880] {strides = array<i32>} : memref<512xf32, #tpu.memory_space<vmem>>, vector<16xf32>,
      %add3A_882 = arith.constant 16 : i32
      %add3A_883 = arith.addi %mul3A_874, %add3A_882 : i32
      %get3A_884 = arith.index_cast %add3A_883 : i32 to index
      %get3A_885 = tpu.vector_load %arg7[%get3A_884] {strides = array<i32>} : memref<512xi32, #tpu.memory_space<vmem>>, vector<16xi32>,
      %parallel_loop3A = arith.constant 0 : i32
      %parallel_loop3A_886 = arith.constant 80 : i32
      %parallel_loop3A_887 = arith.constant 1 : i32
      %parallel_loop3A_888:4 = scf.for %parallel_loop3A_901 = %parallel_loop3A to %parallel_loop3A_886 step %parallel_loop3A_887 iter_args(%parallel_loop3A_902 = %get3A_875, %parallel_loop3A_903 = %get3A_877, %parallel_loop3A_904 = %get3A_881, %parallel_loop3A_905 = %get3A_885) -> (vector<16xf32>, vector<16xi32>, vector<16xf32>, vector<16xi32>)  : i32 {
        %parallel_loop3A_906 = arith.addi %add3A_516, %parallel_loop3A_901 : i32
        %parallel_loop3A_907 = vector.broadcast %parallel_loop3A_906 : i32 to vector<16xi32>
        %parallel_loop3A_908 = arith.constant 0 : i32
        %parallel_loop3A_909 = arith.index_cast %parallel_loop3A_908 : i32 to index
        %parallel_loop3A_910 = arith.index_cast %parallel_loop3A_901 : i32 to index
        %parallel_loop3A_911 = arith.index_cast %mul3A_874 : i32 to index
        %parallel_loop3A_912 = tpu.vector_load %arg5[%parallel_loop3A_909, %parallel_loop3A_910, %parallel_loop3A_911] {strides = array<i32>} : memref<2x80x512xf32, #tpu.memory_space<vmem>>, vector<16xf32>,
        %parallel_loop3A_913 = arith.constant 16 : i32
        %parallel_loop3A_914 = arith.addi %mul3A_874, %parallel_loop3A_913 : i32
        %parallel_loop3A_915 = arith.constant 0 : i32
        %parallel_loop3A_916 = arith.index_cast %parallel_loop3A_915 : i32 to index
        %parallel_loop3A_917 = arith.index_cast %parallel_loop3A_901 : i32 to index
        %parallel_loop3A_918 = arith.index_cast %parallel_loop3A_914 : i32 to index
        %parallel_loop3A_919 = tpu.vector_load %arg5[%parallel_loop3A_916, %parallel_loop3A_917, %parallel_loop3A_918] {strides = array<i32>} : memref<2x80x512xf32, #tpu.memory_space<vmem>>, vector<16xf32>,
        %parallel_loop3A_920 = arith.cmpf ogt, %parallel_loop3A_912, %parallel_loop3A_902 : vector<16xf32>
        %parallel_loop3A_921 = arith.cmpf ogt, %parallel_loop3A_919, %parallel_loop3A_904 : vector<16xf32>
        %parallel_loop3A_922 = arith.select %parallel_loop3A_920, %parallel_loop3A_912, %parallel_loop3A_902 : vector<16xi1>, vector<16xf32>
        %parallel_loop3A_923 = arith.select %parallel_loop3A_920, %parallel_loop3A_907, %parallel_loop3A_903 : vector<16xi1>, vector<16xi32>
        %parallel_loop3A_924 = arith.select %parallel_loop3A_921, %parallel_loop3A_919, %parallel_loop3A_904 : vector<16xi1>, vector<16xf32>
        %parallel_loop3A_925 = arith.select %parallel_loop3A_921, %parallel_loop3A_907, %parallel_loop3A_905 : vector<16xi1>, vector<16xi32>
        scf.yield %parallel_loop3A_922, %parallel_loop3A_923, %parallel_loop3A_924, %parallel_loop3A_925 : vector<16xf32>, vector<16xi32>, vector<16xf32>, vector<16xi32>
      } {sc.loop_unroll_factor = 2 : i64, sc.parallel_access}
      %swap3A_889 = arith.index_cast %mul3A_874 : i32 to index
      %swap3A_890 = tpu.vector_load %arg6[%swap3A_889] {strides = array<i32>} : memref<512xf32, #tpu.memory_space<vmem>>, vector<16xf32>,
      tpu.vector_store %arg6[%swap3A_889], %parallel_loop3A_888#0 {strides = array<i32>} : memref<512xf32, #tpu.memory_space<vmem>>, vector<16xf32>,
      %swap3A_891 = arith.index_cast %mul3A_874 : i32 to index
      %swap3A_892 = tpu.vector_load %arg7[%swap3A_891] {strides = array<i32>} : memref<512xi32, #tpu.memory_space<vmem>>, vector<16xi32>,
      tpu.vector_store %arg7[%swap3A_891], %parallel_loop3A_888#1 {strides = array<i32>} : memref<512xi32, #tpu.memory_space<vmem>>, vector<16xi32>,
      %add3A_893 = arith.constant 16 : i32
      %add3A_894 = arith.addi %mul3A_874, %add3A_893 : i32
      %swap3A_895 = arith.index_cast %add3A_894 : i32 to index
      %swap3A_896 = tpu.vector_load %arg6[%swap3A_895] {strides = array<i32>} : memref<512xf32, #tpu.memory_space<vmem>>, vector<16xf32>,
      tpu.vector_store %arg6[%swap3A_895], %parallel_loop3A_888#2 {strides = array<i32>} : memref<512xf32, #tpu.memory_space<vmem>>, vector<16xf32>,
      %add3A_897 = arith.constant 16 : i32
      %add3A_898 = arith.addi %mul3A_874, %add3A_897 : i32
      %swap3A_899 = arith.index_cast %add3A_898 : i32 to index
      %swap3A_900 = tpu.vector_load %arg7[%swap3A_899] {strides = array<i32>} : memref<512xi32, #tpu.memory_space<vmem>>, vector<16xi32>,
      tpu.vector_store %arg7[%swap3A_899], %parallel_loop3A_888#3 {strides = array<i32>} : memref<512xi32, #tpu.memory_space<vmem>>, vector<16xi32>,
    }
    %scan3A_522 = arith.constant 16 : i32
    %add3A_523 = arith.constant 640 : i32
    %add3A_524 = arith.addi %add3A_4, %add3A_523 : i32
    %dma_start3A_525 = arith.constant 0 : i32
    %dma_start3A_526 = arith.constant 0 : i32
    %dma_start3A_527 = arith.constant 0 : i32
    %dma_start3A_528 = tpu.memref_slice %arg5[%dma_start3A_525, %dma_start3A_526, %dma_start3A_527] : memref<2x80x512xf32, #tpu.memory_space<vmem>> -> memref<1x80x512xf32, #tpu.memory_space<vmem>>
    %dma_start3A_529 = tpu.memref_squeeze %dma_start3A_528 : memref<1x80x512xf32, #tpu.memory_space<vmem>> -> memref<80x512xf32, #tpu.memory_space<vmem>>
    %dma_start3A_530 = arith.constant 0 : i32
    %dma_start3A_531 = tpu.memref_slice %arg2[%add3A_524, %dma_start3A_530] : memref<100000x512xf32, #tpu.memory_space<hbm>> -> memref<80x512xf32, #tpu.memory_space<hbm>>
    %dma_start3A_532 = arith.constant 0 : i32
    %dma_start3A_533 = arith.constant 0 : i32
    %dma_start3A_534 = tpu.memref_slice %arg5[%dma_start3A_525, %dma_start3A_532, %dma_start3A_533] : memref<2x80x512xf32, #tpu.memory_space<vmem>> -> memref<1x80x512xf32, #tpu.memory_space<vmem>>
    %dma_start3A_535 = tpu.memref_squeeze %dma_start3A_534 : memref<1x80x512xf32, #tpu.memory_space<vmem>> -> memref<80x512xf32, #tpu.memory_space<vmem>>
    %dma_start3A_536 = arith.constant 0 : i32
    %dma_start3A_537 = tpu.memref_slice %arg2[%add3A_524, %dma_start3A_536] : memref<100000x512xf32, #tpu.memory_space<hbm>> -> memref<80x512xf32, #tpu.memory_space<hbm>>
    tpu.enqueue_dma source(%dma_start3A_537 : memref<80x512xf32, #tpu.memory_space<hbm>>) target(%dma_start3A_535 : memref<80x512xf32, #tpu.memory_space<vmem>>) target_semaphore(%arg8 : memref<!tpu.dma_semaphore, #tpu.memory_space<semaphore_mem>>)
    %dma_wait3A_538 = arith.constant 1 : i32
    %dma_wait3A_539 = arith.constant 0 : i32
    %dma_wait3A_540 = arith.constant 0 : i32
    %dma_wait3A_541 = tpu.memref_slice %arg5[%dma_wait3A_538, %dma_wait3A_539, %dma_wait3A_540] : memref<2x80x512xf32, #tpu.memory_space<vmem>> -> memref<1x80x512xf32, #tpu.memory_space<vmem>>
    %dma_wait3A_542 = tpu.memref_squeeze %dma_wait3A_541 : memref<1x80x512xf32, #tpu.memory_space<vmem>> -> memref<80x512xf32, #tpu.memory_space<vmem>>
    %dma_wait3A_543 = arith.constant 0 : i32
    %dma_wait3A_544 = tpu.memref_slice %arg2[%add3A_488, %dma_wait3A_543] : memref<100000x512xf32, #tpu.memory_space<hbm>> -> memref<80x512xf32, #tpu.memory_space<hbm>>
    %dma_wait3A_545 = arith.constant 0 : i32
    %dma_wait3A_546 = arith.constant 0 : i32
    %dma_wait3A_547 = tpu.memref_slice %arg5[%dma_wait3A_538, %dma_wait3A_545, %dma_wait3A_546] : memref<2x80x512xf32, #tpu.memory_space<vmem>> -> memref<1x80x512xf32, #tpu.memory_space<vmem>>
    %dma_wait3A_548 = tpu.memref_squeeze %dma_wait3A_547 : memref<1x80x512xf32, #tpu.memory_space<vmem>> -> memref<80x512xf32, #tpu.memory_space<vmem>>
    %dma_wait3A_549 = arith.constant 0 : i32
    %dma_wait3A_550 = tpu.memref_slice %arg2[%add3A_488, %dma_wait3A_549] : memref<100000x512xf32, #tpu.memory_space<hbm>> -> memref<80x512xf32, #tpu.memory_space<hbm>>
    tpu.wait_dma2 semaphore(%arg9 : memref<!tpu.dma_semaphore, #tpu.memory_space<semaphore_mem>>) src(%dma_wait3A_550 : memref<80x512xf32, #tpu.memory_space<hbm>>) dst(%dma_wait3A_548 : memref<80x512xf32, #tpu.memory_space<vmem>>)
    %add3A_551 = arith.constant 560 : i32
    %add3A_552 = arith.addi %add3A_4, %add3A_551 : i32
    %scan3A_553 = arith.constant 0 : i32
    %scan3A_554 = arith.constant 0 : i32
    %scan3A_555 = arith.constant 16 : i32
    %scan3A_556 = arith.addi %scan3A_554, %scan3A_555 : i32
    %scan3A_557 = arith.constant 1 : i32
    scf.for %scan3A_872 = %scan3A_554 to %scan3A_556 step %scan3A_557  : i32 {
      %mul3A_873 = arith.constant 32 : i32
      %mul3A_874 = arith.muli %scan3A_872, %mul3A_873 : i32
      %get3A = arith.index_cast %mul3A_874 : i32 to index
      %get3A_875 = tpu.vector_load %arg6[%get3A] {strides = array<i32>} : memref<512xf32, #tpu.memory_space<vmem>>, vector<16xf32>,
      %get3A_876 = arith.index_cast %mul3A_874 : i32 to index
      %get3A_877 = tpu.vector_load %arg7[%get3A_876] {strides = array<i32>} : memref<512xi32, #tpu.memory_space<vmem>>, vector<16xi32>,
      %add3A_878 = arith.constant 16 : i32
      %add3A_879 = arith.addi %mul3A_874, %add3A_878 : i32
      %get3A_880 = arith.index_cast %add3A_879 : i32 to index
      %get3A_881 = tpu.vector_load %arg6[%get3A_880] {strides = array<i32>} : memref<512xf32, #tpu.memory_space<vmem>>, vector<16xf32>,
      %add3A_882 = arith.constant 16 : i32
      %add3A_883 = arith.addi %mul3A_874, %add3A_882 : i32
      %get3A_884 = arith.index_cast %add3A_883 : i32 to index
      %get3A_885 = tpu.vector_load %arg7[%get3A_884] {strides = array<i32>} : memref<512xi32, #tpu.memory_space<vmem>>, vector<16xi32>,
      %parallel_loop3A = arith.constant 0 : i32
      %parallel_loop3A_886 = arith.constant 80 : i32
      %parallel_loop3A_887 = arith.constant 1 : i32
      %parallel_loop3A_888:4 = scf.for %parallel_loop3A_901 = %parallel_loop3A to %parallel_loop3A_886 step %parallel_loop3A_887 iter_args(%parallel_loop3A_902 = %get3A_875, %parallel_loop3A_903 = %get3A_877, %parallel_loop3A_904 = %get3A_881, %parallel_loop3A_905 = %get3A_885) -> (vector<16xf32>, vector<16xi32>, vector<16xf32>, vector<16xi32>)  : i32 {
        %parallel_loop3A_906 = arith.addi %add3A_552, %parallel_loop3A_901 : i32
        %parallel_loop3A_907 = vector.broadcast %parallel_loop3A_906 : i32 to vector<16xi32>
        %parallel_loop3A_908 = arith.constant 1 : i32
        %parallel_loop3A_909 = arith.index_cast %parallel_loop3A_908 : i32 to index
        %parallel_loop3A_910 = arith.index_cast %parallel_loop3A_901 : i32 to index
        %parallel_loop3A_911 = arith.index_cast %mul3A_874 : i32 to index
        %parallel_loop3A_912 = tpu.vector_load %arg5[%parallel_loop3A_909, %parallel_loop3A_910, %parallel_loop3A_911] {strides = array<i32>} : memref<2x80x512xf32, #tpu.memory_space<vmem>>, vector<16xf32>,
        %parallel_loop3A_913 = arith.constant 16 : i32
        %parallel_loop3A_914 = arith.addi %mul3A_874, %parallel_loop3A_913 : i32
        %parallel_loop3A_915 = arith.constant 1 : i32
        %parallel_loop3A_916 = arith.index_cast %parallel_loop3A_915 : i32 to index
        %parallel_loop3A_917 = arith.index_cast %parallel_loop3A_901 : i32 to index
        %parallel_loop3A_918 = arith.index_cast %parallel_loop3A_914 : i32 to index
        %parallel_loop3A_919 = tpu.vector_load %arg5[%parallel_loop3A_916, %parallel_loop3A_917, %parallel_loop3A_918] {strides = array<i32>} : memref<2x80x512xf32, #tpu.memory_space<vmem>>, vector<16xf32>,
        %parallel_loop3A_920 = arith.cmpf ogt, %parallel_loop3A_912, %parallel_loop3A_902 : vector<16xf32>
        %parallel_loop3A_921 = arith.cmpf ogt, %parallel_loop3A_919, %parallel_loop3A_904 : vector<16xf32>
        %parallel_loop3A_922 = arith.select %parallel_loop3A_920, %parallel_loop3A_912, %parallel_loop3A_902 : vector<16xi1>, vector<16xf32>
        %parallel_loop3A_923 = arith.select %parallel_loop3A_920, %parallel_loop3A_907, %parallel_loop3A_903 : vector<16xi1>, vector<16xi32>
        %parallel_loop3A_924 = arith.select %parallel_loop3A_921, %parallel_loop3A_919, %parallel_loop3A_904 : vector<16xi1>, vector<16xf32>
        %parallel_loop3A_925 = arith.select %parallel_loop3A_921, %parallel_loop3A_907, %parallel_loop3A_905 : vector<16xi1>, vector<16xi32>
        scf.yield %parallel_loop3A_922, %parallel_loop3A_923, %parallel_loop3A_924, %parallel_loop3A_925 : vector<16xf32>, vector<16xi32>, vector<16xf32>, vector<16xi32>
      } {sc.loop_unroll_factor = 2 : i64, sc.parallel_access}
      %swap3A_889 = arith.index_cast %mul3A_874 : i32 to index
      %swap3A_890 = tpu.vector_load %arg6[%swap3A_889] {strides = array<i32>} : memref<512xf32, #tpu.memory_space<vmem>>, vector<16xf32>,
      tpu.vector_store %arg6[%swap3A_889], %parallel_loop3A_888#0 {strides = array<i32>} : memref<512xf32, #tpu.memory_space<vmem>>, vector<16xf32>,
      %swap3A_891 = arith.index_cast %mul3A_874 : i32 to index
      %swap3A_892 = tpu.vector_load %arg7[%swap3A_891] {strides = array<i32>} : memref<512xi32, #tpu.memory_space<vmem>>, vector<16xi32>,
      tpu.vector_store %arg7[%swap3A_891], %parallel_loop3A_888#1 {strides = array<i32>} : memref<512xi32, #tpu.memory_space<vmem>>, vector<16xi32>,
      %add3A_893 = arith.constant 16 : i32
      %add3A_894 = arith.addi %mul3A_874, %add3A_893 : i32
      %swap3A_895 = arith.index_cast %add3A_894 : i32 to index
      %swap3A_896 = tpu.vector_load %arg6[%swap3A_895] {strides = array<i32>} : memref<512xf32, #tpu.memory_space<vmem>>, vector<16xf32>,
      tpu.vector_store %arg6[%swap3A_895], %parallel_loop3A_888#2 {strides = array<i32>} : memref<512xf32, #tpu.memory_space<vmem>>, vector<16xf32>,
      %add3A_897 = arith.constant 16 : i32
      %add3A_898 = arith.addi %mul3A_874, %add3A_897 : i32
      %swap3A_899 = arith.index_cast %add3A_898 : i32 to index
      %swap3A_900 = tpu.vector_load %arg7[%swap3A_899] {strides = array<i32>} : memref<512xi32, #tpu.memory_space<vmem>>, vector<16xi32>,
      tpu.vector_store %arg7[%swap3A_899], %parallel_loop3A_888#3 {strides = array<i32>} : memref<512xi32, #tpu.memory_space<vmem>>, vector<16xi32>,
    }
    %scan3A_558 = arith.constant 16 : i32
    %add3A_559 = arith.constant 720 : i32
    %add3A_560 = arith.addi %add3A_4, %add3A_559 : i32
    %dma_start3A_561 = arith.constant 1 : i32
    %dma_start3A_562 = arith.constant 0 : i32
    %dma_start3A_563 = arith.constant 0 : i32
    %dma_start3A_564 = tpu.memref_slice %arg5[%dma_start3A_561, %dma_start3A_562, %dma_start3A_563] : memref<2x80x512xf32, #tpu.memory_space<vmem>> -> memref<1x80x512xf32, #tpu.memory_space<vmem>>
    %dma_start3A_565 = tpu.memref_squeeze %dma_start3A_564 : memref<1x80x512xf32, #tpu.memory_space<vmem>> -> memref<80x512xf32, #tpu.memory_space<vmem>>
    %dma_start3A_566 = arith.constant 0 : i32
    %dma_start3A_567 = tpu.memref_slice %arg2[%add3A_560, %dma_start3A_566] : memref<100000x512xf32, #tpu.memory_space<hbm>> -> memref<80x512xf32, #tpu.memory_space<hbm>>
    %dma_start3A_568 = arith.constant 0 : i32
    %dma_start3A_569 = arith.constant 0 : i32
    %dma_start3A_570 = tpu.memref_slice %arg5[%dma_start3A_561, %dma_start3A_568, %dma_start3A_569] : memref<2x80x512xf32, #tpu.memory_space<vmem>> -> memref<1x80x512xf32, #tpu.memory_space<vmem>>
    %dma_start3A_571 = tpu.memref_squeeze %dma_start3A_570 : memref<1x80x512xf32, #tpu.memory_space<vmem>> -> memref<80x512xf32, #tpu.memory_space<vmem>>
    %dma_start3A_572 = arith.constant 0 : i32
    %dma_start3A_573 = tpu.memref_slice %arg2[%add3A_560, %dma_start3A_572] : memref<100000x512xf32, #tpu.memory_space<hbm>> -> memref<80x512xf32, #tpu.memory_space<hbm>>
    tpu.enqueue_dma source(%dma_start3A_573 : memref<80x512xf32, #tpu.memory_space<hbm>>) target(%dma_start3A_571 : memref<80x512xf32, #tpu.memory_space<vmem>>) target_semaphore(%arg9 : memref<!tpu.dma_semaphore, #tpu.memory_space<semaphore_mem>>)
    %dma_wait3A_574 = arith.constant 0 : i32
    %dma_wait3A_575 = arith.constant 0 : i32
    %dma_wait3A_576 = arith.constant 0 : i32
    %dma_wait3A_577 = tpu.memref_slice %arg5[%dma_wait3A_574, %dma_wait3A_575, %dma_wait3A_576] : memref<2x80x512xf32, #tpu.memory_space<vmem>> -> memref<1x80x512xf32, #tpu.memory_space<vmem>>
    %dma_wait3A_578 = tpu.memref_squeeze %dma_wait3A_577 : memref<1x80x512xf32, #tpu.memory_space<vmem>> -> memref<80x512xf32, #tpu.memory_space<vmem>>
    %dma_wait3A_579 = arith.constant 0 : i32
    %dma_wait3A_580 = tpu.memref_slice %arg2[%add3A_524, %dma_wait3A_579] : memref<100000x512xf32, #tpu.memory_space<hbm>> -> memref<80x512xf32, #tpu.memory_space<hbm>>
    %dma_wait3A_581 = arith.constant 0 : i32
    %dma_wait3A_582 = arith.constant 0 : i32
    %dma_wait3A_583 = tpu.memref_slice %arg5[%dma_wait3A_574, %dma_wait3A_581, %dma_wait3A_582] : memref<2x80x512xf32, #tpu.memory_space<vmem>> -> memref<1x80x512xf32, #tpu.memory_space<vmem>>
    %dma_wait3A_584 = tpu.memref_squeeze %dma_wait3A_583 : memref<1x80x512xf32, #tpu.memory_space<vmem>> -> memref<80x512xf32, #tpu.memory_space<vmem>>
    %dma_wait3A_585 = arith.constant 0 : i32
    %dma_wait3A_586 = tpu.memref_slice %arg2[%add3A_524, %dma_wait3A_585] : memref<100000x512xf32, #tpu.memory_space<hbm>> -> memref<80x512xf32, #tpu.memory_space<hbm>>
    tpu.wait_dma2 semaphore(%arg8 : memref<!tpu.dma_semaphore, #tpu.memory_space<semaphore_mem>>) src(%dma_wait3A_586 : memref<80x512xf32, #tpu.memory_space<hbm>>) dst(%dma_wait3A_584 : memref<80x512xf32, #tpu.memory_space<vmem>>)
    %add3A_587 = arith.constant 640 : i32
    %add3A_588 = arith.addi %add3A_4, %add3A_587 : i32
    %scan3A_589 = arith.constant 0 : i32
    %scan3A_590 = arith.constant 0 : i32
    %scan3A_591 = arith.constant 16 : i32
    %scan3A_592 = arith.addi %scan3A_590, %scan3A_591 : i32
    %scan3A_593 = arith.constant 1 : i32
    scf.for %scan3A_872 = %scan3A_590 to %scan3A_592 step %scan3A_593  : i32 {
      %mul3A_873 = arith.constant 32 : i32
      %mul3A_874 = arith.muli %scan3A_872, %mul3A_873 : i32
      %get3A = arith.index_cast %mul3A_874 : i32 to index
      %get3A_875 = tpu.vector_load %arg6[%get3A] {strides = array<i32>} : memref<512xf32, #tpu.memory_space<vmem>>, vector<16xf32>,
      %get3A_876 = arith.index_cast %mul3A_874 : i32 to index
      %get3A_877 = tpu.vector_load %arg7[%get3A_876] {strides = array<i32>} : memref<512xi32, #tpu.memory_space<vmem>>, vector<16xi32>,
      %add3A_878 = arith.constant 16 : i32
      %add3A_879 = arith.addi %mul3A_874, %add3A_878 : i32
      %get3A_880 = arith.index_cast %add3A_879 : i32 to index
      %get3A_881 = tpu.vector_load %arg6[%get3A_880] {strides = array<i32>} : memref<512xf32, #tpu.memory_space<vmem>>, vector<16xf32>,
      %add3A_882 = arith.constant 16 : i32
      %add3A_883 = arith.addi %mul3A_874, %add3A_882 : i32
      %get3A_884 = arith.index_cast %add3A_883 : i32 to index
      %get3A_885 = tpu.vector_load %arg7[%get3A_884] {strides = array<i32>} : memref<512xi32, #tpu.memory_space<vmem>>, vector<16xi32>,
      %parallel_loop3A = arith.constant 0 : i32
      %parallel_loop3A_886 = arith.constant 80 : i32
      %parallel_loop3A_887 = arith.constant 1 : i32
      %parallel_loop3A_888:4 = scf.for %parallel_loop3A_901 = %parallel_loop3A to %parallel_loop3A_886 step %parallel_loop3A_887 iter_args(%parallel_loop3A_902 = %get3A_875, %parallel_loop3A_903 = %get3A_877, %parallel_loop3A_904 = %get3A_881, %parallel_loop3A_905 = %get3A_885) -> (vector<16xf32>, vector<16xi32>, vector<16xf32>, vector<16xi32>)  : i32 {
        %parallel_loop3A_906 = arith.addi %add3A_588, %parallel_loop3A_901 : i32
        %parallel_loop3A_907 = vector.broadcast %parallel_loop3A_906 : i32 to vector<16xi32>
        %parallel_loop3A_908 = arith.constant 0 : i32
        %parallel_loop3A_909 = arith.index_cast %parallel_loop3A_908 : i32 to index
        %parallel_loop3A_910 = arith.index_cast %parallel_loop3A_901 : i32 to index
        %parallel_loop3A_911 = arith.index_cast %mul3A_874 : i32 to index
        %parallel_loop3A_912 = tpu.vector_load %arg5[%parallel_loop3A_909, %parallel_loop3A_910, %parallel_loop3A_911] {strides = array<i32>} : memref<2x80x512xf32, #tpu.memory_space<vmem>>, vector<16xf32>,
        %parallel_loop3A_913 = arith.constant 16 : i32
        %parallel_loop3A_914 = arith.addi %mul3A_874, %parallel_loop3A_913 : i32
        %parallel_loop3A_915 = arith.constant 0 : i32
        %parallel_loop3A_916 = arith.index_cast %parallel_loop3A_915 : i32 to index
        %parallel_loop3A_917 = arith.index_cast %parallel_loop3A_901 : i32 to index
        %parallel_loop3A_918 = arith.index_cast %parallel_loop3A_914 : i32 to index
        %parallel_loop3A_919 = tpu.vector_load %arg5[%parallel_loop3A_916, %parallel_loop3A_917, %parallel_loop3A_918] {strides = array<i32>} : memref<2x80x512xf32, #tpu.memory_space<vmem>>, vector<16xf32>,
        %parallel_loop3A_920 = arith.cmpf ogt, %parallel_loop3A_912, %parallel_loop3A_902 : vector<16xf32>
        %parallel_loop3A_921 = arith.cmpf ogt, %parallel_loop3A_919, %parallel_loop3A_904 : vector<16xf32>
        %parallel_loop3A_922 = arith.select %parallel_loop3A_920, %parallel_loop3A_912, %parallel_loop3A_902 : vector<16xi1>, vector<16xf32>
        %parallel_loop3A_923 = arith.select %parallel_loop3A_920, %parallel_loop3A_907, %parallel_loop3A_903 : vector<16xi1>, vector<16xi32>
        %parallel_loop3A_924 = arith.select %parallel_loop3A_921, %parallel_loop3A_919, %parallel_loop3A_904 : vector<16xi1>, vector<16xf32>
        %parallel_loop3A_925 = arith.select %parallel_loop3A_921, %parallel_loop3A_907, %parallel_loop3A_905 : vector<16xi1>, vector<16xi32>
        scf.yield %parallel_loop3A_922, %parallel_loop3A_923, %parallel_loop3A_924, %parallel_loop3A_925 : vector<16xf32>, vector<16xi32>, vector<16xf32>, vector<16xi32>
      } {sc.loop_unroll_factor = 2 : i64, sc.parallel_access}
      %swap3A_889 = arith.index_cast %mul3A_874 : i32 to index
      %swap3A_890 = tpu.vector_load %arg6[%swap3A_889] {strides = array<i32>} : memref<512xf32, #tpu.memory_space<vmem>>, vector<16xf32>,
      tpu.vector_store %arg6[%swap3A_889], %parallel_loop3A_888#0 {strides = array<i32>} : memref<512xf32, #tpu.memory_space<vmem>>, vector<16xf32>,
      %swap3A_891 = arith.index_cast %mul3A_874 : i32 to index
      %swap3A_892 = tpu.vector_load %arg7[%swap3A_891] {strides = array<i32>} : memref<512xi32, #tpu.memory_space<vmem>>, vector<16xi32>,
      tpu.vector_store %arg7[%swap3A_891], %parallel_loop3A_888#1 {strides = array<i32>} : memref<512xi32, #tpu.memory_space<vmem>>, vector<16xi32>,
      %add3A_893 = arith.constant 16 : i32
      %add3A_894 = arith.addi %mul3A_874, %add3A_893 : i32
      %swap3A_895 = arith.index_cast %add3A_894 : i32 to index
      %swap3A_896 = tpu.vector_load %arg6[%swap3A_895] {strides = array<i32>} : memref<512xf32, #tpu.memory_space<vmem>>, vector<16xf32>,
      tpu.vector_store %arg6[%swap3A_895], %parallel_loop3A_888#2 {strides = array<i32>} : memref<512xf32, #tpu.memory_space<vmem>>, vector<16xf32>,
      %add3A_897 = arith.constant 16 : i32
      %add3A_898 = arith.addi %mul3A_874, %add3A_897 : i32
      %swap3A_899 = arith.index_cast %add3A_898 : i32 to index
      %swap3A_900 = tpu.vector_load %arg7[%swap3A_899] {strides = array<i32>} : memref<512xi32, #tpu.memory_space<vmem>>, vector<16xi32>,
      tpu.vector_store %arg7[%swap3A_899], %parallel_loop3A_888#3 {strides = array<i32>} : memref<512xi32, #tpu.memory_space<vmem>>, vector<16xi32>,
    }
    %scan3A_594 = arith.constant 16 : i32
    %add3A_595 = arith.constant 800 : i32
    %add3A_596 = arith.addi %add3A_4, %add3A_595 : i32
    %dma_start3A_597 = arith.constant 0 : i32
    %dma_start3A_598 = arith.constant 0 : i32
    %dma_start3A_599 = arith.constant 0 : i32
    %dma_start3A_600 = tpu.memref_slice %arg5[%dma_start3A_597, %dma_start3A_598, %dma_start3A_599] : memref<2x80x512xf32, #tpu.memory_space<vmem>> -> memref<1x80x512xf32, #tpu.memory_space<vmem>>
    %dma_start3A_601 = tpu.memref_squeeze %dma_start3A_600 : memref<1x80x512xf32, #tpu.memory_space<vmem>> -> memref<80x512xf32, #tpu.memory_space<vmem>>
    %dma_start3A_602 = arith.constant 0 : i32
    %dma_start3A_603 = tpu.memref_slice %arg2[%add3A_596, %dma_start3A_602] : memref<100000x512xf32, #tpu.memory_space<hbm>> -> memref<80x512xf32, #tpu.memory_space<hbm>>
    %dma_start3A_604 = arith.constant 0 : i32
    %dma_start3A_605 = arith.constant 0 : i32
    %dma_start3A_606 = tpu.memref_slice %arg5[%dma_start3A_597, %dma_start3A_604, %dma_start3A_605] : memref<2x80x512xf32, #tpu.memory_space<vmem>> -> memref<1x80x512xf32, #tpu.memory_space<vmem>>
    %dma_start3A_607 = tpu.memref_squeeze %dma_start3A_606 : memref<1x80x512xf32, #tpu.memory_space<vmem>> -> memref<80x512xf32, #tpu.memory_space<vmem>>
    %dma_start3A_608 = arith.constant 0 : i32
    %dma_start3A_609 = tpu.memref_slice %arg2[%add3A_596, %dma_start3A_608] : memref<100000x512xf32, #tpu.memory_space<hbm>> -> memref<80x512xf32, #tpu.memory_space<hbm>>
    tpu.enqueue_dma source(%dma_start3A_609 : memref<80x512xf32, #tpu.memory_space<hbm>>) target(%dma_start3A_607 : memref<80x512xf32, #tpu.memory_space<vmem>>) target_semaphore(%arg8 : memref<!tpu.dma_semaphore, #tpu.memory_space<semaphore_mem>>)
    %dma_wait3A_610 = arith.constant 1 : i32
    %dma_wait3A_611 = arith.constant 0 : i32
    %dma_wait3A_612 = arith.constant 0 : i32
    %dma_wait3A_613 = tpu.memref_slice %arg5[%dma_wait3A_610, %dma_wait3A_611, %dma_wait3A_612] : memref<2x80x512xf32, #tpu.memory_space<vmem>> -> memref<1x80x512xf32, #tpu.memory_space<vmem>>
    %dma_wait3A_614 = tpu.memref_squeeze %dma_wait3A_613 : memref<1x80x512xf32, #tpu.memory_space<vmem>> -> memref<80x512xf32, #tpu.memory_space<vmem>>
    %dma_wait3A_615 = arith.constant 0 : i32
    %dma_wait3A_616 = tpu.memref_slice %arg2[%add3A_560, %dma_wait3A_615] : memref<100000x512xf32, #tpu.memory_space<hbm>> -> memref<80x512xf32, #tpu.memory_space<hbm>>
    %dma_wait3A_617 = arith.constant 0 : i32
    %dma_wait3A_618 = arith.constant 0 : i32
    %dma_wait3A_619 = tpu.memref_slice %arg5[%dma_wait3A_610, %dma_wait3A_617, %dma_wait3A_618] : memref<2x80x512xf32, #tpu.memory_space<vmem>> -> memref<1x80x512xf32, #tpu.memory_space<vmem>>
    %dma_wait3A_620 = tpu.memref_squeeze %dma_wait3A_619 : memref<1x80x512xf32, #tpu.memory_space<vmem>> -> memref<80x512xf32, #tpu.memory_space<vmem>>
    %dma_wait3A_621 = arith.constant 0 : i32
    %dma_wait3A_622 = tpu.memref_slice %arg2[%add3A_560, %dma_wait3A_621] : memref<100000x512xf32, #tpu.memory_space<hbm>> -> memref<80x512xf32, #tpu.memory_space<hbm>>
    tpu.wait_dma2 semaphore(%arg9 : memref<!tpu.dma_semaphore, #tpu.memory_space<semaphore_mem>>) src(%dma_wait3A_622 : memref<80x512xf32, #tpu.memory_space<hbm>>) dst(%dma_wait3A_620 : memref<80x512xf32, #tpu.memory_space<vmem>>)
    %add3A_623 = arith.constant 720 : i32
    %add3A_624 = arith.addi %add3A_4, %add3A_623 : i32
    %scan3A_625 = arith.constant 0 : i32
    %scan3A_626 = arith.constant 0 : i32
    %scan3A_627 = arith.constant 16 : i32
    %scan3A_628 = arith.addi %scan3A_626, %scan3A_627 : i32
    %scan3A_629 = arith.constant 1 : i32
    scf.for %scan3A_872 = %scan3A_626 to %scan3A_628 step %scan3A_629  : i32 {
      %mul3A_873 = arith.constant 32 : i32
      %mul3A_874 = arith.muli %scan3A_872, %mul3A_873 : i32
      %get3A = arith.index_cast %mul3A_874 : i32 to index
      %get3A_875 = tpu.vector_load %arg6[%get3A] {strides = array<i32>} : memref<512xf32, #tpu.memory_space<vmem>>, vector<16xf32>,
      %get3A_876 = arith.index_cast %mul3A_874 : i32 to index
      %get3A_877 = tpu.vector_load %arg7[%get3A_876] {strides = array<i32>} : memref<512xi32, #tpu.memory_space<vmem>>, vector<16xi32>,
      %add3A_878 = arith.constant 16 : i32
      %add3A_879 = arith.addi %mul3A_874, %add3A_878 : i32
      %get3A_880 = arith.index_cast %add3A_879 : i32 to index
      %get3A_881 = tpu.vector_load %arg6[%get3A_880] {strides = array<i32>} : memref<512xf32, #tpu.memory_space<vmem>>, vector<16xf32>,
      %add3A_882 = arith.constant 16 : i32
      %add3A_883 = arith.addi %mul3A_874, %add3A_882 : i32
      %get3A_884 = arith.index_cast %add3A_883 : i32 to index
      %get3A_885 = tpu.vector_load %arg7[%get3A_884] {strides = array<i32>} : memref<512xi32, #tpu.memory_space<vmem>>, vector<16xi32>,
      %parallel_loop3A = arith.constant 0 : i32
      %parallel_loop3A_886 = arith.constant 80 : i32
      %parallel_loop3A_887 = arith.constant 1 : i32
      %parallel_loop3A_888:4 = scf.for %parallel_loop3A_901 = %parallel_loop3A to %parallel_loop3A_886 step %parallel_loop3A_887 iter_args(%parallel_loop3A_902 = %get3A_875, %parallel_loop3A_903 = %get3A_877, %parallel_loop3A_904 = %get3A_881, %parallel_loop3A_905 = %get3A_885) -> (vector<16xf32>, vector<16xi32>, vector<16xf32>, vector<16xi32>)  : i32 {
        %parallel_loop3A_906 = arith.addi %add3A_624, %parallel_loop3A_901 : i32
        %parallel_loop3A_907 = vector.broadcast %parallel_loop3A_906 : i32 to vector<16xi32>
        %parallel_loop3A_908 = arith.constant 1 : i32
        %parallel_loop3A_909 = arith.index_cast %parallel_loop3A_908 : i32 to index
        %parallel_loop3A_910 = arith.index_cast %parallel_loop3A_901 : i32 to index
        %parallel_loop3A_911 = arith.index_cast %mul3A_874 : i32 to index
        %parallel_loop3A_912 = tpu.vector_load %arg5[%parallel_loop3A_909, %parallel_loop3A_910, %parallel_loop3A_911] {strides = array<i32>} : memref<2x80x512xf32, #tpu.memory_space<vmem>>, vector<16xf32>,
        %parallel_loop3A_913 = arith.constant 16 : i32
        %parallel_loop3A_914 = arith.addi %mul3A_874, %parallel_loop3A_913 : i32
        %parallel_loop3A_915 = arith.constant 1 : i32
        %parallel_loop3A_916 = arith.index_cast %parallel_loop3A_915 : i32 to index
        %parallel_loop3A_917 = arith.index_cast %parallel_loop3A_901 : i32 to index
        %parallel_loop3A_918 = arith.index_cast %parallel_loop3A_914 : i32 to index
        %parallel_loop3A_919 = tpu.vector_load %arg5[%parallel_loop3A_916, %parallel_loop3A_917, %parallel_loop3A_918] {strides = array<i32>} : memref<2x80x512xf32, #tpu.memory_space<vmem>>, vector<16xf32>,
        %parallel_loop3A_920 = arith.cmpf ogt, %parallel_loop3A_912, %parallel_loop3A_902 : vector<16xf32>
        %parallel_loop3A_921 = arith.cmpf ogt, %parallel_loop3A_919, %parallel_loop3A_904 : vector<16xf32>
        %parallel_loop3A_922 = arith.select %parallel_loop3A_920, %parallel_loop3A_912, %parallel_loop3A_902 : vector<16xi1>, vector<16xf32>
        %parallel_loop3A_923 = arith.select %parallel_loop3A_920, %parallel_loop3A_907, %parallel_loop3A_903 : vector<16xi1>, vector<16xi32>
        %parallel_loop3A_924 = arith.select %parallel_loop3A_921, %parallel_loop3A_919, %parallel_loop3A_904 : vector<16xi1>, vector<16xf32>
        %parallel_loop3A_925 = arith.select %parallel_loop3A_921, %parallel_loop3A_907, %parallel_loop3A_905 : vector<16xi1>, vector<16xi32>
        scf.yield %parallel_loop3A_922, %parallel_loop3A_923, %parallel_loop3A_924, %parallel_loop3A_925 : vector<16xf32>, vector<16xi32>, vector<16xf32>, vector<16xi32>
      } {sc.loop_unroll_factor = 2 : i64, sc.parallel_access}
      %swap3A_889 = arith.index_cast %mul3A_874 : i32 to index
      %swap3A_890 = tpu.vector_load %arg6[%swap3A_889] {strides = array<i32>} : memref<512xf32, #tpu.memory_space<vmem>>, vector<16xf32>,
      tpu.vector_store %arg6[%swap3A_889], %parallel_loop3A_888#0 {strides = array<i32>} : memref<512xf32, #tpu.memory_space<vmem>>, vector<16xf32>,
      %swap3A_891 = arith.index_cast %mul3A_874 : i32 to index
      %swap3A_892 = tpu.vector_load %arg7[%swap3A_891] {strides = array<i32>} : memref<512xi32, #tpu.memory_space<vmem>>, vector<16xi32>,
      tpu.vector_store %arg7[%swap3A_891], %parallel_loop3A_888#1 {strides = array<i32>} : memref<512xi32, #tpu.memory_space<vmem>>, vector<16xi32>,
      %add3A_893 = arith.constant 16 : i32
      %add3A_894 = arith.addi %mul3A_874, %add3A_893 : i32
      %swap3A_895 = arith.index_cast %add3A_894 : i32 to index
      %swap3A_896 = tpu.vector_load %arg6[%swap3A_895] {strides = array<i32>} : memref<512xf32, #tpu.memory_space<vmem>>, vector<16xf32>,
      tpu.vector_store %arg6[%swap3A_895], %parallel_loop3A_888#2 {strides = array<i32>} : memref<512xf32, #tpu.memory_space<vmem>>, vector<16xf32>,
      %add3A_897 = arith.constant 16 : i32
      %add3A_898 = arith.addi %mul3A_874, %add3A_897 : i32
      %swap3A_899 = arith.index_cast %add3A_898 : i32 to index
      %swap3A_900 = tpu.vector_load %arg7[%swap3A_899] {strides = array<i32>} : memref<512xi32, #tpu.memory_space<vmem>>, vector<16xi32>,
      tpu.vector_store %arg7[%swap3A_899], %parallel_loop3A_888#3 {strides = array<i32>} : memref<512xi32, #tpu.memory_space<vmem>>, vector<16xi32>,
    }
    %scan3A_630 = arith.constant 16 : i32
    %add3A_631 = arith.constant 880 : i32
    %add3A_632 = arith.addi %add3A_4, %add3A_631 : i32
    %dma_start3A_633 = arith.constant 1 : i32
    %dma_start3A_634 = arith.constant 0 : i32
    %dma_start3A_635 = arith.constant 0 : i32
    %dma_start3A_636 = tpu.memref_slice %arg5[%dma_start3A_633, %dma_start3A_634, %dma_start3A_635] : memref<2x80x512xf32, #tpu.memory_space<vmem>> -> memref<1x80x512xf32, #tpu.memory_space<vmem>>
    %dma_start3A_637 = tpu.memref_squeeze %dma_start3A_636 : memref<1x80x512xf32, #tpu.memory_space<vmem>> -> memref<80x512xf32, #tpu.memory_space<vmem>>
    %dma_start3A_638 = arith.constant 0 : i32
    %dma_start3A_639 = tpu.memref_slice %arg2[%add3A_632, %dma_start3A_638] : memref<100000x512xf32, #tpu.memory_space<hbm>> -> memref<80x512xf32, #tpu.memory_space<hbm>>
    %dma_start3A_640 = arith.constant 0 : i32
    %dma_start3A_641 = arith.constant 0 : i32
    %dma_start3A_642 = tpu.memref_slice %arg5[%dma_start3A_633, %dma_start3A_640, %dma_start3A_641] : memref<2x80x512xf32, #tpu.memory_space<vmem>> -> memref<1x80x512xf32, #tpu.memory_space<vmem>>
    %dma_start3A_643 = tpu.memref_squeeze %dma_start3A_642 : memref<1x80x512xf32, #tpu.memory_space<vmem>> -> memref<80x512xf32, #tpu.memory_space<vmem>>
    %dma_start3A_644 = arith.constant 0 : i32
    %dma_start3A_645 = tpu.memref_slice %arg2[%add3A_632, %dma_start3A_644] : memref<100000x512xf32, #tpu.memory_space<hbm>> -> memref<80x512xf32, #tpu.memory_space<hbm>>
    tpu.enqueue_dma source(%dma_start3A_645 : memref<80x512xf32, #tpu.memory_space<hbm>>) target(%dma_start3A_643 : memref<80x512xf32, #tpu.memory_space<vmem>>) target_semaphore(%arg9 : memref<!tpu.dma_semaphore, #tpu.memory_space<semaphore_mem>>)
    %dma_wait3A_646 = arith.constant 0 : i32
    %dma_wait3A_647 = arith.constant 0 : i32
    %dma_wait3A_648 = arith.constant 0 : i32
    %dma_wait3A_649 = tpu.memref_slice %arg5[%dma_wait3A_646, %dma_wait3A_647, %dma_wait3A_648] : memref<2x80x512xf32, #tpu.memory_space<vmem>> -> memref<1x80x512xf32, #tpu.memory_space<vmem>>
    %dma_wait3A_650 = tpu.memref_squeeze %dma_wait3A_649 : memref<1x80x512xf32, #tpu.memory_space<vmem>> -> memref<80x512xf32, #tpu.memory_space<vmem>>
    %dma_wait3A_651 = arith.constant 0 : i32
    %dma_wait3A_652 = tpu.memref_slice %arg2[%add3A_596, %dma_wait3A_651] : memref<100000x512xf32, #tpu.memory_space<hbm>> -> memref<80x512xf32, #tpu.memory_space<hbm>>
    %dma_wait3A_653 = arith.constant 0 : i32
    %dma_wait3A_654 = arith.constant 0 : i32
    %dma_wait3A_655 = tpu.memref_slice %arg5[%dma_wait3A_646, %dma_wait3A_653, %dma_wait3A_654] : memref<2x80x512xf32, #tpu.memory_space<vmem>> -> memref<1x80x512xf32, #tpu.memory_space<vmem>>
    %dma_wait3A_656 = tpu.memref_squeeze %dma_wait3A_655 : memref<1x80x512xf32, #tpu.memory_space<vmem>> -> memref<80x512xf32, #tpu.memory_space<vmem>>
    %dma_wait3A_657 = arith.constant 0 : i32
    %dma_wait3A_658 = tpu.memref_slice %arg2[%add3A_596, %dma_wait3A_657] : memref<100000x512xf32, #tpu.memory_space<hbm>> -> memref<80x512xf32, #tpu.memory_space<hbm>>
    tpu.wait_dma2 semaphore(%arg8 : memref<!tpu.dma_semaphore, #tpu.memory_space<semaphore_mem>>) src(%dma_wait3A_658 : memref<80x512xf32, #tpu.memory_space<hbm>>) dst(%dma_wait3A_656 : memref<80x512xf32, #tpu.memory_space<vmem>>)
    %add3A_659 = arith.constant 800 : i32
    %add3A_660 = arith.addi %add3A_4, %add3A_659 : i32
    %scan3A_661 = arith.constant 0 : i32
    %scan3A_662 = arith.constant 0 : i32
    %scan3A_663 = arith.constant 16 : i32
    %scan3A_664 = arith.addi %scan3A_662, %scan3A_663 : i32
    %scan3A_665 = arith.constant 1 : i32
    scf.for %scan3A_872 = %scan3A_662 to %scan3A_664 step %scan3A_665  : i32 {
      %mul3A_873 = arith.constant 32 : i32
      %mul3A_874 = arith.muli %scan3A_872, %mul3A_873 : i32
      %get3A = arith.index_cast %mul3A_874 : i32 to index
      %get3A_875 = tpu.vector_load %arg6[%get3A] {strides = array<i32>} : memref<512xf32, #tpu.memory_space<vmem>>, vector<16xf32>,
      %get3A_876 = arith.index_cast %mul3A_874 : i32 to index
      %get3A_877 = tpu.vector_load %arg7[%get3A_876] {strides = array<i32>} : memref<512xi32, #tpu.memory_space<vmem>>, vector<16xi32>,
      %add3A_878 = arith.constant 16 : i32
      %add3A_879 = arith.addi %mul3A_874, %add3A_878 : i32
      %get3A_880 = arith.index_cast %add3A_879 : i32 to index
      %get3A_881 = tpu.vector_load %arg6[%get3A_880] {strides = array<i32>} : memref<512xf32, #tpu.memory_space<vmem>>, vector<16xf32>,
      %add3A_882 = arith.constant 16 : i32
      %add3A_883 = arith.addi %mul3A_874, %add3A_882 : i32
      %get3A_884 = arith.index_cast %add3A_883 : i32 to index
      %get3A_885 = tpu.vector_load %arg7[%get3A_884] {strides = array<i32>} : memref<512xi32, #tpu.memory_space<vmem>>, vector<16xi32>,
      %parallel_loop3A = arith.constant 0 : i32
      %parallel_loop3A_886 = arith.constant 80 : i32
      %parallel_loop3A_887 = arith.constant 1 : i32
      %parallel_loop3A_888:4 = scf.for %parallel_loop3A_901 = %parallel_loop3A to %parallel_loop3A_886 step %parallel_loop3A_887 iter_args(%parallel_loop3A_902 = %get3A_875, %parallel_loop3A_903 = %get3A_877, %parallel_loop3A_904 = %get3A_881, %parallel_loop3A_905 = %get3A_885) -> (vector<16xf32>, vector<16xi32>, vector<16xf32>, vector<16xi32>)  : i32 {
        %parallel_loop3A_906 = arith.addi %add3A_660, %parallel_loop3A_901 : i32
        %parallel_loop3A_907 = vector.broadcast %parallel_loop3A_906 : i32 to vector<16xi32>
        %parallel_loop3A_908 = arith.constant 0 : i32
        %parallel_loop3A_909 = arith.index_cast %parallel_loop3A_908 : i32 to index
        %parallel_loop3A_910 = arith.index_cast %parallel_loop3A_901 : i32 to index
        %parallel_loop3A_911 = arith.index_cast %mul3A_874 : i32 to index
        %parallel_loop3A_912 = tpu.vector_load %arg5[%parallel_loop3A_909, %parallel_loop3A_910, %parallel_loop3A_911] {strides = array<i32>} : memref<2x80x512xf32, #tpu.memory_space<vmem>>, vector<16xf32>,
        %parallel_loop3A_913 = arith.constant 16 : i32
        %parallel_loop3A_914 = arith.addi %mul3A_874, %parallel_loop3A_913 : i32
        %parallel_loop3A_915 = arith.constant 0 : i32
        %parallel_loop3A_916 = arith.index_cast %parallel_loop3A_915 : i32 to index
        %parallel_loop3A_917 = arith.index_cast %parallel_loop3A_901 : i32 to index
        %parallel_loop3A_918 = arith.index_cast %parallel_loop3A_914 : i32 to index
        %parallel_loop3A_919 = tpu.vector_load %arg5[%parallel_loop3A_916, %parallel_loop3A_917, %parallel_loop3A_918] {strides = array<i32>} : memref<2x80x512xf32, #tpu.memory_space<vmem>>, vector<16xf32>,
        %parallel_loop3A_920 = arith.cmpf ogt, %parallel_loop3A_912, %parallel_loop3A_902 : vector<16xf32>
        %parallel_loop3A_921 = arith.cmpf ogt, %parallel_loop3A_919, %parallel_loop3A_904 : vector<16xf32>
        %parallel_loop3A_922 = arith.select %parallel_loop3A_920, %parallel_loop3A_912, %parallel_loop3A_902 : vector<16xi1>, vector<16xf32>
        %parallel_loop3A_923 = arith.select %parallel_loop3A_920, %parallel_loop3A_907, %parallel_loop3A_903 : vector<16xi1>, vector<16xi32>
        %parallel_loop3A_924 = arith.select %parallel_loop3A_921, %parallel_loop3A_919, %parallel_loop3A_904 : vector<16xi1>, vector<16xf32>
        %parallel_loop3A_925 = arith.select %parallel_loop3A_921, %parallel_loop3A_907, %parallel_loop3A_905 : vector<16xi1>, vector<16xi32>
        scf.yield %parallel_loop3A_922, %parallel_loop3A_923, %parallel_loop3A_924, %parallel_loop3A_925 : vector<16xf32>, vector<16xi32>, vector<16xf32>, vector<16xi32>
      } {sc.loop_unroll_factor = 2 : i64, sc.parallel_access}
      %swap3A_889 = arith.index_cast %mul3A_874 : i32 to index
      %swap3A_890 = tpu.vector_load %arg6[%swap3A_889] {strides = array<i32>} : memref<512xf32, #tpu.memory_space<vmem>>, vector<16xf32>,
      tpu.vector_store %arg6[%swap3A_889], %parallel_loop3A_888#0 {strides = array<i32>} : memref<512xf32, #tpu.memory_space<vmem>>, vector<16xf32>,
      %swap3A_891 = arith.index_cast %mul3A_874 : i32 to index
      %swap3A_892 = tpu.vector_load %arg7[%swap3A_891] {strides = array<i32>} : memref<512xi32, #tpu.memory_space<vmem>>, vector<16xi32>,
      tpu.vector_store %arg7[%swap3A_891], %parallel_loop3A_888#1 {strides = array<i32>} : memref<512xi32, #tpu.memory_space<vmem>>, vector<16xi32>,
      %add3A_893 = arith.constant 16 : i32
      %add3A_894 = arith.addi %mul3A_874, %add3A_893 : i32
      %swap3A_895 = arith.index_cast %add3A_894 : i32 to index
      %swap3A_896 = tpu.vector_load %arg6[%swap3A_895] {strides = array<i32>} : memref<512xf32, #tpu.memory_space<vmem>>, vector<16xf32>,
      tpu.vector_store %arg6[%swap3A_895], %parallel_loop3A_888#2 {strides = array<i32>} : memref<512xf32, #tpu.memory_space<vmem>>, vector<16xf32>,
      %add3A_897 = arith.constant 16 : i32
      %add3A_898 = arith.addi %mul3A_874, %add3A_897 : i32
      %swap3A_899 = arith.index_cast %add3A_898 : i32 to index
      %swap3A_900 = tpu.vector_load %arg7[%swap3A_899] {strides = array<i32>} : memref<512xi32, #tpu.memory_space<vmem>>, vector<16xi32>,
      tpu.vector_store %arg7[%swap3A_899], %parallel_loop3A_888#3 {strides = array<i32>} : memref<512xi32, #tpu.memory_space<vmem>>, vector<16xi32>,
    }
    %scan3A_666 = arith.constant 16 : i32
    %add3A_667 = arith.constant 960 : i32
    %add3A_668 = arith.addi %add3A_4, %add3A_667 : i32
    %dma_start3A_669 = arith.constant 0 : i32
    %dma_start3A_670 = arith.constant 0 : i32
    %dma_start3A_671 = arith.constant 0 : i32
    %dma_start3A_672 = tpu.memref_slice %arg5[%dma_start3A_669, %dma_start3A_670, %dma_start3A_671] : memref<2x80x512xf32, #tpu.memory_space<vmem>> -> memref<1x80x512xf32, #tpu.memory_space<vmem>>
    %dma_start3A_673 = tpu.memref_squeeze %dma_start3A_672 : memref<1x80x512xf32, #tpu.memory_space<vmem>> -> memref<80x512xf32, #tpu.memory_space<vmem>>
    %dma_start3A_674 = arith.constant 0 : i32
    %dma_start3A_675 = tpu.memref_slice %arg2[%add3A_668, %dma_start3A_674] : memref<100000x512xf32, #tpu.memory_space<hbm>> -> memref<80x512xf32, #tpu.memory_space<hbm>>
    %dma_start3A_676 = arith.constant 0 : i32
    %dma_start3A_677 = arith.constant 0 : i32
    %dma_start3A_678 = tpu.memref_slice %arg5[%dma_start3A_669, %dma_start3A_676, %dma_start3A_677] : memref<2x80x512xf32, #tpu.memory_space<vmem>> -> memref<1x80x512xf32, #tpu.memory_space<vmem>>
    %dma_start3A_679 = tpu.memref_squeeze %dma_start3A_678 : memref<1x80x512xf32, #tpu.memory_space<vmem>> -> memref<80x512xf32, #tpu.memory_space<vmem>>
    %dma_start3A_680 = arith.constant 0 : i32
    %dma_start3A_681 = tpu.memref_slice %arg2[%add3A_668, %dma_start3A_680] : memref<100000x512xf32, #tpu.memory_space<hbm>> -> memref<80x512xf32, #tpu.memory_space<hbm>>
    tpu.enqueue_dma source(%dma_start3A_681 : memref<80x512xf32, #tpu.memory_space<hbm>>) target(%dma_start3A_679 : memref<80x512xf32, #tpu.memory_space<vmem>>) target_semaphore(%arg8 : memref<!tpu.dma_semaphore, #tpu.memory_space<semaphore_mem>>)
    %dma_wait3A_682 = arith.constant 1 : i32
    %dma_wait3A_683 = arith.constant 0 : i32
    %dma_wait3A_684 = arith.constant 0 : i32
    %dma_wait3A_685 = tpu.memref_slice %arg5[%dma_wait3A_682, %dma_wait3A_683, %dma_wait3A_684] : memref<2x80x512xf32, #tpu.memory_space<vmem>> -> memref<1x80x512xf32, #tpu.memory_space<vmem>>
    %dma_wait3A_686 = tpu.memref_squeeze %dma_wait3A_685 : memref<1x80x512xf32, #tpu.memory_space<vmem>> -> memref<80x512xf32, #tpu.memory_space<vmem>>
    %dma_wait3A_687 = arith.constant 0 : i32
    %dma_wait3A_688 = tpu.memref_slice %arg2[%add3A_632, %dma_wait3A_687] : memref<100000x512xf32, #tpu.memory_space<hbm>> -> memref<80x512xf32, #tpu.memory_space<hbm>>
    %dma_wait3A_689 = arith.constant 0 : i32
    %dma_wait3A_690 = arith.constant 0 : i32
    %dma_wait3A_691 = tpu.memref_slice %arg5[%dma_wait3A_682, %dma_wait3A_689, %dma_wait3A_690] : memref<2x80x512xf32, #tpu.memory_space<vmem>> -> memref<1x80x512xf32, #tpu.memory_space<vmem>>
    %dma_wait3A_692 = tpu.memref_squeeze %dma_wait3A_691 : memref<1x80x512xf32, #tpu.memory_space<vmem>> -> memref<80x512xf32, #tpu.memory_space<vmem>>
    %dma_wait3A_693 = arith.constant 0 : i32
    %dma_wait3A_694 = tpu.memref_slice %arg2[%add3A_632, %dma_wait3A_693] : memref<100000x512xf32, #tpu.memory_space<hbm>> -> memref<80x512xf32, #tpu.memory_space<hbm>>
    tpu.wait_dma2 semaphore(%arg9 : memref<!tpu.dma_semaphore, #tpu.memory_space<semaphore_mem>>) src(%dma_wait3A_694 : memref<80x512xf32, #tpu.memory_space<hbm>>) dst(%dma_wait3A_692 : memref<80x512xf32, #tpu.memory_space<vmem>>)
    %add3A_695 = arith.constant 880 : i32
    %add3A_696 = arith.addi %add3A_4, %add3A_695 : i32
    %scan3A_697 = arith.constant 0 : i32
    %scan3A_698 = arith.constant 0 : i32
    %scan3A_699 = arith.constant 16 : i32
    %scan3A_700 = arith.addi %scan3A_698, %scan3A_699 : i32
    %scan3A_701 = arith.constant 1 : i32
    scf.for %scan3A_872 = %scan3A_698 to %scan3A_700 step %scan3A_701  : i32 {
      %mul3A_873 = arith.constant 32 : i32
      %mul3A_874 = arith.muli %scan3A_872, %mul3A_873 : i32
      %get3A = arith.index_cast %mul3A_874 : i32 to index
      %get3A_875 = tpu.vector_load %arg6[%get3A] {strides = array<i32>} : memref<512xf32, #tpu.memory_space<vmem>>, vector<16xf32>,
      %get3A_876 = arith.index_cast %mul3A_874 : i32 to index
      %get3A_877 = tpu.vector_load %arg7[%get3A_876] {strides = array<i32>} : memref<512xi32, #tpu.memory_space<vmem>>, vector<16xi32>,
      %add3A_878 = arith.constant 16 : i32
      %add3A_879 = arith.addi %mul3A_874, %add3A_878 : i32
      %get3A_880 = arith.index_cast %add3A_879 : i32 to index
      %get3A_881 = tpu.vector_load %arg6[%get3A_880] {strides = array<i32>} : memref<512xf32, #tpu.memory_space<vmem>>, vector<16xf32>,
      %add3A_882 = arith.constant 16 : i32
      %add3A_883 = arith.addi %mul3A_874, %add3A_882 : i32
      %get3A_884 = arith.index_cast %add3A_883 : i32 to index
      %get3A_885 = tpu.vector_load %arg7[%get3A_884] {strides = array<i32>} : memref<512xi32, #tpu.memory_space<vmem>>, vector<16xi32>,
      %parallel_loop3A = arith.constant 0 : i32
      %parallel_loop3A_886 = arith.constant 80 : i32
      %parallel_loop3A_887 = arith.constant 1 : i32
      %parallel_loop3A_888:4 = scf.for %parallel_loop3A_901 = %parallel_loop3A to %parallel_loop3A_886 step %parallel_loop3A_887 iter_args(%parallel_loop3A_902 = %get3A_875, %parallel_loop3A_903 = %get3A_877, %parallel_loop3A_904 = %get3A_881, %parallel_loop3A_905 = %get3A_885) -> (vector<16xf32>, vector<16xi32>, vector<16xf32>, vector<16xi32>)  : i32 {
        %parallel_loop3A_906 = arith.addi %add3A_696, %parallel_loop3A_901 : i32
        %parallel_loop3A_907 = vector.broadcast %parallel_loop3A_906 : i32 to vector<16xi32>
        %parallel_loop3A_908 = arith.constant 1 : i32
        %parallel_loop3A_909 = arith.index_cast %parallel_loop3A_908 : i32 to index
        %parallel_loop3A_910 = arith.index_cast %parallel_loop3A_901 : i32 to index
        %parallel_loop3A_911 = arith.index_cast %mul3A_874 : i32 to index
        %parallel_loop3A_912 = tpu.vector_load %arg5[%parallel_loop3A_909, %parallel_loop3A_910, %parallel_loop3A_911] {strides = array<i32>} : memref<2x80x512xf32, #tpu.memory_space<vmem>>, vector<16xf32>,
        %parallel_loop3A_913 = arith.constant 16 : i32
        %parallel_loop3A_914 = arith.addi %mul3A_874, %parallel_loop3A_913 : i32
        %parallel_loop3A_915 = arith.constant 1 : i32
        %parallel_loop3A_916 = arith.index_cast %parallel_loop3A_915 : i32 to index
        %parallel_loop3A_917 = arith.index_cast %parallel_loop3A_901 : i32 to index
        %parallel_loop3A_918 = arith.index_cast %parallel_loop3A_914 : i32 to index
        %parallel_loop3A_919 = tpu.vector_load %arg5[%parallel_loop3A_916, %parallel_loop3A_917, %parallel_loop3A_918] {strides = array<i32>} : memref<2x80x512xf32, #tpu.memory_space<vmem>>, vector<16xf32>,
        %parallel_loop3A_920 = arith.cmpf ogt, %parallel_loop3A_912, %parallel_loop3A_902 : vector<16xf32>
        %parallel_loop3A_921 = arith.cmpf ogt, %parallel_loop3A_919, %parallel_loop3A_904 : vector<16xf32>
        %parallel_loop3A_922 = arith.select %parallel_loop3A_920, %parallel_loop3A_912, %parallel_loop3A_902 : vector<16xi1>, vector<16xf32>
        %parallel_loop3A_923 = arith.select %parallel_loop3A_920, %parallel_loop3A_907, %parallel_loop3A_903 : vector<16xi1>, vector<16xi32>
        %parallel_loop3A_924 = arith.select %parallel_loop3A_921, %parallel_loop3A_919, %parallel_loop3A_904 : vector<16xi1>, vector<16xf32>
        %parallel_loop3A_925 = arith.select %parallel_loop3A_921, %parallel_loop3A_907, %parallel_loop3A_905 : vector<16xi1>, vector<16xi32>
        scf.yield %parallel_loop3A_922, %parallel_loop3A_923, %parallel_loop3A_924, %parallel_loop3A_925 : vector<16xf32>, vector<16xi32>, vector<16xf32>, vector<16xi32>
      } {sc.loop_unroll_factor = 2 : i64, sc.parallel_access}
      %swap3A_889 = arith.index_cast %mul3A_874 : i32 to index
      %swap3A_890 = tpu.vector_load %arg6[%swap3A_889] {strides = array<i32>} : memref<512xf32, #tpu.memory_space<vmem>>, vector<16xf32>,
      tpu.vector_store %arg6[%swap3A_889], %parallel_loop3A_888#0 {strides = array<i32>} : memref<512xf32, #tpu.memory_space<vmem>>, vector<16xf32>,
      %swap3A_891 = arith.index_cast %mul3A_874 : i32 to index
      %swap3A_892 = tpu.vector_load %arg7[%swap3A_891] {strides = array<i32>} : memref<512xi32, #tpu.memory_space<vmem>>, vector<16xi32>,
      tpu.vector_store %arg7[%swap3A_891], %parallel_loop3A_888#1 {strides = array<i32>} : memref<512xi32, #tpu.memory_space<vmem>>, vector<16xi32>,
      %add3A_893 = arith.constant 16 : i32
      %add3A_894 = arith.addi %mul3A_874, %add3A_893 : i32
      %swap3A_895 = arith.index_cast %add3A_894 : i32 to index
      %swap3A_896 = tpu.vector_load %arg6[%swap3A_895] {strides = array<i32>} : memref<512xf32, #tpu.memory_space<vmem>>, vector<16xf32>,
      tpu.vector_store %arg6[%swap3A_895], %parallel_loop3A_888#2 {strides = array<i32>} : memref<512xf32, #tpu.memory_space<vmem>>, vector<16xf32>,
      %add3A_897 = arith.constant 16 : i32
      %add3A_898 = arith.addi %mul3A_874, %add3A_897 : i32
      %swap3A_899 = arith.index_cast %add3A_898 : i32 to index
      %swap3A_900 = tpu.vector_load %arg7[%swap3A_899] {strides = array<i32>} : memref<512xi32, #tpu.memory_space<vmem>>, vector<16xi32>,
      tpu.vector_store %arg7[%swap3A_899], %parallel_loop3A_888#3 {strides = array<i32>} : memref<512xi32, #tpu.memory_space<vmem>>, vector<16xi32>,
    }
    %scan3A_702 = arith.constant 16 : i32
    %add3A_703 = arith.constant 1040 : i32
    %add3A_704 = arith.addi %add3A_4, %add3A_703 : i32
    %dma_start3A_705 = arith.constant 1 : i32
    %dma_start3A_706 = arith.constant 0 : i32
    %dma_start3A_707 = arith.constant 0 : i32
    %dma_start3A_708 = tpu.memref_slice %arg5[%dma_start3A_705, %dma_start3A_706, %dma_start3A_707] : memref<2x80x512xf32, #tpu.memory_space<vmem>> -> memref<1x80x512xf32, #tpu.memory_space<vmem>>
    %dma_start3A_709 = tpu.memref_squeeze %dma_start3A_708 : memref<1x80x512xf32, #tpu.memory_space<vmem>> -> memref<80x512xf32, #tpu.memory_space<vmem>>
    %dma_start3A_710 = arith.constant 0 : i32
    %dma_start3A_711 = tpu.memref_slice %arg2[%add3A_704, %dma_start3A_710] : memref<100000x512xf32, #tpu.memory_space<hbm>> -> memref<80x512xf32, #tpu.memory_space<hbm>>
    %dma_start3A_712 = arith.constant 0 : i32
    %dma_start3A_713 = arith.constant 0 : i32
    %dma_start3A_714 = tpu.memref_slice %arg5[%dma_start3A_705, %dma_start3A_712, %dma_start3A_713] : memref<2x80x512xf32, #tpu.memory_space<vmem>> -> memref<1x80x512xf32, #tpu.memory_space<vmem>>
    %dma_start3A_715 = tpu.memref_squeeze %dma_start3A_714 : memref<1x80x512xf32, #tpu.memory_space<vmem>> -> memref<80x512xf32, #tpu.memory_space<vmem>>
    %dma_start3A_716 = arith.constant 0 : i32
    %dma_start3A_717 = tpu.memref_slice %arg2[%add3A_704, %dma_start3A_716] : memref<100000x512xf32, #tpu.memory_space<hbm>> -> memref<80x512xf32, #tpu.memory_space<hbm>>
    tpu.enqueue_dma source(%dma_start3A_717 : memref<80x512xf32, #tpu.memory_space<hbm>>) target(%dma_start3A_715 : memref<80x512xf32, #tpu.memory_space<vmem>>) target_semaphore(%arg9 : memref<!tpu.dma_semaphore, #tpu.memory_space<semaphore_mem>>)
    %dma_wait3A_718 = arith.constant 0 : i32
    %dma_wait3A_719 = arith.constant 0 : i32
    %dma_wait3A_720 = arith.constant 0 : i32
    %dma_wait3A_721 = tpu.memref_slice %arg5[%dma_wait3A_718, %dma_wait3A_719, %dma_wait3A_720] : memref<2x80x512xf32, #tpu.memory_space<vmem>> -> memref<1x80x512xf32, #tpu.memory_space<vmem>>
    %dma_wait3A_722 = tpu.memref_squeeze %dma_wait3A_721 : memref<1x80x512xf32, #tpu.memory_space<vmem>> -> memref<80x512xf32, #tpu.memory_space<vmem>>
    %dma_wait3A_723 = arith.constant 0 : i32
    %dma_wait3A_724 = tpu.memref_slice %arg2[%add3A_668, %dma_wait3A_723] : memref<100000x512xf32, #tpu.memory_space<hbm>> -> memref<80x512xf32, #tpu.memory_space<hbm>>
    %dma_wait3A_725 = arith.constant 0 : i32
    %dma_wait3A_726 = arith.constant 0 : i32
    %dma_wait3A_727 = tpu.memref_slice %arg5[%dma_wait3A_718, %dma_wait3A_725, %dma_wait3A_726] : memref<2x80x512xf32, #tpu.memory_space<vmem>> -> memref<1x80x512xf32, #tpu.memory_space<vmem>>
    %dma_wait3A_728 = tpu.memref_squeeze %dma_wait3A_727 : memref<1x80x512xf32, #tpu.memory_space<vmem>> -> memref<80x512xf32, #tpu.memory_space<vmem>>
    %dma_wait3A_729 = arith.constant 0 : i32
    %dma_wait3A_730 = tpu.memref_slice %arg2[%add3A_668, %dma_wait3A_729] : memref<100000x512xf32, #tpu.memory_space<hbm>> -> memref<80x512xf32, #tpu.memory_space<hbm>>
    tpu.wait_dma2 semaphore(%arg8 : memref<!tpu.dma_semaphore, #tpu.memory_space<semaphore_mem>>) src(%dma_wait3A_730 : memref<80x512xf32, #tpu.memory_space<hbm>>) dst(%dma_wait3A_728 : memref<80x512xf32, #tpu.memory_space<vmem>>)
    %add3A_731 = arith.constant 960 : i32
    %add3A_732 = arith.addi %add3A_4, %add3A_731 : i32
    %scan3A_733 = arith.constant 0 : i32
    %scan3A_734 = arith.constant 0 : i32
    %scan3A_735 = arith.constant 16 : i32
    %scan3A_736 = arith.addi %scan3A_734, %scan3A_735 : i32
    %scan3A_737 = arith.constant 1 : i32
    scf.for %scan3A_872 = %scan3A_734 to %scan3A_736 step %scan3A_737  : i32 {
      %mul3A_873 = arith.constant 32 : i32
      %mul3A_874 = arith.muli %scan3A_872, %mul3A_873 : i32
      %get3A = arith.index_cast %mul3A_874 : i32 to index
      %get3A_875 = tpu.vector_load %arg6[%get3A] {strides = array<i32>} : memref<512xf32, #tpu.memory_space<vmem>>, vector<16xf32>,
      %get3A_876 = arith.index_cast %mul3A_874 : i32 to index
      %get3A_877 = tpu.vector_load %arg7[%get3A_876] {strides = array<i32>} : memref<512xi32, #tpu.memory_space<vmem>>, vector<16xi32>,
      %add3A_878 = arith.constant 16 : i32
      %add3A_879 = arith.addi %mul3A_874, %add3A_878 : i32
      %get3A_880 = arith.index_cast %add3A_879 : i32 to index
      %get3A_881 = tpu.vector_load %arg6[%get3A_880] {strides = array<i32>} : memref<512xf32, #tpu.memory_space<vmem>>, vector<16xf32>,
      %add3A_882 = arith.constant 16 : i32
      %add3A_883 = arith.addi %mul3A_874, %add3A_882 : i32
      %get3A_884 = arith.index_cast %add3A_883 : i32 to index
      %get3A_885 = tpu.vector_load %arg7[%get3A_884] {strides = array<i32>} : memref<512xi32, #tpu.memory_space<vmem>>, vector<16xi32>,
      %parallel_loop3A = arith.constant 0 : i32
      %parallel_loop3A_886 = arith.constant 80 : i32
      %parallel_loop3A_887 = arith.constant 1 : i32
      %parallel_loop3A_888:4 = scf.for %parallel_loop3A_901 = %parallel_loop3A to %parallel_loop3A_886 step %parallel_loop3A_887 iter_args(%parallel_loop3A_902 = %get3A_875, %parallel_loop3A_903 = %get3A_877, %parallel_loop3A_904 = %get3A_881, %parallel_loop3A_905 = %get3A_885) -> (vector<16xf32>, vector<16xi32>, vector<16xf32>, vector<16xi32>)  : i32 {
        %parallel_loop3A_906 = arith.addi %add3A_732, %parallel_loop3A_901 : i32
        %parallel_loop3A_907 = vector.broadcast %parallel_loop3A_906 : i32 to vector<16xi32>
        %parallel_loop3A_908 = arith.constant 0 : i32
        %parallel_loop3A_909 = arith.index_cast %parallel_loop3A_908 : i32 to index
        %parallel_loop3A_910 = arith.index_cast %parallel_loop3A_901 : i32 to index
        %parallel_loop3A_911 = arith.index_cast %mul3A_874 : i32 to index
        %parallel_loop3A_912 = tpu.vector_load %arg5[%parallel_loop3A_909, %parallel_loop3A_910, %parallel_loop3A_911] {strides = array<i32>} : memref<2x80x512xf32, #tpu.memory_space<vmem>>, vector<16xf32>,
        %parallel_loop3A_913 = arith.constant 16 : i32
        %parallel_loop3A_914 = arith.addi %mul3A_874, %parallel_loop3A_913 : i32
        %parallel_loop3A_915 = arith.constant 0 : i32
        %parallel_loop3A_916 = arith.index_cast %parallel_loop3A_915 : i32 to index
        %parallel_loop3A_917 = arith.index_cast %parallel_loop3A_901 : i32 to index
        %parallel_loop3A_918 = arith.index_cast %parallel_loop3A_914 : i32 to index
        %parallel_loop3A_919 = tpu.vector_load %arg5[%parallel_loop3A_916, %parallel_loop3A_917, %parallel_loop3A_918] {strides = array<i32>} : memref<2x80x512xf32, #tpu.memory_space<vmem>>, vector<16xf32>,
        %parallel_loop3A_920 = arith.cmpf ogt, %parallel_loop3A_912, %parallel_loop3A_902 : vector<16xf32>
        %parallel_loop3A_921 = arith.cmpf ogt, %parallel_loop3A_919, %parallel_loop3A_904 : vector<16xf32>
        %parallel_loop3A_922 = arith.select %parallel_loop3A_920, %parallel_loop3A_912, %parallel_loop3A_902 : vector<16xi1>, vector<16xf32>
        %parallel_loop3A_923 = arith.select %parallel_loop3A_920, %parallel_loop3A_907, %parallel_loop3A_903 : vector<16xi1>, vector<16xi32>
        %parallel_loop3A_924 = arith.select %parallel_loop3A_921, %parallel_loop3A_919, %parallel_loop3A_904 : vector<16xi1>, vector<16xf32>
        %parallel_loop3A_925 = arith.select %parallel_loop3A_921, %parallel_loop3A_907, %parallel_loop3A_905 : vector<16xi1>, vector<16xi32>
        scf.yield %parallel_loop3A_922, %parallel_loop3A_923, %parallel_loop3A_924, %parallel_loop3A_925 : vector<16xf32>, vector<16xi32>, vector<16xf32>, vector<16xi32>
      } {sc.loop_unroll_factor = 2 : i64, sc.parallel_access}
      %swap3A_889 = arith.index_cast %mul3A_874 : i32 to index
      %swap3A_890 = tpu.vector_load %arg6[%swap3A_889] {strides = array<i32>} : memref<512xf32, #tpu.memory_space<vmem>>, vector<16xf32>,
      tpu.vector_store %arg6[%swap3A_889], %parallel_loop3A_888#0 {strides = array<i32>} : memref<512xf32, #tpu.memory_space<vmem>>, vector<16xf32>,
      %swap3A_891 = arith.index_cast %mul3A_874 : i32 to index
      %swap3A_892 = tpu.vector_load %arg7[%swap3A_891] {strides = array<i32>} : memref<512xi32, #tpu.memory_space<vmem>>, vector<16xi32>,
      tpu.vector_store %arg7[%swap3A_891], %parallel_loop3A_888#1 {strides = array<i32>} : memref<512xi32, #tpu.memory_space<vmem>>, vector<16xi32>,
      %add3A_893 = arith.constant 16 : i32
      %add3A_894 = arith.addi %mul3A_874, %add3A_893 : i32
      %swap3A_895 = arith.index_cast %add3A_894 : i32 to index
      %swap3A_896 = tpu.vector_load %arg6[%swap3A_895] {strides = array<i32>} : memref<512xf32, #tpu.memory_space<vmem>>, vector<16xf32>,
      tpu.vector_store %arg6[%swap3A_895], %parallel_loop3A_888#2 {strides = array<i32>} : memref<512xf32, #tpu.memory_space<vmem>>, vector<16xf32>,
      %add3A_897 = arith.constant 16 : i32
      %add3A_898 = arith.addi %mul3A_874, %add3A_897 : i32
      %swap3A_899 = arith.index_cast %add3A_898 : i32 to index
      %swap3A_900 = tpu.vector_load %arg7[%swap3A_899] {strides = array<i32>} : memref<512xi32, #tpu.memory_space<vmem>>, vector<16xi32>,
      tpu.vector_store %arg7[%swap3A_899], %parallel_loop3A_888#3 {strides = array<i32>} : memref<512xi32, #tpu.memory_space<vmem>>, vector<16xi32>,
    }
    %scan3A_738 = arith.constant 16 : i32
    %add3A_739 = arith.constant 1120 : i32
    %add3A_740 = arith.addi %add3A_4, %add3A_739 : i32
    %dma_start3A_741 = arith.constant 0 : i32
    %dma_start3A_742 = arith.constant 0 : i32
    %dma_start3A_743 = arith.constant 0 : i32
    %dma_start3A_744 = tpu.memref_slice %arg5[%dma_start3A_741, %dma_start3A_742, %dma_start3A_743] : memref<2x80x512xf32, #tpu.memory_space<vmem>> -> memref<1x80x512xf32, #tpu.memory_space<vmem>>
    %dma_start3A_745 = tpu.memref_squeeze %dma_start3A_744 : memref<1x80x512xf32, #tpu.memory_space<vmem>> -> memref<80x512xf32, #tpu.memory_space<vmem>>
    %dma_start3A_746 = arith.constant 0 : i32
    %dma_start3A_747 = tpu.memref_slice %arg2[%add3A_740, %dma_start3A_746] : memref<100000x512xf32, #tpu.memory_space<hbm>> -> memref<80x512xf32, #tpu.memory_space<hbm>>
    %dma_start3A_748 = arith.constant 0 : i32
    %dma_start3A_749 = arith.constant 0 : i32
    %dma_start3A_750 = tpu.memref_slice %arg5[%dma_start3A_741, %dma_start3A_748, %dma_start3A_749] : memref<2x80x512xf32, #tpu.memory_space<vmem>> -> memref<1x80x512xf32, #tpu.memory_space<vmem>>
    %dma_start3A_751 = tpu.memref_squeeze %dma_start3A_750 : memref<1x80x512xf32, #tpu.memory_space<vmem>> -> memref<80x512xf32, #tpu.memory_space<vmem>>
    %dma_start3A_752 = arith.constant 0 : i32
    %dma_start3A_753 = tpu.memref_slice %arg2[%add3A_740, %dma_start3A_752] : memref<100000x512xf32, #tpu.memory_space<hbm>> -> memref<80x512xf32, #tpu.memory_space<hbm>>
    tpu.enqueue_dma source(%dma_start3A_753 : memref<80x512xf32, #tpu.memory_space<hbm>>) target(%dma_start3A_751 : memref<80x512xf32, #tpu.memory_space<vmem>>) target_semaphore(%arg8 : memref<!tpu.dma_semaphore, #tpu.memory_space<semaphore_mem>>)
    %dma_wait3A_754 = arith.constant 1 : i32
    %dma_wait3A_755 = arith.constant 0 : i32
    %dma_wait3A_756 = arith.constant 0 : i32
    %dma_wait3A_757 = tpu.memref_slice %arg5[%dma_wait3A_754, %dma_wait3A_755, %dma_wait3A_756] : memref<2x80x512xf32, #tpu.memory_space<vmem>> -> memref<1x80x512xf32, #tpu.memory_space<vmem>>
    %dma_wait3A_758 = tpu.memref_squeeze %dma_wait3A_757 : memref<1x80x512xf32, #tpu.memory_space<vmem>> -> memref<80x512xf32, #tpu.memory_space<vmem>>
    %dma_wait3A_759 = arith.constant 0 : i32
    %dma_wait3A_760 = tpu.memref_slice %arg2[%add3A_704, %dma_wait3A_759] : memref<100000x512xf32, #tpu.memory_space<hbm>> -> memref<80x512xf32, #tpu.memory_space<hbm>>
    %dma_wait3A_761 = arith.constant 0 : i32
    %dma_wait3A_762 = arith.constant 0 : i32
    %dma_wait3A_763 = tpu.memref_slice %arg5[%dma_wait3A_754, %dma_wait3A_761, %dma_wait3A_762] : memref<2x80x512xf32, #tpu.memory_space<vmem>> -> memref<1x80x512xf32, #tpu.memory_space<vmem>>
    %dma_wait3A_764 = tpu.memref_squeeze %dma_wait3A_763 : memref<1x80x512xf32, #tpu.memory_space<vmem>> -> memref<80x512xf32, #tpu.memory_space<vmem>>
    %dma_wait3A_765 = arith.constant 0 : i32
    %dma_wait3A_766 = tpu.memref_slice %arg2[%add3A_704, %dma_wait3A_765] : memref<100000x512xf32, #tpu.memory_space<hbm>> -> memref<80x512xf32, #tpu.memory_space<hbm>>
    tpu.wait_dma2 semaphore(%arg9 : memref<!tpu.dma_semaphore, #tpu.memory_space<semaphore_mem>>) src(%dma_wait3A_766 : memref<80x512xf32, #tpu.memory_space<hbm>>) dst(%dma_wait3A_764 : memref<80x512xf32, #tpu.memory_space<vmem>>)
    %add3A_767 = arith.constant 1040 : i32
    %add3A_768 = arith.addi %add3A_4, %add3A_767 : i32
    %scan3A_769 = arith.constant 0 : i32
    %scan3A_770 = arith.constant 0 : i32
    %scan3A_771 = arith.constant 16 : i32
    %scan3A_772 = arith.addi %scan3A_770, %scan3A_771 : i32
    %scan3A_773 = arith.constant 1 : i32
    scf.for %scan3A_872 = %scan3A_770 to %scan3A_772 step %scan3A_773  : i32 {
      %mul3A_873 = arith.constant 32 : i32
      %mul3A_874 = arith.muli %scan3A_872, %mul3A_873 : i32
      %get3A = arith.index_cast %mul3A_874 : i32 to index
      %get3A_875 = tpu.vector_load %arg6[%get3A] {strides = array<i32>} : memref<512xf32, #tpu.memory_space<vmem>>, vector<16xf32>,
      %get3A_876 = arith.index_cast %mul3A_874 : i32 to index
      %get3A_877 = tpu.vector_load %arg7[%get3A_876] {strides = array<i32>} : memref<512xi32, #tpu.memory_space<vmem>>, vector<16xi32>,
      %add3A_878 = arith.constant 16 : i32
      %add3A_879 = arith.addi %mul3A_874, %add3A_878 : i32
      %get3A_880 = arith.index_cast %add3A_879 : i32 to index
      %get3A_881 = tpu.vector_load %arg6[%get3A_880] {strides = array<i32>} : memref<512xf32, #tpu.memory_space<vmem>>, vector<16xf32>,
      %add3A_882 = arith.constant 16 : i32
      %add3A_883 = arith.addi %mul3A_874, %add3A_882 : i32
      %get3A_884 = arith.index_cast %add3A_883 : i32 to index
      %get3A_885 = tpu.vector_load %arg7[%get3A_884] {strides = array<i32>} : memref<512xi32, #tpu.memory_space<vmem>>, vector<16xi32>,
      %parallel_loop3A = arith.constant 0 : i32
      %parallel_loop3A_886 = arith.constant 80 : i32
      %parallel_loop3A_887 = arith.constant 1 : i32
      %parallel_loop3A_888:4 = scf.for %parallel_loop3A_901 = %parallel_loop3A to %parallel_loop3A_886 step %parallel_loop3A_887 iter_args(%parallel_loop3A_902 = %get3A_875, %parallel_loop3A_903 = %get3A_877, %parallel_loop3A_904 = %get3A_881, %parallel_loop3A_905 = %get3A_885) -> (vector<16xf32>, vector<16xi32>, vector<16xf32>, vector<16xi32>)  : i32 {
        %parallel_loop3A_906 = arith.addi %add3A_768, %parallel_loop3A_901 : i32
        %parallel_loop3A_907 = vector.broadcast %parallel_loop3A_906 : i32 to vector<16xi32>
        %parallel_loop3A_908 = arith.constant 1 : i32
        %parallel_loop3A_909 = arith.index_cast %parallel_loop3A_908 : i32 to index
        %parallel_loop3A_910 = arith.index_cast %parallel_loop3A_901 : i32 to index
        %parallel_loop3A_911 = arith.index_cast %mul3A_874 : i32 to index
        %parallel_loop3A_912 = tpu.vector_load %arg5[%parallel_loop3A_909, %parallel_loop3A_910, %parallel_loop3A_911] {strides = array<i32>} : memref<2x80x512xf32, #tpu.memory_space<vmem>>, vector<16xf32>,
        %parallel_loop3A_913 = arith.constant 16 : i32
        %parallel_loop3A_914 = arith.addi %mul3A_874, %parallel_loop3A_913 : i32
        %parallel_loop3A_915 = arith.constant 1 : i32
        %parallel_loop3A_916 = arith.index_cast %parallel_loop3A_915 : i32 to index
        %parallel_loop3A_917 = arith.index_cast %parallel_loop3A_901 : i32 to index
        %parallel_loop3A_918 = arith.index_cast %parallel_loop3A_914 : i32 to index
        %parallel_loop3A_919 = tpu.vector_load %arg5[%parallel_loop3A_916, %parallel_loop3A_917, %parallel_loop3A_918] {strides = array<i32>} : memref<2x80x512xf32, #tpu.memory_space<vmem>>, vector<16xf32>,
        %parallel_loop3A_920 = arith.cmpf ogt, %parallel_loop3A_912, %parallel_loop3A_902 : vector<16xf32>
        %parallel_loop3A_921 = arith.cmpf ogt, %parallel_loop3A_919, %parallel_loop3A_904 : vector<16xf32>
        %parallel_loop3A_922 = arith.select %parallel_loop3A_920, %parallel_loop3A_912, %parallel_loop3A_902 : vector<16xi1>, vector<16xf32>
        %parallel_loop3A_923 = arith.select %parallel_loop3A_920, %parallel_loop3A_907, %parallel_loop3A_903 : vector<16xi1>, vector<16xi32>
        %parallel_loop3A_924 = arith.select %parallel_loop3A_921, %parallel_loop3A_919, %parallel_loop3A_904 : vector<16xi1>, vector<16xf32>
        %parallel_loop3A_925 = arith.select %parallel_loop3A_921, %parallel_loop3A_907, %parallel_loop3A_905 : vector<16xi1>, vector<16xi32>
        scf.yield %parallel_loop3A_922, %parallel_loop3A_923, %parallel_loop3A_924, %parallel_loop3A_925 : vector<16xf32>, vector<16xi32>, vector<16xf32>, vector<16xi32>
      } {sc.loop_unroll_factor = 2 : i64, sc.parallel_access}
      %swap3A_889 = arith.index_cast %mul3A_874 : i32 to index
      %swap3A_890 = tpu.vector_load %arg6[%swap3A_889] {strides = array<i32>} : memref<512xf32, #tpu.memory_space<vmem>>, vector<16xf32>,
      tpu.vector_store %arg6[%swap3A_889], %parallel_loop3A_888#0 {strides = array<i32>} : memref<512xf32, #tpu.memory_space<vmem>>, vector<16xf32>,
      %swap3A_891 = arith.index_cast %mul3A_874 : i32 to index
      %swap3A_892 = tpu.vector_load %arg7[%swap3A_891] {strides = array<i32>} : memref<512xi32, #tpu.memory_space<vmem>>, vector<16xi32>,
      tpu.vector_store %arg7[%swap3A_891], %parallel_loop3A_888#1 {strides = array<i32>} : memref<512xi32, #tpu.memory_space<vmem>>, vector<16xi32>,
      %add3A_893 = arith.constant 16 : i32
      %add3A_894 = arith.addi %mul3A_874, %add3A_893 : i32
      %swap3A_895 = arith.index_cast %add3A_894 : i32 to index
      %swap3A_896 = tpu.vector_load %arg6[%swap3A_895] {strides = array<i32>} : memref<512xf32, #tpu.memory_space<vmem>>, vector<16xf32>,
      tpu.vector_store %arg6[%swap3A_895], %parallel_loop3A_888#2 {strides = array<i32>} : memref<512xf32, #tpu.memory_space<vmem>>, vector<16xf32>,
      %add3A_897 = arith.constant 16 : i32
      %add3A_898 = arith.addi %mul3A_874, %add3A_897 : i32
      %swap3A_899 = arith.index_cast %add3A_898 : i32 to index
      %swap3A_900 = tpu.vector_load %arg7[%swap3A_899] {strides = array<i32>} : memref<512xi32, #tpu.memory_space<vmem>>, vector<16xi32>,
      tpu.vector_store %arg7[%swap3A_899], %parallel_loop3A_888#3 {strides = array<i32>} : memref<512xi32, #tpu.memory_space<vmem>>, vector<16xi32>,
    }
    %scan3A_774 = arith.constant 16 : i32
    %add3A_775 = arith.constant 1200 : i32
    %add3A_776 = arith.addi %add3A_4, %add3A_775 : i32
    %dma_start3A_777 = arith.constant 1 : i32
    %dma_start3A_778 = arith.constant 0 : i32
    %dma_start3A_779 = arith.constant 0 : i32
    %dma_start3A_780 = tpu.memref_slice %arg5[%dma_start3A_777, %dma_start3A_778, %dma_start3A_779] : memref<2x80x512xf32, #tpu.memory_space<vmem>> -> memref<1x80x512xf32, #tpu.memory_space<vmem>>
    %dma_start3A_781 = tpu.memref_squeeze %dma_start3A_780 : memref<1x80x512xf32, #tpu.memory_space<vmem>> -> memref<80x512xf32, #tpu.memory_space<vmem>>
    %dma_start3A_782 = arith.constant 0 : i32
    %dma_start3A_783 = tpu.memref_slice %arg2[%add3A_776, %dma_start3A_782] : memref<100000x512xf32, #tpu.memory_space<hbm>> -> memref<80x512xf32, #tpu.memory_space<hbm>>
    %dma_start3A_784 = arith.constant 0 : i32
    %dma_start3A_785 = arith.constant 0 : i32
    %dma_start3A_786 = tpu.memref_slice %arg5[%dma_start3A_777, %dma_start3A_784, %dma_start3A_785] : memref<2x80x512xf32, #tpu.memory_space<vmem>> -> memref<1x80x512xf32, #tpu.memory_space<vmem>>
    %dma_start3A_787 = tpu.memref_squeeze %dma_start3A_786 : memref<1x80x512xf32, #tpu.memory_space<vmem>> -> memref<80x512xf32, #tpu.memory_space<vmem>>
    %dma_start3A_788 = arith.constant 0 : i32
    %dma_start3A_789 = tpu.memref_slice %arg2[%add3A_776, %dma_start3A_788] : memref<100000x512xf32, #tpu.memory_space<hbm>> -> memref<80x512xf32, #tpu.memory_space<hbm>>
    tpu.enqueue_dma source(%dma_start3A_789 : memref<80x512xf32, #tpu.memory_space<hbm>>) target(%dma_start3A_787 : memref<80x512xf32, #tpu.memory_space<vmem>>) target_semaphore(%arg9 : memref<!tpu.dma_semaphore, #tpu.memory_space<semaphore_mem>>)
    %dma_wait3A_790 = arith.constant 0 : i32
    %dma_wait3A_791 = arith.constant 0 : i32
    %dma_wait3A_792 = arith.constant 0 : i32
    %dma_wait3A_793 = tpu.memref_slice %arg5[%dma_wait3A_790, %dma_wait3A_791, %dma_wait3A_792] : memref<2x80x512xf32, #tpu.memory_space<vmem>> -> memref<1x80x512xf32, #tpu.memory_space<vmem>>
    %dma_wait3A_794 = tpu.memref_squeeze %dma_wait3A_793 : memref<1x80x512xf32, #tpu.memory_space<vmem>> -> memref<80x512xf32, #tpu.memory_space<vmem>>
    %dma_wait3A_795 = arith.constant 0 : i32
    %dma_wait3A_796 = tpu.memref_slice %arg2[%add3A_740, %dma_wait3A_795] : memref<100000x512xf32, #tpu.memory_space<hbm>> -> memref<80x512xf32, #tpu.memory_space<hbm>>
    %dma_wait3A_797 = arith.constant 0 : i32
    %dma_wait3A_798 = arith.constant 0 : i32
    %dma_wait3A_799 = tpu.memref_slice %arg5[%dma_wait3A_790, %dma_wait3A_797, %dma_wait3A_798] : memref<2x80x512xf32, #tpu.memory_space<vmem>> -> memref<1x80x512xf32, #tpu.memory_space<vmem>>
    %dma_wait3A_800 = tpu.memref_squeeze %dma_wait3A_799 : memref<1x80x512xf32, #tpu.memory_space<vmem>> -> memref<80x512xf32, #tpu.memory_space<vmem>>
    %dma_wait3A_801 = arith.constant 0 : i32
    %dma_wait3A_802 = tpu.memref_slice %arg2[%add3A_740, %dma_wait3A_801] : memref<100000x512xf32, #tpu.memory_space<hbm>> -> memref<80x512xf32, #tpu.memory_space<hbm>>
    tpu.wait_dma2 semaphore(%arg8 : memref<!tpu.dma_semaphore, #tpu.memory_space<semaphore_mem>>) src(%dma_wait3A_802 : memref<80x512xf32, #tpu.memory_space<hbm>>) dst(%dma_wait3A_800 : memref<80x512xf32, #tpu.memory_space<vmem>>)
    %add3A_803 = arith.constant 1120 : i32
    %add3A_804 = arith.addi %add3A_4, %add3A_803 : i32
    %scan3A_805 = arith.constant 0 : i32
    %scan3A_806 = arith.constant 0 : i32
    %scan3A_807 = arith.constant 16 : i32
    %scan3A_808 = arith.addi %scan3A_806, %scan3A_807 : i32
    %scan3A_809 = arith.constant 1 : i32
    scf.for %scan3A_872 = %scan3A_806 to %scan3A_808 step %scan3A_809  : i32 {
      %mul3A_873 = arith.constant 32 : i32
      %mul3A_874 = arith.muli %scan3A_872, %mul3A_873 : i32
      %get3A = arith.index_cast %mul3A_874 : i32 to index
      %get3A_875 = tpu.vector_load %arg6[%get3A] {strides = array<i32>} : memref<512xf32, #tpu.memory_space<vmem>>, vector<16xf32>,
      %get3A_876 = arith.index_cast %mul3A_874 : i32 to index
      %get3A_877 = tpu.vector_load %arg7[%get3A_876] {strides = array<i32>} : memref<512xi32, #tpu.memory_space<vmem>>, vector<16xi32>,
      %add3A_878 = arith.constant 16 : i32
      %add3A_879 = arith.addi %mul3A_874, %add3A_878 : i32
      %get3A_880 = arith.index_cast %add3A_879 : i32 to index
      %get3A_881 = tpu.vector_load %arg6[%get3A_880] {strides = array<i32>} : memref<512xf32, #tpu.memory_space<vmem>>, vector<16xf32>,
      %add3A_882 = arith.constant 16 : i32
      %add3A_883 = arith.addi %mul3A_874, %add3A_882 : i32
      %get3A_884 = arith.index_cast %add3A_883 : i32 to index
      %get3A_885 = tpu.vector_load %arg7[%get3A_884] {strides = array<i32>} : memref<512xi32, #tpu.memory_space<vmem>>, vector<16xi32>,
      %parallel_loop3A = arith.constant 0 : i32
      %parallel_loop3A_886 = arith.constant 80 : i32
      %parallel_loop3A_887 = arith.constant 1 : i32
      %parallel_loop3A_888:4 = scf.for %parallel_loop3A_901 = %parallel_loop3A to %parallel_loop3A_886 step %parallel_loop3A_887 iter_args(%parallel_loop3A_902 = %get3A_875, %parallel_loop3A_903 = %get3A_877, %parallel_loop3A_904 = %get3A_881, %parallel_loop3A_905 = %get3A_885) -> (vector<16xf32>, vector<16xi32>, vector<16xf32>, vector<16xi32>)  : i32 {
        %parallel_loop3A_906 = arith.addi %add3A_804, %parallel_loop3A_901 : i32
        %parallel_loop3A_907 = vector.broadcast %parallel_loop3A_906 : i32 to vector<16xi32>
        %parallel_loop3A_908 = arith.constant 0 : i32
        %parallel_loop3A_909 = arith.index_cast %parallel_loop3A_908 : i32 to index
        %parallel_loop3A_910 = arith.index_cast %parallel_loop3A_901 : i32 to index
        %parallel_loop3A_911 = arith.index_cast %mul3A_874 : i32 to index
        %parallel_loop3A_912 = tpu.vector_load %arg5[%parallel_loop3A_909, %parallel_loop3A_910, %parallel_loop3A_911] {strides = array<i32>} : memref<2x80x512xf32, #tpu.memory_space<vmem>>, vector<16xf32>,
        %parallel_loop3A_913 = arith.constant 16 : i32
        %parallel_loop3A_914 = arith.addi %mul3A_874, %parallel_loop3A_913 : i32
        %parallel_loop3A_915 = arith.constant 0 : i32
        %parallel_loop3A_916 = arith.index_cast %parallel_loop3A_915 : i32 to index
        %parallel_loop3A_917 = arith.index_cast %parallel_loop3A_901 : i32 to index
        %parallel_loop3A_918 = arith.index_cast %parallel_loop3A_914 : i32 to index
        %parallel_loop3A_919 = tpu.vector_load %arg5[%parallel_loop3A_916, %parallel_loop3A_917, %parallel_loop3A_918] {strides = array<i32>} : memref<2x80x512xf32, #tpu.memory_space<vmem>>, vector<16xf32>,
        %parallel_loop3A_920 = arith.cmpf ogt, %parallel_loop3A_912, %parallel_loop3A_902 : vector<16xf32>
        %parallel_loop3A_921 = arith.cmpf ogt, %parallel_loop3A_919, %parallel_loop3A_904 : vector<16xf32>
        %parallel_loop3A_922 = arith.select %parallel_loop3A_920, %parallel_loop3A_912, %parallel_loop3A_902 : vector<16xi1>, vector<16xf32>
        %parallel_loop3A_923 = arith.select %parallel_loop3A_920, %parallel_loop3A_907, %parallel_loop3A_903 : vector<16xi1>, vector<16xi32>
        %parallel_loop3A_924 = arith.select %parallel_loop3A_921, %parallel_loop3A_919, %parallel_loop3A_904 : vector<16xi1>, vector<16xf32>
        %parallel_loop3A_925 = arith.select %parallel_loop3A_921, %parallel_loop3A_907, %parallel_loop3A_905 : vector<16xi1>, vector<16xi32>
        scf.yield %parallel_loop3A_922, %parallel_loop3A_923, %parallel_loop3A_924, %parallel_loop3A_925 : vector<16xf32>, vector<16xi32>, vector<16xf32>, vector<16xi32>
      } {sc.loop_unroll_factor = 2 : i64, sc.parallel_access}
      %swap3A_889 = arith.index_cast %mul3A_874 : i32 to index
      %swap3A_890 = tpu.vector_load %arg6[%swap3A_889] {strides = array<i32>} : memref<512xf32, #tpu.memory_space<vmem>>, vector<16xf32>,
      tpu.vector_store %arg6[%swap3A_889], %parallel_loop3A_888#0 {strides = array<i32>} : memref<512xf32, #tpu.memory_space<vmem>>, vector<16xf32>,
      %swap3A_891 = arith.index_cast %mul3A_874 : i32 to index
      %swap3A_892 = tpu.vector_load %arg7[%swap3A_891] {strides = array<i32>} : memref<512xi32, #tpu.memory_space<vmem>>, vector<16xi32>,
      tpu.vector_store %arg7[%swap3A_891], %parallel_loop3A_888#1 {strides = array<i32>} : memref<512xi32, #tpu.memory_space<vmem>>, vector<16xi32>,
      %add3A_893 = arith.constant 16 : i32
      %add3A_894 = arith.addi %mul3A_874, %add3A_893 : i32
      %swap3A_895 = arith.index_cast %add3A_894 : i32 to index
      %swap3A_896 = tpu.vector_load %arg6[%swap3A_895] {strides = array<i32>} : memref<512xf32, #tpu.memory_space<vmem>>, vector<16xf32>,
      tpu.vector_store %arg6[%swap3A_895], %parallel_loop3A_888#2 {strides = array<i32>} : memref<512xf32, #tpu.memory_space<vmem>>, vector<16xf32>,
      %add3A_897 = arith.constant 16 : i32
      %add3A_898 = arith.addi %mul3A_874, %add3A_897 : i32
      %swap3A_899 = arith.index_cast %add3A_898 : i32 to index
      %swap3A_900 = tpu.vector_load %arg7[%swap3A_899] {strides = array<i32>} : memref<512xi32, #tpu.memory_space<vmem>>, vector<16xi32>,
      tpu.vector_store %arg7[%swap3A_899], %parallel_loop3A_888#3 {strides = array<i32>} : memref<512xi32, #tpu.memory_space<vmem>>, vector<16xi32>,
    }
    %scan3A_810 = arith.constant 16 : i32
    %add3A_811 = arith.constant 1280 : i32
    %add3A_812 = arith.addi %add3A_4, %add3A_811 : i32
    %dma_start3A_813 = arith.constant 0 : i32
    %dma_start3A_814 = arith.constant 0 : i32
    %dma_start3A_815 = arith.constant 0 : i32
    %dma_start3A_816 = tpu.memref_slice %arg5[%dma_start3A_813, %dma_start3A_814, %dma_start3A_815] : memref<2x80x512xf32, #tpu.memory_space<vmem>> -> memref<1x80x512xf32, #tpu.memory_space<vmem>>
    %dma_start3A_817 = tpu.memref_squeeze %dma_start3A_816 : memref<1x80x512xf32, #tpu.memory_space<vmem>> -> memref<80x512xf32, #tpu.memory_space<vmem>>
    %dma_start3A_818 = arith.constant 0 : i32
    %dma_start3A_819 = tpu.memref_slice %arg2[%add3A_812, %dma_start3A_818] : memref<100000x512xf32, #tpu.memory_space<hbm>> -> memref<80x512xf32, #tpu.memory_space<hbm>>
    %dma_start3A_820 = arith.constant 0 : i32
    %dma_start3A_821 = arith.constant 0 : i32
    %dma_start3A_822 = tpu.memref_slice %arg5[%dma_start3A_813, %dma_start3A_820, %dma_start3A_821] : memref<2x80x512xf32, #tpu.memory_space<vmem>> -> memref<1x80x512xf32, #tpu.memory_space<vmem>>
    %dma_start3A_823 = tpu.memref_squeeze %dma_start3A_822 : memref<1x80x512xf32, #tpu.memory_space<vmem>> -> memref<80x512xf32, #tpu.memory_space<vmem>>
    %dma_start3A_824 = arith.constant 0 : i32
    %dma_start3A_825 = tpu.memref_slice %arg2[%add3A_812, %dma_start3A_824] : memref<100000x512xf32, #tpu.memory_space<hbm>> -> memref<80x512xf32, #tpu.memory_space<hbm>>
    tpu.enqueue_dma source(%dma_start3A_825 : memref<80x512xf32, #tpu.memory_space<hbm>>) target(%dma_start3A_823 : memref<80x512xf32, #tpu.memory_space<vmem>>) target_semaphore(%arg8 : memref<!tpu.dma_semaphore, #tpu.memory_space<semaphore_mem>>)
    %dma_wait3A_826 = arith.constant 1 : i32
    %dma_wait3A_827 = arith.constant 0 : i32
    %dma_wait3A_828 = arith.constant 0 : i32
    %dma_wait3A_829 = tpu.memref_slice %arg5[%dma_wait3A_826, %dma_wait3A_827, %dma_wait3A_828] : memref<2x80x512xf32, #tpu.memory_space<vmem>> -> memref<1x80x512xf32, #tpu.memory_space<vmem>>
    %dma_wait3A_830 = tpu.memref_squeeze %dma_wait3A_829 : memref<1x80x512xf32, #tpu.memory_space<vmem>> -> memref<80x512xf32, #tpu.memory_space<vmem>>
    %dma_wait3A_831 = arith.constant 0 : i32
    %dma_wait3A_832 = tpu.memref_slice %arg2[%add3A_776, %dma_wait3A_831] : memref<100000x512xf32, #tpu.memory_space<hbm>> -> memref<80x512xf32, #tpu.memory_space<hbm>>
    %dma_wait3A_833 = arith.constant 0 : i32
    %dma_wait3A_834 = arith.constant 0 : i32
    %dma_wait3A_835 = tpu.memref_slice %arg5[%dma_wait3A_826, %dma_wait3A_833, %dma_wait3A_834] : memref<2x80x512xf32, #tpu.memory_space<vmem>> -> memref<1x80x512xf32, #tpu.memory_space<vmem>>
    %dma_wait3A_836 = tpu.memref_squeeze %dma_wait3A_835 : memref<1x80x512xf32, #tpu.memory_space<vmem>> -> memref<80x512xf32, #tpu.memory_space<vmem>>
    %dma_wait3A_837 = arith.constant 0 : i32
    %dma_wait3A_838 = tpu.memref_slice %arg2[%add3A_776, %dma_wait3A_837] : memref<100000x512xf32, #tpu.memory_space<hbm>> -> memref<80x512xf32, #tpu.memory_space<hbm>>
    tpu.wait_dma2 semaphore(%arg9 : memref<!tpu.dma_semaphore, #tpu.memory_space<semaphore_mem>>) src(%dma_wait3A_838 : memref<80x512xf32, #tpu.memory_space<hbm>>) dst(%dma_wait3A_836 : memref<80x512xf32, #tpu.memory_space<vmem>>)
    %add3A_839 = arith.constant 1200 : i32
    %add3A_840 = arith.addi %add3A_4, %add3A_839 : i32
    %scan3A_841 = arith.constant 0 : i32
    %scan3A_842 = arith.constant 0 : i32
    %scan3A_843 = arith.constant 16 : i32
    %scan3A_844 = arith.addi %scan3A_842, %scan3A_843 : i32
    %scan3A_845 = arith.constant 1 : i32
    scf.for %scan3A_872 = %scan3A_842 to %scan3A_844 step %scan3A_845  : i32 {
      %mul3A_873 = arith.constant 32 : i32
      %mul3A_874 = arith.muli %scan3A_872, %mul3A_873 : i32
      %get3A = arith.index_cast %mul3A_874 : i32 to index
      %get3A_875 = tpu.vector_load %arg6[%get3A] {strides = array<i32>} : memref<512xf32, #tpu.memory_space<vmem>>, vector<16xf32>,
      %get3A_876 = arith.index_cast %mul3A_874 : i32 to index
      %get3A_877 = tpu.vector_load %arg7[%get3A_876] {strides = array<i32>} : memref<512xi32, #tpu.memory_space<vmem>>, vector<16xi32>,
      %add3A_878 = arith.constant 16 : i32
      %add3A_879 = arith.addi %mul3A_874, %add3A_878 : i32
      %get3A_880 = arith.index_cast %add3A_879 : i32 to index
      %get3A_881 = tpu.vector_load %arg6[%get3A_880] {strides = array<i32>} : memref<512xf32, #tpu.memory_space<vmem>>, vector<16xf32>,
      %add3A_882 = arith.constant 16 : i32
      %add3A_883 = arith.addi %mul3A_874, %add3A_882 : i32
      %get3A_884 = arith.index_cast %add3A_883 : i32 to index
      %get3A_885 = tpu.vector_load %arg7[%get3A_884] {strides = array<i32>} : memref<512xi32, #tpu.memory_space<vmem>>, vector<16xi32>,
      %parallel_loop3A = arith.constant 0 : i32
      %parallel_loop3A_886 = arith.constant 80 : i32
      %parallel_loop3A_887 = arith.constant 1 : i32
      %parallel_loop3A_888:4 = scf.for %parallel_loop3A_901 = %parallel_loop3A to %parallel_loop3A_886 step %parallel_loop3A_887 iter_args(%parallel_loop3A_902 = %get3A_875, %parallel_loop3A_903 = %get3A_877, %parallel_loop3A_904 = %get3A_881, %parallel_loop3A_905 = %get3A_885) -> (vector<16xf32>, vector<16xi32>, vector<16xf32>, vector<16xi32>)  : i32 {
        %parallel_loop3A_906 = arith.addi %add3A_840, %parallel_loop3A_901 : i32
        %parallel_loop3A_907 = vector.broadcast %parallel_loop3A_906 : i32 to vector<16xi32>
        %parallel_loop3A_908 = arith.constant 1 : i32
        %parallel_loop3A_909 = arith.index_cast %parallel_loop3A_908 : i32 to index
        %parallel_loop3A_910 = arith.index_cast %parallel_loop3A_901 : i32 to index
        %parallel_loop3A_911 = arith.index_cast %mul3A_874 : i32 to index
        %parallel_loop3A_912 = tpu.vector_load %arg5[%parallel_loop3A_909, %parallel_loop3A_910, %parallel_loop3A_911] {strides = array<i32>} : memref<2x80x512xf32, #tpu.memory_space<vmem>>, vector<16xf32>,
        %parallel_loop3A_913 = arith.constant 16 : i32
        %parallel_loop3A_914 = arith.addi %mul3A_874, %parallel_loop3A_913 : i32
        %parallel_loop3A_915 = arith.constant 1 : i32
        %parallel_loop3A_916 = arith.index_cast %parallel_loop3A_915 : i32 to index
        %parallel_loop3A_917 = arith.index_cast %parallel_loop3A_901 : i32 to index
        %parallel_loop3A_918 = arith.index_cast %parallel_loop3A_914 : i32 to index
        %parallel_loop3A_919 = tpu.vector_load %arg5[%parallel_loop3A_916, %parallel_loop3A_917, %parallel_loop3A_918] {strides = array<i32>} : memref<2x80x512xf32, #tpu.memory_space<vmem>>, vector<16xf32>,
        %parallel_loop3A_920 = arith.cmpf ogt, %parallel_loop3A_912, %parallel_loop3A_902 : vector<16xf32>
        %parallel_loop3A_921 = arith.cmpf ogt, %parallel_loop3A_919, %parallel_loop3A_904 : vector<16xf32>
        %parallel_loop3A_922 = arith.select %parallel_loop3A_920, %parallel_loop3A_912, %parallel_loop3A_902 : vector<16xi1>, vector<16xf32>
        %parallel_loop3A_923 = arith.select %parallel_loop3A_920, %parallel_loop3A_907, %parallel_loop3A_903 : vector<16xi1>, vector<16xi32>
        %parallel_loop3A_924 = arith.select %parallel_loop3A_921, %parallel_loop3A_919, %parallel_loop3A_904 : vector<16xi1>, vector<16xf32>
        %parallel_loop3A_925 = arith.select %parallel_loop3A_921, %parallel_loop3A_907, %parallel_loop3A_905 : vector<16xi1>, vector<16xi32>
        scf.yield %parallel_loop3A_922, %parallel_loop3A_923, %parallel_loop3A_924, %parallel_loop3A_925 : vector<16xf32>, vector<16xi32>, vector<16xf32>, vector<16xi32>
      } {sc.loop_unroll_factor = 2 : i64, sc.parallel_access}
      %swap3A_889 = arith.index_cast %mul3A_874 : i32 to index
      %swap3A_890 = tpu.vector_load %arg6[%swap3A_889] {strides = array<i32>} : memref<512xf32, #tpu.memory_space<vmem>>, vector<16xf32>,
      tpu.vector_store %arg6[%swap3A_889], %parallel_loop3A_888#0 {strides = array<i32>} : memref<512xf32, #tpu.memory_space<vmem>>, vector<16xf32>,
      %swap3A_891 = arith.index_cast %mul3A_874 : i32 to index
      %swap3A_892 = tpu.vector_load %arg7[%swap3A_891] {strides = array<i32>} : memref<512xi32, #tpu.memory_space<vmem>>, vector<16xi32>,
      tpu.vector_store %arg7[%swap3A_891], %parallel_loop3A_888#1 {strides = array<i32>} : memref<512xi32, #tpu.memory_space<vmem>>, vector<16xi32>,
      %add3A_893 = arith.constant 16 : i32
      %add3A_894 = arith.addi %mul3A_874, %add3A_893 : i32
      %swap3A_895 = arith.index_cast %add3A_894 : i32 to index
      %swap3A_896 = tpu.vector_load %arg6[%swap3A_895] {strides = array<i32>} : memref<512xf32, #tpu.memory_space<vmem>>, vector<16xf32>,
      tpu.vector_store %arg6[%swap3A_895], %parallel_loop3A_888#2 {strides = array<i32>} : memref<512xf32, #tpu.memory_space<vmem>>, vector<16xf32>,
      %add3A_897 = arith.constant 16 : i32
      %add3A_898 = arith.addi %mul3A_874, %add3A_897 : i32
      %swap3A_899 = arith.index_cast %add3A_898 : i32 to index
      %swap3A_900 = tpu.vector_load %arg7[%swap3A_899] {strides = array<i32>} : memref<512xi32, #tpu.memory_space<vmem>>, vector<16xi32>,
      tpu.vector_store %arg7[%swap3A_899], %parallel_loop3A_888#3 {strides = array<i32>} : memref<512xi32, #tpu.memory_space<vmem>>, vector<16xi32>,
    }
    %scan3A_846 = arith.constant 16 : i32
    %dma_wait3A_847 = arith.constant 0 : i32
    %dma_wait3A_848 = arith.constant 0 : i32
    %dma_wait3A_849 = arith.constant 0 : i32
    %dma_wait3A_850 = tpu.memref_slice %arg5[%dma_wait3A_847, %dma_wait3A_848, %dma_wait3A_849] : memref<2x80x512xf32, #tpu.memory_space<vmem>> -> memref<1x80x512xf32, #tpu.memory_space<vmem>>
    %dma_wait3A_851 = tpu.memref_squeeze %dma_wait3A_850 : memref<1x80x512xf32, #tpu.memory_space<vmem>> -> memref<80x512xf32, #tpu.memory_space<vmem>>
    %dma_wait3A_852 = arith.constant 0 : i32
    %dma_wait3A_853 = tpu.memref_slice %arg2[%add3A_812, %dma_wait3A_852] : memref<100000x512xf32, #tpu.memory_space<hbm>> -> memref<80x512xf32, #tpu.memory_space<hbm>>
    %dma_wait3A_854 = arith.constant 0 : i32
    %dma_wait3A_855 = arith.constant 0 : i32
    %dma_wait3A_856 = tpu.memref_slice %arg5[%dma_wait3A_847, %dma_wait3A_854, %dma_wait3A_855] : memref<2x80x512xf32, #tpu.memory_space<vmem>> -> memref<1x80x512xf32, #tpu.memory_space<vmem>>
    %dma_wait3A_857 = tpu.memref_squeeze %dma_wait3A_856 : memref<1x80x512xf32, #tpu.memory_space<vmem>> -> memref<80x512xf32, #tpu.memory_space<vmem>>
    %dma_wait3A_858 = arith.constant 0 : i32
    %dma_wait3A_859 = tpu.memref_slice %arg2[%add3A_812, %dma_wait3A_858] : memref<100000x512xf32, #tpu.memory_space<hbm>> -> memref<80x512xf32, #tpu.memory_space<hbm>>
    tpu.wait_dma2 semaphore(%arg8 : memref<!tpu.dma_semaphore, #tpu.memory_space<semaphore_mem>>) src(%dma_wait3A_859 : memref<80x512xf32, #tpu.memory_space<hbm>>) dst(%dma_wait3A_857 : memref<80x512xf32, #tpu.memory_space<vmem>>)
    %add3A_860 = arith.constant 1280 : i32
    %add3A_861 = arith.addi %add3A_4, %add3A_860 : i32
    %scan3A_862 = arith.constant 0 : i32
    %scan3A_863 = arith.constant 0 : i32
    %scan3A_864 = arith.constant 16 : i32
    %scan3A_865 = arith.addi %scan3A_863, %scan3A_864 : i32
    %scan3A_866 = arith.constant 1 : i32
    scf.for %scan3A_872 = %scan3A_863 to %scan3A_865 step %scan3A_866  : i32 {
      %mul3A_873 = arith.constant 32 : i32
      %mul3A_874 = arith.muli %scan3A_872, %mul3A_873 : i32
      %get3A = arith.index_cast %mul3A_874 : i32 to index
      %get3A_875 = tpu.vector_load %arg6[%get3A] {strides = array<i32>} : memref<512xf32, #tpu.memory_space<vmem>>, vector<16xf32>,
      %get3A_876 = arith.index_cast %mul3A_874 : i32 to index
      %get3A_877 = tpu.vector_load %arg7[%get3A_876] {strides = array<i32>} : memref<512xi32, #tpu.memory_space<vmem>>, vector<16xi32>,
      %add3A_878 = arith.constant 16 : i32
      %add3A_879 = arith.addi %mul3A_874, %add3A_878 : i32
      %get3A_880 = arith.index_cast %add3A_879 : i32 to index
      %get3A_881 = tpu.vector_load %arg6[%get3A_880] {strides = array<i32>} : memref<512xf32, #tpu.memory_space<vmem>>, vector<16xf32>,
      %add3A_882 = arith.constant 16 : i32
      %add3A_883 = arith.addi %mul3A_874, %add3A_882 : i32
      %get3A_884 = arith.index_cast %add3A_883 : i32 to index
      %get3A_885 = tpu.vector_load %arg7[%get3A_884] {strides = array<i32>} : memref<512xi32, #tpu.memory_space<vmem>>, vector<16xi32>,
      %parallel_loop3A = arith.constant 0 : i32
      %parallel_loop3A_886 = arith.constant 80 : i32
      %parallel_loop3A_887 = arith.constant 1 : i32
      %parallel_loop3A_888:4 = scf.for %parallel_loop3A_901 = %parallel_loop3A to %parallel_loop3A_886 step %parallel_loop3A_887 iter_args(%parallel_loop3A_902 = %get3A_875, %parallel_loop3A_903 = %get3A_877, %parallel_loop3A_904 = %get3A_881, %parallel_loop3A_905 = %get3A_885) -> (vector<16xf32>, vector<16xi32>, vector<16xf32>, vector<16xi32>)  : i32 {
        %parallel_loop3A_906 = arith.addi %add3A_861, %parallel_loop3A_901 : i32
        %parallel_loop3A_907 = vector.broadcast %parallel_loop3A_906 : i32 to vector<16xi32>
        %parallel_loop3A_908 = arith.constant 0 : i32
        %parallel_loop3A_909 = arith.index_cast %parallel_loop3A_908 : i32 to index
        %parallel_loop3A_910 = arith.index_cast %parallel_loop3A_901 : i32 to index
        %parallel_loop3A_911 = arith.index_cast %mul3A_874 : i32 to index
        %parallel_loop3A_912 = tpu.vector_load %arg5[%parallel_loop3A_909, %parallel_loop3A_910, %parallel_loop3A_911] {strides = array<i32>} : memref<2x80x512xf32, #tpu.memory_space<vmem>>, vector<16xf32>,
        %parallel_loop3A_913 = arith.constant 16 : i32
        %parallel_loop3A_914 = arith.addi %mul3A_874, %parallel_loop3A_913 : i32
        %parallel_loop3A_915 = arith.constant 0 : i32
        %parallel_loop3A_916 = arith.index_cast %parallel_loop3A_915 : i32 to index
        %parallel_loop3A_917 = arith.index_cast %parallel_loop3A_901 : i32 to index
        %parallel_loop3A_918 = arith.index_cast %parallel_loop3A_914 : i32 to index
        %parallel_loop3A_919 = tpu.vector_load %arg5[%parallel_loop3A_916, %parallel_loop3A_917, %parallel_loop3A_918] {strides = array<i32>} : memref<2x80x512xf32, #tpu.memory_space<vmem>>, vector<16xf32>,
        %parallel_loop3A_920 = arith.cmpf ogt, %parallel_loop3A_912, %parallel_loop3A_902 : vector<16xf32>
        %parallel_loop3A_921 = arith.cmpf ogt, %parallel_loop3A_919, %parallel_loop3A_904 : vector<16xf32>
        %parallel_loop3A_922 = arith.select %parallel_loop3A_920, %parallel_loop3A_912, %parallel_loop3A_902 : vector<16xi1>, vector<16xf32>
        %parallel_loop3A_923 = arith.select %parallel_loop3A_920, %parallel_loop3A_907, %parallel_loop3A_903 : vector<16xi1>, vector<16xi32>
        %parallel_loop3A_924 = arith.select %parallel_loop3A_921, %parallel_loop3A_919, %parallel_loop3A_904 : vector<16xi1>, vector<16xf32>
        %parallel_loop3A_925 = arith.select %parallel_loop3A_921, %parallel_loop3A_907, %parallel_loop3A_905 : vector<16xi1>, vector<16xi32>
        scf.yield %parallel_loop3A_922, %parallel_loop3A_923, %parallel_loop3A_924, %parallel_loop3A_925 : vector<16xf32>, vector<16xi32>, vector<16xf32>, vector<16xi32>
      } {sc.loop_unroll_factor = 2 : i64, sc.parallel_access}
      %swap3A_889 = arith.index_cast %mul3A_874 : i32 to index
      %swap3A_890 = tpu.vector_load %arg6[%swap3A_889] {strides = array<i32>} : memref<512xf32, #tpu.memory_space<vmem>>, vector<16xf32>,
      tpu.vector_store %arg6[%swap3A_889], %parallel_loop3A_888#0 {strides = array<i32>} : memref<512xf32, #tpu.memory_space<vmem>>, vector<16xf32>,
      %swap3A_891 = arith.index_cast %mul3A_874 : i32 to index
      %swap3A_892 = tpu.vector_load %arg7[%swap3A_891] {strides = array<i32>} : memref<512xi32, #tpu.memory_space<vmem>>, vector<16xi32>,
      tpu.vector_store %arg7[%swap3A_891], %parallel_loop3A_888#1 {strides = array<i32>} : memref<512xi32, #tpu.memory_space<vmem>>, vector<16xi32>,
      %add3A_893 = arith.constant 16 : i32
      %add3A_894 = arith.addi %mul3A_874, %add3A_893 : i32
      %swap3A_895 = arith.index_cast %add3A_894 : i32 to index
      %swap3A_896 = tpu.vector_load %arg6[%swap3A_895] {strides = array<i32>} : memref<512xf32, #tpu.memory_space<vmem>>, vector<16xf32>,
      tpu.vector_store %arg6[%swap3A_895], %parallel_loop3A_888#2 {strides = array<i32>} : memref<512xf32, #tpu.memory_space<vmem>>, vector<16xf32>,
      %add3A_897 = arith.constant 16 : i32
      %add3A_898 = arith.addi %mul3A_874, %add3A_897 : i32
      %swap3A_899 = arith.index_cast %add3A_898 : i32 to index
      %swap3A_900 = tpu.vector_load %arg7[%swap3A_899] {strides = array<i32>} : memref<512xi32, #tpu.memory_space<vmem>>, vector<16xi32>,
      tpu.vector_store %arg7[%swap3A_899], %parallel_loop3A_888#3 {strides = array<i32>} : memref<512xi32, #tpu.memory_space<vmem>>, vector<16xi32>,
    }
    %scan3A_867 = arith.constant 16 : i32
    %mul3A_868 = arith.constant 512 : i32
    %mul3A_869 = arith.muli %add3A, %mul3A_868 : i32
    "tpu.region"() ({
      %run_scoped3A = tpu.sem_alloc : memref<!tpu.dma_semaphore, #tpu.memory_space<semaphore_mem>>
      %dma_start3A_872 = tpu.memref_slice %arg3[%mul3A_869] : memref<16384xf32, #tpu.memory_space<hbm>> -> memref<512xf32, #tpu.memory_space<hbm>>
      %dma_start3A_873 = tpu.memref_slice %arg3[%mul3A_869] : memref<16384xf32, #tpu.memory_space<hbm>> -> memref<512xf32, #tpu.memory_space<hbm>>
      tpu.enqueue_dma source(%arg6 : memref<512xf32, #tpu.memory_space<vmem>>) target(%dma_start3A_873 : memref<512xf32, #tpu.memory_space<hbm>>) target_semaphore(%run_scoped3A : memref<!tpu.dma_semaphore, #tpu.memory_space<semaphore_mem>>)
      %dma_wait3A_874 = tpu.memref_slice %arg3[%mul3A_869] : memref<16384xf32, #tpu.memory_space<hbm>> -> memref<512xf32, #tpu.memory_space<hbm>>
      %dma_wait3A_875 = tpu.memref_slice %arg3[%mul3A_869] : memref<16384xf32, #tpu.memory_space<hbm>> -> memref<512xf32, #tpu.memory_space<hbm>>
      tpu.wait_dma2 semaphore(%run_scoped3A : memref<!tpu.dma_semaphore, #tpu.memory_space<semaphore_mem>>) src(%arg6 : memref<512xf32, #tpu.memory_space<vmem>>) dst(%dma_wait3A_875 : memref<512xf32, #tpu.memory_space<hbm>>)
      tpu.yield
    }) : () -> ()
    %mul3A_870 = arith.constant 512 : i32
    %mul3A_871 = arith.muli %add3A, %mul3A_870 : i32
    "tpu.region"() ({
      %run_scoped3A = tpu.sem_alloc : memref<!tpu.dma_semaphore, #tpu.memory_space<semaphore_mem>>
      %dma_start3A_872 = tpu.memref_slice %arg4[%mul3A_871] : memref<16384xi32, #tpu.memory_space<hbm>> -> memref<512xi32, #tpu.memory_space<hbm>>
      %dma_start3A_873 = tpu.memref_slice %arg4[%mul3A_871] : memref<16384xi32, #tpu.memory_space<hbm>> -> memref<512xi32, #tpu.memory_space<hbm>>
      tpu.enqueue_dma source(%arg7 : memref<512xi32, #tpu.memory_space<vmem>>) target(%dma_start3A_873 : memref<512xi32, #tpu.memory_space<hbm>>) target_semaphore(%run_scoped3A : memref<!tpu.dma_semaphore, #tpu.memory_space<semaphore_mem>>)
      %dma_wait3A_874 = tpu.memref_slice %arg4[%mul3A_871] : memref<16384xi32, #tpu.memory_space<hbm>> -> memref<512xi32, #tpu.memory_space<hbm>>
      %dma_wait3A_875 = tpu.memref_slice %arg4[%mul3A_871] : memref<16384xi32, #tpu.memory_space<hbm>> -> memref<512xi32, #tpu.memory_space<hbm>>
      tpu.wait_dma2 semaphore(%run_scoped3A : memref<!tpu.dma_semaphore, #tpu.memory_space<semaphore_mem>>) src(%arg7 : memref<512xi32, #tpu.memory_space<vmem>>) dst(%dma_wait3A_875 : memref<512xi32, #tpu.memory_space<hbm>>)
      tpu.yield
    }) : () -> ()
    return
  }
}

module attributes {stable_mosaic.version = 14 : i64} {
  func.func @_combine_body(%arg0: memref<512xf32, #tpu.memory_space<vmem>>, %arg1: memref<512xi32, #tpu.memory_space<vmem>>, %arg2: memref<16384xf32, #tpu.memory_space<vmem>>, %arg3: memref<16384xi32, #tpu.memory_space<vmem>>, %arg4: memref<512xi32, #tpu.memory_space<vmem>>, %arg5: memref<512xi32, #tpu.memory_space<vmem>>) attributes {dimension_semantics = [], scalar_prefetch = 0 : i64, scratch_operands = 0 : i64, tpu.core_type = #tpu.core_type<tc>} {
    %get3A = arith.constant 0 : index
    %get3A_0 = vector.load %arg0[%get3A] : memref<512xf32, #tpu.memory_space<vmem>>, vector<512xf32>
    %get3A_1 = arith.constant 0 : index
    %get3A_2 = vector.load %arg1[%get3A_1] : memref<512xi32, #tpu.memory_space<vmem>>, vector<512xi32>
    %get3A_3 = arith.constant 0 : index
    %get3A_4 = vector.load %arg2[%get3A_3] : memref<16384xf32, #tpu.memory_space<vmem>>, vector<512xf32>
    %get3A_5 = arith.constant 0 : index
    %get3A_6 = vector.load %arg3[%get3A_5] : memref<16384xi32, #tpu.memory_space<vmem>>, vector<512xi32>
    %gt3A = arith.cmpf ogt, %get3A_4, %get3A_0 : vector<512xf32>
    %select_n3A = arith.select %gt3A, %get3A_4, %get3A_0 : vector<512xi1>, vector<512xf32>
    %select_n3A_7 = arith.select %gt3A, %get3A_6, %get3A_2 : vector<512xi1>, vector<512xi32>
    %get3A_8 = arith.constant 512 : index
    %get3A_9 = vector.load %arg2[%get3A_8] : memref<16384xf32, #tpu.memory_space<vmem>>, vector<512xf32>
    %get3A_10 = arith.constant 512 : index
    %get3A_11 = vector.load %arg3[%get3A_10] : memref<16384xi32, #tpu.memory_space<vmem>>, vector<512xi32>
    %gt3A_12 = arith.cmpf ogt, %get3A_9, %select_n3A : vector<512xf32>
    %select_n3A_13 = arith.select %gt3A_12, %get3A_9, %select_n3A : vector<512xi1>, vector<512xf32>
    %select_n3A_14 = arith.select %gt3A_12, %get3A_11, %select_n3A_7 : vector<512xi1>, vector<512xi32>
    %get3A_15 = arith.constant 1024 : index
    %get3A_16 = vector.load %arg2[%get3A_15] : memref<16384xf32, #tpu.memory_space<vmem>>, vector<512xf32>
    %get3A_17 = arith.constant 1024 : index
    %get3A_18 = vector.load %arg3[%get3A_17] : memref<16384xi32, #tpu.memory_space<vmem>>, vector<512xi32>
    %gt3A_19 = arith.cmpf ogt, %get3A_16, %select_n3A_13 : vector<512xf32>
    %select_n3A_20 = arith.select %gt3A_19, %get3A_16, %select_n3A_13 : vector<512xi1>, vector<512xf32>
    %select_n3A_21 = arith.select %gt3A_19, %get3A_18, %select_n3A_14 : vector<512xi1>, vector<512xi32>
    %get3A_22 = arith.constant 1536 : index
    %get3A_23 = vector.load %arg2[%get3A_22] : memref<16384xf32, #tpu.memory_space<vmem>>, vector<512xf32>
    %get3A_24 = arith.constant 1536 : index
    %get3A_25 = vector.load %arg3[%get3A_24] : memref<16384xi32, #tpu.memory_space<vmem>>, vector<512xi32>
    %gt3A_26 = arith.cmpf ogt, %get3A_23, %select_n3A_20 : vector<512xf32>
    %select_n3A_27 = arith.select %gt3A_26, %get3A_23, %select_n3A_20 : vector<512xi1>, vector<512xf32>
    %select_n3A_28 = arith.select %gt3A_26, %get3A_25, %select_n3A_21 : vector<512xi1>, vector<512xi32>
    %get3A_29 = arith.constant 2048 : index
    %get3A_30 = vector.load %arg2[%get3A_29] : memref<16384xf32, #tpu.memory_space<vmem>>, vector<512xf32>
    %get3A_31 = arith.constant 2048 : index
    %get3A_32 = vector.load %arg3[%get3A_31] : memref<16384xi32, #tpu.memory_space<vmem>>, vector<512xi32>
    %gt3A_33 = arith.cmpf ogt, %get3A_30, %select_n3A_27 : vector<512xf32>
    %select_n3A_34 = arith.select %gt3A_33, %get3A_30, %select_n3A_27 : vector<512xi1>, vector<512xf32>
    %select_n3A_35 = arith.select %gt3A_33, %get3A_32, %select_n3A_28 : vector<512xi1>, vector<512xi32>
    %get3A_36 = arith.constant 2560 : index
    %get3A_37 = vector.load %arg2[%get3A_36] : memref<16384xf32, #tpu.memory_space<vmem>>, vector<512xf32>
    %get3A_38 = arith.constant 2560 : index
    %get3A_39 = vector.load %arg3[%get3A_38] : memref<16384xi32, #tpu.memory_space<vmem>>, vector<512xi32>
    %gt3A_40 = arith.cmpf ogt, %get3A_37, %select_n3A_34 : vector<512xf32>
    %select_n3A_41 = arith.select %gt3A_40, %get3A_37, %select_n3A_34 : vector<512xi1>, vector<512xf32>
    %select_n3A_42 = arith.select %gt3A_40, %get3A_39, %select_n3A_35 : vector<512xi1>, vector<512xi32>
    %get3A_43 = arith.constant 3072 : index
    %get3A_44 = vector.load %arg2[%get3A_43] : memref<16384xf32, #tpu.memory_space<vmem>>, vector<512xf32>
    %get3A_45 = arith.constant 3072 : index
    %get3A_46 = vector.load %arg3[%get3A_45] : memref<16384xi32, #tpu.memory_space<vmem>>, vector<512xi32>
    %gt3A_47 = arith.cmpf ogt, %get3A_44, %select_n3A_41 : vector<512xf32>
    %select_n3A_48 = arith.select %gt3A_47, %get3A_44, %select_n3A_41 : vector<512xi1>, vector<512xf32>
    %select_n3A_49 = arith.select %gt3A_47, %get3A_46, %select_n3A_42 : vector<512xi1>, vector<512xi32>
    %get3A_50 = arith.constant 3584 : index
    %get3A_51 = vector.load %arg2[%get3A_50] : memref<16384xf32, #tpu.memory_space<vmem>>, vector<512xf32>
    %get3A_52 = arith.constant 3584 : index
    %get3A_53 = vector.load %arg3[%get3A_52] : memref<16384xi32, #tpu.memory_space<vmem>>, vector<512xi32>
    %gt3A_54 = arith.cmpf ogt, %get3A_51, %select_n3A_48 : vector<512xf32>
    %select_n3A_55 = arith.select %gt3A_54, %get3A_51, %select_n3A_48 : vector<512xi1>, vector<512xf32>
    %select_n3A_56 = arith.select %gt3A_54, %get3A_53, %select_n3A_49 : vector<512xi1>, vector<512xi32>
    %get3A_57 = arith.constant 4096 : index
    %get3A_58 = vector.load %arg2[%get3A_57] : memref<16384xf32, #tpu.memory_space<vmem>>, vector<512xf32>
    %get3A_59 = arith.constant 4096 : index
    %get3A_60 = vector.load %arg3[%get3A_59] : memref<16384xi32, #tpu.memory_space<vmem>>, vector<512xi32>
    %gt3A_61 = arith.cmpf ogt, %get3A_58, %select_n3A_55 : vector<512xf32>
    %select_n3A_62 = arith.select %gt3A_61, %get3A_58, %select_n3A_55 : vector<512xi1>, vector<512xf32>
    %select_n3A_63 = arith.select %gt3A_61, %get3A_60, %select_n3A_56 : vector<512xi1>, vector<512xi32>
    %get3A_64 = arith.constant 4608 : index
    %get3A_65 = vector.load %arg2[%get3A_64] : memref<16384xf32, #tpu.memory_space<vmem>>, vector<512xf32>
    %get3A_66 = arith.constant 4608 : index
    %get3A_67 = vector.load %arg3[%get3A_66] : memref<16384xi32, #tpu.memory_space<vmem>>, vector<512xi32>
    %gt3A_68 = arith.cmpf ogt, %get3A_65, %select_n3A_62 : vector<512xf32>
    %select_n3A_69 = arith.select %gt3A_68, %get3A_65, %select_n3A_62 : vector<512xi1>, vector<512xf32>
    %select_n3A_70 = arith.select %gt3A_68, %get3A_67, %select_n3A_63 : vector<512xi1>, vector<512xi32>
    %get3A_71 = arith.constant 5120 : index
    %get3A_72 = vector.load %arg2[%get3A_71] : memref<16384xf32, #tpu.memory_space<vmem>>, vector<512xf32>
    %get3A_73 = arith.constant 5120 : index
    %get3A_74 = vector.load %arg3[%get3A_73] : memref<16384xi32, #tpu.memory_space<vmem>>, vector<512xi32>
    %gt3A_75 = arith.cmpf ogt, %get3A_72, %select_n3A_69 : vector<512xf32>
    %select_n3A_76 = arith.select %gt3A_75, %get3A_72, %select_n3A_69 : vector<512xi1>, vector<512xf32>
    %select_n3A_77 = arith.select %gt3A_75, %get3A_74, %select_n3A_70 : vector<512xi1>, vector<512xi32>
    %get3A_78 = arith.constant 5632 : index
    %get3A_79 = vector.load %arg2[%get3A_78] : memref<16384xf32, #tpu.memory_space<vmem>>, vector<512xf32>
    %get3A_80 = arith.constant 5632 : index
    %get3A_81 = vector.load %arg3[%get3A_80] : memref<16384xi32, #tpu.memory_space<vmem>>, vector<512xi32>
    %gt3A_82 = arith.cmpf ogt, %get3A_79, %select_n3A_76 : vector<512xf32>
    %select_n3A_83 = arith.select %gt3A_82, %get3A_79, %select_n3A_76 : vector<512xi1>, vector<512xf32>
    %select_n3A_84 = arith.select %gt3A_82, %get3A_81, %select_n3A_77 : vector<512xi1>, vector<512xi32>
    %get3A_85 = arith.constant 6144 : index
    %get3A_86 = vector.load %arg2[%get3A_85] : memref<16384xf32, #tpu.memory_space<vmem>>, vector<512xf32>
    %get3A_87 = arith.constant 6144 : index
    %get3A_88 = vector.load %arg3[%get3A_87] : memref<16384xi32, #tpu.memory_space<vmem>>, vector<512xi32>
    %gt3A_89 = arith.cmpf ogt, %get3A_86, %select_n3A_83 : vector<512xf32>
    %select_n3A_90 = arith.select %gt3A_89, %get3A_86, %select_n3A_83 : vector<512xi1>, vector<512xf32>
    %select_n3A_91 = arith.select %gt3A_89, %get3A_88, %select_n3A_84 : vector<512xi1>, vector<512xi32>
    %get3A_92 = arith.constant 6656 : index
    %get3A_93 = vector.load %arg2[%get3A_92] : memref<16384xf32, #tpu.memory_space<vmem>>, vector<512xf32>
    %get3A_94 = arith.constant 6656 : index
    %get3A_95 = vector.load %arg3[%get3A_94] : memref<16384xi32, #tpu.memory_space<vmem>>, vector<512xi32>
    %gt3A_96 = arith.cmpf ogt, %get3A_93, %select_n3A_90 : vector<512xf32>
    %select_n3A_97 = arith.select %gt3A_96, %get3A_93, %select_n3A_90 : vector<512xi1>, vector<512xf32>
    %select_n3A_98 = arith.select %gt3A_96, %get3A_95, %select_n3A_91 : vector<512xi1>, vector<512xi32>
    %get3A_99 = arith.constant 7168 : index
    %get3A_100 = vector.load %arg2[%get3A_99] : memref<16384xf32, #tpu.memory_space<vmem>>, vector<512xf32>
    %get3A_101 = arith.constant 7168 : index
    %get3A_102 = vector.load %arg3[%get3A_101] : memref<16384xi32, #tpu.memory_space<vmem>>, vector<512xi32>
    %gt3A_103 = arith.cmpf ogt, %get3A_100, %select_n3A_97 : vector<512xf32>
    %select_n3A_104 = arith.select %gt3A_103, %get3A_100, %select_n3A_97 : vector<512xi1>, vector<512xf32>
    %select_n3A_105 = arith.select %gt3A_103, %get3A_102, %select_n3A_98 : vector<512xi1>, vector<512xi32>
    %get3A_106 = arith.constant 7680 : index
    %get3A_107 = vector.load %arg2[%get3A_106] : memref<16384xf32, #tpu.memory_space<vmem>>, vector<512xf32>
    %get3A_108 = arith.constant 7680 : index
    %get3A_109 = vector.load %arg3[%get3A_108] : memref<16384xi32, #tpu.memory_space<vmem>>, vector<512xi32>
    %gt3A_110 = arith.cmpf ogt, %get3A_107, %select_n3A_104 : vector<512xf32>
    %select_n3A_111 = arith.select %gt3A_110, %get3A_107, %select_n3A_104 : vector<512xi1>, vector<512xf32>
    %select_n3A_112 = arith.select %gt3A_110, %get3A_109, %select_n3A_105 : vector<512xi1>, vector<512xi32>
    %get3A_113 = arith.constant 8192 : index
    %get3A_114 = vector.load %arg2[%get3A_113] : memref<16384xf32, #tpu.memory_space<vmem>>, vector<512xf32>
    %get3A_115 = arith.constant 8192 : index
    %get3A_116 = vector.load %arg3[%get3A_115] : memref<16384xi32, #tpu.memory_space<vmem>>, vector<512xi32>
    %gt3A_117 = arith.cmpf ogt, %get3A_114, %select_n3A_111 : vector<512xf32>
    %select_n3A_118 = arith.select %gt3A_117, %get3A_114, %select_n3A_111 : vector<512xi1>, vector<512xf32>
    %select_n3A_119 = arith.select %gt3A_117, %get3A_116, %select_n3A_112 : vector<512xi1>, vector<512xi32>
    %get3A_120 = arith.constant 8704 : index
    %get3A_121 = vector.load %arg2[%get3A_120] : memref<16384xf32, #tpu.memory_space<vmem>>, vector<512xf32>
    %get3A_122 = arith.constant 8704 : index
    %get3A_123 = vector.load %arg3[%get3A_122] : memref<16384xi32, #tpu.memory_space<vmem>>, vector<512xi32>
    %gt3A_124 = arith.cmpf ogt, %get3A_121, %select_n3A_118 : vector<512xf32>
    %select_n3A_125 = arith.select %gt3A_124, %get3A_121, %select_n3A_118 : vector<512xi1>, vector<512xf32>
    %select_n3A_126 = arith.select %gt3A_124, %get3A_123, %select_n3A_119 : vector<512xi1>, vector<512xi32>
    %get3A_127 = arith.constant 9216 : index
    %get3A_128 = vector.load %arg2[%get3A_127] : memref<16384xf32, #tpu.memory_space<vmem>>, vector<512xf32>
    %get3A_129 = arith.constant 9216 : index
    %get3A_130 = vector.load %arg3[%get3A_129] : memref<16384xi32, #tpu.memory_space<vmem>>, vector<512xi32>
    %gt3A_131 = arith.cmpf ogt, %get3A_128, %select_n3A_125 : vector<512xf32>
    %select_n3A_132 = arith.select %gt3A_131, %get3A_128, %select_n3A_125 : vector<512xi1>, vector<512xf32>
    %select_n3A_133 = arith.select %gt3A_131, %get3A_130, %select_n3A_126 : vector<512xi1>, vector<512xi32>
    %get3A_134 = arith.constant 9728 : index
    %get3A_135 = vector.load %arg2[%get3A_134] : memref<16384xf32, #tpu.memory_space<vmem>>, vector<512xf32>
    %get3A_136 = arith.constant 9728 : index
    %get3A_137 = vector.load %arg3[%get3A_136] : memref<16384xi32, #tpu.memory_space<vmem>>, vector<512xi32>
    %gt3A_138 = arith.cmpf ogt, %get3A_135, %select_n3A_132 : vector<512xf32>
    %select_n3A_139 = arith.select %gt3A_138, %get3A_135, %select_n3A_132 : vector<512xi1>, vector<512xf32>
    %select_n3A_140 = arith.select %gt3A_138, %get3A_137, %select_n3A_133 : vector<512xi1>, vector<512xi32>
    %get3A_141 = arith.constant 10240 : index
    %get3A_142 = vector.load %arg2[%get3A_141] : memref<16384xf32, #tpu.memory_space<vmem>>, vector<512xf32>
    %get3A_143 = arith.constant 10240 : index
    %get3A_144 = vector.load %arg3[%get3A_143] : memref<16384xi32, #tpu.memory_space<vmem>>, vector<512xi32>
    %gt3A_145 = arith.cmpf ogt, %get3A_142, %select_n3A_139 : vector<512xf32>
    %select_n3A_146 = arith.select %gt3A_145, %get3A_142, %select_n3A_139 : vector<512xi1>, vector<512xf32>
    %select_n3A_147 = arith.select %gt3A_145, %get3A_144, %select_n3A_140 : vector<512xi1>, vector<512xi32>
    %get3A_148 = arith.constant 10752 : index
    %get3A_149 = vector.load %arg2[%get3A_148] : memref<16384xf32, #tpu.memory_space<vmem>>, vector<512xf32>
    %get3A_150 = arith.constant 10752 : index
    %get3A_151 = vector.load %arg3[%get3A_150] : memref<16384xi32, #tpu.memory_space<vmem>>, vector<512xi32>
    %gt3A_152 = arith.cmpf ogt, %get3A_149, %select_n3A_146 : vector<512xf32>
    %select_n3A_153 = arith.select %gt3A_152, %get3A_149, %select_n3A_146 : vector<512xi1>, vector<512xf32>
    %select_n3A_154 = arith.select %gt3A_152, %get3A_151, %select_n3A_147 : vector<512xi1>, vector<512xi32>
    %get3A_155 = arith.constant 11264 : index
    %get3A_156 = vector.load %arg2[%get3A_155] : memref<16384xf32, #tpu.memory_space<vmem>>, vector<512xf32>
    %get3A_157 = arith.constant 11264 : index
    %get3A_158 = vector.load %arg3[%get3A_157] : memref<16384xi32, #tpu.memory_space<vmem>>, vector<512xi32>
    %gt3A_159 = arith.cmpf ogt, %get3A_156, %select_n3A_153 : vector<512xf32>
    %select_n3A_160 = arith.select %gt3A_159, %get3A_156, %select_n3A_153 : vector<512xi1>, vector<512xf32>
    %select_n3A_161 = arith.select %gt3A_159, %get3A_158, %select_n3A_154 : vector<512xi1>, vector<512xi32>
    %get3A_162 = arith.constant 11776 : index
    %get3A_163 = vector.load %arg2[%get3A_162] : memref<16384xf32, #tpu.memory_space<vmem>>, vector<512xf32>
    %get3A_164 = arith.constant 11776 : index
    %get3A_165 = vector.load %arg3[%get3A_164] : memref<16384xi32, #tpu.memory_space<vmem>>, vector<512xi32>
    %gt3A_166 = arith.cmpf ogt, %get3A_163, %select_n3A_160 : vector<512xf32>
    %select_n3A_167 = arith.select %gt3A_166, %get3A_163, %select_n3A_160 : vector<512xi1>, vector<512xf32>
    %select_n3A_168 = arith.select %gt3A_166, %get3A_165, %select_n3A_161 : vector<512xi1>, vector<512xi32>
    %get3A_169 = arith.constant 12288 : index
    %get3A_170 = vector.load %arg2[%get3A_169] : memref<16384xf32, #tpu.memory_space<vmem>>, vector<512xf32>
    %get3A_171 = arith.constant 12288 : index
    %get3A_172 = vector.load %arg3[%get3A_171] : memref<16384xi32, #tpu.memory_space<vmem>>, vector<512xi32>
    %gt3A_173 = arith.cmpf ogt, %get3A_170, %select_n3A_167 : vector<512xf32>
    %select_n3A_174 = arith.select %gt3A_173, %get3A_170, %select_n3A_167 : vector<512xi1>, vector<512xf32>
    %select_n3A_175 = arith.select %gt3A_173, %get3A_172, %select_n3A_168 : vector<512xi1>, vector<512xi32>
    %get3A_176 = arith.constant 12800 : index
    %get3A_177 = vector.load %arg2[%get3A_176] : memref<16384xf32, #tpu.memory_space<vmem>>, vector<512xf32>
    %get3A_178 = arith.constant 12800 : index
    %get3A_179 = vector.load %arg3[%get3A_178] : memref<16384xi32, #tpu.memory_space<vmem>>, vector<512xi32>
    %gt3A_180 = arith.cmpf ogt, %get3A_177, %select_n3A_174 : vector<512xf32>
    %select_n3A_181 = arith.select %gt3A_180, %get3A_177, %select_n3A_174 : vector<512xi1>, vector<512xf32>
    %select_n3A_182 = arith.select %gt3A_180, %get3A_179, %select_n3A_175 : vector<512xi1>, vector<512xi32>
    %get3A_183 = arith.constant 13312 : index
    %get3A_184 = vector.load %arg2[%get3A_183] : memref<16384xf32, #tpu.memory_space<vmem>>, vector<512xf32>
    %get3A_185 = arith.constant 13312 : index
    %get3A_186 = vector.load %arg3[%get3A_185] : memref<16384xi32, #tpu.memory_space<vmem>>, vector<512xi32>
    %gt3A_187 = arith.cmpf ogt, %get3A_184, %select_n3A_181 : vector<512xf32>
    %select_n3A_188 = arith.select %gt3A_187, %get3A_184, %select_n3A_181 : vector<512xi1>, vector<512xf32>
    %select_n3A_189 = arith.select %gt3A_187, %get3A_186, %select_n3A_182 : vector<512xi1>, vector<512xi32>
    %get3A_190 = arith.constant 13824 : index
    %get3A_191 = vector.load %arg2[%get3A_190] : memref<16384xf32, #tpu.memory_space<vmem>>, vector<512xf32>
    %get3A_192 = arith.constant 13824 : index
    %get3A_193 = vector.load %arg3[%get3A_192] : memref<16384xi32, #tpu.memory_space<vmem>>, vector<512xi32>
    %gt3A_194 = arith.cmpf ogt, %get3A_191, %select_n3A_188 : vector<512xf32>
    %select_n3A_195 = arith.select %gt3A_194, %get3A_191, %select_n3A_188 : vector<512xi1>, vector<512xf32>
    %select_n3A_196 = arith.select %gt3A_194, %get3A_193, %select_n3A_189 : vector<512xi1>, vector<512xi32>
    %get3A_197 = arith.constant 14336 : index
    %get3A_198 = vector.load %arg2[%get3A_197] : memref<16384xf32, #tpu.memory_space<vmem>>, vector<512xf32>
    %get3A_199 = arith.constant 14336 : index
    %get3A_200 = vector.load %arg3[%get3A_199] : memref<16384xi32, #tpu.memory_space<vmem>>, vector<512xi32>
    %gt3A_201 = arith.cmpf ogt, %get3A_198, %select_n3A_195 : vector<512xf32>
    %select_n3A_202 = arith.select %gt3A_201, %get3A_198, %select_n3A_195 : vector<512xi1>, vector<512xf32>
    %select_n3A_203 = arith.select %gt3A_201, %get3A_200, %select_n3A_196 : vector<512xi1>, vector<512xi32>
    %get3A_204 = arith.constant 14848 : index
    %get3A_205 = vector.load %arg2[%get3A_204] : memref<16384xf32, #tpu.memory_space<vmem>>, vector<512xf32>
    %get3A_206 = arith.constant 14848 : index
    %get3A_207 = vector.load %arg3[%get3A_206] : memref<16384xi32, #tpu.memory_space<vmem>>, vector<512xi32>
    %gt3A_208 = arith.cmpf ogt, %get3A_205, %select_n3A_202 : vector<512xf32>
    %select_n3A_209 = arith.select %gt3A_208, %get3A_205, %select_n3A_202 : vector<512xi1>, vector<512xf32>
    %select_n3A_210 = arith.select %gt3A_208, %get3A_207, %select_n3A_203 : vector<512xi1>, vector<512xi32>
    %get3A_211 = arith.constant 15360 : index
    %get3A_212 = vector.load %arg2[%get3A_211] : memref<16384xf32, #tpu.memory_space<vmem>>, vector<512xf32>
    %get3A_213 = arith.constant 15360 : index
    %get3A_214 = vector.load %arg3[%get3A_213] : memref<16384xi32, #tpu.memory_space<vmem>>, vector<512xi32>
    %gt3A_215 = arith.cmpf ogt, %get3A_212, %select_n3A_209 : vector<512xf32>
    %select_n3A_216 = arith.select %gt3A_215, %get3A_212, %select_n3A_209 : vector<512xi1>, vector<512xf32>
    %select_n3A_217 = arith.select %gt3A_215, %get3A_214, %select_n3A_210 : vector<512xi1>, vector<512xi32>
    %get3A_218 = arith.constant 15872 : index
    %get3A_219 = vector.load %arg2[%get3A_218] : memref<16384xf32, #tpu.memory_space<vmem>>, vector<512xf32>
    %get3A_220 = arith.constant 15872 : index
    %get3A_221 = vector.load %arg3[%get3A_220] : memref<16384xi32, #tpu.memory_space<vmem>>, vector<512xi32>
    %gt3A_222 = arith.cmpf ogt, %get3A_219, %select_n3A_216 : vector<512xf32>
    %select_n3A_223 = arith.select %gt3A_222, %get3A_221, %select_n3A_217 : vector<512xi1>, vector<512xi32>
    %iota3A = tpu.iota {dimensions = array<i32: 1>} : vector<1x512xi32>
    %iota3A_224 = vector.shape_cast %iota3A : vector<1x512xi32> to vector<512xi32>
    %and3A = arith.constant 7 : i32
    %and3A_225 = vector.broadcast %and3A : i32 to vector<512xi32>
    %and3A_226 = arith.andi %iota3A_224, %and3A_225 : vector<512xi32>
    %get3A_227 = arith.constant 0 : index
    %get3A_228 = vector.load %arg4[%get3A_227] : memref<512xi32, #tpu.memory_space<vmem>>, vector<512xi32>
    %ne3A = arith.cmpi ne, %select_n3A_223, %get3A_228 : vector<512xi32>
    %ne3A_229 = arith.constant 7 : i32
    %ne3A_230 = vector.broadcast %ne3A_229 : i32 to vector<512xi32>
    %ne3A_231 = arith.cmpi ne, %and3A_226, %ne3A_230 : vector<512xi32>
    %and3A_232 = arith.andi %ne3A, %ne3A_231 : vector<512xi1>
    %convert_element_type3A = arith.extui %and3A_232 : vector<512xi1> to vector<512xi32>
    %slice3A = vector.extract_strided_slice %convert_element_type3A {offsets = [511], sizes = [1], strides = [1]} : vector<512xi32> to vector<1xi32>
    %slice3A_233 = vector.extract_strided_slice %convert_element_type3A {offsets = [0], sizes = [511], strides = [1]} : vector<512xi32> to vector<511xi32>
    %concatenate3A = tpu.concatenate %slice3A, %slice3A_233 in 0 : vector<1xi32>, vector<511xi32> -> vector<512xi32>
    %ge3A = arith.constant 1 : i32
    %ge3A_234 = vector.broadcast %ge3A : i32 to vector<512xi32>
    %ge3A_235 = arith.cmpi sge, %and3A_226, %ge3A_234 : vector<512xi32>
    %convert_element_type3A_236 = arith.extui %ge3A_235 : vector<512xi1> to vector<512xi32>
    %mul3A = arith.muli %concatenate3A, %convert_element_type3A_236 : vector<512xi32>
    %or3A = arith.ori %convert_element_type3A, %mul3A : vector<512xi32>
    %slice3A_237 = vector.extract_strided_slice %or3A {offsets = [510], sizes = [2], strides = [1]} : vector<512xi32> to vector<2xi32>
    %slice3A_238 = vector.extract_strided_slice %or3A {offsets = [0], sizes = [510], strides = [1]} : vector<512xi32> to vector<510xi32>
    %concatenate3A_239 = tpu.concatenate %slice3A_237, %slice3A_238 in 0 : vector<2xi32>, vector<510xi32> -> vector<512xi32>
    %ge3A_240 = arith.constant 2 : i32
    %ge3A_241 = vector.broadcast %ge3A_240 : i32 to vector<512xi32>
    %ge3A_242 = arith.cmpi sge, %and3A_226, %ge3A_241 : vector<512xi32>
    %convert_element_type3A_243 = arith.extui %ge3A_242 : vector<512xi1> to vector<512xi32>
    %mul3A_244 = arith.muli %concatenate3A_239, %convert_element_type3A_243 : vector<512xi32>
    %or3A_245 = arith.ori %or3A, %mul3A_244 : vector<512xi32>
    %slice3A_246 = vector.extract_strided_slice %or3A_245 {offsets = [508], sizes = [4], strides = [1]} : vector<512xi32> to vector<4xi32>
    %slice3A_247 = vector.extract_strided_slice %or3A_245 {offsets = [0], sizes = [508], strides = [1]} : vector<512xi32> to vector<508xi32>
    %concatenate3A_248 = tpu.concatenate %slice3A_246, %slice3A_247 in 0 : vector<4xi32>, vector<508xi32> -> vector<512xi32>
    %ge3A_249 = arith.constant 4 : i32
    %ge3A_250 = vector.broadcast %ge3A_249 : i32 to vector<512xi32>
    %ge3A_251 = arith.cmpi sge, %and3A_226, %ge3A_250 : vector<512xi32>
    %convert_element_type3A_252 = arith.extui %ge3A_251 : vector<512xi1> to vector<512xi32>
    %mul3A_253 = arith.muli %concatenate3A_248, %convert_element_type3A_252 : vector<512xi32>
    %or3A_254 = arith.ori %or3A_245, %mul3A_253 : vector<512xi32>
    %slice3A_255 = vector.extract_strided_slice %or3A_254 {offsets = [511], sizes = [1], strides = [1]} : vector<512xi32> to vector<1xi32>
    %slice3A_256 = vector.extract_strided_slice %or3A_254 {offsets = [0], sizes = [511], strides = [1]} : vector<512xi32> to vector<511xi32>
    %concatenate3A_257 = tpu.concatenate %slice3A_255, %slice3A_256 in 0 : vector<1xi32>, vector<511xi32> -> vector<512xi32>
    %ge3A_258 = arith.constant 1 : i32
    %ge3A_259 = vector.broadcast %ge3A_258 : i32 to vector<512xi32>
    %ge3A_260 = arith.cmpi sge, %and3A_226, %ge3A_259 : vector<512xi32>
    %convert_element_type3A_261 = arith.extui %ge3A_260 : vector<512xi1> to vector<512xi32>
    %mul3A_262 = arith.muli %concatenate3A_257, %convert_element_type3A_261 : vector<512xi32>
    %gt3A_263 = arith.constant 0 : i32
    %gt3A_264 = vector.broadcast %gt3A_263 : i32 to vector<512xi32>
    %gt3A_265 = arith.cmpi sgt, %mul3A_262, %gt3A_264 : vector<512xi32>
    %jit3A = arith.constant -1 : i32
    %broadcast_in_dim3A = vector.broadcast %jit3A : i32 to vector<512xi32>
    %select_n3A_266 = arith.select %gt3A_265, %broadcast_in_dim3A, %select_n3A_223 : vector<512xi1>, vector<512xi32>
    %swap3A = arith.constant 0 : index
    %swap3A_267 = vector.load %arg5[%swap3A] : memref<512xi32, #tpu.memory_space<vmem>>, vector<512xi32>
    tpu.vector_store %arg5[%swap3A], %select_n3A_266 {strides = array<i32>} : memref<512xi32, #tpu.memory_space<vmem>>, vector<512xi32>,
    return
  }
}

module attributes {stable_mosaic.version = 14 : i64} {
  func.func @_tc_partial_body(%arg0: i32, %arg1: memref<2824x512xf32, #tpu.memory_space<vmem>>, %arg2: memref<512xf32, #tpu.memory_space<vmem>>, %arg3: memref<512xi32, #tpu.memory_space<vmem>>, %arg4: memref<1x512xf32, #tpu.memory_space<vmem>>, %arg5: memref<1x512xi32, #tpu.memory_space<vmem>>) attributes {dimension_semantics = [#tpu.dimension_semantics<arbitrary>], iteration_bounds = array<i64: 20>, scalar_prefetch = 0 : i64, scratch_operands = 2 : i64, tpu.core_type = #tpu.core_type<tc>, window_params = [{transform_indices = @transform_0, window_bounds = array<i64: 2824, 512>}, {pipeline_mode = #tpu.pipeline_mode<synchronous>, transform_indices = @transform_1, window_bounds = array<i64: 512>}, {pipeline_mode = #tpu.pipeline_mode<synchronous>, transform_indices = @transform_2, window_bounds = array<i64: 512>}]} {
    %get3A = arith.constant 0 : index
    %get3A_0 = arith.constant 0 : index
    %get3A_1 = vector.load %arg1[%get3A, %get3A_0] : memref<2824x512xf32, #tpu.memory_space<vmem>>, vector<2824x512xf32>
    %iota3A = tpu.iota {dimensions = array<i32: 0>} : vector<2824x512xi32>
    %reduce_max3A = arith.constant dense<0xFF800000> : vector<512xf32>
    %reduce_max3A_2 = vector.multi_reduction <maximumf>, %get3A_1, %reduce_max3A [0] : vector<2824x512xf32> to vector<512xf32>
    %broadcast_in_dim3A = vector.shape_cast %reduce_max3A_2 : vector<512xf32> to vector<1x512xf32>
    %eq3A = vector.broadcast %broadcast_in_dim3A : vector<1x512xf32> to vector<2824x512xf32>
    %eq3A_3 = arith.cmpf oeq, %get3A_1, %eq3A : vector<2824x512xf32>
    %jit3A = arith.constant 2147483647 : i32
    %broadcast_in_dim3A_4 = vector.broadcast %jit3A : i32 to vector<2824x512xi32>
    %select_n3A = arith.select %eq3A_3, %iota3A, %broadcast_in_dim3A_4 : vector<2824x512xi1>, vector<2824x512xi32>
    %reduce_min3A = arith.constant dense<2147483647> : vector<512xi32>
    %reduce_min3A_5 = vector.multi_reduction <minsi>, %select_n3A, %reduce_min3A [0] : vector<2824x512xi32> to vector<512xi32>
    %mul3A = arith.constant 2824 : i32
    %mul3A_6 = arith.muli %arg0, %mul3A : i32
    %add3A = vector.broadcast %mul3A_6 : i32 to vector<512xi32>
    %add3A_7 = arith.addi %reduce_min3A_5, %add3A : vector<512xi32>
    %eq3A_8 = arith.constant 0 : i32
    %eq3A_9 = arith.cmpi eq, %arg0, %eq3A_8 : i32
    %convert_element_type3A = arith.extui %eq3A_9 : i1 to i32
    %cond3A = arith.constant 0 : i32
    %cond3A_10 = arith.cmpi ne, %convert_element_type3A, %cond3A : i32
    scf.if %cond3A_10 {
      %swap3A = arith.constant 0 : index
      %swap3A_20 = arith.constant 0 : index
      %swap3A_21 = vector.load %arg4[%swap3A, %swap3A_20] : memref<1x512xf32, #tpu.memory_space<vmem>>, vector<1x512xf32>
      %swap3A_22 = vector.shape_cast %swap3A_21 : vector<1x512xf32> to vector<512xf32>
      %swap3A_23 = vector.shape_cast %reduce_max3A_2 : vector<512xf32> to vector<1x512xf32>
      tpu.vector_store %arg4[%swap3A, %swap3A_20], %swap3A_23 {strides = array<i32>} : memref<1x512xf32, #tpu.memory_space<vmem>>, vector<1x512xf32>,
      %swap3A_24 = arith.constant 0 : index
      %swap3A_25 = arith.constant 0 : index
      %swap3A_26 = vector.load %arg5[%swap3A_24, %swap3A_25] : memref<1x512xi32, #tpu.memory_space<vmem>>, vector<1x512xi32>
      %swap3A_27 = vector.shape_cast %swap3A_26 : vector<1x512xi32> to vector<512xi32>
      %swap3A_28 = vector.shape_cast %add3A_7 : vector<512xi32> to vector<1x512xi32>
      tpu.vector_store %arg5[%swap3A_24, %swap3A_25], %swap3A_28 {strides = array<i32>} : memref<1x512xi32, #tpu.memory_space<vmem>>, vector<1x512xi32>,
    } else {
    }
    %gt3A = arith.constant 0 : i32
    %gt3A_11 = arith.cmpi sgt, %arg0, %gt3A : i32
    %convert_element_type3A_12 = arith.extui %gt3A_11 : i1 to i32
    %cond3A_13 = arith.constant 0 : i32
    %cond3A_14 = arith.cmpi ne, %convert_element_type3A_12, %cond3A_13 : i32
    scf.if %cond3A_14 {
      %get3A_20 = arith.constant 0 : index
      %get3A_21 = arith.constant 0 : index
      %get3A_22 = vector.load %arg4[%get3A_20, %get3A_21] : memref<1x512xf32, #tpu.memory_space<vmem>>, vector<1x512xf32>
      %get3A_23 = vector.shape_cast %get3A_22 : vector<1x512xf32> to vector<512xf32>
      %gt3A_24 = arith.cmpf ogt, %reduce_max3A_2, %get3A_23 : vector<512xf32>
      %select_n3A_25 = arith.select %gt3A_24, %reduce_max3A_2, %get3A_23 : vector<512xi1>, vector<512xf32>
      %swap3A = arith.constant 0 : index
      %swap3A_26 = arith.constant 0 : index
      %swap3A_27 = vector.load %arg4[%swap3A, %swap3A_26] : memref<1x512xf32, #tpu.memory_space<vmem>>, vector<1x512xf32>
      %swap3A_28 = vector.shape_cast %swap3A_27 : vector<1x512xf32> to vector<512xf32>
      %swap3A_29 = vector.shape_cast %select_n3A_25 : vector<512xf32> to vector<1x512xf32>
      tpu.vector_store %arg4[%swap3A, %swap3A_26], %swap3A_29 {strides = array<i32>} : memref<1x512xf32, #tpu.memory_space<vmem>>, vector<1x512xf32>,
      %get3A_30 = arith.constant 0 : index
      %get3A_31 = arith.constant 0 : index
      %get3A_32 = vector.load %arg5[%get3A_30, %get3A_31] : memref<1x512xi32, #tpu.memory_space<vmem>>, vector<1x512xi32>
      %get3A_33 = vector.shape_cast %get3A_32 : vector<1x512xi32> to vector<512xi32>
      %select_n3A_34 = arith.select %gt3A_24, %add3A_7, %get3A_33 : vector<512xi1>, vector<512xi32>
      %swap3A_35 = arith.constant 0 : index
      %swap3A_36 = arith.constant 0 : index
      %swap3A_37 = vector.load %arg5[%swap3A_35, %swap3A_36] : memref<1x512xi32, #tpu.memory_space<vmem>>, vector<1x512xi32>
      %swap3A_38 = vector.shape_cast %swap3A_37 : vector<1x512xi32> to vector<512xi32>
      %swap3A_39 = vector.shape_cast %select_n3A_34 : vector<512xi32> to vector<1x512xi32>
      tpu.vector_store %arg5[%swap3A_35, %swap3A_36], %swap3A_39 {strides = array<i32>} : memref<1x512xi32, #tpu.memory_space<vmem>>, vector<1x512xi32>,
    } else {
    }
    %eq3A_15 = arith.constant 19 : i32
    %eq3A_16 = arith.cmpi eq, %arg0, %eq3A_15 : i32
    %convert_element_type3A_17 = arith.extui %eq3A_16 : i1 to i32
    %cond3A_18 = arith.constant 0 : i32
    %cond3A_19 = arith.cmpi ne, %convert_element_type3A_17, %cond3A_18 : i32
    scf.if %cond3A_19 {
      %get3A_20 = arith.constant 0 : index
      %get3A_21 = arith.constant 0 : index
      %get3A_22 = vector.load %arg4[%get3A_20, %get3A_21] : memref<1x512xf32, #tpu.memory_space<vmem>>, vector<1x512xf32>
      %get3A_23 = vector.shape_cast %get3A_22 : vector<1x512xf32> to vector<512xf32>
      %swap3A = arith.constant 0 : index
      %swap3A_24 = vector.load %arg2[%swap3A] : memref<512xf32, #tpu.memory_space<vmem>>, vector<512xf32>
      tpu.vector_store %arg2[%swap3A], %get3A_23 {strides = array<i32>} : memref<512xf32, #tpu.memory_space<vmem>>, vector<512xf32>,
      %get3A_25 = arith.constant 0 : index
      %get3A_26 = arith.constant 0 : index
      %get3A_27 = vector.load %arg5[%get3A_25, %get3A_26] : memref<1x512xi32, #tpu.memory_space<vmem>>, vector<1x512xi32>
      %get3A_28 = vector.shape_cast %get3A_27 : vector<1x512xi32> to vector<512xi32>
      %swap3A_29 = arith.constant 0 : index
      %swap3A_30 = vector.load %arg3[%swap3A_29] : memref<512xi32, #tpu.memory_space<vmem>>, vector<512xi32>
      tpu.vector_store %arg3[%swap3A_29], %get3A_28 {strides = array<i32>} : memref<512xi32, #tpu.memory_space<vmem>>, vector<512xi32>,
    } else {
    }
    return
  }
  func.func @transform_0(%arg0: i32) -> (i32, i32) {
    %c0_i32 = arith.constant 0 : i32
    %c0_i32_0 = arith.constant 0 : i32
    return %arg0, %c0_i32 : i32, i32
  }
  func.func @transform_1(%arg0: i32) -> i32 {
    %c0_i32 = arith.constant 0 : i32
    %c0_i32_0 = arith.constant 0 : i32
    return %c0_i32 : i32
  }
  func.func @transform_2(%arg0: i32) -> i32 {
    %c0_i32 = arith.constant 0 : i32
    %c0_i32_0 = arith.constant 0 : i32
    return %c0_i32 : i32
  }
}

</mosaic_0001>

<sc_bundles>
// kernel: kernel.5.cloned.1.call-start
scs
__scs_entry_jumppad:
0x0: {  	(pc) =	sbr.rel $0x88, $3  }
0x1: {  	(tag) =	ssettag $0x0;
	lr =	simm.s32 $0x1  }
0x2: {  	[smem:$0x3F9F] =	sst lr;
	_ =	strace $0xD0000000  }
0x3: {  	_ = 	snop  }
0x4: {  	_ = 	snop  }
0x5: {  	_ = 	snop  }
0x6: {  	_ = 	snop  }
0x7: {  	_ = 	snop  }
__scs_overlays_trampoline_lowered:
0x8: {  	[smem:$0x3FAE] =	sst s0  }
0x9: {  	[smem:$0x3FAF] =	sst s1  }
0xa: {  	[smem:$0x3FB0] =	sst s2  }
0xb: {  	[smem:$0x3FB1] =	sst s3  }
0xc: {  	[smem:$0x3FB2] =	sst s4  }
0xd: {  	[smem:$0x3FB3] =	sst s5  }
0xe: {  	[smem:$0x3FB4] =	sst s6  }
0xf: {  	[smem:$0x3FB5] =	sst s7  }
0x10: {  	[smem:$0x3FB6] =	sst s8  }
0x11: {  	[smem:$0x3FB7] =	sst s9;
	s0 =	simm.s32 @!p0 $0x0  }
0x12: {  	s1 =	sld [smem:$0x3F9D];
	s0 =	simm.s32 @p0 $0x1  }
0x13: {  	[smem:$0x3FB8] =	sst s0;
	s0 =	simm.s32 @!p1 $0x0  }
0x14: {  	s2 =	sld [smem:$0x3F9C];
	s0 =	simm.s32 @p1 $0x1  }
0x15: {  	[smem:$0x3FB9] =	sst s0;
	s0 =	simm.s32 @!p2 $0x0  }
0x16: {  	s3 =	sld [smem:$0x3FDB];
	s0 =	simm.s32 @p2 $0x1  }
0x17: {  	s4 =	simm.s32 $0x1BF5;
	[smem:$0x3FBB] =	sst s0  }
0x18: {  	s0 =	sld [smem:$0x3F9E];
	_ =	swait.ge [sflag:s4], $0x0  }
0x19: {  	s7 =	sld [smem:$0x3F9F]  }
0x1a: {  	s8 =	sadd.s32 $0xFFFFE003, lr  }
0x1b: {  	s9 =	sadd.s32 $0xFFFFFEF7, lr;
	s5 =	simm.s32 $0xFFFFFFFF;
	p2 =	slt.u32 s8, $0xFFFFF086  }
0x1c: {  	p1 =	slt.u32 s9, $0xF7A;
	s5 =	simm.s32 @!p2 $0x0  }
0x1d: {  	s5 =	simm.s32 @p1 $0x1;
	p0 =	seq.s32 s7, s2  }
0x1e: {  	s7 =	smul.u32 @!p0 $0xF7A, s2;
	p2 =	seq.s32 @!p0 s5, $0x0  }
0x1f: {  	s9 =	smul.u32 $0xF7A, s1;
	s8 =	simm.s32 @!p0 $0x1BF5;
	p2 =	por !p2, p0  }
0x20: {  	[sflag:s8] =	ssyncset.s32 @!p0 $0xFFFFF086;
	s6 =	sadd.s32 @!p0 s3, s7;
	s7 =	simm.s32 @!p0 $0x108  }
0x21: {  	s3 =	sadd.s32 s3, s9;
	s6 =	sadd.s32 @!p0 $0x88, s6;
	s7 =	simm.s32 @p2 $0x1082  }
0x22: {  	[simem:s7], [sflag:s8] =	dma.local @!p0 [hbm:s6], $0xF7A  }
0x23: {  	s9 =	sor.u32 $0xD0000000, s2;
	s6 =	simm.s32 $0x108;
	_ =	swait.ge @!p0 [sflag:s8], $0x0  }
0x24: {  	s3 =	sadd.s32 $0x88, s3;
	s6 =	simm.s32 @!p1 $0x1082;
	[sflag:s4] =	ssyncset.s32 $0xFFFFF086  }
0x25: {  	[simem:s6], [sflag:s4] =	dma.local [hbm:s3], $0xF7A  }
0x26: {  	[smem:$0x3F9F] =	sst s1;
	(tag) =	ssettag s2;
	_ =	strace s9  }
0x27: {  	s1 =	sld [smem:$0x3FAF]  }
0x28: {  	s2 =	sld [smem:$0x3FB0]  }
0x29: {  	s4 =	sld [smem:$0x3FB2]  }
0x2a: {  	p0 =	seq.s32 s5, $0x0;
	s5 =	sld [smem:$0x3FB3]  }
0x2b: {  	s6 =	sld [smem:$0x3FB4]  }
0x2c: {  	s7 =	sld [smem:$0x3FB5]  }
0x2d: {  	s3 =	simm.s32 $0x108;
	s8 =	sld [smem:$0x3FB6]  }
0x2e: {  	s3 =	simm.s32 @!p0 $0x1082;
	s9 =	sld [smem:$0x3FB7]  }
0x2f: {  	lr =	sadd.s32 s0, s3;
	s0 =	sld [smem:$0x3FAE]  }
0x30: {  	s3 =	sld [smem:$0x3FB1]  }
0x31: {  	[smem:$0x3FBA] =	sst s10  }
0x32: {  	s10 =	sld [smem:$0x3FB8];
	_ =	sdelay $0x3  }
0x33: {  	p0 =	seq.s32 s10, $0x1;
	s10 =	sld [smem:$0x3FBA];
	_ =	sdelay $0x3  }
0x34: {  	[smem:$0x3FBA] =	sst s10  }
0x35: {  	s10 =	sld [smem:$0x3FB9];
	_ =	sdelay $0x3  }
0x36: {  	p1 =	seq.s32 s10, $0x1;
	s10 =	sld [smem:$0x3FBA];
	_ =	sdelay $0x3  }
0x37: {  	[smem:$0x3FBA] =	sst s10  }
0x38: {  	s10 =	sld [smem:$0x3FBB]  }
0x39: {  	_ = 	snop;
	(pc) =	sbr.ind lr, $3  }
0x3a: {  	_ = 	snop  }
0x3b: {  	_ = 	snop  }
0x3c: {  	p2 =	seq.s32 s10, $0x1;
	s10 =	sld [smem:$0x3FBA]  }
0x3d: {  	_ =	shalt  }
0x3e: {  	_ =	shalt  }
0x3f: {  	_ =	shalt  }
0x40: {  	_ =	shalt  }
0x41: {  	_ =	shalt  }
0x42: {  	_ =	shalt  }
0x43: {  	_ =	shalt  }
0x44: {  	_ =	shalt  }
0x45: {  	_ =	shalt  }
0x46: {  	_ =	shalt  }
0x47: {  	_ =	shalt  }
0x48: {  	_ =	shalt  }
0x49: {  	_ =	shalt  }
0x4a: {  	_ =	shalt  }
0x4b: {  	_ =	shalt  }
0x4c: {  	_ =	shalt  }
0x4d: {  	_ =	shalt  }
0x4e: {  	_ =	shalt  }
0x4f: {  	_ =	shalt  }
0x50: {  	_ =	shalt  }
0x51: {  	_ =	shalt  }
0x52: {  	_ =	shalt  }
0x53: {  	_ =	shalt  }
0x54: {  	_ =	shalt  }
0x55: {  	_ =	shalt  }
0x56: {  	_ =	shalt  }
0x57: {  	_ =	shalt  }
0x58: {  	_ =	shalt  }
0x59: {  	_ =	shalt  }
0x5a: {  	_ =	shalt  }
0x5b: {  	_ =	shalt  }
0x5c: {  	_ =	shalt  }
0x5d: {  	_ =	shalt  }
0x5e: {  	_ =	shalt  }
0x5f: {  	_ =	shalt  }
0x60: {  	_ =	shalt  }
0x61: {  	_ =	shalt  }
0x62: {  	_ =	shalt  }
0x63: {  	_ =	shalt  }
0x64: {  	_ =	shalt  }
0x65: {  	_ =	shalt  }
0x66: {  	_ =	shalt  }
0x67: {  	_ =	shalt  }
0x68: {  	_ =	shalt  }
0x69: {  	_ =	shalt  }
0x6a: {  	_ =	shalt  }
0x6b: {  	_ =	shalt  }
0x6c: {  	_ =	shalt  }
0x6d: {  	_ =	shalt  }
0x6e: {  	_ =	shalt  }
0x6f: {  	_ =	shalt  }
0x70: {  	_ =	shalt  }
0x71: {  	_ =	shalt  }
0x72: {  	_ =	shalt  }
0x73: {  	_ =	shalt  }
0x74: {  	_ =	shalt  }
0x75: {  	_ =	shalt  }
0x76: {  	_ =	shalt  }
0x77: {  	_ =	shalt  }
0x78: {  	_ =	shalt  }
0x79: {  	_ =	shalt  }
0x7a: {  	_ =	shalt  }
0x7b: {  	_ =	shalt  }
0x7c: {  	_ =	shalt  }
0x7d: {  	_ =	shalt  }
0x7e: {  	_ =	shalt  }
0x7f: {  	_ =	shalt  }
0x80: {  	_ =	shalt  }
0x81: {  	_ =	shalt  }
0x82: {  	_ =	shalt  }
0x83: {  	_ =	shalt  }
0x84: {  	_ =	shalt  }
0x85: {  	_ =	shalt  }
0x86: {  	_ =	shalt  }
0x87: {  	_ =	shalt  }
.Lfunc_end0:
.L_simem_size_0:
called_computation_lowered:
.L_overlay_start_0:
0x88: {  	s2 =	sld [smem:$0x3FD9]  }
0x89: {  	s3 =	sld [smem:$0x3FFE];
	_ =	sdelay $0x1  }
0x8a: {  	s1 =	srdreg.scid  }
0x8b: {  	s0 =	sand.u32 $0x1, s1  }
0x8c: {  	s17 =	sshll.u32 s0, $0xA;
	s2 =	sadd.s32 s3, s2  }
0x8d: {  	s2 =	sadd.s32 s2, s17  }
0x8e: {  	[smem:$0x3FC6] =	sst s2  }
0x8f: {  	_ = 	snop  }
0x90: {  	s2 =	sld [smem:$0x3FC9];
	(tm) =	ssettm $0x1  }
0x91: {  	s18 =	sld [smem:$0x3FFB];
	_ =	sdelay $0x3  }
0x92: {  	_ =	strace s18  }
0x93: {  	s3 =	sld [smem:$0x3FFC];
	_ =	sdelay $0x3  }
0x94: {  	_ =	strace s3  }
0x95: {  	s3 =	sld [smem:$0x3FFD];
	_ =	sdelay $0x3  }
0x96: {  	_ =	strace s3  }
0x97: {  	_ =	strace $0x8FFFFFFF  }
0x98: {  	s19 =	sld [smem:$0x3FDB];
	_ =	sdelay $0x1  }
0x99: {  	s4 =	simm.s32 $_scs_section_size  }
0x9a: {  	s5 =	simm.s32 $_size__tile_overlayer_lowered;
	s6 =	simm.s32 $_tile_overlayer_lowered  }
0x9b: {  	s22 =	simm.s32 $0x1BFF;
	s21 =	sshll.u32 s6, $0x1;
	s3 =	sadd.s32 s4, s19  }
0x9c: {  	s7 =	simm.s32 $0x0;
	s20 =	sshll.u32 s5, $0x1;
	s5 =	sadd.s32 s21, s3  }
0x9d: {  	[timem:s7], [sflag:s22] =	dma.local [hbm:s5], s20  }
0x9e: {  	_ =	swait.ge [sflag:s22], s20  }
0x9f: {  	s4 =	ssub.s32 $0x0, s20;
	[sflag:s22] =	ssyncset.done $0x0  }
0xa0: {  	[sflag:s22] =	ssyncadd.s32 s4;
	_ =	sdelay $0x1  }
0xa1: {  	s23 =	simm.s32 $0x1B8B  }
0xa2: {  	_ =	swait.ge [sflag:s23], $0x1  }
0xa3: {  	[sflag:s23] =	ssyncset.done $0x0  }
0xa4: {  	s25 =	simm.s32 $0x1B8E;
	s24 =	sld [smem:$0x3FFE];
	[sflag:s23] =	ssyncadd.s32 $0xFFFFFFFF  }
0xa5: {  	s26 =	simm.s32 $execute0_lowered;
	[smem:$0x3FD2] =	sst s25  }
0xa6: {  	s5 =	sshll.u32 s26, $0x1;
	_ =	strace $0x80000046;
	[dreg:$0x1] =	wrdreg $0xFFFFFFFF  }
0xa7: {  	s28 =	simm.s32 $_size_execute0_lowered;
	s3 =	sadd.s32 s3, s5;
	[dreg:$0x0] =	wrdreg $0x0  }
0xa8: {  	s5 =	sshll.u32 s28, $0x1;
	[dreg:$0x2] =	wrdreg s3  }
0xa9: {  	[dreg:$0x3] =	wrdreg s5  }
0xaa: {  	[dreg:$0x4] =	wrdreg $0xC0  }
0xab: {  	_ =	task [dreg:s7], $0x5FFFF  }
0xac: {  	[dreg:$0x1] =	wrdreg $0xFFFFFFFF  }
0xad: {  	[dreg:$0x0] =	wrdreg $0x60  }
0xae: {  	[dreg:$0x2] =	wrdreg s2  }
0xaf: {  	[dreg:$0x3] =	wrdreg s24  }
0xb0: {  	[dreg:$0x4] =	wrdreg $0x9  }
0xb1: {  	_ =	task.clear_ibuf [dreg:s7], $0x5FFFF;
	_ =	strace $0x90000046  }
0xb2: {  	s29 =	simm.s32 $0x9;
	_ =	strace $0x80000048  }
0xb3: {  	_ =	swait.ge [sflag:s29], $0x1  }
0xb4: {  	[sflag:s29] =	ssyncadd.s32 $0xFFFFFFFF  }
0xb5: {  	_ =	strace $0x90000048  }
0xb6: {  	_ =	sfence  }
0xb7: {  	s30 =	sld [smem:$0x0];
	_ =	sdelay $0x2  }
0xb8: {  	s31 =	sshll.u32 s1, $0xD;
	s1 =	sshrl.u32 s1, $0x2  }
0xb9: {  	s3 =	sand.u32 $0x4000, s31;
	s1 =	sadd.s32 s1, s30  }
0xba: {  	s0 =	sor.u32 s3, s0;
	s1 =	sshll.u32 s1, $0x11  }
0xbb: {  	s0 =	sor.u32 s1, s0  }
0xbc: {  	s0 =	sadd.s32 $0x8F2B, s0  }
0xbd: {  	[sflag:s0] =	ssyncadd.remote.s32 $0x1  }
0xbe: {  	_ =	sfence.sel $0xFFFF  }
0xbf: {  	[dreg:$0x0] =	wrdreg $0xFFFFFFFF;
	(pc) =	sbr.abs _section_cstart, $3  }
0xc0: {  	[dreg:$0x1] =	wrdreg $0xFFFFFFFF  }
0xc1: {  	_ =	task.clear_ibuf [dreg:s7], $0x2FFFF;
	_ =	strace $0x9FFFFFFF  }
0xc2: {  	(tm) =	ssettm $0x7FFFFFFF  }
0xc3: {  	_ =	shalt  }
tec
execute0_lowered:
.L_overlay_start_1:
0x0: {  	(tag) =	ssettag $0x1  }
0x1: {  	s0 =	srdreg.scid;
	s6 =	stileid.u32  }
0x2: {  	s0 =	sand.u32 $0x1, s0;
	s1 =	sshll.u32 s6, $0x1  }
0x3: {  	s1 =	sor.u32 s0, s1  }
0x4: {  	s5 =	smul.u32 $0x15400, s1  }
0x5: {  	s3 =	rddreg [dreg:$0x0]  }
0x6: {  	s4 =	rddreg [dreg:$0x1];
	s2 =	simm.s32 $0x0;
	s3 =	sadd.s32 s3, s5  }
0x7: {  	s29 =	simm.s32 $0x3;
	[smem:$0x7FF] =	sst s2;
	s5 =	sadd.s32 $0x372800, s3  }
0x8: {  	_ =	strace $0x80000047;
	s15 =	sadd.s32 $0x373C00, s3;
	[dreg:$0x3] =	wrdreg s5  }
0x9: {  	s31 =	simm.s32 $0x0;
	s16 =	sadd.s32 $0x376400, s3;
	[dreg:$0x4] =	wrdreg s15  }
0xa: {  	s30 =	smul.u32 $0xAA0, s6;
	s18 =	sadd.s32 $0x377800, s3;
	[dreg:$0x5] =	wrdreg s16  }
0xb: {  	s17 =	ssub.s32 $0x2, s0;
	s19 =	sadd.s32 $0x378C00, s3;
	[dreg:$0x6] =	wrdreg s18  }
0xc: {  	s0 =	smul.u32 $0x550, s0;
	s20 =	sadd.s32 $0x375000, s3;
	[dreg:$0x7] =	wrdreg s19  }
0xd: {  	s1 =	sshll.u32 s1, $0x6;
	s21 =	sadd.s32 $0x37A000, s3;
	[dreg:$0x8] =	wrdreg s20  }
0xe: {  	s23 =	sshrl.u32 s17, $0x1;
	s22 =	sadd.s32 $0x37B400, s3;
	[dreg:$0x9] =	wrdreg s21  }
0xf: {  	s1 =	sadd.s32 s1, s4;
	s7 =	sadd.s32 $0x37C800, s3;
	[dreg:$0xa] =	wrdreg s22  }
0x10: {  	s4 =	ssub.s32 s17, s23;
	s24 =	sadd.s32 $0x37DC00, s3;
	[dreg:$0xb] =	wrdreg s7  }
0x11: {  	s23 =	sadd.s32 s0, s30;
	s25 =	sadd.s32 $0x380400, s3;
	[dreg:$0xc] =	wrdreg s24  }
0x12: {  	s26 =	sadd.s32 $0x381800, s3;
	s28 =	sadd.s32 $0x37F000, s3;
	[dreg:$0xd] =	wrdreg s25  }
0x13: {  	s17 =	sadd.s32 $0x384000, s3;
	[dreg:$0xe] =	wrdreg s26;
	s16 =	sadd.s32 $0x382C00, s3  }
0x14: {  	[dreg:$0xf] =	wrdreg s28;
	s18 =	sadd.s32 $0x385400, s3;
	s19 =	sadd.s32 $0x386800, s3  }
0x15: {  	s20 =	sadd.s32 $0x1000, s1;
	s21 =	sadd.s32 $0x1800, s1;
	s22 =	smax.u32 s4, $0x1  }
0x16: {  	v0 =	vimm.f32 $-Inf;
	v1 =	vimm.s32 $0x0;
	s24 =	simm.s32 $0xA000;
	s25 =	simm.s32 $0x1;
	s26 =	simm.s32 $0x2  }
.LBB2_1:
0x17: {  	[tilespmem:$0x14000] =	vst v0  }
0x18: {  	[tilespmem:$0x14200] =	vst v1  }
0x19: {  	[tilespmem:$0x14010] =	vst v0  }
0x1a: {  	[tilespmem:$0x14210] =	vst v1  }
0x1b: {  	[tilespmem:$0x14020] =	vst v0  }
0x1c: {  	[tilespmem:$0x14220] =	vst v1  }
0x1d: {  	[tilespmem:$0x14030] =	vst v0  }
0x1e: {  	[tilespmem:$0x14230] =	vst v1  }
0x1f: {  	[tilespmem:$0x14040] =	vst v0  }
0x20: {  	[tilespmem:$0x14240] =	vst v1  }
0x21: {  	[tilespmem:$0x14050] =	vst v0  }
0x22: {  	[tilespmem:$0x14250] =	vst v1  }
0x23: {  	[tilespmem:$0x14060] =	vst v0  }
0x24: {  	[tilespmem:$0x14260] =	vst v1  }
0x25: {  	[tilespmem:$0x14070] =	vst v0  }
0x26: {  	[tilespmem:$0x14270] =	vst v1  }
0x27: {  	[tilespmem:$0x14080] =	vst v0  }
0x28: {  	[tilespmem:$0x14280] =	vst v1  }
0x29: {  	[tilespmem:$0x14090] =	vst v0  }
0x2a: {  	[tilespmem:$0x14290] =	vst v1  }
0x2b: {  	[tilespmem:$0x140A0] =	vst v0  }
0x2c: {  	[tilespmem:$0x142A0] =	vst v1  }
0x2d: {  	[tilespmem:$0x140B0] =	vst v0  }
0x2e: {  	[tilespmem:$0x142B0] =	vst v1  }
0x2f: {  	[tilespmem:$0x140C0] =	vst v0  }
0x30: {  	[tilespmem:$0x142C0] =	vst v1  }
0x31: {  	[tilespmem:$0x140D0] =	vst v0  }
0x32: {  	[tilespmem:$0x142D0] =	vst v1  }
0x33: {  	[tilespmem:$0x140E0] =	vst v0  }
0x34: {  	[tilespmem:$0x142E0] =	vst v1  }
0x35: {  	[tilespmem:$0x140F0] =	vst v0  }
0x36: {  	[tilespmem:$0x142F0] =	vst v1  }
0x37: {  	[tilespmem:$0x14100] =	vst v0  }
0x38: {  	[tilespmem:$0x14300] =	vst v1  }
0x39: {  	[tilespmem:$0x14110] =	vst v0  }
0x3a: {  	[tilespmem:$0x14310] =	vst v1  }
0x3b: {  	[tilespmem:$0x14120] =	vst v0  }
0x3c: {  	[tilespmem:$0x14320] =	vst v1  }
0x3d: {  	[tilespmem:$0x14130] =	vst v0  }
0x3e: {  	[tilespmem:$0x14330] =	vst v1  }
0x3f: {  	[tilespmem:$0x14140] =	vst v0  }
0x40: {  	[tilespmem:$0x14340] =	vst v1  }
0x41: {  	[tilespmem:$0x14150] =	vst v0  }
0x42: {  	[tilespmem:$0x14350] =	vst v1  }
0x43: {  	[tilespmem:$0x14160] =	vst v0  }
0x44: {  	[tilespmem:$0x14360] =	vst v1  }
0x45: {  	[tilespmem:$0x14170] =	vst v0  }
0x46: {  	[tilespmem:$0x14370] =	vst v1  }
0x47: {  	[tilespmem:$0x14180] =	vst v0  }
0x48: {  	[tilespmem:$0x14380] =	vst v1  }
0x49: {  	[tilespmem:$0x14190] =	vst v0  }
0x4a: {  	[tilespmem:$0x14390] =	vst v1  }
0x4b: {  	[tilespmem:$0x141A0] =	vst v0  }
0x4c: {  	[tilespmem:$0x143A0] =	vst v1  }
0x4d: {  	[tilespmem:$0x141B0] =	vst v0  }
0x4e: {  	[tilespmem:$0x143B0] =	vst v1  }
0x4f: {  	[tilespmem:$0x141C0] =	vst v0  }
0x50: {  	[tilespmem:$0x143C0] =	vst v1  }
0x51: {  	[tilespmem:$0x141D0] =	vst v0  }
0x52: {  	[tilespmem:$0x143D0] =	vst v1  }
0x53: {  	[tilespmem:$0x141E0] =	vst v0  }
0x54: {  	[tilespmem:$0x143E0] =	vst v1  }
0x55: {  	[tilespmem:$0x141F0] =	vst v0  }
0x56: {  	[tilespmem:$0x143F0] =	vst v1;
	s0 =	rddreg [dreg:$0x3]  }
0x57: {  	[tilespmem:s2], [sflag:$0x1] =	stream.linear.gather [hbm4b:s0+s2], $0xA000, $0x38;
	[tilespmem:$0x14400] =	vst v63  }
0x58: {  	s30 =	rddreg [dreg:$0x4]  }
0x59: {  	[tilespmem:s24], [sflag:$0x2] =	stream.linear.gather [hbm4b:s30+s2], $0xA000, $0x38;
	[tilespmem:$0x14400] =	vst v63  }
0x5a: {  	_ =	swait.ge [sflag:s25], $0xA000  }
0x5b: {  	[sflag:s25] =	ssyncset.done $0x0  }
0x5c: {  	s0 =	simm.s32 $0x0;
	[sflag:s25] =	ssyncadd.s32 $0xFFFF6000  }
.LBB2_2:
0x5d: {  	s1 =	sshll.u32 s0, $0x5  }
0x5e: {  	s3 =	sand.u32 $0x60, s1  }
0x5f: {  	s8 =	sshll.u32 s0, $0x8;
	s4 =	sor.u32 $0x10, s3;
	v3 =	vmov s3  }
0x60: {  	s9 =	simm.s32 $0x0;
	s11 =	simm.s32 $0x0;
	s5 =	sand.u32 $0x180, s1;
	v11 =	vld [tilespmem:s1+$0x14000];
	v2 =	vmov s4  }
0x61: {  	v14 =	vld [tilespmem:s1+$0x14200];
	s10 =	sand.u32 $0xF000, s9;
	s3 =	sand.u32 $0xC00, s8;
	s28 =	sor.u32 s5, s4  }
0x62: {  	s5 =	sand.u32 $0x300, s11;
	s4 =	sor.u32 s10, s3;
	v8 =	vld [tilespmem:s28+$0x14000]  }
0x63: {  	s6 =	simm.s32 $0x80;
	s7 =	simm.s32 $0x400;
	v5 =	vld [tilespmem:s28+$0x14200];
	s5 =	sadd.s32 s5, s4  }
0x64: {  	s14 =	simm.s32 $0x100;
	s6 =	sand.u32 $0x380, s6;
	s13 =	sand.u32 $0xF000, s7;
	v13 =	vld.idx.msk [tilespmem:v3+s5+$0x0 ss:$0x1], $0xffff  }
0x65: {  	s15 =	sand.u32 $0x300, s14;
	s4 =	sadd.s32 s6, s4;
	s6 =	sor.u32 s13, s3;
	v12 =	vld.idx.msk [tilespmem:v2+s5+$0x0 ss:$0x1], $0xffff  }
0x66: {  	s9 =	sadd.s32 s15, s6;
	v9 =	vld.idx.msk [tilespmem:v3+s4+$0x0 ss:$0x1], $0xffff  }
0x67: {  	s12 =	simm.s32 $0x180;
	s10 =	sadd.s32 $0xFFFFFFFE, s23;
	v10 =	vld.idx.msk [tilespmem:v3+s9+$0x0 ss:$0x1], $0xffff  }
0x68: {  	s30 =	simm.s32 $0x280;
	s8 =	sadd.s32 $0xDCA2, s10;
	v6 =	vld.idx.msk [tilespmem:v2+s4+$0x0 ss:$0x1], $0xffff;
	s5 =	sand.u32 $0x380, s12  }
0x69: {  	s10 =	sadd.s32 $0xDCA3, s10;
	s4 =	simm.s32 $0x2;
	v7 =	vld.idx.msk [tilespmem:v2+s9+$0x0 ss:$0x1], $0xffff;
	s7 =	sadd.s32 s5, s6;
	vm1 =	vgt.f32 v13, v11  }
0x6a: {  	s9 =	simm.s32 $0x800;
	s5 =	simm.s32 $0x0;
	s6 =	simm.s32 $0x4;
	v4 =	vld.idx.msk [tilespmem:v2+s7+$0x0 ss:$0x1], $0xffff;
	vm0 =	vgt.f32 v12, v8;
	v13 =	vsel vm1, v13, v11;
	v11 =	vsel vm1, s8, v14  }
.LBB2_3:
0x6b: {  	s11 =	sand.u32 $0xF000, s9;
	s14 =	smov.u32 s6;
	s6 =	sadd.s32 $0x2, s6  }
0x6c: {  	s12 =	sadd.s32 $0xFFFFFF80, s30;
	s13 =	sand.u32 $0x380, s30;
	v8 =	vsel vm0, v12, v8;
	vm1 =	vgt.f32 v9, v13;
	v12 =	vmov v9;
	v9 =	vld.idx.msk [tilespmem:v3+s7+$0x0 ss:$0x1], $0xffff;
	p0 =	slt.u32 s6, $0x4E  }
.Ltmp0:
0x6d: {  	v5 =	vsel vm0, s8, v5;
	s7 =	sand.u32 $0x300, s12;
	s11 =	sor.u32 s11, s3;
	vm0 =	vgt.f32 v6, v8;
	v12 =	vsel vm1, v12, v13;
	(pc) =	sbr.rel @p0 .LBB2_3-.Ltmp0, $4  }
0x6e: {  	v11 =	vsel vm1, s10, v11;
	s12 =	sadd.s32 s7, s11;
	s7 =	sadd.s32 s13, s11;
	v8 =	vsel vm0, v6, v8;
	v5 =	vsel vm0, s10, v5  }
0x6f: {  	s10 =	sadd.s32 s5, s23;
	v6 =	vmov v4;
	s5 =	smov.u32 s4;
	v4 =	vld.idx.msk [tilespmem:v2+s7+$0x0 ss:$0x1], $0xffff  }
0x70: {  	s4 =	smov.u32 s14;
	s8 =	sadd.s32 $0xDCA2, s10;
	vm1 =	vgt.f32 v10, v12;
	v13 =	vmov v10;
	v10 =	vld.idx.msk [tilespmem:v3+s12+$0x0 ss:$0x1], $0xffff  }
0x71: {  	s30 =	sadd.s32 $0x100, s30;
	s9 =	sadd.s32 $0x400, s9;
	s10 =	sadd.s32 $0xDCA3, s10;
	vm0 =	vgt.f32 v7, v8;
	v13 =	vsel vm1, v13, v12;
	v11 =	vsel vm1, s8, v11;
	v12 =	vmovc v7;
	v7 =	vld.idx.msk [tilespmem:v2+s12+$0x0 ss:$0x1], $0xffff  }
0x72: {  	_ =	sdelay $0x2  }
0x73: {  	s6 =	sand.u32 $0xF000, s9;
	s12 =	sadd.s32 $0xFFFFFF80, s30  }
0x74: {  	v14 =	vld.idx.msk [tilespmem:v3+s7+$0x0 ss:$0x1], $0xffff;
	s13 =	sand.u32 $0x300, s12;
	s3 =	sor.u32 s6, s3  }
0x75: {  	vm1 =	vgt.f32 v9, v13;
	s6 =	sadd.s32 s13, s3  }
0x76: {  	s14 =	sand.u32 $0x380, s30;
	v8 =	vsel vm0, v12, v8;
	v9 =	vsel vm1, v9, v13;
	v55 =	vld.idx.msk [tilespmem:v3+s6+$0x0 ss:$0x1], $0xffff  }
0x77: {  	vm2 =	vgt.f32 v6, v8;
	s3 =	sadd.s32 s14, s3;
	vm3 =	vgt.f32 v10, v9;
	v56 =	vld.idx.msk [tilespmem:v2+s6+$0x0 ss:$0x1], $0xffff  }
0x78: {  	v5 =	vsel vm0, s8, v5;
	v6 =	vsel vm2, v6, v8;
	v3 =	vld.idx.msk [tilespmem:v3+s3+$0x0 ss:$0x1], $0xffff;
	v57 =	vsel vm3, v10, v9  }
0x79: {  	s5 =	sadd.s32 s5, s23;
	v58 =	vsel vm1, s10, v11;
	vm9 =	vgt.f32 v7, v6;
	vm10 =	vgt.f32 v14, v57  }
0x7a: {  	s15 =	sadd.s32 $0xDCA2, s5;
	v5 =	vsel vm2, s10, v5;
	v2 =	vld.idx.msk [tilespmem:v2+s3+$0x0 ss:$0x1], $0xffff;
	v6 =	vsel vm9, v7, v6;
	v59 =	vsel vm10, v14, v57  }
0x7b: {  	v60 =	vsel vm3, s15, v58;
	vm11 =	vgt.f32 v4, v6;
	vm12 =	vgt.f32 v55, v59  }
0x7c: {  	s30 =	sadd.s32 s4, s23;
	s0 =	sadd.s32 $0x1, s0;
	s5 =	sadd.s32 $0xDCA3, s5;
	v5 =	vsel vm9, s15, v5;
	v4 =	vsel vm11, v4, v6;
	v61 =	vsel vm12, v55, v59  }
0x7d: {  	s4 =	sadd.s32 $0xDCA2, s30;
	p0 =	sne.s32 s0, $0x10;
	v62 =	vsel vm10, s5, v60;
	vm13 =	vgt.f32 v56, v4;
	vm14 =	vgt.f32 v3, v61  }
.Ltmp1:
0x7e: {  	s3 =	sadd.s32 $0xDCA3, s30;
	v7 =	vsel vm12, s4, v62;
	v4 =	vsel vm13, v56, v4;
	v3 =	vsel vm14, v3, v61;
	(pc) =	sbr.rel @p0 .LBB2_2-.Ltmp1, $4  }
0x7f: {  	v5 =	vsel vm11, s5, v5;
	vm15 =	vgt.f32 v2, v4;
	v63 =	vsel vm14, s3, v7;
	[tilespmem:s1+$0x14000] =	vst v3  }
0x80: {  	v2 =	vsel vm15, v2, v4;
	v3 =	vsel vm13, s4, v5;
	[tilespmem:s1+$0x14200] =	vst v63  }
0x81: {  	v3 =	vsel vm15, s3, v3;
	[tilespmem:s28+$0x14000] =	vst v2  }
0x82: {  	[tilespmem:s28+$0x14200] =	vst v3  }
0x83: {  	s1 =	simm.s32 $0x0;
	s0 =	rddreg [dreg:$0x8]  }
0x84: {  	[tilespmem:s1], [sflag:$0x1] =	stream.linear.gather [hbm4b:s0+s1], $0xA000, $0x38;
	[tilespmem:$0x14400] =	vst v63  }
0x85: {  	_ =	swait.ge [sflag:s26], $0xA000  }
0x86: {  	[sflag:s26] =	ssyncset.done $0x0  }
0x87: {  	s0 =	simm.s32 $0x0;
	[sflag:s26] =	ssyncadd.s32 $0xFFFF6000  }
.LBB2_6:
0x88: {  	s28 =	sshll.u32 s0, $0x5  }
0x89: {  	s3 =	sand.u32 $0x60, s28  }
0x8a: {  	s5 =	sshll.u32 s0, $0x8;
	s4 =	sor.u32 $0x10, s3;
	v3 =	vmov s3  }
0x8b: {  	s9 =	sand.u32 $0xF000, s1;
	v11 =	vld [tilespmem:s28+$0x14000];
	s6 =	sand.u32 $0x180, s28;
	s3 =	sand.u32 $0xC00, s5;
	v2 =	vmov s4  }
0x8c: {  	s10 =	simm.s32 $0x0;
	v14 =	vld [tilespmem:s28+$0x14200];
	s30 =	sor.u32 s6, s4;
	s5 =	sor.u32 s3, s9  }
0x8d: {  	s4 =	sand.u32 $0x300, s10;
	v8 =	vld [tilespmem:s30+$0x14000];
	s5 =	sadd.s32 $0xA000, s5  }
0x8e: {  	s11 =	simm.s32 $0x80;
	s7 =	simm.s32 $0x400;
	v5 =	vld [tilespmem:s30+$0x14200];
	s4 =	sadd.s32 s4, s5  }
0x8f: {  	s7 =	sand.u32 $0xF000, s7;
	s6 =	sand.u32 $0x380, s11;
	v13 =	vld.idx.msk [tilespmem:v3+s4+$0x0 ss:$0x1], $0xffff  }
0x90: {  	s14 =	simm.s32 $0x100;
	s13 =	sor.u32 s3, s7;
	s6 =	sadd.s32 s6, s5;
	v12 =	vld.idx.msk [tilespmem:v2+s4+$0x0 ss:$0x1], $0xffff  }
0x91: {  	s12 =	simm.s32 $0x180;
	s15 =	sand.u32 $0x300, s14;
	s8 =	sadd.s32 $0xA000, s13;
	v9 =	vld.idx.msk [tilespmem:v3+s6+$0x0 ss:$0x1], $0xffff  }
0x92: {  	s11 =	sadd.s32 $0xFFFFFFFE, s23;
	s7 =	simm.s32 $0x4;
	v6 =	vld.idx.msk [tilespmem:v2+s6+$0x0 ss:$0x1], $0xffff;
	s6 =	sadd.s32 s15, s8  }
0x93: {  	s10 =	sadd.s32 $0xDCF2, s11;
	s11 =	sadd.s32 $0xDCF3, s11;
	s4 =	sand.u32 $0x380, s12;
	v10 =	vld.idx.msk [tilespmem:v3+s6+$0x0 ss:$0x1], $0xffff  }
0x94: {  	s5 =	simm.s32 $0x0;
	s9 =	sadd.s32 s4, s8;
	s8 =	simm.s32 $0x800;
	v7 =	vld.idx.msk [tilespmem:v2+s6+$0x0 ss:$0x1], $0xffff;
	vm1 =	vgt.f32 v13, v11  }
0x95: {  	s4 =	simm.s32 $0x2;
	s6 =	simm.s32 $0x280;
	v4 =	vld.idx.msk [tilespmem:v2+s9+$0x0 ss:$0x1], $0xffff;
	s12 =	sand.u32 $0xF000, s8;
	vm0 =	vgt.f32 v12, v8;
	v13 =	vsel vm1, v13, v11;
	v11 =	vsel vm1, s10, v14  }
.LBB2_7:
0x96: {  	s13 =	sadd.s32 $0xFFFFFF80, s6;
	s15 =	smov.u32 s7;
	s7 =	sadd.s32 $0x2, s7  }
0x97: {  	s12 =	sor.u32 s3, s12;
	s14 =	sand.u32 $0x380, s6;
	v8 =	vsel vm0, v12, v8;
	vm1 =	vgt.f32 v9, v13;
	v12 =	vmov v9;
	v9 =	vld.idx.msk [tilespmem:v3+s9+$0x0 ss:$0x1], $0xffff;
	p0 =	slt.u32 s7, $0x4E  }
.Ltmp2:
0x98: {  	v5 =	vsel vm0, s10, v5;
	s9 =	sand.u32 $0x300, s13;
	s12 =	sadd.s32 $0xA000, s12;
	vm0 =	vgt.f32 v6, v8;
	v12 =	vsel vm1, v12, v13;
	(pc) =	sbr.rel @p0 .LBB2_7-.Ltmp2, $4  }
0x99: {  	v11 =	vsel vm1, s11, v11;
	s13 =	sadd.s32 s9, s12;
	s9 =	sadd.s32 s14, s12;
	v8 =	vsel vm0, v6, v8;
	v5 =	vsel vm0, s11, v5  }
0x9a: {  	s11 =	sadd.s32 s5, s23;
	v6 =	vmov v4;
	s5 =	smov.u32 s4;
	v4 =	vld.idx.msk [tilespmem:v2+s9+$0x0 ss:$0x1], $0xffff  }
0x9b: {  	s8 =	sadd.s32 $0x400, s8;
	s4 =	smov.u32 s15;
	s10 =	sadd.s32 $0xDCF2, s11;
	vm1 =	vgt.f32 v10, v12;
	v13 =	vmov v10;
	v10 =	vld.idx.msk [tilespmem:v3+s13+$0x0 ss:$0x1], $0xffff  }
0x9c: {  	s6 =	sadd.s32 $0x100, s6;
	s12 =	sand.u32 $0xF000, s8;
	s11 =	sadd.s32 $0xDCF3, s11;
	vm0 =	vgt.f32 v7, v8;
	v13 =	vsel vm1, v13, v12;
	v11 =	vsel vm1, s10, v11;
	v12 =	vmovc v7;
	v7 =	vld.idx.msk [tilespmem:v2+s13+$0x0 ss:$0x1], $0xffff  }
0x9d: {  	_ =	sdelay $0x2  }
0x9e: {  	s7 =	sadd.s32 $0xFFFFFF80, s6;
	s3 =	sor.u32 s3, s12  }
0x9f: {  	v14 =	vld.idx.msk [tilespmem:v3+s9+$0x0 ss:$0x1], $0xffff;
	s7 =	sand.u32 $0x300, s7;
	s3 =	sadd.s32 $0xA000, s3  }
0xa0: {  	vm1 =	vgt.f32 v9, v13;
	s7 =	sadd.s32 s7, s3  }
0xa1: {  	s13 =	sand.u32 $0x380, s6;
	v8 =	vsel vm0, v12, v8;
	v9 =	vsel vm1, v9, v13;
	v55 =	vld.idx.msk [tilespmem:v3+s7+$0x0 ss:$0x1], $0xffff  }
0xa2: {  	vm2 =	vgt.f32 v6, v8;
	s3 =	sadd.s32 s13, s3;
	vm3 =	vgt.f32 v10, v9;
	v56 =	vld.idx.msk [tilespmem:v2+s7+$0x0 ss:$0x1], $0xffff  }
0xa3: {  	v5 =	vsel vm0, s10, v5;
	v6 =	vsel vm2, v6, v8;
	v3 =	vld.idx.msk [tilespmem:v3+s3+$0x0 ss:$0x1], $0xffff;
	v57 =	vsel vm3, v10, v9  }
0xa4: {  	s5 =	sadd.s32 s5, s23;
	v58 =	vsel vm1, s11, v11;
	vm9 =	vgt.f32 v7, v6;
	vm10 =	vgt.f32 v14, v57  }
0xa5: {  	s14 =	sadd.s32 $0xDCF2, s5;
	v5 =	vsel vm2, s11, v5;
	v2 =	vld.idx.msk [tilespmem:v2+s3+$0x0 ss:$0x1], $0xffff;
	v6 =	vsel vm9, v7, v6;
	v59 =	vsel vm10, v14, v57  }
0xa6: {  	v60 =	vsel vm3, s14, v58;
	vm11 =	vgt.f32 v4, v6;
	vm12 =	vgt.f32 v55, v59  }
0xa7: {  	s15 =	sadd.s32 s4, s23;
	s0 =	sadd.s32 $0x1, s0;
	s5 =	sadd.s32 $0xDCF3, s5;
	v5 =	vsel vm9, s14, v5;
	v4 =	vsel vm11, v4, v6;
	v61 =	vsel vm12, v55, v59  }
0xa8: {  	s4 =	sadd.s32 $0xDCF2, s15;
	p0 =	sne.s32 s0, $0x10;
	v62 =	vsel vm10, s5, v60;
	vm13 =	vgt.f32 v56, v4;
	vm14 =	vgt.f32 v3, v61  }
.Ltmp3:
0xa9: {  	s3 =	sadd.s32 $0xDCF3, s15;
	v7 =	vsel vm12, s4, v62;
	v4 =	vsel vm13, v56, v4;
	v3 =	vsel vm14, v3, v61;
	(pc) =	sbr.rel @p0 .LBB2_6-.Ltmp3, $4  }
0xaa: {  	v5 =	vsel vm11, s5, v5;
	vm15 =	vgt.f32 v2, v4;
	v63 =	vsel vm14, s3, v7;
	[tilespmem:s28+$0x14000] =	vst v3  }
0xab: {  	v2 =	vsel vm15, v2, v4;
	v3 =	vsel vm13, s4, v5;
	[tilespmem:s28+$0x14200] =	vst v63  }
0xac: {  	v3 =	vsel vm15, s3, v3;
	[tilespmem:s30+$0x14000] =	vst v2  }
0xad: {  	[tilespmem:s30+$0x14200] =	vst v3  }
0xae: {  	s1 =	simm.s32 $0x0;
	s0 =	rddreg [dreg:$0x5]  }
0xaf: {  	[tilespmem:s24], [sflag:$0x2] =	stream.linear.gather [hbm4b:s0+s1], $0xA000, $0x38;
	[tilespmem:$0x14400] =	vst v63  }
0xb0: {  	_ =	swait.ge [sflag:s25], $0xA000  }
0xb1: {  	[sflag:s25] =	ssyncset.done $0x0  }
0xb2: {  	s0 =	simm.s32 $0x0;
	[sflag:s25] =	ssyncadd.s32 $0xFFFF6000  }
.LBB2_10:
0xb3: {  	s28 =	sshll.u32 s0, $0x5  }
0xb4: {  	s3 =	sand.u32 $0x60, s28  }
0xb5: {  	s4 =	sor.u32 $0x10, s3;
	v3 =	vmov s3  }
0xb6: {  	s9 =	sshll.u32 s0, $0x8;
	s10 =	sand.u32 $0xF000, s1;
	s5 =	sand.u32 $0x180, s28;
	v11 =	vld [tilespmem:s28+$0x14000];
	v2 =	vmov s4  }
0xb7: {  	s11 =	simm.s32 $0x0;
	v14 =	vld [tilespmem:s28+$0x14200];
	s3 =	sand.u32 $0xC00, s9;
	s30 =	sor.u32 s5, s4  }
0xb8: {  	s5 =	sand.u32 $0x300, s11;
	s4 =	sor.u32 s10, s3;
	v8 =	vld [tilespmem:s30+$0x14000]  }
0xb9: {  	s6 =	simm.s32 $0x80;
	v5 =	vld [tilespmem:s30+$0x14200];
	s5 =	sadd.s32 s5, s4  }
0xba: {  	s7 =	simm.s32 $0x400;
	s6 =	sand.u32 $0x380, s6;
	v13 =	vld.idx.msk [tilespmem:v3+s5+$0x0 ss:$0x1], $0xffff  }
0xbb: {  	s12 =	simm.s32 $0x180;
	s13 =	sand.u32 $0xF000, s7;
	s4 =	sadd.s32 s6, s4;
	v12 =	vld.idx.msk [tilespmem:v2+s5+$0x0 ss:$0x1], $0xffff  }
0xbc: {  	s14 =	simm.s32 $0x100;
	s6 =	sor.u32 s13, s3;
	v9 =	vld.idx.msk [tilespmem:v3+s4+$0x0 ss:$0x1], $0xffff;
	s5 =	sand.u32 $0x380, s12  }
0xbd: {  	s15 =	sand.u32 $0x300, s14;
	v6 =	vld.idx.msk [tilespmem:v2+s4+$0x0 ss:$0x1], $0xffff;
	s8 =	sadd.s32 s5, s6  }
0xbe: {  	s7 =	simm.s32 $0x4;
	s11 =	sadd.s32 $0xFFFFFFFE, s23;
	s6 =	sadd.s32 s15, s6;
	v4 =	vld.idx.msk [tilespmem:v2+s8+$0x0 ss:$0x1], $0xffff  }
0xbf: {  	s10 =	simm.s32 $0x800;
	s9 =	sadd.s32 $0xDD42, s11;
	s11 =	sadd.s32 $0xDD43, s11;
	v10 =	vld.idx.msk [tilespmem:v3+s6+$0x0 ss:$0x1], $0xffff;
	vm1 =	vgt.f32 v13, v11  }
0xc0: {  	s4 =	simm.s32 $0x2;
	s5 =	simm.s32 $0x0;
	v7 =	vld.idx.msk [tilespmem:v2+s6+$0x0 ss:$0x1], $0xffff;
	s6 =	simm.s32 $0x280;
	vm0 =	vgt.f32 v12, v8;
	v13 =	vsel vm1, v13, v11;
	v11 =	vsel vm1, s9, v14  }
.LBB2_11:
0xc1: {  	s12 =	sand.u32 $0xF000, s10;
	s15 =	smov.u32 s7;
	s7 =	sadd.s32 $0x2, s7  }
0xc2: {  	s13 =	sadd.s32 $0xFFFFFF80, s6;
	s14 =	sand.u32 $0x380, s6;
	v8 =	vsel vm0, v12, v8;
	vm1 =	vgt.f32 v9, v13;
	v12 =	vmov v9;
	v9 =	vld.idx.msk [tilespmem:v3+s8+$0x0 ss:$0x1], $0xffff;
	p0 =	slt.u32 s7, $0x4E  }
.Ltmp4:
0xc3: {  	v5 =	vsel vm0, s9, v5;
	s8 =	sand.u32 $0x300, s13;
	s12 =	sor.u32 s12, s3;
	vm0 =	vgt.f32 v6, v8;
	v12 =	vsel vm1, v12, v13;
	(pc) =	sbr.rel @p0 .LBB2_11-.Ltmp4, $4  }
0xc4: {  	v11 =	vsel vm1, s11, v11;
	s13 =	sadd.s32 s8, s12;
	s8 =	sadd.s32 s14, s12;
	v8 =	vsel vm0, v6, v8;
	v5 =	vsel vm0, s11, v5  }
0xc5: {  	s11 =	sadd.s32 s5, s23;
	v6 =	vmov v4;
	s5 =	smov.u32 s4;
	v4 =	vld.idx.msk [tilespmem:v2+s8+$0x0 ss:$0x1], $0xffff  }
0xc6: {  	s4 =	smov.u32 s15;
	s9 =	sadd.s32 $0xDD42, s11;
	vm1 =	vgt.f32 v10, v12;
	v13 =	vmov v10;
	v10 =	vld.idx.msk [tilespmem:v3+s13+$0x0 ss:$0x1], $0xffff  }
0xc7: {  	s6 =	sadd.s32 $0x100, s6;
	s10 =	sadd.s32 $0x400, s10;
	s11 =	sadd.s32 $0xDD43, s11;
	vm0 =	vgt.f32 v7, v8;
	v13 =	vsel vm1, v13, v12;
	v11 =	vsel vm1, s9, v11;
	v12 =	vmovc v7;
	v7 =	vld.idx.msk [tilespmem:v2+s13+$0x0 ss:$0x1], $0xffff  }
0xc8: {  	_ =	sdelay $0x2  }
0xc9: {  	s7 =	sand.u32 $0xF000, s10;
	s15 =	sadd.s32 $0xFFFFFF80, s6  }
0xca: {  	v14 =	vld.idx.msk [tilespmem:v3+s8+$0x0 ss:$0x1], $0xffff;
	s12 =	sand.u32 $0x300, s15;
	s3 =	sor.u32 s7, s3  }
0xcb: {  	vm1 =	vgt.f32 v9, v13;
	s7 =	sadd.s32 s12, s3  }
0xcc: {  	s13 =	sand.u32 $0x380, s6;
	v8 =	vsel vm0, v12, v8;
	v9 =	vsel vm1, v9, v13;
	v55 =	vld.idx.msk [tilespmem:v3+s7+$0x0 ss:$0x1], $0xffff  }
0xcd: {  	vm2 =	vgt.f32 v6, v8;
	s3 =	sadd.s32 s13, s3;
	vm3 =	vgt.f32 v10, v9;
	v56 =	vld.idx.msk [tilespmem:v2+s7+$0x0 ss:$0x1], $0xffff  }
0xce: {  	v5 =	vsel vm0, s9, v5;
	v6 =	vsel vm2, v6, v8;
	v3 =	vld.idx.msk [tilespmem:v3+s3+$0x0 ss:$0x1], $0xffff;
	v57 =	vsel vm3, v10, v9  }
0xcf: {  	s5 =	sadd.s32 s5, s23;
	v58 =	vsel vm1, s11, v11;
	vm9 =	vgt.f32 v7, v6;
	vm10 =	vgt.f32 v14, v57  }
0xd0: {  	s14 =	sadd.s32 $0xDD42, s5;
	v5 =	vsel vm2, s11, v5;
	v2 =	vld.idx.msk [tilespmem:v2+s3+$0x0 ss:$0x1], $0xffff;
	v6 =	vsel vm9, v7, v6;
	v59 =	vsel vm10, v14, v57  }
0xd1: {  	v60 =	vsel vm3, s14, v58;
	vm11 =	vgt.f32 v4, v6;
	vm12 =	vgt.f32 v55, v59  }
0xd2: {  	s0 =	sadd.s32 $0x1, s0;
	s5 =	sadd.s32 $0xDD43, s5;
	s15 =	sadd.s32 s4, s23;
	v5 =	vsel vm9, s14, v5;
	v4 =	vsel vm11, v4, v6;
	v61 =	vsel vm12, v55, v59  }
0xd3: {  	p0 =	sne.s32 s0, $0x10;
	s4 =	sadd.s32 $0xDD42, s15;
	v62 =	vsel vm10, s5, v60;
	vm13 =	vgt.f32 v56, v4;
	vm14 =	vgt.f32 v3, v61  }
.Ltmp5:
0xd4: {  	s3 =	sadd.s32 $0xDD43, s15;
	v7 =	vsel vm12, s4, v62;
	v4 =	vsel vm13, v56, v4;
	v3 =	vsel vm14, v3, v61;
	(pc) =	sbr.rel @p0 .LBB2_10-.Ltmp5, $4  }
0xd5: {  	v5 =	vsel vm11, s5, v5;
	vm15 =	vgt.f32 v2, v4;
	v63 =	vsel vm14, s3, v7;
	[tilespmem:s28+$0x14000] =	vst v3  }
0xd6: {  	v2 =	vsel vm15, v2, v4;
	v3 =	vsel vm13, s4, v5;
	[tilespmem:s28+$0x14200] =	vst v63  }
0xd7: {  	v3 =	vsel vm15, s3, v3;
	[tilespmem:s30+$0x14000] =	vst v2  }
0xd8: {  	[tilespmem:s30+$0x14200] =	vst v3  }
0xd9: {  	s1 =	simm.s32 $0x0;
	s0 =	rddreg [dreg:$0x6]  }
0xda: {  	[tilespmem:s1], [sflag:$0x1] =	stream.linear.gather [hbm4b:s0+s1], $0xA000, $0x38;
	[tilespmem:$0x14400] =	vst v63  }
0xdb: {  	_ =	swait.ge [sflag:s26], $0xA000  }
0xdc: {  	[sflag:s26] =	ssyncset.done $0x0  }
0xdd: {  	s0 =	simm.s32 $0x0;
	[sflag:s26] =	ssyncadd.s32 $0xFFFF6000  }
.LBB2_14:
0xde: {  	s28 =	sshll.u32 s0, $0x5  }
0xdf: {  	s3 =	sand.u32 $0x60, s28  }
0xe0: {  	s5 =	sshll.u32 s0, $0x8;
	s4 =	sor.u32 $0x10, s3;
	v3 =	vmov s3  }
0xe1: {  	s9 =	sand.u32 $0xF000, s1;
	v11 =	vld [tilespmem:s28+$0x14000];
	s6 =	sand.u32 $0x180, s28;
	s3 =	sand.u32 $0xC00, s5;
	v2 =	vmov s4  }
0xe2: {  	s10 =	simm.s32 $0x0;
	v14 =	vld [tilespmem:s28+$0x14200];
	s30 =	sor.u32 s6, s4;
	s5 =	sor.u32 s3, s9  }
0xe3: {  	s4 =	sand.u32 $0x300, s10;
	v8 =	vld [tilespmem:s30+$0x14000];
	s5 =	sadd.s32 $0xA000, s5  }
0xe4: {  	s11 =	simm.s32 $0x80;
	s7 =	simm.s32 $0x400;
	v5 =	vld [tilespmem:s30+$0x14200];
	s4 =	sadd.s32 s4, s5  }
0xe5: {  	s7 =	sand.u32 $0xF000, s7;
	s6 =	sand.u32 $0x380, s11;
	v13 =	vld.idx.msk [tilespmem:v3+s4+$0x0 ss:$0x1], $0xffff  }
0xe6: {  	s14 =	simm.s32 $0x100;
	s13 =	sor.u32 s3, s7;
	s6 =	sadd.s32 s6, s5;
	v12 =	vld.idx.msk [tilespmem:v2+s4+$0x0 ss:$0x1], $0xffff  }
0xe7: {  	s12 =	simm.s32 $0x180;
	s15 =	sand.u32 $0x300, s14;
	s8 =	sadd.s32 $0xA000, s13;
	v9 =	vld.idx.msk [tilespmem:v3+s6+$0x0 ss:$0x1], $0xffff  }
0xe8: {  	s11 =	sadd.s32 $0xFFFFFFFE, s23;
	s7 =	simm.s32 $0x4;
	v6 =	vld.idx.msk [tilespmem:v2+s6+$0x0 ss:$0x1], $0xffff;
	s6 =	sadd.s32 s15, s8  }
0xe9: {  	s10 =	sadd.s32 $0xDD92, s11;
	s11 =	sadd.s32 $0xDD93, s11;
	s4 =	sand.u32 $0x380, s12;
	v10 =	vld.idx.msk [tilespmem:v3+s6+$0x0 ss:$0x1], $0xffff  }
0xea: {  	s5 =	simm.s32 $0x0;
	s9 =	sadd.s32 s4, s8;
	s8 =	simm.s32 $0x800;
	v7 =	vld.idx.msk [tilespmem:v2+s6+$0x0 ss:$0x1], $0xffff;
	vm1 =	vgt.f32 v13, v11  }
0xeb: {  	s4 =	simm.s32 $0x2;
	s6 =	simm.s32 $0x280;
	v4 =	vld.idx.msk [tilespmem:v2+s9+$0x0 ss:$0x1], $0xffff;
	s12 =	sand.u32 $0xF000, s8;
	vm0 =	vgt.f32 v12, v8;
	v13 =	vsel vm1, v13, v11;
	v11 =	vsel vm1, s10, v14  }
.LBB2_15:
0xec: {  	s13 =	sadd.s32 $0xFFFFFF80, s6;
	s15 =	smov.u32 s7;
	s7 =	sadd.s32 $0x2, s7  }
0xed: {  	s12 =	sor.u32 s3, s12;
	s14 =	sand.u32 $0x380, s6;
	v8 =	vsel vm0, v12, v8;
	vm1 =	vgt.f32 v9, v13;
	v12 =	vmov v9;
	v9 =	vld.idx.msk [tilespmem:v3+s9+$0x0 ss:$0x1], $0xffff;
	p0 =	slt.u32 s7, $0x4E  }
.Ltmp6:
0xee: {  	v5 =	vsel vm0, s10, v5;
	s9 =	sand.u32 $0x300, s13;
	s12 =	sadd.s32 $0xA000, s12;
	vm0 =	vgt.f32 v6, v8;
	v12 =	vsel vm1, v12, v13;
	(pc) =	sbr.rel @p0 .LBB2_15-.Ltmp6, $4  }
0xef: {  	v11 =	vsel vm1, s11, v11;
	s13 =	sadd.s32 s9, s12;
	s9 =	sadd.s32 s14, s12;
	v8 =	vsel vm0, v6, v8;
	v5 =	vsel vm0, s11, v5  }
0xf0: {  	s11 =	sadd.s32 s5, s23;
	v6 =	vmov v4;
	s5 =	smov.u32 s4;
	v4 =	vld.idx.msk [tilespmem:v2+s9+$0x0 ss:$0x1], $0xffff  }
0xf1: {  	s8 =	sadd.s32 $0x400, s8;
	s4 =	smov.u32 s15;
	s10 =	sadd.s32 $0xDD92, s11;
	vm1 =	vgt.f32 v10, v12;
	v13 =	vmov v10;
	v10 =	vld.idx.msk [tilespmem:v3+s13+$0x0 ss:$0x1], $0xffff  }
0xf2: {  	s6 =	sadd.s32 $0x100, s6;
	s12 =	sand.u32 $0xF000, s8;
	s11 =	sadd.s32 $0xDD93, s11;
	vm0 =	vgt.f32 v7, v8;
	v13 =	vsel vm1, v13, v12;
	v11 =	vsel vm1, s10, v11;
	v12 =	vmovc v7;
	v7 =	vld.idx.msk [tilespmem:v2+s13+$0x0 ss:$0x1], $0xffff  }
0xf3: {  	_ =	sdelay $0x2  }
0xf4: {  	s7 =	sadd.s32 $0xFFFFFF80, s6;
	s3 =	sor.u32 s3, s12  }
0xf5: {  	v14 =	vld.idx.msk [tilespmem:v3+s9+$0x0 ss:$0x1], $0xffff;
	s7 =	sand.u32 $0x300, s7;
	s3 =	sadd.s32 $0xA000, s3  }
0xf6: {  	vm1 =	vgt.f32 v9, v13;
	s7 =	sadd.s32 s7, s3  }
0xf7: {  	s13 =	sand.u32 $0x380, s6;
	v8 =	vsel vm0, v12, v8;
	v9 =	vsel vm1, v9, v13;
	v55 =	vld.idx.msk [tilespmem:v3+s7+$0x0 ss:$0x1], $0xffff  }
0xf8: {  	vm2 =	vgt.f32 v6, v8;
	s3 =	sadd.s32 s13, s3;
	vm3 =	vgt.f32 v10, v9;
	v56 =	vld.idx.msk [tilespmem:v2+s7+$0x0 ss:$0x1], $0xffff  }
0xf9: {  	v5 =	vsel vm0, s10, v5;
	v6 =	vsel vm2, v6, v8;
	v3 =	vld.idx.msk [tilespmem:v3+s3+$0x0 ss:$0x1], $0xffff;
	v57 =	vsel vm3, v10, v9  }
0xfa: {  	s5 =	sadd.s32 s5, s23;
	v58 =	vsel vm1, s11, v11;
	vm9 =	vgt.f32 v7, v6;
	vm10 =	vgt.f32 v14, v57  }
0xfb: {  	s14 =	sadd.s32 $0xDD92, s5;
	v5 =	vsel vm2, s11, v5;
	v2 =	vld.idx.msk [tilespmem:v2+s3+$0x0 ss:$0x1], $0xffff;
	v6 =	vsel vm9, v7, v6;
	v59 =	vsel vm10, v14, v57  }
0xfc: {  	v60 =	vsel vm3, s14, v58;
	vm11 =	vgt.f32 v4, v6;
	vm12 =	vgt.f32 v55, v59  }
0xfd: {  	s15 =	sadd.s32 s4, s23;
	s0 =	sadd.s32 $0x1, s0;
	s5 =	sadd.s32 $0xDD93, s5;
	v5 =	vsel vm9, s14, v5;
	v4 =	vsel vm11, v4, v6;
	v61 =	vsel vm12, v55, v59  }
0xfe: {  	s4 =	sadd.s32 $0xDD92, s15;
	p0 =	sne.s32 s0, $0x10;
	v62 =	vsel vm10, s5, v60;
	vm13 =	vgt.f32 v56, v4;
	vm14 =	vgt.f32 v3, v61  }
.Ltmp7:
0xff: {  	s3 =	sadd.s32 $0xDD93, s15;
	v7 =	vsel vm12, s4, v62;
	v4 =	vsel vm13, v56, v4;
	v3 =	vsel vm14, v3, v61;
	(pc) =	sbr.rel @p0 .LBB2_14-.Ltmp7, $4  }
0x100: {  	v5 =	vsel vm11, s5, v5;
	vm15 =	vgt.f32 v2, v4;
	v63 =	vsel vm14, s3, v7;
	[tilespmem:s28+$0x14000] =	vst v3  }
0x101: {  	v2 =	vsel vm15, v2, v4;
	v3 =	vsel vm13, s4, v5;
	[tilespmem:s28+$0x14200] =	vst v63  }
0x102: {  	v3 =	vsel vm15, s3, v3;
	[tilespmem:s30+$0x14000] =	vst v2  }
0x103: {  	[tilespmem:s30+$0x14200] =	vst v3  }
0x104: {  	s1 =	simm.s32 $0x0;
	s0 =	rddreg [dreg:$0x7]  }
0x105: {  	[tilespmem:s24], [sflag:$0x2] =	stream.linear.gather [hbm4b:s0+s1], $0xA000, $0x38;
	[tilespmem:$0x14400] =	vst v63  }
0x106: {  	_ =	swait.ge [sflag:s25], $0xA000  }
0x107: {  	[sflag:s25] =	ssyncset.done $0x0  }
0x108: {  	s0 =	simm.s32 $0x0;
	[sflag:s25] =	ssyncadd.s32 $0xFFFF6000  }
.LBB2_18:
0x109: {  	s28 =	sshll.u32 s0, $0x5  }
0x10a: {  	s3 =	sand.u32 $0x60, s28  }
0x10b: {  	s4 =	sor.u32 $0x10, s3;
	v3 =	vmov s3  }
0x10c: {  	s9 =	sshll.u32 s0, $0x8;
	s10 =	sand.u32 $0xF000, s1;
	s5 =	sand.u32 $0x180, s28;
	v11 =	vld [tilespmem:s28+$0x14000];
	v2 =	vmov s4  }
0x10d: {  	s11 =	simm.s32 $0x0;
	v14 =	vld [tilespmem:s28+$0x14200];
	s3 =	sand.u32 $0xC00, s9;
	s30 =	sor.u32 s5, s4  }
0x10e: {  	s5 =	sand.u32 $0x300, s11;
	s4 =	sor.u32 s10, s3;
	v8 =	vld [tilespmem:s30+$0x14000]  }
0x10f: {  	s6 =	simm.s32 $0x80;
	v5 =	vld [tilespmem:s30+$0x14200];
	s5 =	sadd.s32 s5, s4  }
0x110: {  	s7 =	simm.s32 $0x400;
	s6 =	sand.u32 $0x380, s6;
	v13 =	vld.idx.msk [tilespmem:v3+s5+$0x0 ss:$0x1], $0xffff  }
0x111: {  	s12 =	simm.s32 $0x180;
	s13 =	sand.u32 $0xF000, s7;
	s4 =	sadd.s32 s6, s4;
	v12 =	vld.idx.msk [tilespmem:v2+s5+$0x0 ss:$0x1], $0xffff  }
0x112: {  	s14 =	simm.s32 $0x100;
	s6 =	sor.u32 s13, s3;
	v9 =	vld.idx.msk [tilespmem:v3+s4+$0x0 ss:$0x1], $0xffff;
	s5 =	sand.u32 $0x380, s12  }
0x113: {  	s15 =	sand.u32 $0x300, s14;
	v6 =	vld.idx.msk [tilespmem:v2+s4+$0x0 ss:$0x1], $0xffff;
	s8 =	sadd.s32 s5, s6  }
0x114: {  	s7 =	simm.s32 $0x4;
	s11 =	sadd.s32 $0xFFFFFFFE, s23;
	s6 =	sadd.s32 s15, s6;
	v4 =	vld.idx.msk [tilespmem:v2+s8+$0x0 ss:$0x1], $0xffff  }
0x115: {  	s10 =	simm.s32 $0x800;
	s9 =	sadd.s32 $0xDDE2, s11;
	s11 =	sadd.s32 $0xDDE3, s11;
	v10 =	vld.idx.msk [tilespmem:v3+s6+$0x0 ss:$0x1], $0xffff;
	vm1 =	vgt.f32 v13, v11  }
0x116: {  	s4 =	simm.s32 $0x2;
	s5 =	simm.s32 $0x0;
	v7 =	vld.idx.msk [tilespmem:v2+s6+$0x0 ss:$0x1], $0xffff;
	s6 =	simm.s32 $0x280;
	vm0 =	vgt.f32 v12, v8;
	v13 =	vsel vm1, v13, v11;
	v11 =	vsel vm1, s9, v14  }
.LBB2_19:
0x117: {  	s12 =	sand.u32 $0xF000, s10;
	s15 =	smov.u32 s7;
	s7 =	sadd.s32 $0x2, s7  }
0x118: {  	s13 =	sadd.s32 $0xFFFFFF80, s6;
	s14 =	sand.u32 $0x380, s6;
	v8 =	vsel vm0, v12, v8;
	vm1 =	vgt.f32 v9, v13;
	v12 =	vmov v9;
	v9 =	vld.idx.msk [tilespmem:v3+s8+$0x0 ss:$0x1], $0xffff;
	p0 =	slt.u32 s7, $0x4E  }
.Ltmp8:
0x119: {  	v5 =	vsel vm0, s9, v5;
	s8 =	sand.u32 $0x300, s13;
	s12 =	sor.u32 s12, s3;
	vm0 =	vgt.f32 v6, v8;
	v12 =	vsel vm1, v12, v13;
	(pc) =	sbr.rel @p0 .LBB2_19-.Ltmp8, $4  }
0x11a: {  	v11 =	vsel vm1, s11, v11;
	s13 =	sadd.s32 s8, s12;
	s8 =	sadd.s32 s14, s12;
	v8 =	vsel vm0, v6, v8;
	v5 =	vsel vm0, s11, v5  }
0x11b: {  	s11 =	sadd.s32 s5, s23;
	v6 =	vmov v4;
	s5 =	smov.u32 s4;
	v4 =	vld.idx.msk [tilespmem:v2+s8+$0x0 ss:$0x1], $0xffff  }
0x11c: {  	s4 =	smov.u32 s15;
	s9 =	sadd.s32 $0xDDE2, s11;
	vm1 =	vgt.f32 v10, v12;
	v13 =	vmov v10;
	v10 =	vld.idx.msk [tilespmem:v3+s13+$0x0 ss:$0x1], $0xffff  }
0x11d: {  	s6 =	sadd.s32 $0x100, s6;
	s10 =	sadd.s32 $0x400, s10;
	s11 =	sadd.s32 $0xDDE3, s11;
	vm0 =	vgt.f32 v7, v8;
	v13 =	vsel vm1, v13, v12;
	v11 =	vsel vm1, s9, v11;
	v12 =	vmovc v7;
	v7 =	vld.idx.msk [tilespmem:v2+s13+$0x0 ss:$0x1], $0xffff  }
0x11e: {  	_ =	sdelay $0x2  }
0x11f: {  	s7 =	sand.u32 $0xF000, s10;
	s15 =	sadd.s32 $0xFFFFFF80, s6  }
0x120: {  	v14 =	vld.idx.msk [tilespmem:v3+s8+$0x0 ss:$0x1], $0xffff;
	s12 =	sand.u32 $0x300, s15;
	s3 =	sor.u32 s7, s3  }
0x121: {  	vm1 =	vgt.f32 v9, v13;
	s7 =	sadd.s32 s12, s3  }
0x122: {  	s13 =	sand.u32 $0x380, s6;
	v8 =	vsel vm0, v12, v8;
	v9 =	vsel vm1, v9, v13;
	v55 =	vld.idx.msk [tilespmem:v3+s7+$0x0 ss:$0x1], $0xffff  }
0x123: {  	vm2 =	vgt.f32 v6, v8;
	s3 =	sadd.s32 s13, s3;
	vm3 =	vgt.f32 v10, v9;
	v56 =	vld.idx.msk [tilespmem:v2+s7+$0x0 ss:$0x1], $0xffff  }
0x124: {  	v5 =	vsel vm0, s9, v5;
	v6 =	vsel vm2, v6, v8;
	v3 =	vld.idx.msk [tilespmem:v3+s3+$0x0 ss:$0x1], $0xffff;
	v57 =	vsel vm3, v10, v9  }
0x125: {  	s5 =	sadd.s32 s5, s23;
	v58 =	vsel vm1, s11, v11;
	vm9 =	vgt.f32 v7, v6;
	vm10 =	vgt.f32 v14, v57  }
0x126: {  	s14 =	sadd.s32 $0xDDE2, s5;
	v5 =	vsel vm2, s11, v5;
	v2 =	vld.idx.msk [tilespmem:v2+s3+$0x0 ss:$0x1], $0xffff;
	v6 =	vsel vm9, v7, v6;
	v59 =	vsel vm10, v14, v57  }
0x127: {  	v60 =	vsel vm3, s14, v58;
	vm11 =	vgt.f32 v4, v6;
	vm12 =	vgt.f32 v55, v59  }
0x128: {  	s0 =	sadd.s32 $0x1, s0;
	s5 =	sadd.s32 $0xDDE3, s5;
	s15 =	sadd.s32 s4, s23;
	v5 =	vsel vm9, s14, v5;
	v4 =	vsel vm11, v4, v6;
	v61 =	vsel vm12, v55, v59  }
0x129: {  	p0 =	sne.s32 s0, $0x10;
	s4 =	sadd.s32 $0xDDE2, s15;
	v62 =	vsel vm10, s5, v60;
	vm13 =	vgt.f32 v56, v4;
	vm14 =	vgt.f32 v3, v61  }
.Ltmp9:
0x12a: {  	s3 =	sadd.s32 $0xDDE3, s15;
	v7 =	vsel vm12, s4, v62;
	v4 =	vsel vm13, v56, v4;
	v3 =	vsel vm14, v3, v61;
	(pc) =	sbr.rel @p0 .LBB2_18-.Ltmp9, $4  }
0x12b: {  	v5 =	vsel vm11, s5, v5;
	vm15 =	vgt.f32 v2, v4;
	v63 =	vsel vm14, s3, v7;
	[tilespmem:s28+$0x14000] =	vst v3  }
0x12c: {  	v2 =	vsel vm15, v2, v4;
	v3 =	vsel vm13, s4, v5;
	[tilespmem:s28+$0x14200] =	vst v63  }
0x12d: {  	v3 =	vsel vm15, s3, v3;
	[tilespmem:s30+$0x14000] =	vst v2  }
0x12e: {  	[tilespmem:s30+$0x14200] =	vst v3  }
0x12f: {  	s1 =	simm.s32 $0x0;
	s0 =	rddreg [dreg:$0x9]  }
0x130: {  	[tilespmem:s1], [sflag:$0x1] =	stream.linear.gather [hbm4b:s0+s1], $0xA000, $0x38;
	[tilespmem:$0x14400] =	vst v63  }
0x131: {  	_ =	swait.ge [sflag:s26], $0xA000  }
0x132: {  	[sflag:s26] =	ssyncset.done $0x0  }
0x133: {  	s0 =	simm.s32 $0x0;
	[sflag:s26] =	ssyncadd.s32 $0xFFFF6000  }
.LBB2_22:
0x134: {  	s28 =	sshll.u32 s0, $0x5  }
0x135: {  	s3 =	sand.u32 $0x60, s28  }
0x136: {  	s5 =	sshll.u32 s0, $0x8;
	s4 =	sor.u32 $0x10, s3;
	v3 =	vmov s3  }
0x137: {  	s9 =	sand.u32 $0xF000, s1;
	v11 =	vld [tilespmem:s28+$0x14000];
	s6 =	sand.u32 $0x180, s28;
	s3 =	sand.u32 $0xC00, s5;
	v2 =	vmov s4  }
0x138: {  	s10 =	simm.s32 $0x0;
	v14 =	vld [tilespmem:s28+$0x14200];
	s30 =	sor.u32 s6, s4;
	s5 =	sor.u32 s3, s9  }
0x139: {  	s4 =	sand.u32 $0x300, s10;
	v8 =	vld [tilespmem:s30+$0x14000];
	s5 =	sadd.s32 $0xA000, s5  }
0x13a: {  	s11 =	simm.s32 $0x80;
	s7 =	simm.s32 $0x400;
	v5 =	vld [tilespmem:s30+$0x14200];
	s4 =	sadd.s32 s4, s5  }
0x13b: {  	s7 =	sand.u32 $0xF000, s7;
	s6 =	sand.u32 $0x380, s11;
	v13 =	vld.idx.msk [tilespmem:v3+s4+$0x0 ss:$0x1], $0xffff  }
0x13c: {  	s14 =	simm.s32 $0x100;
	s13 =	sor.u32 s3, s7;
	s6 =	sadd.s32 s6, s5;
	v12 =	vld.idx.msk [tilespmem:v2+s4+$0x0 ss:$0x1], $0xffff  }
0x13d: {  	s12 =	simm.s32 $0x180;
	s15 =	sand.u32 $0x300, s14;
	s8 =	sadd.s32 $0xA000, s13;
	v9 =	vld.idx.msk [tilespmem:v3+s6+$0x0 ss:$0x1], $0xffff  }
0x13e: {  	s11 =	sadd.s32 $0xFFFFFFFE, s23;
	s7 =	simm.s32 $0x4;
	v6 =	vld.idx.msk [tilespmem:v2+s6+$0x0 ss:$0x1], $0xffff;
	s6 =	sadd.s32 s15, s8  }
0x13f: {  	s10 =	sadd.s32 $0xDE32, s11;
	s11 =	sadd.s32 $0xDE33, s11;
	s4 =	sand.u32 $0x380, s12;
	v10 =	vld.idx.msk [tilespmem:v3+s6+$0x0 ss:$0x1], $0xffff  }
0x140: {  	s5 =	simm.s32 $0x0;
	s9 =	sadd.s32 s4, s8;
	s8 =	simm.s32 $0x800;
	v7 =	vld.idx.msk [tilespmem:v2+s6+$0x0 ss:$0x1], $0xffff;
	vm1 =	vgt.f32 v13, v11  }
0x141: {  	s4 =	simm.s32 $0x2;
	s6 =	simm.s32 $0x280;
	v4 =	vld.idx.msk [tilespmem:v2+s9+$0x0 ss:$0x1], $0xffff;
	s12 =	sand.u32 $0xF000, s8;
	vm0 =	vgt.f32 v12, v8;
	v13 =	vsel vm1, v13, v11;
	v11 =	vsel vm1, s10, v14  }
.LBB2_23:
0x142: {  	s13 =	sadd.s32 $0xFFFFFF80, s6;
	s15 =	smov.u32 s7;
	s7 =	sadd.s32 $0x2, s7  }
0x143: {  	s12 =	sor.u32 s3, s12;
	s14 =	sand.u32 $0x380, s6;
	v8 =	vsel vm0, v12, v8;
	vm1 =	vgt.f32 v9, v13;
	v12 =	vmov v9;
	v9 =	vld.idx.msk [tilespmem:v3+s9+$0x0 ss:$0x1], $0xffff;
	p0 =	slt.u32 s7, $0x4E  }
.Ltmp10:
0x144: {  	v5 =	vsel vm0, s10, v5;
	s9 =	sand.u32 $0x300, s13;
	s12 =	sadd.s32 $0xA000, s12;
	vm0 =	vgt.f32 v6, v8;
	v12 =	vsel vm1, v12, v13;
	(pc) =	sbr.rel @p0 .LBB2_23-.Ltmp10, $4  }
0x145: {  	v11 =	vsel vm1, s11, v11;
	s13 =	sadd.s32 s9, s12;
	s9 =	sadd.s32 s14, s12;
	v8 =	vsel vm0, v6, v8;
	v5 =	vsel vm0, s11, v5  }
0x146: {  	s11 =	sadd.s32 s5, s23;
	v6 =	vmov v4;
	s5 =	smov.u32 s4;
	v4 =	vld.idx.msk [tilespmem:v2+s9+$0x0 ss:$0x1], $0xffff  }
0x147: {  	s8 =	sadd.s32 $0x400, s8;
	s4 =	smov.u32 s15;
	s10 =	sadd.s32 $0xDE32, s11;
	vm1 =	vgt.f32 v10, v12;
	v13 =	vmov v10;
	v10 =	vld.idx.msk [tilespmem:v3+s13+$0x0 ss:$0x1], $0xffff  }
0x148: {  	s6 =	sadd.s32 $0x100, s6;
	s12 =	sand.u32 $0xF000, s8;
	s11 =	sadd.s32 $0xDE33, s11;
	vm0 =	vgt.f32 v7, v8;
	v13 =	vsel vm1, v13, v12;
	v11 =	vsel vm1, s10, v11;
	v12 =	vmovc v7;
	v7 =	vld.idx.msk [tilespmem:v2+s13+$0x0 ss:$0x1], $0xffff  }
0x149: {  	_ =	sdelay $0x2  }
0x14a: {  	s7 =	sadd.s32 $0xFFFFFF80, s6;
	s3 =	sor.u32 s3, s12  }
0x14b: {  	v14 =	vld.idx.msk [tilespmem:v3+s9+$0x0 ss:$0x1], $0xffff;
	s7 =	sand.u32 $0x300, s7;
	s3 =	sadd.s32 $0xA000, s3  }
0x14c: {  	vm1 =	vgt.f32 v9, v13;
	s7 =	sadd.s32 s7, s3  }
0x14d: {  	s13 =	sand.u32 $0x380, s6;
	v8 =	vsel vm0, v12, v8;
	v9 =	vsel vm1, v9, v13;
	v55 =	vld.idx.msk [tilespmem:v3+s7+$0x0 ss:$0x1], $0xffff  }
0x14e: {  	vm2 =	vgt.f32 v6, v8;
	s3 =	sadd.s32 s13, s3;
	vm3 =	vgt.f32 v10, v9;
	v56 =	vld.idx.msk [tilespmem:v2+s7+$0x0 ss:$0x1], $0xffff  }
0x14f: {  	v5 =	vsel vm0, s10, v5;
	v6 =	vsel vm2, v6, v8;
	v3 =	vld.idx.msk [tilespmem:v3+s3+$0x0 ss:$0x1], $0xffff;
	v57 =	vsel vm3, v10, v9  }
0x150: {  	s5 =	sadd.s32 s5, s23;
	v58 =	vsel vm1, s11, v11;
	vm9 =	vgt.f32 v7, v6;
	vm10 =	vgt.f32 v14, v57  }
0x151: {  	s14 =	sadd.s32 $0xDE32, s5;
	v5 =	vsel vm2, s11, v5;
	v2 =	vld.idx.msk [tilespmem:v2+s3+$0x0 ss:$0x1], $0xffff;
	v6 =	vsel vm9, v7, v6;
	v59 =	vsel vm10, v14, v57  }
0x152: {  	v60 =	vsel vm3, s14, v58;
	vm11 =	vgt.f32 v4, v6;
	vm12 =	vgt.f32 v55, v59  }
0x153: {  	s15 =	sadd.s32 s4, s23;
	s0 =	sadd.s32 $0x1, s0;
	s5 =	sadd.s32 $0xDE33, s5;
	v5 =	vsel vm9, s14, v5;
	v4 =	vsel vm11, v4, v6;
	v61 =	vsel vm12, v55, v59  }
0x154: {  	s4 =	sadd.s32 $0xDE32, s15;
	p0 =	sne.s32 s0, $0x10;
	v62 =	vsel vm10, s5, v60;
	vm13 =	vgt.f32 v56, v4;
	vm14 =	vgt.f32 v3, v61  }
.Ltmp11:
0x155: {  	s3 =	sadd.s32 $0xDE33, s15;
	v7 =	vsel vm12, s4, v62;
	v4 =	vsel vm13, v56, v4;
	v3 =	vsel vm14, v3, v61;
	(pc) =	sbr.rel @p0 .LBB2_22-.Ltmp11, $4  }
0x156: {  	v5 =	vsel vm11, s5, v5;
	vm15 =	vgt.f32 v2, v4;
	v63 =	vsel vm14, s3, v7;
	[tilespmem:s28+$0x14000] =	vst v3  }
0x157: {  	v2 =	vsel vm15, v2, v4;
	v3 =	vsel vm13, s4, v5;
	[tilespmem:s28+$0x14200] =	vst v63  }
0x158: {  	v3 =	vsel vm15, s3, v3;
	[tilespmem:s30+$0x14000] =	vst v2  }
0x159: {  	[tilespmem:s30+$0x14200] =	vst v3  }
0x15a: {  	s1 =	simm.s32 $0x0;
	s0 =	rddreg [dreg:$0xa]  }
0x15b: {  	[tilespmem:s24], [sflag:$0x2] =	stream.linear.gather [hbm4b:s0+s1], $0xA000, $0x38;
	[tilespmem:$0x14400] =	vst v63  }
0x15c: {  	_ =	swait.ge [sflag:s25], $0xA000  }
0x15d: {  	[sflag:s25] =	ssyncset.done $0x0  }
0x15e: {  	s0 =	simm.s32 $0x0;
	[sflag:s25] =	ssyncadd.s32 $0xFFFF6000  }
.LBB2_26:
0x15f: {  	s28 =	sshll.u32 s0, $0x5  }
0x160: {  	s3 =	sand.u32 $0x60, s28  }
0x161: {  	s4 =	sor.u32 $0x10, s3;
	v3 =	vmov s3  }
0x162: {  	s9 =	sshll.u32 s0, $0x8;
	s10 =	sand.u32 $0xF000, s1;
	s5 =	sand.u32 $0x180, s28;
	v11 =	vld [tilespmem:s28+$0x14000];
	v2 =	vmov s4  }
0x163: {  	s11 =	simm.s32 $0x0;
	v14 =	vld [tilespmem:s28+$0x14200];
	s3 =	sand.u32 $0xC00, s9;
	s30 =	sor.u32 s5, s4  }
0x164: {  	s5 =	sand.u32 $0x300, s11;
	s4 =	sor.u32 s10, s3;
	v8 =	vld [tilespmem:s30+$0x14000]  }
0x165: {  	s6 =	simm.s32 $0x80;
	v5 =	vld [tilespmem:s30+$0x14200];
	s5 =	sadd.s32 s5, s4  }
0x166: {  	s7 =	simm.s32 $0x400;
	s6 =	sand.u32 $0x380, s6;
	v13 =	vld.idx.msk [tilespmem:v3+s5+$0x0 ss:$0x1], $0xffff  }
0x167: {  	s12 =	simm.s32 $0x180;
	s13 =	sand.u32 $0xF000, s7;
	s4 =	sadd.s32 s6, s4;
	v12 =	vld.idx.msk [tilespmem:v2+s5+$0x0 ss:$0x1], $0xffff  }
0x168: {  	s14 =	simm.s32 $0x100;
	s6 =	sor.u32 s13, s3;
	v9 =	vld.idx.msk [tilespmem:v3+s4+$0x0 ss:$0x1], $0xffff;
	s5 =	sand.u32 $0x380, s12  }
0x169: {  	s15 =	sand.u32 $0x300, s14;
	v6 =	vld.idx.msk [tilespmem:v2+s4+$0x0 ss:$0x1], $0xffff;
	s8 =	sadd.s32 s5, s6  }
0x16a: {  	s7 =	simm.s32 $0x4;
	s11 =	sadd.s32 $0xFFFFFFFE, s23;
	s6 =	sadd.s32 s15, s6;
	v4 =	vld.idx.msk [tilespmem:v2+s8+$0x0 ss:$0x1], $0xffff  }
0x16b: {  	s10 =	simm.s32 $0x800;
	s9 =	sadd.s32 $0xDE82, s11;
	s11 =	sadd.s32 $0xDE83, s11;
	v10 =	vld.idx.msk [tilespmem:v3+s6+$0x0 ss:$0x1], $0xffff;
	vm1 =	vgt.f32 v13, v11  }
0x16c: {  	s4 =	simm.s32 $0x2;
	s5 =	simm.s32 $0x0;
	v7 =	vld.idx.msk [tilespmem:v2+s6+$0x0 ss:$0x1], $0xffff;
	s6 =	simm.s32 $0x280;
	vm0 =	vgt.f32 v12, v8;
	v13 =	vsel vm1, v13, v11;
	v11 =	vsel vm1, s9, v14  }
.LBB2_27:
0x16d: {  	s12 =	sand.u32 $0xF000, s10;
	s15 =	smov.u32 s7;
	s7 =	sadd.s32 $0x2, s7  }
0x16e: {  	s13 =	sadd.s32 $0xFFFFFF80, s6;
	s14 =	sand.u32 $0x380, s6;
	v8 =	vsel vm0, v12, v8;
	vm1 =	vgt.f32 v9, v13;
	v12 =	vmov v9;
	v9 =	vld.idx.msk [tilespmem:v3+s8+$0x0 ss:$0x1], $0xffff;
	p0 =	slt.u32 s7, $0x4E  }
.Ltmp12:
0x16f: {  	v5 =	vsel vm0, s9, v5;
	s8 =	sand.u32 $0x300, s13;
	s12 =	sor.u32 s12, s3;
	vm0 =	vgt.f32 v6, v8;
	v12 =	vsel vm1, v12, v13;
	(pc) =	sbr.rel @p0 .LBB2_27-.Ltmp12, $4  }
0x170: {  	v11 =	vsel vm1, s11, v11;
	s13 =	sadd.s32 s8, s12;
	s8 =	sadd.s32 s14, s12;
	v8 =	vsel vm0, v6, v8;
	v5 =	vsel vm0, s11, v5  }
0x171: {  	s11 =	sadd.s32 s5, s23;
	v6 =	vmov v4;
	s5 =	smov.u32 s4;
	v4 =	vld.idx.msk [tilespmem:v2+s8+$0x0 ss:$0x1], $0xffff  }
0x172: {  	s4 =	smov.u32 s15;
	s9 =	sadd.s32 $0xDE82, s11;
	vm1 =	vgt.f32 v10, v12;
	v13 =	vmov v10;
	v10 =	vld.idx.msk [tilespmem:v3+s13+$0x0 ss:$0x1], $0xffff  }
0x173: {  	s6 =	sadd.s32 $0x100, s6;
	s10 =	sadd.s32 $0x400, s10;
	s11 =	sadd.s32 $0xDE83, s11;
	vm0 =	vgt.f32 v7, v8;
	v13 =	vsel vm1, v13, v12;
	v11 =	vsel vm1, s9, v11;
	v12 =	vmovc v7;
	v7 =	vld.idx.msk [tilespmem:v2+s13+$0x0 ss:$0x1], $0xffff  }
0x174: {  	_ =	sdelay $0x2  }
0x175: {  	s7 =	sand.u32 $0xF000, s10;
	s15 =	sadd.s32 $0xFFFFFF80, s6  }
0x176: {  	v14 =	vld.idx.msk [tilespmem:v3+s8+$0x0 ss:$0x1], $0xffff;
	s12 =	sand.u32 $0x300, s15;
	s3 =	sor.u32 s7, s3  }
0x177: {  	vm1 =	vgt.f32 v9, v13;
	s7 =	sadd.s32 s12, s3  }
0x178: {  	s13 =	sand.u32 $0x380, s6;
	v8 =	vsel vm0, v12, v8;
	v9 =	vsel vm1, v9, v13;
	v55 =	vld.idx.msk [tilespmem:v3+s7+$0x0 ss:$0x1], $0xffff  }
0x179: {  	vm2 =	vgt.f32 v6, v8;
	s3 =	sadd.s32 s13, s3;
	vm3 =	vgt.f32 v10, v9;
	v56 =	vld.idx.msk [tilespmem:v2+s7+$0x0 ss:$0x1], $0xffff  }
0x17a: {  	v5 =	vsel vm0, s9, v5;
	v6 =	vsel vm2, v6, v8;
	v3 =	vld.idx.msk [tilespmem:v3+s3+$0x0 ss:$0x1], $0xffff;
	v57 =	vsel vm3, v10, v9  }
0x17b: {  	s5 =	sadd.s32 s5, s23;
	v58 =	vsel vm1, s11, v11;
	vm9 =	vgt.f32 v7, v6;
	vm10 =	vgt.f32 v14, v57  }
0x17c: {  	s14 =	sadd.s32 $0xDE82, s5;
	v5 =	vsel vm2, s11, v5;
	v2 =	vld.idx.msk [tilespmem:v2+s3+$0x0 ss:$0x1], $0xffff;
	v6 =	vsel vm9, v7, v6;
	v59 =	vsel vm10, v14, v57  }
0x17d: {  	v60 =	vsel vm3, s14, v58;
	vm11 =	vgt.f32 v4, v6;
	vm12 =	vgt.f32 v55, v59  }
0x17e: {  	s0 =	sadd.s32 $0x1, s0;
	s5 =	sadd.s32 $0xDE83, s5;
	s15 =	sadd.s32 s4, s23;
	v5 =	vsel vm9, s14, v5;
	v4 =	vsel vm11, v4, v6;
	v61 =	vsel vm12, v55, v59  }
0x17f: {  	p0 =	sne.s32 s0, $0x10;
	s4 =	sadd.s32 $0xDE82, s15;
	v62 =	vsel vm10, s5, v60;
	vm13 =	vgt.f32 v56, v4;
	vm14 =	vgt.f32 v3, v61  }
.Ltmp13:
0x180: {  	s3 =	sadd.s32 $0xDE83, s15;
	v7 =	vsel vm12, s4, v62;
	v4 =	vsel vm13, v56, v4;
	v3 =	vsel vm14, v3, v61;
	(pc) =	sbr.rel @p0 .LBB2_26-.Ltmp13, $4  }
0x181: {  	v5 =	vsel vm11, s5, v5;
	vm15 =	vgt.f32 v2, v4;
	v63 =	vsel vm14, s3, v7;
	[tilespmem:s28+$0x14000] =	vst v3  }
0x182: {  	v2 =	vsel vm15, v2, v4;
	v3 =	vsel vm13, s4, v5;
	[tilespmem:s28+$0x14200] =	vst v63  }
0x183: {  	v3 =	vsel vm15, s3, v3;
	[tilespmem:s30+$0x14000] =	vst v2  }
0x184: {  	[tilespmem:s30+$0x14200] =	vst v3  }
0x185: {  	s1 =	simm.s32 $0x0;
	s0 =	rddreg [dreg:$0xb]  }
0x186: {  	[tilespmem:s1], [sflag:$0x1] =	stream.linear.gather [hbm4b:s0+s1], $0xA000, $0x38;
	[tilespmem:$0x14400] =	vst v63  }
0x187: {  	_ =	swait.ge [sflag:s26], $0xA000  }
0x188: {  	[sflag:s26] =	ssyncset.done $0x0  }
0x189: {  	s0 =	simm.s32 $0x0;
	[sflag:s26] =	ssyncadd.s32 $0xFFFF6000  }
.LBB2_30:
0x18a: {  	s28 =	sshll.u32 s0, $0x5  }
0x18b: {  	s3 =	sand.u32 $0x60, s28  }
0x18c: {  	s5 =	sshll.u32 s0, $0x8;
	s4 =	sor.u32 $0x10, s3;
	v3 =	vmov s3  }
0x18d: {  	s9 =	sand.u32 $0xF000, s1;
	v11 =	vld [tilespmem:s28+$0x14000];
	s6 =	sand.u32 $0x180, s28;
	s3 =	sand.u32 $0xC00, s5;
	v2 =	vmov s4  }
0x18e: {  	s10 =	simm.s32 $0x0;
	v14 =	vld [tilespmem:s28+$0x14200];
	s30 =	sor.u32 s6, s4;
	s5 =	sor.u32 s3, s9  }
0x18f: {  	s4 =	sand.u32 $0x300, s10;
	v8 =	vld [tilespmem:s30+$0x14000];
	s5 =	sadd.s32 $0xA000, s5  }
0x190: {  	s11 =	simm.s32 $0x80;
	s7 =	simm.s32 $0x400;
	v5 =	vld [tilespmem:s30+$0x14200];
	s4 =	sadd.s32 s4, s5  }
0x191: {  	s7 =	sand.u32 $0xF000, s7;
	s6 =	sand.u32 $0x380, s11;
	v13 =	vld.idx.msk [tilespmem:v3+s4+$0x0 ss:$0x1], $0xffff  }
0x192: {  	s14 =	simm.s32 $0x100;
	s13 =	sor.u32 s3, s7;
	s6 =	sadd.s32 s6, s5;
	v12 =	vld.idx.msk [tilespmem:v2+s4+$0x0 ss:$0x1], $0xffff  }
0x193: {  	s12 =	simm.s32 $0x180;
	s15 =	sand.u32 $0x300, s14;
	s8 =	sadd.s32 $0xA000, s13;
	v9 =	vld.idx.msk [tilespmem:v3+s6+$0x0 ss:$0x1], $0xffff  }
0x194: {  	s11 =	sadd.s32 $0xFFFFFFFE, s23;
	s7 =	simm.s32 $0x4;
	v6 =	vld.idx.msk [tilespmem:v2+s6+$0x0 ss:$0x1], $0xffff;
	s6 =	sadd.s32 s15, s8  }
0x195: {  	s10 =	sadd.s32 $0xDED2, s11;
	s11 =	sadd.s32 $0xDED3, s11;
	s4 =	sand.u32 $0x380, s12;
	v10 =	vld.idx.msk [tilespmem:v3+s6+$0x0 ss:$0x1], $0xffff  }
0x196: {  	s5 =	simm.s32 $0x0;
	s9 =	sadd.s32 s4, s8;
	s8 =	simm.s32 $0x800;
	v7 =	vld.idx.msk [tilespmem:v2+s6+$0x0 ss:$0x1], $0xffff;
	vm1 =	vgt.f32 v13, v11  }
0x197: {  	s4 =	simm.s32 $0x2;
	s6 =	simm.s32 $0x280;
	v4 =	vld.idx.msk [tilespmem:v2+s9+$0x0 ss:$0x1], $0xffff;
	s12 =	sand.u32 $0xF000, s8;
	vm0 =	vgt.f32 v12, v8;
	v13 =	vsel vm1, v13, v11;
	v11 =	vsel vm1, s10, v14  }
.LBB2_31:
0x198: {  	s13 =	sadd.s32 $0xFFFFFF80, s6;
	s15 =	smov.u32 s7;
	s7 =	sadd.s32 $0x2, s7  }
0x199: {  	s12 =	sor.u32 s3, s12;
	s14 =	sand.u32 $0x380, s6;
	v8 =	vsel vm0, v12, v8;
	vm1 =	vgt.f32 v9, v13;
	v12 =	vmov v9;
	v9 =	vld.idx.msk [tilespmem:v3+s9+$0x0 ss:$0x1], $0xffff;
	p0 =	slt.u32 s7, $0x4E  }
.Ltmp14:
0x19a: {  	v5 =	vsel vm0, s10, v5;
	s9 =	sand.u32 $0x300, s13;
	s12 =	sadd.s32 $0xA000, s12;
	vm0 =	vgt.f32 v6, v8;
	v12 =	vsel vm1, v12, v13;
	(pc) =	sbr.rel @p0 .LBB2_31-.Ltmp14, $4  }
0x19b: {  	v11 =	vsel vm1, s11, v11;
	s13 =	sadd.s32 s9, s12;
	s9 =	sadd.s32 s14, s12;
	v8 =	vsel vm0, v6, v8;
	v5 =	vsel vm0, s11, v5  }
0x19c: {  	s11 =	sadd.s32 s5, s23;
	v6 =	vmov v4;
	s5 =	smov.u32 s4;
	v4 =	vld.idx.msk [tilespmem:v2+s9+$0x0 ss:$0x1], $0xffff  }
0x19d: {  	s8 =	sadd.s32 $0x400, s8;
	s4 =	smov.u32 s15;
	s10 =	sadd.s32 $0xDED2, s11;
	vm1 =	vgt.f32 v10, v12;
	v13 =	vmov v10;
	v10 =	vld.idx.msk [tilespmem:v3+s13+$0x0 ss:$0x1], $0xffff  }
0x19e: {  	s6 =	sadd.s32 $0x100, s6;
	s12 =	sand.u32 $0xF000, s8;
	s11 =	sadd.s32 $0xDED3, s11;
	vm0 =	vgt.f32 v7, v8;
	v13 =	vsel vm1, v13, v12;
	v11 =	vsel vm1, s10, v11;
	v12 =	vmovc v7;
	v7 =	vld.idx.msk [tilespmem:v2+s13+$0x0 ss:$0x1], $0xffff  }
0x19f: {  	_ =	sdelay $0x2  }
0x1a0: {  	s7 =	sadd.s32 $0xFFFFFF80, s6;
	s3 =	sor.u32 s3, s12  }
0x1a1: {  	v14 =	vld.idx.msk [tilespmem:v3+s9+$0x0 ss:$0x1], $0xffff;
	s7 =	sand.u32 $0x300, s7;
	s3 =	sadd.s32 $0xA000, s3  }
0x1a2: {  	vm1 =	vgt.f32 v9, v13;
	s7 =	sadd.s32 s7, s3  }
0x1a3: {  	s13 =	sand.u32 $0x380, s6;
	v8 =	vsel vm0, v12, v8;
	v9 =	vsel vm1, v9, v13;
	v55 =	vld.idx.msk [tilespmem:v3+s7+$0x0 ss:$0x1], $0xffff  }
0x1a4: {  	vm2 =	vgt.f32 v6, v8;
	s3 =	sadd.s32 s13, s3;
	vm3 =	vgt.f32 v10, v9;
	v56 =	vld.idx.msk [tilespmem:v2+s7+$0x0 ss:$0x1], $0xffff  }
0x1a5: {  	v5 =	vsel vm0, s10, v5;
	v6 =	vsel vm2, v6, v8;
	v3 =	vld.idx.msk [tilespmem:v3+s3+$0x0 ss:$0x1], $0xffff;
	v57 =	vsel vm3, v10, v9  }
0x1a6: {  	s5 =	sadd.s32 s5, s23;
	v58 =	vsel vm1, s11, v11;
	vm9 =	vgt.f32 v7, v6;
	vm10 =	vgt.f32 v14, v57  }
0x1a7: {  	s14 =	sadd.s32 $0xDED2, s5;
	v5 =	vsel vm2, s11, v5;
	v2 =	vld.idx.msk [tilespmem:v2+s3+$0x0 ss:$0x1], $0xffff;
	v6 =	vsel vm9, v7, v6;
	v59 =	vsel vm10, v14, v57  }
0x1a8: {  	v60 =	vsel vm3, s14, v58;
	vm11 =	vgt.f32 v4, v6;
	vm12 =	vgt.f32 v55, v59  }
0x1a9: {  	s15 =	sadd.s32 s4, s23;
	s0 =	sadd.s32 $0x1, s0;
	s5 =	sadd.s32 $0xDED3, s5;
	v5 =	vsel vm9, s14, v5;
	v4 =	vsel vm11, v4, v6;
	v61 =	vsel vm12, v55, v59  }
0x1aa: {  	s4 =	sadd.s32 $0xDED2, s15;
	p0 =	sne.s32 s0, $0x10;
	v62 =	vsel vm10, s5, v60;
	vm13 =	vgt.f32 v56, v4;
	vm14 =	vgt.f32 v3, v61  }
.Ltmp15:
0x1ab: {  	s3 =	sadd.s32 $0xDED3, s15;
	v7 =	vsel vm12, s4, v62;
	v4 =	vsel vm13, v56, v4;
	v3 =	vsel vm14, v3, v61;
	(pc) =	sbr.rel @p0 .LBB2_30-.Ltmp15, $4  }
0x1ac: {  	v5 =	vsel vm11, s5, v5;
	vm15 =	vgt.f32 v2, v4;
	v63 =	vsel vm14, s3, v7;
	[tilespmem:s28+$0x14000] =	vst v3  }
0x1ad: {  	v2 =	vsel vm15, v2, v4;
	v3 =	vsel vm13, s4, v5;
	[tilespmem:s28+$0x14200] =	vst v63  }
0x1ae: {  	v3 =	vsel vm15, s3, v3;
	[tilespmem:s30+$0x14000] =	vst v2  }
0x1af: {  	[tilespmem:s30+$0x14200] =	vst v3  }
0x1b0: {  	s1 =	simm.s32 $0x0;
	s0 =	rddreg [dreg:$0xc]  }
0x1b1: {  	[tilespmem:s24], [sflag:$0x2] =	stream.linear.gather [hbm4b:s0+s1], $0xA000, $0x38;
	[tilespmem:$0x14400] =	vst v63  }
0x1b2: {  	_ =	swait.ge [sflag:s25], $0xA000  }
0x1b3: {  	[sflag:s25] =	ssyncset.done $0x0  }
0x1b4: {  	s0 =	simm.s32 $0x0;
	[sflag:s25] =	ssyncadd.s32 $0xFFFF6000  }
.LBB2_34:
0x1b5: {  	s28 =	sshll.u32 s0, $0x5  }
0x1b6: {  	s3 =	sand.u32 $0x60, s28  }
0x1b7: {  	s4 =	sor.u32 $0x10, s3;
	v3 =	vmov s3  }
0x1b8: {  	s9 =	sshll.u32 s0, $0x8;
	s10 =	sand.u32 $0xF000, s1;
	s5 =	sand.u32 $0x180, s28;
	v11 =	vld [tilespmem:s28+$0x14000];
	v2 =	vmov s4  }
0x1b9: {  	s11 =	simm.s32 $0x0;
	v14 =	vld [tilespmem:s28+$0x14200];
	s3 =	sand.u32 $0xC00, s9;
	s30 =	sor.u32 s5, s4  }
0x1ba: {  	s5 =	sand.u32 $0x300, s11;
	s4 =	sor.u32 s10, s3;
	v8 =	vld [tilespmem:s30+$0x14000]  }
0x1bb: {  	s6 =	simm.s32 $0x80;
	v5 =	vld [tilespmem:s30+$0x14200];
	s5 =	sadd.s32 s5, s4  }
0x1bc: {  	s7 =	simm.s32 $0x400;
	s6 =	sand.u32 $0x380, s6;
	v13 =	vld.idx.msk [tilespmem:v3+s5+$0x0 ss:$0x1], $0xffff  }
0x1bd: {  	s12 =	simm.s32 $0x180;
	s13 =	sand.u32 $0xF000, s7;
	s4 =	sadd.s32 s6, s4;
	v12 =	vld.idx.msk [tilespmem:v2+s5+$0x0 ss:$0x1], $0xffff  }
0x1be: {  	s14 =	simm.s32 $0x100;
	s6 =	sor.u32 s13, s3;
	v9 =	vld.idx.msk [tilespmem:v3+s4+$0x0 ss:$0x1], $0xffff;
	s5 =	sand.u32 $0x380, s12  }
0x1bf: {  	s15 =	sand.u32 $0x300, s14;
	v6 =	vld.idx.msk [tilespmem:v2+s4+$0x0 ss:$0x1], $0xffff;
	s8 =	sadd.s32 s5, s6  }
0x1c0: {  	s7 =	simm.s32 $0x4;
	s11 =	sadd.s32 $0xFFFFFFFE, s23;
	s6 =	sadd.s32 s15, s6;
	v4 =	vld.idx.msk [tilespmem:v2+s8+$0x0 ss:$0x1], $0xffff  }
0x1c1: {  	s10 =	simm.s32 $0x800;
	s9 =	sadd.s32 $0xDF22, s11;
	s11 =	sadd.s32 $0xDF23, s11;
	v10 =	vld.idx.msk [tilespmem:v3+s6+$0x0 ss:$0x1], $0xffff;
	vm1 =	vgt.f32 v13, v11  }
0x1c2: {  	s4 =	simm.s32 $0x2;
	s5 =	simm.s32 $0x0;
	v7 =	vld.idx.msk [tilespmem:v2+s6+$0x0 ss:$0x1], $0xffff;
	s6 =	simm.s32 $0x280;
	vm0 =	vgt.f32 v12, v8;
	v13 =	vsel vm1, v13, v11;
	v11 =	vsel vm1, s9, v14  }
.LBB2_35:
0x1c3: {  	s12 =	sand.u32 $0xF000, s10;
	s15 =	smov.u32 s7;
	s7 =	sadd.s32 $0x2, s7  }
0x1c4: {  	s13 =	sadd.s32 $0xFFFFFF80, s6;
	s14 =	sand.u32 $0x380, s6;
	v8 =	vsel vm0, v12, v8;
	vm1 =	vgt.f32 v9, v13;
	v12 =	vmov v9;
	v9 =	vld.idx.msk [tilespmem:v3+s8+$0x0 ss:$0x1], $0xffff;
	p0 =	slt.u32 s7, $0x4E  }
.Ltmp16:
0x1c5: {  	v5 =	vsel vm0, s9, v5;
	s8 =	sand.u32 $0x300, s13;
	s12 =	sor.u32 s12, s3;
	vm0 =	vgt.f32 v6, v8;
	v12 =	vsel vm1, v12, v13;
	(pc) =	sbr.rel @p0 .LBB2_35-.Ltmp16, $4  }
0x1c6: {  	v11 =	vsel vm1, s11, v11;
	s13 =	sadd.s32 s8, s12;
	s8 =	sadd.s32 s14, s12;
	v8 =	vsel vm0, v6, v8;
	v5 =	vsel vm0, s11, v5  }
0x1c7: {  	s11 =	sadd.s32 s5, s23;
	v6 =	vmov v4;
	s5 =	smov.u32 s4;
	v4 =	vld.idx.msk [tilespmem:v2+s8+$0x0 ss:$0x1], $0xffff  }
0x1c8: {  	s4 =	smov.u32 s15;
	s9 =	sadd.s32 $0xDF22, s11;
	vm1 =	vgt.f32 v10, v12;
	v13 =	vmov v10;
	v10 =	vld.idx.msk [tilespmem:v3+s13+$0x0 ss:$0x1], $0xffff  }
0x1c9: {  	s6 =	sadd.s32 $0x100, s6;
	s10 =	sadd.s32 $0x400, s10;
	s11 =	sadd.s32 $0xDF23, s11;
	vm0 =	vgt.f32 v7, v8;
	v13 =	vsel vm1, v13, v12;
	v11 =	vsel vm1, s9, v11;
	v12 =	vmovc v7;
	v7 =	vld.idx.msk [tilespmem:v2+s13+$0x0 ss:$0x1], $0xffff  }
0x1ca: {  	_ =	sdelay $0x2  }
0x1cb: {  	s7 =	sand.u32 $0xF000, s10;
	s15 =	sadd.s32 $0xFFFFFF80, s6  }
0x1cc: {  	v14 =	vld.idx.msk [tilespmem:v3+s8+$0x0 ss:$0x1], $0xffff;
	s12 =	sand.u32 $0x300, s15;
	s3 =	sor.u32 s7, s3  }
0x1cd: {  	vm1 =	vgt.f32 v9, v13;
	s7 =	sadd.s32 s12, s3  }
0x1ce: {  	s13 =	sand.u32 $0x380, s6;
	v8 =	vsel vm0, v12, v8;
	v9 =	vsel vm1, v9, v13;
	v55 =	vld.idx.msk [tilespmem:v3+s7+$0x0 ss:$0x1], $0xffff  }
0x1cf: {  	vm2 =	vgt.f32 v6, v8;
	s3 =	sadd.s32 s13, s3;
	vm3 =	vgt.f32 v10, v9;
	v56 =	vld.idx.msk [tilespmem:v2+s7+$0x0 ss:$0x1], $0xffff  }
0x1d0: {  	v5 =	vsel vm0, s9, v5;
	v6 =	vsel vm2, v6, v8;
	v3 =	vld.idx.msk [tilespmem:v3+s3+$0x0 ss:$0x1], $0xffff;
	v57 =	vsel vm3, v10, v9  }
0x1d1: {  	s5 =	sadd.s32 s5, s23;
	v58 =	vsel vm1, s11, v11;
	vm9 =	vgt.f32 v7, v6;
	vm10 =	vgt.f32 v14, v57  }
0x1d2: {  	s14 =	sadd.s32 $0xDF22, s5;
	v5 =	vsel vm2, s11, v5;
	v2 =	vld.idx.msk [tilespmem:v2+s3+$0x0 ss:$0x1], $0xffff;
	v6 =	vsel vm9, v7, v6;
	v59 =	vsel vm10, v14, v57  }
0x1d3: {  	v60 =	vsel vm3, s14, v58;
	vm11 =	vgt.f32 v4, v6;
	vm12 =	vgt.f32 v55, v59  }
0x1d4: {  	s0 =	sadd.s32 $0x1, s0;
	s5 =	sadd.s32 $0xDF23, s5;
	s15 =	sadd.s32 s4, s23;
	v5 =	vsel vm9, s14, v5;
	v4 =	vsel vm11, v4, v6;
	v61 =	vsel vm12, v55, v59  }
0x1d5: {  	p0 =	sne.s32 s0, $0x10;
	s4 =	sadd.s32 $0xDF22, s15;
	v62 =	vsel vm10, s5, v60;
	vm13 =	vgt.f32 v56, v4;
	vm14 =	vgt.f32 v3, v61  }
.Ltmp17:
0x1d6: {  	s3 =	sadd.s32 $0xDF23, s15;
	v7 =	vsel vm12, s4, v62;
	v4 =	vsel vm13, v56, v4;
	v3 =	vsel vm14, v3, v61;
	(pc) =	sbr.rel @p0 .LBB2_34-.Ltmp17, $4  }
0x1d7: {  	v5 =	vsel vm11, s5, v5;
	vm15 =	vgt.f32 v2, v4;
	v63 =	vsel vm14, s3, v7;
	[tilespmem:s28+$0x14000] =	vst v3  }
0x1d8: {  	v2 =	vsel vm15, v2, v4;
	v3 =	vsel vm13, s4, v5;
	[tilespmem:s28+$0x14200] =	vst v63  }
0x1d9: {  	v3 =	vsel vm15, s3, v3;
	[tilespmem:s30+$0x14000] =	vst v2  }
0x1da: {  	[tilespmem:s30+$0x14200] =	vst v3  }
0x1db: {  	s1 =	simm.s32 $0x0;
	s0 =	rddreg [dreg:$0xf]  }
0x1dc: {  	[tilespmem:s1], [sflag:$0x1] =	stream.linear.gather [hbm4b:s0+s1], $0xA000, $0x38;
	[tilespmem:$0x14400] =	vst v63  }
0x1dd: {  	_ =	swait.ge [sflag:s26], $0xA000  }
0x1de: {  	[sflag:s26] =	ssyncset.done $0x0  }
0x1df: {  	s0 =	simm.s32 $0x0;
	[sflag:s26] =	ssyncadd.s32 $0xFFFF6000  }
.LBB2_38:
0x1e0: {  	s28 =	sshll.u32 s0, $0x5  }
0x1e1: {  	s3 =	sand.u32 $0x60, s28  }
0x1e2: {  	s5 =	sshll.u32 s0, $0x8;
	s4 =	sor.u32 $0x10, s3;
	v3 =	vmov s3  }
0x1e3: {  	s9 =	sand.u32 $0xF000, s1;
	v11 =	vld [tilespmem:s28+$0x14000];
	s6 =	sand.u32 $0x180, s28;
	s3 =	sand.u32 $0xC00, s5;
	v2 =	vmov s4  }
0x1e4: {  	s10 =	simm.s32 $0x0;
	v14 =	vld [tilespmem:s28+$0x14200];
	s30 =	sor.u32 s6, s4;
	s5 =	sor.u32 s3, s9  }
0x1e5: {  	s4 =	sand.u32 $0x300, s10;
	v8 =	vld [tilespmem:s30+$0x14000];
	s5 =	sadd.s32 $0xA000, s5  }
0x1e6: {  	s11 =	simm.s32 $0x80;
	s7 =	simm.s32 $0x400;
	v5 =	vld [tilespmem:s30+$0x14200];
	s4 =	sadd.s32 s4, s5  }
0x1e7: {  	s7 =	sand.u32 $0xF000, s7;
	s6 =	sand.u32 $0x380, s11;
	v13 =	vld.idx.msk [tilespmem:v3+s4+$0x0 ss:$0x1], $0xffff  }
0x1e8: {  	s14 =	simm.s32 $0x100;
	s13 =	sor.u32 s3, s7;
	s6 =	sadd.s32 s6, s5;
	v12 =	vld.idx.msk [tilespmem:v2+s4+$0x0 ss:$0x1], $0xffff  }
0x1e9: {  	s12 =	simm.s32 $0x180;
	s15 =	sand.u32 $0x300, s14;
	s8 =	sadd.s32 $0xA000, s13;
	v9 =	vld.idx.msk [tilespmem:v3+s6+$0x0 ss:$0x1], $0xffff  }
0x1ea: {  	s11 =	sadd.s32 $0xFFFFFFFE, s23;
	s7 =	simm.s32 $0x4;
	v6 =	vld.idx.msk [tilespmem:v2+s6+$0x0 ss:$0x1], $0xffff;
	s6 =	sadd.s32 s15, s8  }
0x1eb: {  	s10 =	sadd.s32 $0xDF72, s11;
	s11 =	sadd.s32 $0xDF73, s11;
	s4 =	sand.u32 $0x380, s12;
	v10 =	vld.idx.msk [tilespmem:v3+s6+$0x0 ss:$0x1], $0xffff  }
0x1ec: {  	s5 =	simm.s32 $0x0;
	s9 =	sadd.s32 s4, s8;
	s8 =	simm.s32 $0x800;
	v7 =	vld.idx.msk [tilespmem:v2+s6+$0x0 ss:$0x1], $0xffff;
	vm1 =	vgt.f32 v13, v11  }
0x1ed: {  	s4 =	simm.s32 $0x2;
	s6 =	simm.s32 $0x280;
	v4 =	vld.idx.msk [tilespmem:v2+s9+$0x0 ss:$0x1], $0xffff;
	s12 =	sand.u32 $0xF000, s8;
	vm0 =	vgt.f32 v12, v8;
	v13 =	vsel vm1, v13, v11;
	v11 =	vsel vm1, s10, v14  }
.LBB2_39:
0x1ee: {  	s13 =	sadd.s32 $0xFFFFFF80, s6;
	s15 =	smov.u32 s7;
	s7 =	sadd.s32 $0x2, s7  }
0x1ef: {  	s12 =	sor.u32 s3, s12;
	s14 =	sand.u32 $0x380, s6;
	v8 =	vsel vm0, v12, v8;
	vm1 =	vgt.f32 v9, v13;
	v12 =	vmov v9;
	v9 =	vld.idx.msk [tilespmem:v3+s9+$0x0 ss:$0x1], $0xffff;
	p0 =	slt.u32 s7, $0x4E  }
.Ltmp18:
0x1f0: {  	v5 =	vsel vm0, s10, v5;
	s9 =	sand.u32 $0x300, s13;
	s12 =	sadd.s32 $0xA000, s12;
	vm0 =	vgt.f32 v6, v8;
	v12 =	vsel vm1, v12, v13;
	(pc) =	sbr.rel @p0 .LBB2_39-.Ltmp18, $4  }
0x1f1: {  	v11 =	vsel vm1, s11, v11;
	s13 =	sadd.s32 s9, s12;
	s9 =	sadd.s32 s14, s12;
	v8 =	vsel vm0, v6, v8;
	v5 =	vsel vm0, s11, v5  }
0x1f2: {  	s11 =	sadd.s32 s5, s23;
	v6 =	vmov v4;
	s5 =	smov.u32 s4;
	v4 =	vld.idx.msk [tilespmem:v2+s9+$0x0 ss:$0x1], $0xffff  }
0x1f3: {  	s8 =	sadd.s32 $0x400, s8;
	s4 =	smov.u32 s15;
	s10 =	sadd.s32 $0xDF72, s11;
	vm1 =	vgt.f32 v10, v12;
	v13 =	vmov v10;
	v10 =	vld.idx.msk [tilespmem:v3+s13+$0x0 ss:$0x1], $0xffff  }
0x1f4: {  	s6 =	sadd.s32 $0x100, s6;
	s12 =	sand.u32 $0xF000, s8;
	s11 =	sadd.s32 $0xDF73, s11;
	vm0 =	vgt.f32 v7, v8;
	v13 =	vsel vm1, v13, v12;
	v11 =	vsel vm1, s10, v11;
	v12 =	vmovc v7;
	v7 =	vld.idx.msk [tilespmem:v2+s13+$0x0 ss:$0x1], $0xffff  }
0x1f5: {  	_ =	sdelay $0x2  }
0x1f6: {  	s7 =	sadd.s32 $0xFFFFFF80, s6;
	s3 =	sor.u32 s3, s12  }
0x1f7: {  	v14 =	vld.idx.msk [tilespmem:v3+s9+$0x0 ss:$0x1], $0xffff;
	s7 =	sand.u32 $0x300, s7;
	s3 =	sadd.s32 $0xA000, s3  }
0x1f8: {  	vm1 =	vgt.f32 v9, v13;
	s7 =	sadd.s32 s7, s3  }
0x1f9: {  	s13 =	sand.u32 $0x380, s6;
	v8 =	vsel vm0, v12, v8;
	v9 =	vsel vm1, v9, v13;
	v55 =	vld.idx.msk [tilespmem:v3+s7+$0x0 ss:$0x1], $0xffff  }
0x1fa: {  	vm2 =	vgt.f32 v6, v8;
	s3 =	sadd.s32 s13, s3;
	vm3 =	vgt.f32 v10, v9;
	v56 =	vld.idx.msk [tilespmem:v2+s7+$0x0 ss:$0x1], $0xffff  }
0x1fb: {  	v5 =	vsel vm0, s10, v5;
	v6 =	vsel vm2, v6, v8;
	v3 =	vld.idx.msk [tilespmem:v3+s3+$0x0 ss:$0x1], $0xffff;
	v57 =	vsel vm3, v10, v9  }
0x1fc: {  	s5 =	sadd.s32 s5, s23;
	v58 =	vsel vm1, s11, v11;
	vm9 =	vgt.f32 v7, v6;
	vm10 =	vgt.f32 v14, v57  }
0x1fd: {  	s14 =	sadd.s32 $0xDF72, s5;
	v5 =	vsel vm2, s11, v5;
	v2 =	vld.idx.msk [tilespmem:v2+s3+$0x0 ss:$0x1], $0xffff;
	v6 =	vsel vm9, v7, v6;
	v59 =	vsel vm10, v14, v57  }
0x1fe: {  	v60 =	vsel vm3, s14, v58;
	vm11 =	vgt.f32 v4, v6;
	vm12 =	vgt.f32 v55, v59  }
0x1ff: {  	s15 =	sadd.s32 s4, s23;
	s0 =	sadd.s32 $0x1, s0;
	s5 =	sadd.s32 $0xDF73, s5;
	v5 =	vsel vm9, s14, v5;
	v4 =	vsel vm11, v4, v6;
	v61 =	vsel vm12, v55, v59  }
0x200: {  	s4 =	sadd.s32 $0xDF72, s15;
	p0 =	sne.s32 s0, $0x10;
	v62 =	vsel vm10, s5, v60;
	vm13 =	vgt.f32 v56, v4;
	vm14 =	vgt.f32 v3, v61  }
.Ltmp19:
0x201: {  	s3 =	sadd.s32 $0xDF73, s15;
	v7 =	vsel vm12, s4, v62;
	v4 =	vsel vm13, v56, v4;
	v3 =	vsel vm14, v3, v61;
	(pc) =	sbr.rel @p0 .LBB2_38-.Ltmp19, $4  }
0x202: {  	v5 =	vsel vm11, s5, v5;
	vm15 =	vgt.f32 v2, v4;
	v63 =	vsel vm14, s3, v7;
	[tilespmem:s28+$0x14000] =	vst v3  }
0x203: {  	v2 =	vsel vm15, v2, v4;
	v3 =	vsel vm13, s4, v5;
	[tilespmem:s28+$0x14200] =	vst v63  }
0x204: {  	v3 =	vsel vm15, s3, v3;
	[tilespmem:s30+$0x14000] =	vst v2  }
0x205: {  	[tilespmem:s30+$0x14200] =	vst v3  }
0x206: {  	s1 =	simm.s32 $0x0;
	s0 =	rddreg [dreg:$0xd]  }
0x207: {  	[tilespmem:s24], [sflag:$0x2] =	stream.linear.gather [hbm4b:s0+s1], $0xA000, $0x38;
	[tilespmem:$0x14400] =	vst v63  }
0x208: {  	_ =	swait.ge [sflag:s25], $0xA000  }
0x209: {  	[sflag:s25] =	ssyncset.done $0x0  }
0x20a: {  	s0 =	simm.s32 $0x0;
	[sflag:s25] =	ssyncadd.s32 $0xFFFF6000  }
.LBB2_42:
0x20b: {  	s28 =	sshll.u32 s0, $0x5  }
0x20c: {  	s3 =	sand.u32 $0x60, s28  }
0x20d: {  	s4 =	sor.u32 $0x10, s3;
	v3 =	vmov s3  }
0x20e: {  	s9 =	sshll.u32 s0, $0x8;
	s10 =	sand.u32 $0xF000, s1;
	s5 =	sand.u32 $0x180, s28;
	v11 =	vld [tilespmem:s28+$0x14000];
	v2 =	vmov s4  }
0x20f: {  	s11 =	simm.s32 $0x0;
	v14 =	vld [tilespmem:s28+$0x14200];
	s3 =	sand.u32 $0xC00, s9;
	s30 =	sor.u32 s5, s4  }
0x210: {  	s5 =	sand.u32 $0x300, s11;
	s4 =	sor.u32 s10, s3;
	v8 =	vld [tilespmem:s30+$0x14000]  }
0x211: {  	s6 =	simm.s32 $0x80;
	v5 =	vld [tilespmem:s30+$0x14200];
	s5 =	sadd.s32 s5, s4  }
0x212: {  	s7 =	simm.s32 $0x400;
	s6 =	sand.u32 $0x380, s6;
	v13 =	vld.idx.msk [tilespmem:v3+s5+$0x0 ss:$0x1], $0xffff  }
0x213: {  	s12 =	simm.s32 $0x180;
	s13 =	sand.u32 $0xF000, s7;
	s4 =	sadd.s32 s6, s4;
	v12 =	vld.idx.msk [tilespmem:v2+s5+$0x0 ss:$0x1], $0xffff  }
0x214: {  	s14 =	simm.s32 $0x100;
	s6 =	sor.u32 s13, s3;
	v9 =	vld.idx.msk [tilespmem:v3+s4+$0x0 ss:$0x1], $0xffff;
	s5 =	sand.u32 $0x380, s12  }
0x215: {  	s15 =	sand.u32 $0x300, s14;
	v6 =	vld.idx.msk [tilespmem:v2+s4+$0x0 ss:$0x1], $0xffff;
	s8 =	sadd.s32 s5, s6  }
0x216: {  	s7 =	simm.s32 $0x4;
	s11 =	sadd.s32 $0xFFFFFFFE, s23;
	s6 =	sadd.s32 s15, s6;
	v4 =	vld.idx.msk [tilespmem:v2+s8+$0x0 ss:$0x1], $0xffff  }
0x217: {  	s10 =	simm.s32 $0x800;
	s9 =	sadd.s32 $0xDFC2, s11;
	s11 =	sadd.s32 $0xDFC3, s11;
	v10 =	vld.idx.msk [tilespmem:v3+s6+$0x0 ss:$0x1], $0xffff;
	vm1 =	vgt.f32 v13, v11  }
0x218: {  	s4 =	simm.s32 $0x2;
	s5 =	simm.s32 $0x0;
	v7 =	vld.idx.msk [tilespmem:v2+s6+$0x0 ss:$0x1], $0xffff;
	s6 =	simm.s32 $0x280;
	vm0 =	vgt.f32 v12, v8;
	v13 =	vsel vm1, v13, v11;
	v11 =	vsel vm1, s9, v14  }
.LBB2_43:
0x219: {  	s12 =	sand.u32 $0xF000, s10;
	s15 =	smov.u32 s7;
	s7 =	sadd.s32 $0x2, s7  }
0x21a: {  	s13 =	sadd.s32 $0xFFFFFF80, s6;
	s14 =	sand.u32 $0x380, s6;
	v8 =	vsel vm0, v12, v8;
	vm1 =	vgt.f32 v9, v13;
	v12 =	vmov v9;
	v9 =	vld.idx.msk [tilespmem:v3+s8+$0x0 ss:$0x1], $0xffff;
	p0 =	slt.u32 s7, $0x4E  }
.Ltmp20:
0x21b: {  	v5 =	vsel vm0, s9, v5;
	s8 =	sand.u32 $0x300, s13;
	s12 =	sor.u32 s12, s3;
	vm0 =	vgt.f32 v6, v8;
	v12 =	vsel vm1, v12, v13;
	(pc) =	sbr.rel @p0 .LBB2_43-.Ltmp20, $4  }
0x21c: {  	v11 =	vsel vm1, s11, v11;
	s13 =	sadd.s32 s8, s12;
	s8 =	sadd.s32 s14, s12;
	v8 =	vsel vm0, v6, v8;
	v5 =	vsel vm0, s11, v5  }
0x21d: {  	s11 =	sadd.s32 s5, s23;
	v6 =	vmov v4;
	s5 =	smov.u32 s4;
	v4 =	vld.idx.msk [tilespmem:v2+s8+$0x0 ss:$0x1], $0xffff  }
0x21e: {  	s4 =	smov.u32 s15;
	s9 =	sadd.s32 $0xDFC2, s11;
	vm1 =	vgt.f32 v10, v12;
	v13 =	vmov v10;
	v10 =	vld.idx.msk [tilespmem:v3+s13+$0x0 ss:$0x1], $0xffff  }
0x21f: {  	s6 =	sadd.s32 $0x100, s6;
	s10 =	sadd.s32 $0x400, s10;
	s11 =	sadd.s32 $0xDFC3, s11;
	vm0 =	vgt.f32 v7, v8;
	v13 =	vsel vm1, v13, v12;
	v11 =	vsel vm1, s9, v11;
	v12 =	vmovc v7;
	v7 =	vld.idx.msk [tilespmem:v2+s13+$0x0 ss:$0x1], $0xffff  }
0x220: {  	_ =	sdelay $0x2  }
0x221: {  	s7 =	sand.u32 $0xF000, s10;
	s15 =	sadd.s32 $0xFFFFFF80, s6  }
0x222: {  	v14 =	vld.idx.msk [tilespmem:v3+s8+$0x0 ss:$0x1], $0xffff;
	s12 =	sand.u32 $0x300, s15;
	s3 =	sor.u32 s7, s3  }
0x223: {  	vm1 =	vgt.f32 v9, v13;
	s7 =	sadd.s32 s12, s3  }
0x224: {  	s13 =	sand.u32 $0x380, s6;
	v8 =	vsel vm0, v12, v8;
	v9 =	vsel vm1, v9, v13;
	v55 =	vld.idx.msk [tilespmem:v3+s7+$0x0 ss:$0x1], $0xffff  }
0x225: {  	vm2 =	vgt.f32 v6, v8;
	s3 =	sadd.s32 s13, s3;
	vm3 =	vgt.f32 v10, v9;
	v56 =	vld.idx.msk [tilespmem:v2+s7+$0x0 ss:$0x1], $0xffff  }
0x226: {  	v5 =	vsel vm0, s9, v5;
	v6 =	vsel vm2, v6, v8;
	v3 =	vld.idx.msk [tilespmem:v3+s3+$0x0 ss:$0x1], $0xffff;
	v57 =	vsel vm3, v10, v9  }
0x227: {  	s5 =	sadd.s32 s5, s23;
	v58 =	vsel vm1, s11, v11;
	vm9 =	vgt.f32 v7, v6;
	vm10 =	vgt.f32 v14, v57  }
0x228: {  	s14 =	sadd.s32 $0xDFC2, s5;
	v5 =	vsel vm2, s11, v5;
	v2 =	vld.idx.msk [tilespmem:v2+s3+$0x0 ss:$0x1], $0xffff;
	v6 =	vsel vm9, v7, v6;
	v59 =	vsel vm10, v14, v57  }
0x229: {  	v60 =	vsel vm3, s14, v58;
	vm11 =	vgt.f32 v4, v6;
	vm12 =	vgt.f32 v55, v59  }
0x22a: {  	s0 =	sadd.s32 $0x1, s0;
	s5 =	sadd.s32 $0xDFC3, s5;
	s15 =	sadd.s32 s4, s23;
	v5 =	vsel vm9, s14, v5;
	v4 =	vsel vm11, v4, v6;
	v61 =	vsel vm12, v55, v59  }
0x22b: {  	p0 =	sne.s32 s0, $0x10;
	s4 =	sadd.s32 $0xDFC2, s15;
	v62 =	vsel vm10, s5, v60;
	vm13 =	vgt.f32 v56, v4;
	vm14 =	vgt.f32 v3, v61  }
.Ltmp21:
0x22c: {  	s3 =	sadd.s32 $0xDFC3, s15;
	v7 =	vsel vm12, s4, v62;
	v4 =	vsel vm13, v56, v4;
	v3 =	vsel vm14, v3, v61;
	(pc) =	sbr.rel @p0 .LBB2_42-.Ltmp21, $4  }
0x22d: {  	v5 =	vsel vm11, s5, v5;
	vm15 =	vgt.f32 v2, v4;
	v63 =	vsel vm14, s3, v7;
	[tilespmem:s28+$0x14000] =	vst v3  }
0x22e: {  	v2 =	vsel vm15, v2, v4;
	v3 =	vsel vm13, s4, v5;
	[tilespmem:s28+$0x14200] =	vst v63  }
0x22f: {  	v3 =	vsel vm15, s3, v3;
	[tilespmem:s30+$0x14000] =	vst v2  }
0x230: {  	[tilespmem:s30+$0x14200] =	vst v3  }
0x231: {  	s1 =	simm.s32 $0x0;
	s0 =	rddreg [dreg:$0xe]  }
0x232: {  	[tilespmem:s1], [sflag:$0x1] =	stream.linear.gather [hbm4b:s0+s1], $0xA000, $0x38;
	[tilespmem:$0x14400] =	vst v63  }
0x233: {  	_ =	swait.ge [sflag:s26], $0xA000  }
0x234: {  	[sflag:s26] =	ssyncset.done $0x0  }
0x235: {  	s0 =	simm.s32 $0x0;
	[sflag:s26] =	ssyncadd.s32 $0xFFFF6000  }
.LBB2_46:
0x236: {  	s28 =	sshll.u32 s0, $0x5  }
0x237: {  	s3 =	sand.u32 $0x60, s28  }
0x238: {  	s5 =	sshll.u32 s0, $0x8;
	s4 =	sor.u32 $0x10, s3;
	v3 =	vmov s3  }
0x239: {  	s9 =	sand.u32 $0xF000, s1;
	v11 =	vld [tilespmem:s28+$0x14000];
	s6 =	sand.u32 $0x180, s28;
	s3 =	sand.u32 $0xC00, s5;
	v2 =	vmov s4  }
0x23a: {  	s10 =	simm.s32 $0x0;
	v14 =	vld [tilespmem:s28+$0x14200];
	s30 =	sor.u32 s6, s4;
	s5 =	sor.u32 s3, s9  }
0x23b: {  	s4 =	sand.u32 $0x300, s10;
	v8 =	vld [tilespmem:s30+$0x14000];
	s5 =	sadd.s32 $0xA000, s5  }
0x23c: {  	s11 =	simm.s32 $0x80;
	s7 =	simm.s32 $0x400;
	v5 =	vld [tilespmem:s30+$0x14200];
	s4 =	sadd.s32 s4, s5  }
0x23d: {  	s7 =	sand.u32 $0xF000, s7;
	s6 =	sand.u32 $0x380, s11;
	v13 =	vld.idx.msk [tilespmem:v3+s4+$0x0 ss:$0x1], $0xffff  }
0x23e: {  	s14 =	simm.s32 $0x100;
	s13 =	sor.u32 s3, s7;
	s6 =	sadd.s32 s6, s5;
	v12 =	vld.idx.msk [tilespmem:v2+s4+$0x0 ss:$0x1], $0xffff  }
0x23f: {  	s12 =	simm.s32 $0x180;
	s15 =	sand.u32 $0x300, s14;
	s8 =	sadd.s32 $0xA000, s13;
	v9 =	vld.idx.msk [tilespmem:v3+s6+$0x0 ss:$0x1], $0xffff  }
0x240: {  	s11 =	sadd.s32 $0xFFFFFFFE, s23;
	s7 =	simm.s32 $0x4;
	v6 =	vld.idx.msk [tilespmem:v2+s6+$0x0 ss:$0x1], $0xffff;
	s6 =	sadd.s32 s15, s8  }
0x241: {  	s10 =	sadd.s32 $0xE012, s11;
	s11 =	sadd.s32 $0xE013, s11;
	s4 =	sand.u32 $0x380, s12;
	v10 =	vld.idx.msk [tilespmem:v3+s6+$0x0 ss:$0x1], $0xffff  }
0x242: {  	s5 =	simm.s32 $0x0;
	s9 =	sadd.s32 s4, s8;
	s8 =	simm.s32 $0x800;
	v7 =	vld.idx.msk [tilespmem:v2+s6+$0x0 ss:$0x1], $0xffff;
	vm1 =	vgt.f32 v13, v11  }
0x243: {  	s4 =	simm.s32 $0x2;
	s6 =	simm.s32 $0x280;
	v4 =	vld.idx.msk [tilespmem:v2+s9+$0x0 ss:$0x1], $0xffff;
	s12 =	sand.u32 $0xF000, s8;
	vm0 =	vgt.f32 v12, v8;
	v13 =	vsel vm1, v13, v11;
	v11 =	vsel vm1, s10, v14  }
.LBB2_47:
0x244: {  	s13 =	sadd.s32 $0xFFFFFF80, s6;
	s15 =	smov.u32 s7;
	s7 =	sadd.s32 $0x2, s7  }
0x245: {  	s12 =	sor.u32 s3, s12;
	s14 =	sand.u32 $0x380, s6;
	v8 =	vsel vm0, v12, v8;
	vm1 =	vgt.f32 v9, v13;
	v12 =	vmov v9;
	v9 =	vld.idx.msk [tilespmem:v3+s9+$0x0 ss:$0x1], $0xffff;
	p0 =	slt.u32 s7, $0x4E  }
.Ltmp22:
0x246: {  	v5 =	vsel vm0, s10, v5;
	s9 =	sand.u32 $0x300, s13;
	s12 =	sadd.s32 $0xA000, s12;
	vm0 =	vgt.f32 v6, v8;
	v12 =	vsel vm1, v12, v13;
	(pc) =	sbr.rel @p0 .LBB2_47-.Ltmp22, $4  }
0x247: {  	v11 =	vsel vm1, s11, v11;
	s13 =	sadd.s32 s9, s12;
	s9 =	sadd.s32 s14, s12;
	v8 =	vsel vm0, v6, v8;
	v5 =	vsel vm0, s11, v5  }
0x248: {  	s11 =	sadd.s32 s5, s23;
	v6 =	vmov v4;
	s5 =	smov.u32 s4;
	v4 =	vld.idx.msk [tilespmem:v2+s9+$0x0 ss:$0x1], $0xffff  }
0x249: {  	s8 =	sadd.s32 $0x400, s8;
	s4 =	smov.u32 s15;
	s10 =	sadd.s32 $0xE012, s11;
	vm1 =	vgt.f32 v10, v12;
	v13 =	vmov v10;
	v10 =	vld.idx.msk [tilespmem:v3+s13+$0x0 ss:$0x1], $0xffff  }
0x24a: {  	s6 =	sadd.s32 $0x100, s6;
	s12 =	sand.u32 $0xF000, s8;
	s11 =	sadd.s32 $0xE013, s11;
	vm0 =	vgt.f32 v7, v8;
	v13 =	vsel vm1, v13, v12;
	v11 =	vsel vm1, s10, v11;
	v12 =	vmovc v7;
	v7 =	vld.idx.msk [tilespmem:v2+s13+$0x0 ss:$0x1], $0xffff  }
0x24b: {  	_ =	sdelay $0x2  }
0x24c: {  	s7 =	sadd.s32 $0xFFFFFF80, s6;
	s3 =	sor.u32 s3, s12  }
0x24d: {  	v14 =	vld.idx.msk [tilespmem:v3+s9+$0x0 ss:$0x1], $0xffff;
	s7 =	sand.u32 $0x300, s7;
	s3 =	sadd.s32 $0xA000, s3  }
0x24e: {  	vm1 =	vgt.f32 v9, v13;
	s7 =	sadd.s32 s7, s3  }
0x24f: {  	s13 =	sand.u32 $0x380, s6;
	v8 =	vsel vm0, v12, v8;
	v9 =	vsel vm1, v9, v13;
	v55 =	vld.idx.msk [tilespmem:v3+s7+$0x0 ss:$0x1], $0xffff  }
0x250: {  	vm2 =	vgt.f32 v6, v8;
	s3 =	sadd.s32 s13, s3;
	vm3 =	vgt.f32 v10, v9;
	v56 =	vld.idx.msk [tilespmem:v2+s7+$0x0 ss:$0x1], $0xffff  }
0x251: {  	v5 =	vsel vm0, s10, v5;
	v6 =	vsel vm2, v6, v8;
	v3 =	vld.idx.msk [tilespmem:v3+s3+$0x0 ss:$0x1], $0xffff;
	v57 =	vsel vm3, v10, v9  }
0x252: {  	s5 =	sadd.s32 s5, s23;
	v58 =	vsel vm1, s11, v11;
	vm9 =	vgt.f32 v7, v6;
	vm10 =	vgt.f32 v14, v57  }
0x253: {  	s14 =	sadd.s32 $0xE012, s5;
	v5 =	vsel vm2, s11, v5;
	v2 =	vld.idx.msk [tilespmem:v2+s3+$0x0 ss:$0x1], $0xffff;
	v6 =	vsel vm9, v7, v6;
	v59 =	vsel vm10, v14, v57  }
0x254: {  	v60 =	vsel vm3, s14, v58;
	vm11 =	vgt.f32 v4, v6;
	vm12 =	vgt.f32 v55, v59  }
0x255: {  	s15 =	sadd.s32 s4, s23;
	s0 =	sadd.s32 $0x1, s0;
	s5 =	sadd.s32 $0xE013, s5;
	v5 =	vsel vm9, s14, v5;
	v4 =	vsel vm11, v4, v6;
	v61 =	vsel vm12, v55, v59  }
0x256: {  	s4 =	sadd.s32 $0xE012, s15;
	p0 =	sne.s32 s0, $0x10;
	v62 =	vsel vm10, s5, v60;
	vm13 =	vgt.f32 v56, v4;
	vm14 =	vgt.f32 v3, v61  }
.Ltmp23:
0x257: {  	s3 =	sadd.s32 $0xE013, s15;
	v7 =	vsel vm12, s4, v62;
	v4 =	vsel vm13, v56, v4;
	v3 =	vsel vm14, v3, v61;
	(pc) =	sbr.rel @p0 .LBB2_46-.Ltmp23, $4  }
0x258: {  	v5 =	vsel vm11, s5, v5;
	vm15 =	vgt.f32 v2, v4;
	v63 =	vsel vm14, s3, v7;
	[tilespmem:s28+$0x14000] =	vst v3  }
0x259: {  	v2 =	vsel vm15, v2, v4;
	v3 =	vsel vm13, s4, v5;
	[tilespmem:s28+$0x14200] =	vst v63  }
0x25a: {  	v3 =	vsel vm15, s3, v3;
	[tilespmem:s30+$0x14000] =	vst v2  }
0x25b: {  	[tilespmem:s30+$0x14200] =	vst v3  }
0x25c: {  	s1 =	simm.s32 $0x0  }
0x25d: {  	[tilespmem:s24], [sflag:$0x2] =	stream.linear.gather [hbm4b:s16+s1], $0xA000, $0x38;
	[tilespmem:$0x14400] =	vst v63  }
0x25e: {  	_ =	swait.ge [sflag:s25], $0xA000  }
0x25f: {  	[sflag:s25] =	ssyncset.done $0x0  }
0x260: {  	s0 =	simm.s32 $0x0;
	[sflag:s25] =	ssyncadd.s32 $0xFFFF6000  }
.LBB2_50:
0x261: {  	s28 =	sshll.u32 s0, $0x5  }
0x262: {  	s3 =	sand.u32 $0x60, s28  }
0x263: {  	s4 =	sor.u32 $0x10, s3;
	v3 =	vmov s3  }
0x264: {  	s9 =	sshll.u32 s0, $0x8;
	s10 =	sand.u32 $0xF000, s1;
	s5 =	sand.u32 $0x180, s28;
	v11 =	vld [tilespmem:s28+$0x14000];
	v2 =	vmov s4  }
0x265: {  	s11 =	simm.s32 $0x0;
	v14 =	vld [tilespmem:s28+$0x14200];
	s3 =	sand.u32 $0xC00, s9;
	s30 =	sor.u32 s5, s4  }
0x266: {  	s5 =	sand.u32 $0x300, s11;
	s4 =	sor.u32 s10, s3;
	v8 =	vld [tilespmem:s30+$0x14000]  }
0x267: {  	s6 =	simm.s32 $0x80;
	v5 =	vld [tilespmem:s30+$0x14200];
	s5 =	sadd.s32 s5, s4  }
0x268: {  	s7 =	simm.s32 $0x400;
	s6 =	sand.u32 $0x380, s6;
	v13 =	vld.idx.msk [tilespmem:v3+s5+$0x0 ss:$0x1], $0xffff  }
0x269: {  	s12 =	simm.s32 $0x180;
	s13 =	sand.u32 $0xF000, s7;
	s4 =	sadd.s32 s6, s4;
	v12 =	vld.idx.msk [tilespmem:v2+s5+$0x0 ss:$0x1], $0xffff  }
0x26a: {  	s14 =	simm.s32 $0x100;
	s6 =	sor.u32 s13, s3;
	v9 =	vld.idx.msk [tilespmem:v3+s4+$0x0 ss:$0x1], $0xffff;
	s5 =	sand.u32 $0x380, s12  }
0x26b: {  	s15 =	sand.u32 $0x300, s14;
	v6 =	vld.idx.msk [tilespmem:v2+s4+$0x0 ss:$0x1], $0xffff;
	s8 =	sadd.s32 s5, s6  }
0x26c: {  	s7 =	simm.s32 $0x4;
	s11 =	sadd.s32 $0xFFFFFFFE, s23;
	s6 =	sadd.s32 s15, s6;
	v4 =	vld.idx.msk [tilespmem:v2+s8+$0x0 ss:$0x1], $0xffff  }
0x26d: {  	s10 =	simm.s32 $0x800;
	s9 =	sadd.s32 $0xE062, s11;
	s11 =	sadd.s32 $0xE063, s11;
	v10 =	vld.idx.msk [tilespmem:v3+s6+$0x0 ss:$0x1], $0xffff;
	vm1 =	vgt.f32 v13, v11  }
0x26e: {  	s4 =	simm.s32 $0x2;
	s5 =	simm.s32 $0x0;
	v7 =	vld.idx.msk [tilespmem:v2+s6+$0x0 ss:$0x1], $0xffff;
	s6 =	simm.s32 $0x280;
	vm0 =	vgt.f32 v12, v8;
	v13 =	vsel vm1, v13, v11;
	v11 =	vsel vm1, s9, v14  }
.LBB2_51:
0x26f: {  	s12 =	sand.u32 $0xF000, s10;
	s15 =	smov.u32 s7;
	s7 =	sadd.s32 $0x2, s7  }
0x270: {  	s13 =	sadd.s32 $0xFFFFFF80, s6;
	s14 =	sand.u32 $0x380, s6;
	v8 =	vsel vm0, v12, v8;
	vm1 =	vgt.f32 v9, v13;
	v12 =	vmov v9;
	v9 =	vld.idx.msk [tilespmem:v3+s8+$0x0 ss:$0x1], $0xffff;
	p0 =	slt.u32 s7, $0x4E  }
.Ltmp24:
0x271: {  	v5 =	vsel vm0, s9, v5;
	s8 =	sand.u32 $0x300, s13;
	s12 =	sor.u32 s12, s3;
	vm0 =	vgt.f32 v6, v8;
	v12 =	vsel vm1, v12, v13;
	(pc) =	sbr.rel @p0 .LBB2_51-.Ltmp24, $4  }
0x272: {  	v11 =	vsel vm1, s11, v11;
	s13 =	sadd.s32 s8, s12;
	s8 =	sadd.s32 s14, s12;
	v8 =	vsel vm0, v6, v8;
	v5 =	vsel vm0, s11, v5  }
0x273: {  	s11 =	sadd.s32 s5, s23;
	v6 =	vmov v4;
	s5 =	smov.u32 s4;
	v4 =	vld.idx.msk [tilespmem:v2+s8+$0x0 ss:$0x1], $0xffff  }
0x274: {  	s4 =	smov.u32 s15;
	s9 =	sadd.s32 $0xE062, s11;
	vm1 =	vgt.f32 v10, v12;
	v13 =	vmov v10;
	v10 =	vld.idx.msk [tilespmem:v3+s13+$0x0 ss:$0x1], $0xffff  }
0x275: {  	s6 =	sadd.s32 $0x100, s6;
	s10 =	sadd.s32 $0x400, s10;
	s11 =	sadd.s32 $0xE063, s11;
	vm0 =	vgt.f32 v7, v8;
	v13 =	vsel vm1, v13, v12;
	v11 =	vsel vm1, s9, v11;
	v12 =	vmovc v7;
	v7 =	vld.idx.msk [tilespmem:v2+s13+$0x0 ss:$0x1], $0xffff  }
0x276: {  	_ =	sdelay $0x2  }
0x277: {  	s7 =	sand.u32 $0xF000, s10;
	s15 =	sadd.s32 $0xFFFFFF80, s6  }
0x278: {  	v14 =	vld.idx.msk [tilespmem:v3+s8+$0x0 ss:$0x1], $0xffff;
	s12 =	sand.u32 $0x300, s15;
	s3 =	sor.u32 s7, s3  }
0x279: {  	vm1 =	vgt.f32 v9, v13;
	s7 =	sadd.s32 s12, s3  }
0x27a: {  	s13 =	sand.u32 $0x380, s6;
	v8 =	vsel vm0, v12, v8;
	v9 =	vsel vm1, v9, v13;
	v55 =	vld.idx.msk [tilespmem:v3+s7+$0x0 ss:$0x1], $0xffff  }
0x27b: {  	vm2 =	vgt.f32 v6, v8;
	s3 =	sadd.s32 s13, s3;
	vm3 =	vgt.f32 v10, v9;
	v56 =	vld.idx.msk [tilespmem:v2+s7+$0x0 ss:$0x1], $0xffff  }
0x27c: {  	v5 =	vsel vm0, s9, v5;
	v6 =	vsel vm2, v6, v8;
	v3 =	vld.idx.msk [tilespmem:v3+s3+$0x0 ss:$0x1], $0xffff;
	v57 =	vsel vm3, v10, v9  }
0x27d: {  	s5 =	sadd.s32 s5, s23;
	v58 =	vsel vm1, s11, v11;
	vm9 =	vgt.f32 v7, v6;
	vm10 =	vgt.f32 v14, v57  }
0x27e: {  	s14 =	sadd.s32 $0xE062, s5;
	v5 =	vsel vm2, s11, v5;
	v2 =	vld.idx.msk [tilespmem:v2+s3+$0x0 ss:$0x1], $0xffff;
	v6 =	vsel vm9, v7, v6;
	v59 =	vsel vm10, v14, v57  }
0x27f: {  	v60 =	vsel vm3, s14, v58;
	vm11 =	vgt.f32 v4, v6;
	vm12 =	vgt.f32 v55, v59  }
0x280: {  	s0 =	sadd.s32 $0x1, s0;
	s5 =	sadd.s32 $0xE063, s5;
	s15 =	sadd.s32 s4, s23;
	v5 =	vsel vm9, s14, v5;
	v4 =	vsel vm11, v4, v6;
	v61 =	vsel vm12, v55, v59  }
0x281: {  	p0 =	sne.s32 s0, $0x10;
	s4 =	sadd.s32 $0xE062, s15;
	v62 =	vsel vm10, s5, v60;
	vm13 =	vgt.f32 v56, v4;
	vm14 =	vgt.f32 v3, v61  }
.Ltmp25:
0x282: {  	s3 =	sadd.s32 $0xE063, s15;
	v7 =	vsel vm12, s4, v62;
	v4 =	vsel vm13, v56, v4;
	v3 =	vsel vm14, v3, v61;
	(pc) =	sbr.rel @p0 .LBB2_50-.Ltmp25, $4  }
0x283: {  	v5 =	vsel vm11, s5, v5;
	vm15 =	vgt.f32 v2, v4;
	v63 =	vsel vm14, s3, v7;
	[tilespmem:s28+$0x14000] =	vst v3  }
0x284: {  	v2 =	vsel vm15, v2, v4;
	v3 =	vsel vm13, s4, v5;
	[tilespmem:s28+$0x14200] =	vst v63  }
0x285: {  	v3 =	vsel vm15, s3, v3;
	[tilespmem:s30+$0x14000] =	vst v2  }
0x286: {  	[tilespmem:s30+$0x14200] =	vst v3  }
0x287: {  	s1 =	simm.s32 $0x0  }
0x288: {  	[tilespmem:s1], [sflag:$0x1] =	stream.linear.gather [hbm4b:s17+s1], $0xA000, $0x38;
	[tilespmem:$0x14400] =	vst v63  }
0x289: {  	_ =	swait.ge [sflag:s26], $0xA000  }
0x28a: {  	[sflag:s26] =	ssyncset.done $0x0  }
0x28b: {  	s0 =	simm.s32 $0x0;
	[sflag:s26] =	ssyncadd.s32 $0xFFFF6000  }
.LBB2_54:
0x28c: {  	s28 =	sshll.u32 s0, $0x5  }
0x28d: {  	s3 =	sand.u32 $0x60, s28  }
0x28e: {  	s5 =	sshll.u32 s0, $0x8;
	s4 =	sor.u32 $0x10, s3;
	v3 =	vmov s3  }
0x28f: {  	s9 =	sand.u32 $0xF000, s1;
	v11 =	vld [tilespmem:s28+$0x14000];
	s6 =	sand.u32 $0x180, s28;
	s3 =	sand.u32 $0xC00, s5;
	v2 =	vmov s4  }
0x290: {  	s10 =	simm.s32 $0x0;
	v14 =	vld [tilespmem:s28+$0x14200];
	s30 =	sor.u32 s6, s4;
	s5 =	sor.u32 s3, s9  }
0x291: {  	s4 =	sand.u32 $0x300, s10;
	v8 =	vld [tilespmem:s30+$0x14000];
	s5 =	sadd.s32 $0xA000, s5  }
0x292: {  	s11 =	simm.s32 $0x80;
	s7 =	simm.s32 $0x400;
	v5 =	vld [tilespmem:s30+$0x14200];
	s4 =	sadd.s32 s4, s5  }
0x293: {  	s7 =	sand.u32 $0xF000, s7;
	s6 =	sand.u32 $0x380, s11;
	v13 =	vld.idx.msk [tilespmem:v3+s4+$0x0 ss:$0x1], $0xffff  }
0x294: {  	s14 =	simm.s32 $0x100;
	s13 =	sor.u32 s3, s7;
	s6 =	sadd.s32 s6, s5;
	v12 =	vld.idx.msk [tilespmem:v2+s4+$0x0 ss:$0x1], $0xffff  }
0x295: {  	s12 =	simm.s32 $0x180;
	s15 =	sand.u32 $0x300, s14;
	s8 =	sadd.s32 $0xA000, s13;
	v9 =	vld.idx.msk [tilespmem:v3+s6+$0x0 ss:$0x1], $0xffff  }
0x296: {  	s11 =	sadd.s32 $0xFFFFFFFE, s23;
	s7 =	simm.s32 $0x4;
	v6 =	vld.idx.msk [tilespmem:v2+s6+$0x0 ss:$0x1], $0xffff;
	s6 =	sadd.s32 s15, s8  }
0x297: {  	s10 =	sadd.s32 $0xE0B2, s11;
	s11 =	sadd.s32 $0xE0B3, s11;
	s4 =	sand.u32 $0x380, s12;
	v10 =	vld.idx.msk [tilespmem:v3+s6+$0x0 ss:$0x1], $0xffff  }
0x298: {  	s5 =	simm.s32 $0x0;
	s9 =	sadd.s32 s4, s8;
	s8 =	simm.s32 $0x800;
	v7 =	vld.idx.msk [tilespmem:v2+s6+$0x0 ss:$0x1], $0xffff;
	vm1 =	vgt.f32 v13, v11  }
0x299: {  	s4 =	simm.s32 $0x2;
	s6 =	simm.s32 $0x280;
	v4 =	vld.idx.msk [tilespmem:v2+s9+$0x0 ss:$0x1], $0xffff;
	s12 =	sand.u32 $0xF000, s8;
	vm0 =	vgt.f32 v12, v8;
	v13 =	vsel vm1, v13, v11;
	v11 =	vsel vm1, s10, v14  }
.LBB2_55:
0x29a: {  	s13 =	sadd.s32 $0xFFFFFF80, s6;
	s15 =	smov.u32 s7;
	s7 =	sadd.s32 $0x2, s7  }
0x29b: {  	s12 =	sor.u32 s3, s12;
	s14 =	sand.u32 $0x380, s6;
	v8 =	vsel vm0, v12, v8;
	vm1 =	vgt.f32 v9, v13;
	v12 =	vmov v9;
	v9 =	vld.idx.msk [tilespmem:v3+s9+$0x0 ss:$0x1], $0xffff;
	p0 =	slt.u32 s7, $0x4E  }
.Ltmp26:
0x29c: {  	v5 =	vsel vm0, s10, v5;
	s9 =	sand.u32 $0x300, s13;
	s12 =	sadd.s32 $0xA000, s12;
	vm0 =	vgt.f32 v6, v8;
	v12 =	vsel vm1, v12, v13;
	(pc) =	sbr.rel @p0 .LBB2_55-.Ltmp26, $4  }
0x29d: {  	v11 =	vsel vm1, s11, v11;
	s13 =	sadd.s32 s9, s12;
	s9 =	sadd.s32 s14, s12;
	v8 =	vsel vm0, v6, v8;
	v5 =	vsel vm0, s11, v5  }
0x29e: {  	s11 =	sadd.s32 s5, s23;
	v6 =	vmov v4;
	s5 =	smov.u32 s4;
	v4 =	vld.idx.msk [tilespmem:v2+s9+$0x0 ss:$0x1], $0xffff  }
0x29f: {  	s8 =	sadd.s32 $0x400, s8;
	s4 =	smov.u32 s15;
	s10 =	sadd.s32 $0xE0B2, s11;
	vm1 =	vgt.f32 v10, v12;
	v13 =	vmov v10;
	v10 =	vld.idx.msk [tilespmem:v3+s13+$0x0 ss:$0x1], $0xffff  }
0x2a0: {  	s6 =	sadd.s32 $0x100, s6;
	s12 =	sand.u32 $0xF000, s8;
	s11 =	sadd.s32 $0xE0B3, s11;
	vm0 =	vgt.f32 v7, v8;
	v13 =	vsel vm1, v13, v12;
	v11 =	vsel vm1, s10, v11;
	v12 =	vmovc v7;
	v7 =	vld.idx.msk [tilespmem:v2+s13+$0x0 ss:$0x1], $0xffff  }
0x2a1: {  	_ =	sdelay $0x2  }
0x2a2: {  	s7 =	sadd.s32 $0xFFFFFF80, s6;
	s3 =	sor.u32 s3, s12  }
0x2a3: {  	v14 =	vld.idx.msk [tilespmem:v3+s9+$0x0 ss:$0x1], $0xffff;
	s7 =	sand.u32 $0x300, s7;
	s3 =	sadd.s32 $0xA000, s3  }
0x2a4: {  	vm1 =	vgt.f32 v9, v13;
	s7 =	sadd.s32 s7, s3  }
0x2a5: {  	s13 =	sand.u32 $0x380, s6;
	v8 =	vsel vm0, v12, v8;
	v9 =	vsel vm1, v9, v13;
	v55 =	vld.idx.msk [tilespmem:v3+s7+$0x0 ss:$0x1], $0xffff  }
0x2a6: {  	vm2 =	vgt.f32 v6, v8;
	s3 =	sadd.s32 s13, s3;
	vm3 =	vgt.f32 v10, v9;
	v56 =	vld.idx.msk [tilespmem:v2+s7+$0x0 ss:$0x1], $0xffff  }
0x2a7: {  	v5 =	vsel vm0, s10, v5;
	v6 =	vsel vm2, v6, v8;
	v3 =	vld.idx.msk [tilespmem:v3+s3+$0x0 ss:$0x1], $0xffff;
	v57 =	vsel vm3, v10, v9  }
0x2a8: {  	s5 =	sadd.s32 s5, s23;
	v58 =	vsel vm1, s11, v11;
	vm9 =	vgt.f32 v7, v6;
	vm10 =	vgt.f32 v14, v57  }
0x2a9: {  	s14 =	sadd.s32 $0xE0B2, s5;
	v5 =	vsel vm2, s11, v5;
	v2 =	vld.idx.msk [tilespmem:v2+s3+$0x0 ss:$0x1], $0xffff;
	v6 =	vsel vm9, v7, v6;
	v59 =	vsel vm10, v14, v57  }
0x2aa: {  	v60 =	vsel vm3, s14, v58;
	vm11 =	vgt.f32 v4, v6;
	vm12 =	vgt.f32 v55, v59  }
0x2ab: {  	s15 =	sadd.s32 s4, s23;
	s0 =	sadd.s32 $0x1, s0;
	s5 =	sadd.s32 $0xE0B3, s5;
	v5 =	vsel vm9, s14, v5;
	v4 =	vsel vm11, v4, v6;
	v61 =	vsel vm12, v55, v59  }
0x2ac: {  	s4 =	sadd.s32 $0xE0B2, s15;
	p0 =	sne.s32 s0, $0x10;
	v62 =	vsel vm10, s5, v60;
	vm13 =	vgt.f32 v56, v4;
	vm14 =	vgt.f32 v3, v61  }
.Ltmp27:
0x2ad: {  	s3 =	sadd.s32 $0xE0B3, s15;
	v7 =	vsel vm12, s4, v62;
	v4 =	vsel vm13, v56, v4;
	v3 =	vsel vm14, v3, v61;
	(pc) =	sbr.rel @p0 .LBB2_54-.Ltmp27, $4  }
0x2ae: {  	v5 =	vsel vm11, s5, v5;
	vm15 =	vgt.f32 v2, v4;
	v63 =	vsel vm14, s3, v7;
	[tilespmem:s28+$0x14000] =	vst v3  }
0x2af: {  	v2 =	vsel vm15, v2, v4;
	v3 =	vsel vm13, s4, v5;
	[tilespmem:s28+$0x14200] =	vst v63  }
0x2b0: {  	v3 =	vsel vm15, s3, v3;
	[tilespmem:s30+$0x14000] =	vst v2  }
0x2b1: {  	[tilespmem:s30+$0x14200] =	vst v3  }
0x2b2: {  	s1 =	simm.s32 $0x0  }
0x2b3: {  	[tilespmem:s24], [sflag:$0x2] =	stream.linear.gather [hbm4b:s18+s1], $0xA000, $0x38;
	[tilespmem:$0x14400] =	vst v63  }
0x2b4: {  	_ =	swait.ge [sflag:s25], $0xA000  }
0x2b5: {  	[sflag:s25] =	ssyncset.done $0x0  }
0x2b6: {  	s0 =	simm.s32 $0x0;
	[sflag:s25] =	ssyncadd.s32 $0xFFFF6000  }
.LBB2_58:
0x2b7: {  	s28 =	sshll.u32 s0, $0x5  }
0x2b8: {  	s3 =	sand.u32 $0x60, s28  }
0x2b9: {  	s4 =	sor.u32 $0x10, s3;
	v3 =	vmov s3  }
0x2ba: {  	s9 =	sshll.u32 s0, $0x8;
	s10 =	sand.u32 $0xF000, s1;
	s5 =	sand.u32 $0x180, s28;
	v11 =	vld [tilespmem:s28+$0x14000];
	v2 =	vmov s4  }
0x2bb: {  	s11 =	simm.s32 $0x0;
	v14 =	vld [tilespmem:s28+$0x14200];
	s3 =	sand.u32 $0xC00, s9;
	s30 =	sor.u32 s5, s4  }
0x2bc: {  	s5 =	sand.u32 $0x300, s11;
	s4 =	sor.u32 s10, s3;
	v8 =	vld [tilespmem:s30+$0x14000]  }
0x2bd: {  	s6 =	simm.s32 $0x80;
	v5 =	vld [tilespmem:s30+$0x14200];
	s5 =	sadd.s32 s5, s4  }
0x2be: {  	s7 =	simm.s32 $0x400;
	s6 =	sand.u32 $0x380, s6;
	v13 =	vld.idx.msk [tilespmem:v3+s5+$0x0 ss:$0x1], $0xffff  }
0x2bf: {  	s12 =	simm.s32 $0x180;
	s13 =	sand.u32 $0xF000, s7;
	s4 =	sadd.s32 s6, s4;
	v12 =	vld.idx.msk [tilespmem:v2+s5+$0x0 ss:$0x1], $0xffff  }
0x2c0: {  	s14 =	simm.s32 $0x100;
	s6 =	sor.u32 s13, s3;
	v9 =	vld.idx.msk [tilespmem:v3+s4+$0x0 ss:$0x1], $0xffff;
	s5 =	sand.u32 $0x380, s12  }
0x2c1: {  	s15 =	sand.u32 $0x300, s14;
	v6 =	vld.idx.msk [tilespmem:v2+s4+$0x0 ss:$0x1], $0xffff;
	s8 =	sadd.s32 s5, s6  }
0x2c2: {  	s7 =	simm.s32 $0x4;
	s11 =	sadd.s32 $0xFFFFFFFE, s23;
	s6 =	sadd.s32 s15, s6;
	v4 =	vld.idx.msk [tilespmem:v2+s8+$0x0 ss:$0x1], $0xffff  }
0x2c3: {  	s10 =	simm.s32 $0x800;
	s9 =	sadd.s32 $0xE102, s11;
	s11 =	sadd.s32 $0xE103, s11;
	v10 =	vld.idx.msk [tilespmem:v3+s6+$0x0 ss:$0x1], $0xffff;
	vm1 =	vgt.f32 v13, v11  }
0x2c4: {  	s4 =	simm.s32 $0x2;
	s5 =	simm.s32 $0x0;
	v7 =	vld.idx.msk [tilespmem:v2+s6+$0x0 ss:$0x1], $0xffff;
	s6 =	simm.s32 $0x280;
	vm0 =	vgt.f32 v12, v8;
	v13 =	vsel vm1, v13, v11;
	v11 =	vsel vm1, s9, v14  }
.LBB2_59:
0x2c5: {  	s12 =	sand.u32 $0xF000, s10;
	s15 =	smov.u32 s7;
	s7 =	sadd.s32 $0x2, s7  }
0x2c6: {  	s13 =	sadd.s32 $0xFFFFFF80, s6;
	s14 =	sand.u32 $0x380, s6;
	v8 =	vsel vm0, v12, v8;
	vm1 =	vgt.f32 v9, v13;
	v12 =	vmov v9;
	v9 =	vld.idx.msk [tilespmem:v3+s8+$0x0 ss:$0x1], $0xffff;
	p0 =	slt.u32 s7, $0x4E  }
.Ltmp28:
0x2c7: {  	v5 =	vsel vm0, s9, v5;
	s8 =	sand.u32 $0x300, s13;
	s12 =	sor.u32 s12, s3;
	vm0 =	vgt.f32 v6, v8;
	v12 =	vsel vm1, v12, v13;
	(pc) =	sbr.rel @p0 .LBB2_59-.Ltmp28, $4  }
0x2c8: {  	v11 =	vsel vm1, s11, v11;
	s13 =	sadd.s32 s8, s12;
	s8 =	sadd.s32 s14, s12;
	v8 =	vsel vm0, v6, v8;
	v5 =	vsel vm0, s11, v5  }
0x2c9: {  	s11 =	sadd.s32 s5, s23;
	v6 =	vmov v4;
	s5 =	smov.u32 s4;
	v4 =	vld.idx.msk [tilespmem:v2+s8+$0x0 ss:$0x1], $0xffff  }
0x2ca: {  	s4 =	smov.u32 s15;
	s9 =	sadd.s32 $0xE102, s11;
	vm1 =	vgt.f32 v10, v12;
	v13 =	vmov v10;
	v10 =	vld.idx.msk [tilespmem:v3+s13+$0x0 ss:$0x1], $0xffff  }
0x2cb: {  	s6 =	sadd.s32 $0x100, s6;
	s10 =	sadd.s32 $0x400, s10;
	s11 =	sadd.s32 $0xE103, s11;
	vm0 =	vgt.f32 v7, v8;
	v13 =	vsel vm1, v13, v12;
	v11 =	vsel vm1, s9, v11;
	v12 =	vmovc v7;
	v7 =	vld.idx.msk [tilespmem:v2+s13+$0x0 ss:$0x1], $0xffff  }
0x2cc: {  	_ =	sdelay $0x2  }
0x2cd: {  	s7 =	sand.u32 $0xF000, s10;
	s15 =	sadd.s32 $0xFFFFFF80, s6  }
0x2ce: {  	v14 =	vld.idx.msk [tilespmem:v3+s8+$0x0 ss:$0x1], $0xffff;
	s12 =	sand.u32 $0x300, s15;
	s3 =	sor.u32 s7, s3  }
0x2cf: {  	vm1 =	vgt.f32 v9, v13;
	s7 =	sadd.s32 s12, s3  }
0x2d0: {  	s13 =	sand.u32 $0x380, s6;
	v8 =	vsel vm0, v12, v8;
	v9 =	vsel vm1, v9, v13;
	v55 =	vld.idx.msk [tilespmem:v3+s7+$0x0 ss:$0x1], $0xffff  }
0x2d1: {  	vm2 =	vgt.f32 v6, v8;
	s3 =	sadd.s32 s13, s3;
	vm3 =	vgt.f32 v10, v9;
	v56 =	vld.idx.msk [tilespmem:v2+s7+$0x0 ss:$0x1], $0xffff  }
0x2d2: {  	v5 =	vsel vm0, s9, v5;
	v6 =	vsel vm2, v6, v8;
	v3 =	vld.idx.msk [tilespmem:v3+s3+$0x0 ss:$0x1], $0xffff;
	v57 =	vsel vm3, v10, v9  }
0x2d3: {  	s5 =	sadd.s32 s5, s23;
	v58 =	vsel vm1, s11, v11;
	vm9 =	vgt.f32 v7, v6;
	vm10 =	vgt.f32 v14, v57  }
0x2d4: {  	s14 =	sadd.s32 $0xE102, s5;
	v5 =	vsel vm2, s11, v5;
	v2 =	vld.idx.msk [tilespmem:v2+s3+$0x0 ss:$0x1], $0xffff;
	v6 =	vsel vm9, v7, v6;
	v59 =	vsel vm10, v14, v57  }
0x2d5: {  	v60 =	vsel vm3, s14, v58;
	vm11 =	vgt.f32 v4, v6;
	vm12 =	vgt.f32 v55, v59  }
0x2d6: {  	s0 =	sadd.s32 $0x1, s0;
	s5 =	sadd.s32 $0xE103, s5;
	s15 =	sadd.s32 s4, s23;
	v5 =	vsel vm9, s14, v5;
	v4 =	vsel vm11, v4, v6;
	v61 =	vsel vm12, v55, v59  }
0x2d7: {  	p0 =	sne.s32 s0, $0x10;
	s4 =	sadd.s32 $0xE102, s15;
	v62 =	vsel vm10, s5, v60;
	vm13 =	vgt.f32 v56, v4;
	vm14 =	vgt.f32 v3, v61  }
.Ltmp29:
0x2d8: {  	s3 =	sadd.s32 $0xE103, s15;
	v7 =	vsel vm12, s4, v62;
	v4 =	vsel vm13, v56, v4;
	v3 =	vsel vm14, v3, v61;
	(pc) =	sbr.rel @p0 .LBB2_58-.Ltmp29, $4  }
0x2d9: {  	v5 =	vsel vm11, s5, v5;
	vm15 =	vgt.f32 v2, v4;
	v63 =	vsel vm14, s3, v7;
	[tilespmem:s28+$0x14000] =	vst v3  }
0x2da: {  	v2 =	vsel vm15, v2, v4;
	v3 =	vsel vm13, s4, v5;
	[tilespmem:s28+$0x14200] =	vst v63  }
0x2db: {  	v3 =	vsel vm15, s3, v3;
	[tilespmem:s30+$0x14000] =	vst v2  }
0x2dc: {  	[tilespmem:s30+$0x14200] =	vst v3  }
0x2dd: {  	s1 =	simm.s32 $0x0  }
0x2de: {  	[tilespmem:s1], [sflag:$0x1] =	stream.linear.gather [hbm4b:s19+s1], $0xA000, $0x38;
	[tilespmem:$0x14400] =	vst v63  }
0x2df: {  	_ =	swait.ge [sflag:s26], $0xA000  }
0x2e0: {  	[sflag:s26] =	ssyncset.done $0x0  }
0x2e1: {  	s0 =	simm.s32 $0x0;
	[sflag:s26] =	ssyncadd.s32 $0xFFFF6000  }
.LBB2_62:
0x2e2: {  	s28 =	sshll.u32 s0, $0x5  }
0x2e3: {  	s3 =	sand.u32 $0x60, s28  }
0x2e4: {  	s5 =	sshll.u32 s0, $0x8;
	s4 =	sor.u32 $0x10, s3;
	v3 =	vmov s3  }
0x2e5: {  	s9 =	sand.u32 $0xF000, s1;
	v11 =	vld [tilespmem:s28+$0x14000];
	s6 =	sand.u32 $0x180, s28;
	s3 =	sand.u32 $0xC00, s5;
	v2 =	vmov s4  }
0x2e6: {  	s10 =	simm.s32 $0x0;
	v14 =	vld [tilespmem:s28+$0x14200];
	s30 =	sor.u32 s6, s4;
	s5 =	sor.u32 s3, s9  }
0x2e7: {  	s4 =	sand.u32 $0x300, s10;
	v8 =	vld [tilespmem:s30+$0x14000];
	s5 =	sadd.s32 $0xA000, s5  }
0x2e8: {  	s11 =	simm.s32 $0x80;
	s7 =	simm.s32 $0x400;
	v5 =	vld [tilespmem:s30+$0x14200];
	s4 =	sadd.s32 s4, s5  }
0x2e9: {  	s7 =	sand.u32 $0xF000, s7;
	s6 =	sand.u32 $0x380, s11;
	v13 =	vld.idx.msk [tilespmem:v3+s4+$0x0 ss:$0x1], $0xffff  }
0x2ea: {  	s14 =	simm.s32 $0x100;
	s13 =	sor.u32 s3, s7;
	s6 =	sadd.s32 s6, s5;
	v12 =	vld.idx.msk [tilespmem:v2+s4+$0x0 ss:$0x1], $0xffff  }
0x2eb: {  	s12 =	simm.s32 $0x180;
	s15 =	sand.u32 $0x300, s14;
	s8 =	sadd.s32 $0xA000, s13;
	v9 =	vld.idx.msk [tilespmem:v3+s6+$0x0 ss:$0x1], $0xffff  }
0x2ec: {  	s11 =	sadd.s32 $0xFFFFFFFE, s23;
	s7 =	simm.s32 $0x4;
	v6 =	vld.idx.msk [tilespmem:v2+s6+$0x0 ss:$0x1], $0xffff;
	s6 =	sadd.s32 s15, s8  }
0x2ed: {  	s10 =	sadd.s32 $0xE152, s11;
	s11 =	sadd.s32 $0xE153, s11;
	s4 =	sand.u32 $0x380, s12;
	v10 =	vld.idx.msk [tilespmem:v3+s6+$0x0 ss:$0x1], $0xffff  }
0x2ee: {  	s5 =	simm.s32 $0x0;
	s9 =	sadd.s32 s4, s8;
	s8 =	simm.s32 $0x800;
	v7 =	vld.idx.msk [tilespmem:v2+s6+$0x0 ss:$0x1], $0xffff;
	vm1 =	vgt.f32 v13, v11  }
0x2ef: {  	s4 =	simm.s32 $0x2;
	s6 =	simm.s32 $0x280;
	v4 =	vld.idx.msk [tilespmem:v2+s9+$0x0 ss:$0x1], $0xffff;
	s12 =	sand.u32 $0xF000, s8;
	vm0 =	vgt.f32 v12, v8;
	v13 =	vsel vm1, v13, v11;
	v11 =	vsel vm1, s10, v14  }
.LBB2_63:
0x2f0: {  	s13 =	sadd.s32 $0xFFFFFF80, s6;
	s15 =	smov.u32 s7;
	s7 =	sadd.s32 $0x2, s7  }
0x2f1: {  	s12 =	sor.u32 s3, s12;
	s14 =	sand.u32 $0x380, s6;
	v8 =	vsel vm0, v12, v8;
	vm1 =	vgt.f32 v9, v13;
	v12 =	vmov v9;
	v9 =	vld.idx.msk [tilespmem:v3+s9+$0x0 ss:$0x1], $0xffff;
	p0 =	slt.u32 s7, $0x4E  }
.Ltmp30:
0x2f2: {  	v5 =	vsel vm0, s10, v5;
	s9 =	sand.u32 $0x300, s13;
	s12 =	sadd.s32 $0xA000, s12;
	vm0 =	vgt.f32 v6, v8;
	v12 =	vsel vm1, v12, v13;
	(pc) =	sbr.rel @p0 .LBB2_63-.Ltmp30, $4  }
0x2f3: {  	v11 =	vsel vm1, s11, v11;
	s13 =	sadd.s32 s9, s12;
	s9 =	sadd.s32 s14, s12;
	v8 =	vsel vm0, v6, v8;
	v5 =	vsel vm0, s11, v5  }
0x2f4: {  	s11 =	sadd.s32 s5, s23;
	v6 =	vmov v4;
	s5 =	smov.u32 s4;
	v4 =	vld.idx.msk [tilespmem:v2+s9+$0x0 ss:$0x1], $0xffff  }
0x2f5: {  	s8 =	sadd.s32 $0x400, s8;
	s4 =	smov.u32 s15;
	s10 =	sadd.s32 $0xE152, s11;
	vm1 =	vgt.f32 v10, v12;
	v13 =	vmov v10;
	v10 =	vld.idx.msk [tilespmem:v3+s13+$0x0 ss:$0x1], $0xffff  }
0x2f6: {  	s6 =	sadd.s32 $0x100, s6;
	s12 =	sand.u32 $0xF000, s8;
	s11 =	sadd.s32 $0xE153, s11;
	vm0 =	vgt.f32 v7, v8;
	v13 =	vsel vm1, v13, v12;
	v11 =	vsel vm1, s10, v11;
	v12 =	vmovc v7;
	v7 =	vld.idx.msk [tilespmem:v2+s13+$0x0 ss:$0x1], $0xffff  }
0x2f7: {  	_ =	sdelay $0x2  }
0x2f8: {  	s7 =	sadd.s32 $0xFFFFFF80, s6;
	s3 =	sor.u32 s3, s12  }
0x2f9: {  	v14 =	vld.idx.msk [tilespmem:v3+s9+$0x0 ss:$0x1], $0xffff;
	s7 =	sand.u32 $0x300, s7;
	s3 =	sadd.s32 $0xA000, s3  }
0x2fa: {  	vm1 =	vgt.f32 v9, v13;
	s7 =	sadd.s32 s7, s3  }
0x2fb: {  	s13 =	sand.u32 $0x380, s6;
	v8 =	vsel vm0, v12, v8;
	v9 =	vsel vm1, v9, v13;
	v55 =	vld.idx.msk [tilespmem:v3+s7+$0x0 ss:$0x1], $0xffff  }
0x2fc: {  	vm2 =	vgt.f32 v6, v8;
	s3 =	sadd.s32 s13, s3;
	vm3 =	vgt.f32 v10, v9;
	v56 =	vld.idx.msk [tilespmem:v2+s7+$0x0 ss:$0x1], $0xffff  }
0x2fd: {  	v5 =	vsel vm0, s10, v5;
	v6 =	vsel vm2, v6, v8;
	v3 =	vld.idx.msk [tilespmem:v3+s3+$0x0 ss:$0x1], $0xffff;
	v57 =	vsel vm3, v10, v9  }
0x2fe: {  	s5 =	sadd.s32 s5, s23;
	v58 =	vsel vm1, s11, v11;
	vm9 =	vgt.f32 v7, v6;
	vm10 =	vgt.f32 v14, v57  }
0x2ff: {  	s14 =	sadd.s32 $0xE152, s5;
	v5 =	vsel vm2, s11, v5;
	v2 =	vld.idx.msk [tilespmem:v2+s3+$0x0 ss:$0x1], $0xffff;
	v6 =	vsel vm9, v7, v6;
	v59 =	vsel vm10, v14, v57  }
0x300: {  	v60 =	vsel vm3, s14, v58;
	vm11 =	vgt.f32 v4, v6;
	vm12 =	vgt.f32 v55, v59  }
0x301: {  	s15 =	sadd.s32 s4, s23;
	s0 =	sadd.s32 $0x1, s0;
	s5 =	sadd.s32 $0xE153, s5;
	v5 =	vsel vm9, s14, v5;
	v4 =	vsel vm11, v4, v6;
	v61 =	vsel vm12, v55, v59  }
0x302: {  	s4 =	sadd.s32 $0xE152, s15;
	p0 =	sne.s32 s0, $0x10;
	v62 =	vsel vm10, s5, v60;
	vm13 =	vgt.f32 v56, v4;
	vm14 =	vgt.f32 v3, v61  }
.Ltmp31:
0x303: {  	s3 =	sadd.s32 $0xE153, s15;
	v7 =	vsel vm12, s4, v62;
	v4 =	vsel vm13, v56, v4;
	v3 =	vsel vm14, v3, v61;
	(pc) =	sbr.rel @p0 .LBB2_62-.Ltmp31, $4  }
0x304: {  	v5 =	vsel vm11, s5, v5;
	vm15 =	vgt.f32 v2, v4;
	v63 =	vsel vm14, s3, v7;
	[tilespmem:s28+$0x14000] =	vst v3  }
0x305: {  	v2 =	vsel vm15, v2, v4;
	v3 =	vsel vm13, s4, v5;
	[tilespmem:s28+$0x14200] =	vst v63  }
0x306: {  	v3 =	vsel vm15, s3, v3;
	[tilespmem:s30+$0x14000] =	vst v2  }
0x307: {  	[tilespmem:s30+$0x14200] =	vst v3  }
0x308: {  	_ =	swait.ge [sflag:s25], $0xA000  }
0x309: {  	[sflag:s25] =	ssyncset.done $0x0  }
0x30a: {  	s0 =	simm.s32 $0x0;
	s1 =	simm.s32 $0x0;
	[sflag:s25] =	ssyncadd.s32 $0xFFFF6000  }
.LBB2_66:
0x30b: {  	s28 =	sshll.u32 s1, $0x5  }
0x30c: {  	s3 =	sand.u32 $0x60, s28  }
0x30d: {  	s4 =	sor.u32 $0x10, s3;
	v3 =	vmov s3  }
0x30e: {  	s9 =	sshll.u32 s1, $0x8;
	s10 =	sand.u32 $0xF000, s0;
	s5 =	sand.u32 $0x180, s28;
	v11 =	vld [tilespmem:s28+$0x14000];
	v2 =	vmov s4  }
0x30f: {  	s11 =	simm.s32 $0x0;
	v14 =	vld [tilespmem:s28+$0x14200];
	s3 =	sand.u32 $0xC00, s9;
	s30 =	sor.u32 s5, s4  }
0x310: {  	s5 =	sand.u32 $0x300, s11;
	s4 =	sor.u32 s10, s3;
	v8 =	vld [tilespmem:s30+$0x14000]  }
0x311: {  	s6 =	simm.s32 $0x80;
	v5 =	vld [tilespmem:s30+$0x14200];
	s5 =	sadd.s32 s5, s4  }
0x312: {  	s7 =	simm.s32 $0x400;
	s6 =	sand.u32 $0x380, s6;
	v13 =	vld.idx.msk [tilespmem:v3+s5+$0x0 ss:$0x1], $0xffff  }
0x313: {  	s12 =	simm.s32 $0x180;
	s13 =	sand.u32 $0xF000, s7;
	s4 =	sadd.s32 s6, s4;
	v12 =	vld.idx.msk [tilespmem:v2+s5+$0x0 ss:$0x1], $0xffff  }
0x314: {  	s14 =	simm.s32 $0x100;
	s6 =	sor.u32 s13, s3;
	v9 =	vld.idx.msk [tilespmem:v3+s4+$0x0 ss:$0x1], $0xffff;
	s5 =	sand.u32 $0x380, s12  }
0x315: {  	s15 =	sand.u32 $0x300, s14;
	v6 =	vld.idx.msk [tilespmem:v2+s4+$0x0 ss:$0x1], $0xffff;
	s8 =	sadd.s32 s5, s6  }
0x316: {  	s7 =	simm.s32 $0x4;
	s11 =	sadd.s32 $0xFFFFFFFE, s23;
	s6 =	sadd.s32 s15, s6;
	v4 =	vld.idx.msk [tilespmem:v2+s8+$0x0 ss:$0x1], $0xffff  }
0x317: {  	s10 =	simm.s32 $0x800;
	s9 =	sadd.s32 $0xE1A2, s11;
	s11 =	sadd.s32 $0xE1A3, s11;
	v10 =	vld.idx.msk [tilespmem:v3+s6+$0x0 ss:$0x1], $0xffff;
	vm1 =	vgt.f32 v13, v11  }
0x318: {  	s4 =	simm.s32 $0x2;
	s5 =	simm.s32 $0x0;
	v7 =	vld.idx.msk [tilespmem:v2+s6+$0x0 ss:$0x1], $0xffff;
	s6 =	simm.s32 $0x280;
	vm0 =	vgt.f32 v12, v8;
	v13 =	vsel vm1, v13, v11;
	v11 =	vsel vm1, s9, v14  }
.LBB2_67:
0x319: {  	s12 =	sand.u32 $0xF000, s10;
	s15 =	smov.u32 s7;
	s7 =	sadd.s32 $0x2, s7  }
0x31a: {  	s13 =	sadd.s32 $0xFFFFFF80, s6;
	s14 =	sand.u32 $0x380, s6;
	v8 =	vsel vm0, v12, v8;
	vm1 =	vgt.f32 v9, v13;
	v12 =	vmov v9;
	v9 =	vld.idx.msk [tilespmem:v3+s8+$0x0 ss:$0x1], $0xffff;
	p0 =	slt.u32 s7, $0x4E  }
.Ltmp32:
0x31b: {  	v5 =	vsel vm0, s9, v5;
	s8 =	sand.u32 $0x300, s13;
	s12 =	sor.u32 s12, s3;
	vm0 =	vgt.f32 v6, v8;
	v12 =	vsel vm1, v12, v13;
	(pc) =	sbr.rel @p0 .LBB2_67-.Ltmp32, $4  }
0x31c: {  	v11 =	vsel vm1, s11, v11;
	s13 =	sadd.s32 s8, s12;
	s8 =	sadd.s32 s14, s12;
	v8 =	vsel vm0, v6, v8;
	v5 =	vsel vm0, s11, v5  }
0x31d: {  	s11 =	sadd.s32 s5, s23;
	v6 =	vmov v4;
	s5 =	smov.u32 s4;
	v4 =	vld.idx.msk [tilespmem:v2+s8+$0x0 ss:$0x1], $0xffff  }
0x31e: {  	s4 =	smov.u32 s15;
	s9 =	sadd.s32 $0xE1A2, s11;
	vm1 =	vgt.f32 v10, v12;
	v13 =	vmov v10;
	v10 =	vld.idx.msk [tilespmem:v3+s13+$0x0 ss:$0x1], $0xffff  }
0x31f: {  	s6 =	sadd.s32 $0x100, s6;
	s10 =	sadd.s32 $0x400, s10;
	s11 =	sadd.s32 $0xE1A3, s11;
	vm0 =	vgt.f32 v7, v8;
	v13 =	vsel vm1, v13, v12;
	v11 =	vsel vm1, s9, v11;
	v12 =	vmovc v7;
	v7 =	vld.idx.msk [tilespmem:v2+s13+$0x0 ss:$0x1], $0xffff  }
0x320: {  	_ =	sdelay $0x2  }
0x321: {  	s7 =	sand.u32 $0xF000, s10;
	s15 =	sadd.s32 $0xFFFFFF80, s6  }
0x322: {  	v14 =	vld.idx.msk [tilespmem:v3+s8+$0x0 ss:$0x1], $0xffff;
	s12 =	sand.u32 $0x300, s15;
	s3 =	sor.u32 s7, s3  }
0x323: {  	vm1 =	vgt.f32 v9, v13;
	s7 =	sadd.s32 s12, s3  }
0x324: {  	s13 =	sand.u32 $0x380, s6;
	v8 =	vsel vm0, v12, v8;
	v9 =	vsel vm1, v9, v13;
	v55 =	vld.idx.msk [tilespmem:v3+s7+$0x0 ss:$0x1], $0xffff  }
0x325: {  	vm2 =	vgt.f32 v6, v8;
	s3 =	sadd.s32 s13, s3;
	vm3 =	vgt.f32 v10, v9;
	v56 =	vld.idx.msk [tilespmem:v2+s7+$0x0 ss:$0x1], $0xffff  }
0x326: {  	v5 =	vsel vm0, s9, v5;
	v6 =	vsel vm2, v6, v8;
	v3 =	vld.idx.msk [tilespmem:v3+s3+$0x0 ss:$0x1], $0xffff;
	v57 =	vsel vm3, v10, v9  }
0x327: {  	s5 =	sadd.s32 s5, s23;
	v58 =	vsel vm1, s11, v11;
	vm9 =	vgt.f32 v7, v6;
	vm10 =	vgt.f32 v14, v57  }
0x328: {  	s14 =	sadd.s32 $0xE1A2, s5;
	v5 =	vsel vm2, s11, v5;
	v2 =	vld.idx.msk [tilespmem:v2+s3+$0x0 ss:$0x1], $0xffff;
	v6 =	vsel vm9, v7, v6;
	v59 =	vsel vm10, v14, v57  }
0x329: {  	v60 =	vsel vm3, s14, v58;
	vm11 =	vgt.f32 v4, v6;
	vm12 =	vgt.f32 v55, v59  }
0x32a: {  	s1 =	sadd.s32 $0x1, s1;
	s5 =	sadd.s32 $0xE1A3, s5;
	s15 =	sadd.s32 s4, s23;
	v5 =	vsel vm9, s14, v5;
	v4 =	vsel vm11, v4, v6;
	v61 =	vsel vm12, v55, v59  }
0x32b: {  	p0 =	sne.s32 s1, $0x10;
	s4 =	sadd.s32 $0xE1A2, s15;
	v62 =	vsel vm10, s5, v60;
	vm13 =	vgt.f32 v56, v4;
	vm14 =	vgt.f32 v3, v61  }
.Ltmp33:
0x32c: {  	s3 =	sadd.s32 $0xE1A3, s15;
	v7 =	vsel vm12, s4, v62;
	v4 =	vsel vm13, v56, v4;
	v3 =	vsel vm14, v3, v61;
	(pc) =	sbr.rel @p0 .LBB2_66-.Ltmp33, $4  }
0x32d: {  	v5 =	vsel vm11, s5, v5;
	vm15 =	vgt.f32 v2, v4;
	v63 =	vsel vm14, s3, v7;
	[tilespmem:s28+$0x14000] =	vst v3  }
0x32e: {  	v2 =	vsel vm15, v2, v4;
	v3 =	vsel vm13, s4, v5;
	[tilespmem:s28+$0x14200] =	vst v63  }
0x32f: {  	v3 =	vsel vm15, s3, v3;
	[tilespmem:s30+$0x14000] =	vst v2  }
0x330: {  	[tilespmem:s30+$0x14200] =	vst v3  }
0x331: {  	s0 =	simm.s32 $0x14000  }
0x332: {  	[hbm4b:s20+s2] =	stream.linear.scatter [tilespmem:s0], [sflag:$0x3], $0x200, $0x38;
	[tilespmem:$0x14400] =	vst v63  }
0x333: {  	s31 =	sadd.s32 $0x1, s31;
	_ =	swait.ge [sflag:s29], $0x200  }
0x334: {  	p0 =	sne.s32 s31, s22;
	[sflag:s29] =	ssyncset.done $0x0  }
.Ltmp34:
0x335: {  	s30 =	simm.s32 $0x14200;
	[sflag:s29] =	ssyncadd.s32 $0xFFFFFE00;
	(pc) =	sbr.rel @p0 .LBB2_1-.Ltmp34, $4  }
0x336: {  	[hbm4b:s21+s2] =	stream.linear.scatter [tilespmem:s30], [sflag:$0x3], $0x200, $0x38;
	[tilespmem:$0x14400] =	vst v63  }
0x337: {  	_ =	swait.ge [sflag:s29], $0x200  }
0x338: {  	[sflag:s29] =	ssyncset.done $0x0  }
0x339: {  	[sflag:s29] =	ssyncadd.s32 $0xFFFFFE00  }
0x33a: {  	_ =	sfence.sel $0x180000  }
0x33b: {  	[bflag:$0x0] =	sbarrier.arrive $0xFFFF  }
0x33c: {  	_ =	strace $0x90000047  }
0x33d: {  	s0 =	stileid.u32;
	[bflag:$0x2] =	sbarrier.arrive $0xFFFF  }
0x33e: {  	p0 =	sne.s32 s0, $0x0;
	s0 =	rddreg [dreg:$0x2]  }
0x33f: {  	s0 =	sadd.s32 @!p0 $0x100000, s0  }
0x340: {  	[sflag:s0] =	ssyncadd.tile.s32 @!p0 $0x1;
	_ =	shalt  }
.Lfunc_end2:
_tile_overlayer_lowered:
.L_overlay_start_2:
0x341: {  	(tag) =	ssettag $0x2  }
0x342: {  	s0 =	rddreg [dreg:$0x0];
	s2 =	stileid.u32  }
0x343: {  	s1 =	rddreg [dreg:$0x1];
	p0 =	sne.s32 s2, $0x0  }
0x344: {  	s3 =	rddreg [dreg:$0x2];
	[bflag:$0x3] =	sbarrier.arrive $0xFFFF;
	s2 =	simm.s32 @!p0 $0x1C03  }
0x345: {  	[timem:s3], [sflag:s2] =	dma.local @!p0 [hbm:s0], s1  }
0x346: {  	s0 =	simm.s32 @!p0 $0x3  }
0x347: {  	_ =	swait.ge @!p0 [sflag:s0], s1  }
0x348: {  	s1 =	ssub.s32 @!p0 $0x0, s1;
	[sflag:s0] =	ssyncset.done @!p0 $0x0  }
0x349: {  	[sflag:s0] =	ssyncadd.s32 @!p0 s1  }
0x34a: {  	[bflag:$0x3] =	sbarrier.arrive $0xFFFF  }
0x34b: {  	_ =	shalt  }

</sc_bundles>
